<compile_context>
chip_gen: v7x
topology: tpu7x:2x2x1
jax: 0.10.2.dev20260603
libtpu: 0.0.44.dev20260713+nightly
codegen_flags: <defaults>
</compile_context>

<pallas_src>
import functools

import jax
import jax.numpy as jnp
from jax import lax
from jax.experimental import pallas as pl
from jax.experimental.pallas import tpu as pltpu
from jax.experimental.pallas import tpu_sc as plsc

NUM_CLASSES = 1000
EMB_DIM = 1024
BATCH = 4096
EPS = 1e-5
LANES = 16
NUM_WORKERS = 32
CHUNK = 16
VECS_PER_ROW = EMB_DIM // LANES

SC_ROWS = 1024
TC_BLK = 512
PADC = NUM_CLASSES


def _inv_sqrt(x):
    s = 0.5 * (1.0 + x)
    for _ in range(12):
        s = 0.5 * (s + x / s)
    return 1.0 / s


_GATHER_DNUMS = lax.GatherDimensionNumbers(
    offset_dims=(), collapsed_slice_dims=(0,), start_index_map=(0,))


def _lane_splat(x, r):
    idx = jnp.full((LANES,), r, jnp.int32)
    return lax.gather(x, idx[:, None], _GATHER_DNUMS, slice_sizes=(1,),
                      mode=lax.GatherScatterMode.PROMISE_IN_BOUNDS)


def _process_chunk(in_b, out_b, stats_s, stats_q, alpha_vec):
    iota = lax.iota(jnp.int32, LANES)

    def row_stats(r, _):
        x = in_b[r, pl.ds(0, LANES)]
        s = x
        q = x * x
        for j in range(1, VECS_PER_ROW):
            x = in_b[r, pl.ds(j * LANES, LANES)]
            s = s + x
            q = q + x * x
        stats_s[r, pl.ds(0, LANES)] = s
        stats_q[r, pl.ds(0, LANES)] = q
        return 0

    lax.fori_loop(0, CHUNK, row_stats, 0)

    tot_s = jnp.zeros((LANES,), jnp.float32)
    tot_q = jnp.zeros((LANES,), jnp.float32)
    for l in range(LANES):
        col = jnp.full((LANES,), l, jnp.int32)
        tot_s = tot_s + plsc.load_gather(stats_s, [iota, col])
        tot_q = tot_q + plsc.load_gather(stats_q, [iota, col])
    mean_v = tot_s * (1.0 / EMB_DIM)
    var_v = tot_q * (1.0 / EMB_DIM) - mean_v * mean_v
    scale_v = alpha_vec * _inv_sqrt(var_v + EPS)

    def row_norm(r, _):
        m = _lane_splat(mean_v, r)
        sc = _lane_splat(scale_v, r)
        for j in range(VECS_PER_ROW):
            x = in_b[r, pl.ds(j * LANES, LANES)]
            out_b[r, pl.ds(j * LANES, LANES)] = (x - m) * sc
        return 0

    lax.fori_loop(0, CHUNK, row_norm, 0)


def _make_sc_kernel_single(n_rows, b_per_w):
    mesh = plsc.VectorSubcoreMesh(core_axis_name="c", subcore_axis_name="s")

    @functools.partial(
        pl.kernel,
        mesh=mesh,
        compiler_params=pltpu.CompilerParams(needs_layout_passes=False),
        out_type=jax.ShapeDtypeStruct((n_rows, EMB_DIM), jnp.float32),
        scratch_types=[
            pltpu.VMEM((b_per_w,), jnp.int32),
            pltpu.VMEM((CHUNK, EMB_DIM), jnp.float32),
            pltpu.VMEM((CHUNK, EMB_DIM), jnp.float32),
            pltpu.VMEM((CHUNK, LANES), jnp.float32),
            pltpu.VMEM((CHUNK, LANES), jnp.float32),
            pltpu.VMEM((LANES,), jnp.float32),
            pltpu.SemaphoreType.DMA,
        ],
    )
    def k(table_hbm, idx_hbm, alpha_hbm, out_hbm, idx_v, in0, out0,
          stats_s, stats_q, alpha_v, g0):
        wid = lax.axis_index("s") * 2 + lax.axis_index("c")
        base = wid * b_per_w
        pltpu.sync_copy(idx_hbm.at[pl.ds(base, b_per_w)], idx_v)
        pltpu.async_copy(table_hbm.at[idx_v], in0, g0)
        pltpu.sync_copy(alpha_hbm, alpha_v)
        pltpu.make_async_copy(table_hbm.at[idx_v], in0, g0).wait()
        _process_chunk(in0, out0, stats_s, stats_q, alpha_v[...])
        pltpu.sync_copy(out0, out_hbm.at[pl.ds(base, b_per_w)])

    return k


def _make_sc_kernel(n_rows):
    b_per_w = n_rows // NUM_WORKERS
    num_chunks = b_per_w // CHUNK
    assert num_chunks == 1 or (num_chunks >= 2 and num_chunks % 2 == 0)
    if num_chunks == 1:
        return _make_sc_kernel_single(n_rows, b_per_w)
    mesh = plsc.VectorSubcoreMesh(core_axis_name="c", subcore_axis_name="s")

    @functools.partial(
        pl.kernel,
        mesh=mesh,
        compiler_params=pltpu.CompilerParams(needs_layout_passes=False),
        out_type=jax.ShapeDtypeStruct((n_rows, EMB_DIM), jnp.float32),
        scratch_types=[
            pltpu.VMEM((b_per_w,), jnp.int32),
            pltpu.VMEM((CHUNK, EMB_DIM), jnp.float32),
            pltpu.VMEM((CHUNK, EMB_DIM), jnp.float32),
            pltpu.VMEM((CHUNK, EMB_DIM), jnp.float32),
            pltpu.VMEM((CHUNK, EMB_DIM), jnp.float32),
            pltpu.VMEM((CHUNK, LANES), jnp.float32),
            pltpu.VMEM((CHUNK, LANES), jnp.float32),
            pltpu.VMEM((LANES,), jnp.float32),
            pltpu.SemaphoreType.DMA,
            pltpu.SemaphoreType.DMA,
            pltpu.SemaphoreType.DMA,
            pltpu.SemaphoreType.DMA,
        ],
    )
    def k(table_hbm, idx_hbm, alpha_hbm, out_hbm, idx_v, in0, in1, out0, out1,
          stats_s, stats_q, alpha_v, g0, g1, s0, s1):
        wid = lax.axis_index("s") * 2 + lax.axis_index("c")
        base = wid * b_per_w
        pltpu.sync_copy(alpha_hbm, alpha_v)
        pltpu.sync_copy(idx_hbm.at[pl.ds(base, b_per_w)], idx_v)
        ins = (in0, in1)
        outs = (out0, out1)
        gsems = (g0, g1)
        ssems = (s0, s1)

        def gather(c, b):
            return pltpu.make_async_copy(
                table_hbm.at[idx_v.at[pl.ds(c * CHUNK, CHUNK)]],
                ins[b], gsems[b])

        def store(c, b):
            return pltpu.make_async_copy(
                outs[b], out_hbm.at[pl.ds(base + c * CHUNK, CHUNK)],
                ssems[b])

        gather(0, 0).start()
        gather(1, 1).start()
        av = alpha_v[...]
        for c in range(2):
            gather(c, c).wait()
            _process_chunk(ins[c], outs[c], stats_s, stats_q, av)
            store(c, c).start()
            if c + 2 < num_chunks:
                gather(c + 2, c).start()

        def chunk_pair(k, _):
            for b in range(2):
                cc = 2 * k + 2 + b
                gather(cc, b).wait()
                store(cc - 2, b).wait()
                _process_chunk(ins[b], outs[b], stats_s, stats_q, av)
                store(cc, b).start()

                @pl.when(cc + 2 < num_chunks)
                def _():
                    gather(cc + 2, b).start()

            return 0

        if num_chunks > 2:
            lax.fori_loop(0, (num_chunks - 2) // 2, chunk_pair, 0)
        store(num_chunks - 2, 0).wait()
        store(num_chunks - 1, 1).wait()

    return k


def _tc_body(idx_ref, table_ref, alpha_ref, out_ref):
    idx_row = idx_ref[0]
    cls = lax.broadcasted_iota(jnp.int32, (PADC, TC_BLK), 0)
    oh_t = (cls == jnp.broadcast_to(idx_row, (PADC, TC_BLK))).astype(
        jnp.bfloat16)
    emb = lax.dot_general(
        oh_t, table_ref[...], (((0,), (0,)), ((), ())),
        preferred_element_type=jnp.float32)
    mean = jnp.mean(emb, axis=1, keepdims=True)
    cent = emb - mean
    var = jnp.mean(cent * cent, axis=1, keepdims=True)
    out_ref[...] = cent * (alpha_ref[0, 0] * lax.rsqrt(var + EPS))


def _tc_part(idx_full, table_bf16, alpha, n_rows):
    nb = n_rows // TC_BLK
    idx3 = idx_full.reshape(BATCH // TC_BLK, 1, TC_BLK)
    return pl.pallas_call(
        _tc_body,
        grid=(nb,),
        in_specs=[
            pl.BlockSpec((1, 1, TC_BLK), lambda i: (i, 0, 0)),
            pl.BlockSpec((PADC, EMB_DIM), lambda i: (0, 0)),
            pl.BlockSpec(memory_space=pltpu.SMEM),
        ],
        out_specs=pl.BlockSpec((TC_BLK, EMB_DIM), lambda i: (i, 0)),
        out_shape=jax.ShapeDtypeStruct((BATCH, EMB_DIM), jnp.float32),
    )(idx3, table_bf16, alpha)


_sc_kernel = _make_sc_kernel(SC_ROWS) if SC_ROWS else None
TC_ROWS = BATCH - SC_ROWS


@jax.jit
def kernel(condition, table, alpha):
    idx = condition.astype(jnp.int32)
    alpha11 = alpha.astype(jnp.float32).reshape(1, 1)
    sc_out = None
    if SC_ROWS:
        alpha_v = jnp.full((LANES,), 1.0, jnp.float32) * alpha.astype(
            jnp.float32)
        sc_out = _sc_kernel(table, idx[TC_ROWS:], alpha_v)
    if TC_ROWS == 0:
        return sc_out
    out = _tc_part(idx, table.astype(jnp.bfloat16), alpha11, TC_ROWS)
    if SC_ROWS:
        out = lax.dynamic_update_slice(out, sc_out, (TC_ROWS, 0))
    return out

# --- scband reference (transcript-rebuilt; emitter-appended) ---
"""Pipeline reference for scband-label-embedder-65111704207965 (READ-ONLY COPY).

The authoritative reference and input builder live on the scoring server;
editing this copy changes nothing except your own understanding.
"""

import jax, jax.numpy as jnp
import numpy as np

NUM_CLASSES = 1000
EMB_DIM = 1024
BATCH = 4096
EPS = 1e-5

def setup_inputs(seed: int = 0) -> dict:
    key = jax.random.key(seed)
    k1, k2 = jax.random.split(key)
    condition = jax.random.randint(k1, (BATCH,), 0, NUM_CLASSES, dtype=jnp.int64 if jax.config.jax_enable_x64 else jnp.int32)
    table = jax.random.normal(k2, (NUM_CLASSES, EMB_DIM), dtype=jnp.float32)
    alpha = jnp.array(1.0, dtype=jnp.float32)
    return {"condition": condition, "table": table, "alpha": alpha}

def _layer_norm(x, eps=EPS):
    mean = jnp.mean(x, axis=-1, keepdims=True)
    var = jnp.mean(jnp.square(x - mean), axis=-1, keepdims=True)
    return (x - mean) / jnp.sqrt(var + eps)

def reference(condition, table, alpha):
    emb = jnp.take(table, condition, axis=0)
    emb = _layer_norm(emb)
    return alpha * emb

if __name__ == "__main__":
    import jax
    _d = setup_inputs()
    print(jax.jit(kernel)(*tuple(_d.values())))

</pallas_src>

<mosaic_0001>
#map = affine_map<(d0, d1) -> (0, 0)>
#map1 = affine_map<(d0, d1) -> (0)>
module attributes {stable_mosaic.version = 14 : i64} {
  func.func @k(%arg0: i32, %arg1: i32, %arg2: memref<1000x1024xf32, #tpu.memory_space<hbm>>, %arg3: memref<1024xi32, #tpu.memory_space<hbm>>, %arg4: memref<16xf32, #tpu.memory_space<hbm>>, %arg5: memref<1024x1024xf32, #tpu.memory_space<hbm>>, %arg6: memref<32xi32, #tpu.memory_space<vmem>>, %arg7: memref<16x1024xf32, #tpu.memory_space<vmem>>, %arg8: memref<16x1024xf32, #tpu.memory_space<vmem>>, %arg9: memref<16x1024xf32, #tpu.memory_space<vmem>>, %arg10: memref<16x1024xf32, #tpu.memory_space<vmem>>, %arg11: memref<16x16xf32, #tpu.memory_space<vmem>>, %arg12: memref<16x16xf32, #tpu.memory_space<vmem>>, %arg13: memref<16xf32, #tpu.memory_space<vmem>>, %arg14: memref<!tpu.dma_semaphore, #tpu.memory_space<semaphore_mem>>, %arg15: memref<!tpu.dma_semaphore, #tpu.memory_space<semaphore_mem>>, %arg16: memref<!tpu.dma_semaphore, #tpu.memory_space<semaphore_mem>>, %arg17: memref<!tpu.dma_semaphore, #tpu.memory_space<semaphore_mem>>) attributes {dimension_semantics = [#tpu.dimension_semantics<core_parallel>, #tpu.dimension_semantics<subcore_parallel>], iteration_bounds = array<i64: 2, 16>, scalar_prefetch = 0 : i64, scratch_operands = 12 : i64, tpu.core_type = #tpu.core_type<sc_vector_subcore>, window_params = [{transform_indices = #map}, {transform_indices = #map1}, {transform_indices = #map1}, {transform_indices = #map}]} {
    %mul3A = arith.constant 2 : i32
    %mul3A_0 = arith.muli %arg1, %mul3A : i32
    %add3A = arith.addi %mul3A_0, %arg0 : i32
    %mul3A_1 = arith.constant 32 : i32
    %mul3A_2 = arith.muli %add3A, %mul3A_1 : i32
    "tpu.region"() ({
      %run_scoped3A = tpu.sem_alloc : memref<!tpu.dma_semaphore, #tpu.memory_space<semaphore_mem>>
      tpu.enqueue_dma source(%arg4 : memref<16xf32, #tpu.memory_space<hbm>>) target(%arg13 : memref<16xf32, #tpu.memory_space<vmem>>) target_semaphore(%run_scoped3A : memref<!tpu.dma_semaphore, #tpu.memory_space<semaphore_mem>>)
      tpu.wait_dma2 semaphore(%run_scoped3A : memref<!tpu.dma_semaphore, #tpu.memory_space<semaphore_mem>>) src(%arg4 : memref<16xf32, #tpu.memory_space<hbm>>) dst(%arg13 : memref<16xf32, #tpu.memory_space<vmem>>)
      tpu.yield
    }) : () -> ()
    "tpu.region"() ({
      %run_scoped3A = tpu.sem_alloc : memref<!tpu.dma_semaphore, #tpu.memory_space<semaphore_mem>>
      %dma_start3A_432 = tpu.memref_slice %arg3[%mul3A_2] : memref<1024xi32, #tpu.memory_space<hbm>> -> memref<32xi32, #tpu.memory_space<hbm>>
      %dma_start3A_433 = tpu.memref_slice %arg3[%mul3A_2] : memref<1024xi32, #tpu.memory_space<hbm>> -> memref<32xi32, #tpu.memory_space<hbm>>
      tpu.enqueue_dma source(%dma_start3A_433 : memref<32xi32, #tpu.memory_space<hbm>>) target(%arg6 : memref<32xi32, #tpu.memory_space<vmem>>) target_semaphore(%run_scoped3A : memref<!tpu.dma_semaphore, #tpu.memory_space<semaphore_mem>>)
      %dma_wait3A_434 = tpu.memref_slice %arg3[%mul3A_2] : memref<1024xi32, #tpu.memory_space<hbm>> -> memref<32xi32, #tpu.memory_space<hbm>>
      %dma_wait3A_435 = tpu.memref_slice %arg3[%mul3A_2] : memref<1024xi32, #tpu.memory_space<hbm>> -> memref<32xi32, #tpu.memory_space<hbm>>
      tpu.wait_dma2 semaphore(%run_scoped3A : memref<!tpu.dma_semaphore, #tpu.memory_space<semaphore_mem>>) src(%dma_wait3A_435 : memref<32xi32, #tpu.memory_space<hbm>>) dst(%arg6 : memref<32xi32, #tpu.memory_space<vmem>>)
      tpu.yield
    }) : () -> ()
    %dma_start3A = arith.constant 0 : i32
    %dma_start3A_3 = tpu.memref_slice %arg6[%dma_start3A] : memref<32xi32, #tpu.memory_space<vmem>> -> memref<16xi32, #tpu.memory_space<vmem>>
    %dma_start3A_4 = arith.constant 0 : i32
    %dma_start3A_5 = arith.constant 0 : i32
    %dma_start3A_6 = tpu.memref_slice %arg2[%dma_start3A_4, %dma_start3A_5] : memref<1000x1024xf32, #tpu.memory_space<hbm>> -> memref<1000x1024xf32, #tpu.memory_space<hbm>>
    tpu.enqueue_indirect_dma source(%dma_start3A_6 : memref<1000x1024xf32, #tpu.memory_space<hbm>>) target(%arg7 : memref<16x1024xf32, #tpu.memory_space<vmem>>) offsets(%dma_start3A_3 : memref<16xi32, #tpu.memory_space<vmem>>) semaphore(%arg14 : memref<!tpu.dma_semaphore, #tpu.memory_space<semaphore_mem>>)
    %dma_start3A_7 = arith.constant 16 : i32
    %dma_start3A_8 = tpu.memref_slice %arg6[%dma_start3A_7] : memref<32xi32, #tpu.memory_space<vmem>> -> memref<16xi32, #tpu.memory_space<vmem>>
    %dma_start3A_9 = arith.constant 0 : i32
    %dma_start3A_10 = arith.constant 0 : i32
    %dma_start3A_11 = tpu.memref_slice %arg2[%dma_start3A_9, %dma_start3A_10] : memref<1000x1024xf32, #tpu.memory_space<hbm>> -> memref<1000x1024xf32, #tpu.memory_space<hbm>>
    tpu.enqueue_indirect_dma source(%dma_start3A_11 : memref<1000x1024xf32, #tpu.memory_space<hbm>>) target(%arg8 : memref<16x1024xf32, #tpu.memory_space<vmem>>) offsets(%dma_start3A_8 : memref<16xi32, #tpu.memory_space<vmem>>) semaphore(%arg15 : memref<!tpu.dma_semaphore, #tpu.memory_space<semaphore_mem>>)
    %get3A = arith.constant 0 : index
    %get3A_12 = tpu.vector_load %arg13[%get3A] {strides = array<i32>} : memref<16xf32, #tpu.memory_space<vmem>>, vector<16xf32>,
    %dma_wait3A = arith.constant 0 : i32
    %dma_wait3A_13 = tpu.memref_slice %arg6[%dma_wait3A] : memref<32xi32, #tpu.memory_space<vmem>> -> memref<16xi32, #tpu.memory_space<vmem>>
    %dma_wait3A_14 = arith.constant 0 : i32
    %dma_wait3A_15 = arith.constant 0 : i32
    %dma_wait3A_16 = tpu.memref_slice %arg2[%dma_wait3A_14, %dma_wait3A_15] : memref<1000x1024xf32, #tpu.memory_space<hbm>> -> memref<1000x1024xf32, #tpu.memory_space<hbm>>
    tpu.wait_indirect_dma semaphore(%arg14 : memref<!tpu.dma_semaphore, #tpu.memory_space<semaphore_mem>>) src(%dma_wait3A_16 : memref<1000x1024xf32, #tpu.memory_space<hbm>>) dst(%arg7 : memref<16x1024xf32, #tpu.memory_space<vmem>>)
    %iota3A = tpu.iota {dimensions = array<i32: 0>} : vector<16xi32>
    %scan3A = arith.constant 0 : i32
    %scan3A_17 = arith.constant 0 : i32
    %scan3A_18 = arith.constant 16 : i32
    %scan3A_19 = arith.addi %scan3A_17, %scan3A_18 : i32
    %scan3A_20 = arith.constant 1 : i32
    %scan3A_21 = scf.for %scan3A_432 = %scan3A_17 to %scan3A_19 step %scan3A_20 iter_args(%scan3A_433 = %scan3A) -> (i32)  : i32 {
      %get3A_434 = arith.index_cast %scan3A_432 : i32 to index
      %get3A_435 = arith.constant 0 : index
      %get3A_436 = tpu.vector_load %arg7[%get3A_434, %get3A_435] {strides = array<i32>} : memref<16x1024xf32, #tpu.memory_space<vmem>>, vector<16xf32>,
      %mul3A_437 = arith.mulf %get3A_436, %get3A_436 : vector<16xf32>
      %get3A_438 = arith.index_cast %scan3A_432 : i32 to index
      %get3A_439 = arith.constant 16 : index
      %get3A_440 = tpu.vector_load %arg7[%get3A_438, %get3A_439] {strides = array<i32>} : memref<16x1024xf32, #tpu.memory_space<vmem>>, vector<16xf32>,
      %add3A_441 = arith.addf %get3A_436, %get3A_440 : vector<16xf32>
      %mul3A_442 = arith.mulf %get3A_440, %get3A_440 : vector<16xf32>
      %add3A_443 = arith.addf %mul3A_437, %mul3A_442 : vector<16xf32>
      %get3A_444 = arith.index_cast %scan3A_432 : i32 to index
      %get3A_445 = arith.constant 32 : index
      %get3A_446 = tpu.vector_load %arg7[%get3A_444, %get3A_445] {strides = array<i32>} : memref<16x1024xf32, #tpu.memory_space<vmem>>, vector<16xf32>,
      %add3A_447 = arith.addf %add3A_441, %get3A_446 : vector<16xf32>
      %mul3A_448 = arith.mulf %get3A_446, %get3A_446 : vector<16xf32>
      %add3A_449 = arith.addf %add3A_443, %mul3A_448 : vector<16xf32>
      %get3A_450 = arith.index_cast %scan3A_432 : i32 to index
      %get3A_451 = arith.constant 48 : index
      %get3A_452 = tpu.vector_load %arg7[%get3A_450, %get3A_451] {strides = array<i32>} : memref<16x1024xf32, #tpu.memory_space<vmem>>, vector<16xf32>,
      %add3A_453 = arith.addf %add3A_447, %get3A_452 : vector<16xf32>
      %mul3A_454 = arith.mulf %get3A_452, %get3A_452 : vector<16xf32>
      %add3A_455 = arith.addf %add3A_449, %mul3A_454 : vector<16xf32>
      %get3A_456 = arith.index_cast %scan3A_432 : i32 to index
      %get3A_457 = arith.constant 64 : index
      %get3A_458 = tpu.vector_load %arg7[%get3A_456, %get3A_457] {strides = array<i32>} : memref<16x1024xf32, #tpu.memory_space<vmem>>, vector<16xf32>,
      %add3A_459 = arith.addf %add3A_453, %get3A_458 : vector<16xf32>
      %mul3A_460 = arith.mulf %get3A_458, %get3A_458 : vector<16xf32>
      %add3A_461 = arith.addf %add3A_455, %mul3A_460 : vector<16xf32>
      %get3A_462 = arith.index_cast %scan3A_432 : i32 to index
      %get3A_463 = arith.constant 80 : index
      %get3A_464 = tpu.vector_load %arg7[%get3A_462, %get3A_463] {strides = array<i32>} : memref<16x1024xf32, #tpu.memory_space<vmem>>, vector<16xf32>,
      %add3A_465 = arith.addf %add3A_459, %get3A_464 : vector<16xf32>
      %mul3A_466 = arith.mulf %get3A_464, %get3A_464 : vector<16xf32>
      %add3A_467 = arith.addf %add3A_461, %mul3A_466 : vector<16xf32>
      %get3A_468 = arith.index_cast %scan3A_432 : i32 to index
      %get3A_469 = arith.constant 96 : index
      %get3A_470 = tpu.vector_load %arg7[%get3A_468, %get3A_469] {strides = array<i32>} : memref<16x1024xf32, #tpu.memory_space<vmem>>, vector<16xf32>,
      %add3A_471 = arith.addf %add3A_465, %get3A_470 : vector<16xf32>
      %mul3A_472 = arith.mulf %get3A_470, %get3A_470 : vector<16xf32>
      %add3A_473 = arith.addf %add3A_467, %mul3A_472 : vector<16xf32>
      %get3A_474 = arith.index_cast %scan3A_432 : i32 to index
      %get3A_475 = arith.constant 112 : index
      %get3A_476 = tpu.vector_load %arg7[%get3A_474, %get3A_475] {strides = array<i32>} : memref<16x1024xf32, #tpu.memory_space<vmem>>, vector<16xf32>,
      %add3A_477 = arith.addf %add3A_471, %get3A_476 : vector<16xf32>
      %mul3A_478 = arith.mulf %get3A_476, %get3A_476 : vector<16xf32>
      %add3A_479 = arith.addf %add3A_473, %mul3A_478 : vector<16xf32>
      %get3A_480 = arith.index_cast %scan3A_432 : i32 to index
      %get3A_481 = arith.constant 128 : index
      %get3A_482 = tpu.vector_load %arg7[%get3A_480, %get3A_481] {strides = array<i32>} : memref<16x1024xf32, #tpu.memory_space<vmem>>, vector<16xf32>,
      %add3A_483 = arith.addf %add3A_477, %get3A_482 : vector<16xf32>
      %mul3A_484 = arith.mulf %get3A_482, %get3A_482 : vector<16xf32>
      %add3A_485 = arith.addf %add3A_479, %mul3A_484 : vector<16xf32>
      %get3A_486 = arith.index_cast %scan3A_432 : i32 to index
      %get3A_487 = arith.constant 144 : index
      %get3A_488 = tpu.vector_load %arg7[%get3A_486, %get3A_487] {strides = array<i32>} : memref<16x1024xf32, #tpu.memory_space<vmem>>, vector<16xf32>,
      %add3A_489 = arith.addf %add3A_483, %get3A_488 : vector<16xf32>
      %mul3A_490 = arith.mulf %get3A_488, %get3A_488 : vector<16xf32>
      %add3A_491 = arith.addf %add3A_485, %mul3A_490 : vector<16xf32>
      %get3A_492 = arith.index_cast %scan3A_432 : i32 to index
      %get3A_493 = arith.constant 160 : index
      %get3A_494 = tpu.vector_load %arg7[%get3A_492, %get3A_493] {strides = array<i32>} : memref<16x1024xf32, #tpu.memory_space<vmem>>, vector<16xf32>,
      %add3A_495 = arith.addf %add3A_489, %get3A_494 : vector<16xf32>
      %mul3A_496 = arith.mulf %get3A_494, %get3A_494 : vector<16xf32>
      %add3A_497 = arith.addf %add3A_491, %mul3A_496 : vector<16xf32>
      %get3A_498 = arith.index_cast %scan3A_432 : i32 to index
      %get3A_499 = arith.constant 176 : index
      %get3A_500 = tpu.vector_load %arg7[%get3A_498, %get3A_499] {strides = array<i32>} : memref<16x1024xf32, #tpu.memory_space<vmem>>, vector<16xf32>,
      %add3A_501 = arith.addf %add3A_495, %get3A_500 : vector<16xf32>
      %mul3A_502 = arith.mulf %get3A_500, %get3A_500 : vector<16xf32>
      %add3A_503 = arith.addf %add3A_497, %mul3A_502 : vector<16xf32>
      %get3A_504 = arith.index_cast %scan3A_432 : i32 to index
      %get3A_505 = arith.constant 192 : index
      %get3A_506 = tpu.vector_load %arg7[%get3A_504, %get3A_505] {strides = array<i32>} : memref<16x1024xf32, #tpu.memory_space<vmem>>, vector<16xf32>,
      %add3A_507 = arith.addf %add3A_501, %get3A_506 : vector<16xf32>
      %mul3A_508 = arith.mulf %get3A_506, %get3A_506 : vector<16xf32>
      %add3A_509 = arith.addf %add3A_503, %mul3A_508 : vector<16xf32>
      %get3A_510 = arith.index_cast %scan3A_432 : i32 to index
      %get3A_511 = arith.constant 208 : index
      %get3A_512 = tpu.vector_load %arg7[%get3A_510, %get3A_511] {strides = array<i32>} : memref<16x1024xf32, #tpu.memory_space<vmem>>, vector<16xf32>,
      %add3A_513 = arith.addf %add3A_507, %get3A_512 : vector<16xf32>
      %mul3A_514 = arith.mulf %get3A_512, %get3A_512 : vector<16xf32>
      %add3A_515 = arith.addf %add3A_509, %mul3A_514 : vector<16xf32>
      %get3A_516 = arith.index_cast %scan3A_432 : i32 to index
      %get3A_517 = arith.constant 224 : index
      %get3A_518 = tpu.vector_load %arg7[%get3A_516, %get3A_517] {strides = array<i32>} : memref<16x1024xf32, #tpu.memory_space<vmem>>, vector<16xf32>,
      %add3A_519 = arith.addf %add3A_513, %get3A_518 : vector<16xf32>
      %mul3A_520 = arith.mulf %get3A_518, %get3A_518 : vector<16xf32>
      %add3A_521 = arith.addf %add3A_515, %mul3A_520 : vector<16xf32>
      %get3A_522 = arith.index_cast %scan3A_432 : i32 to index
      %get3A_523 = arith.constant 240 : index
      %get3A_524 = tpu.vector_load %arg7[%get3A_522, %get3A_523] {strides = array<i32>} : memref<16x1024xf32, #tpu.memory_space<vmem>>, vector<16xf32>,
      %add3A_525 = arith.addf %add3A_519, %get3A_524 : vector<16xf32>
      %mul3A_526 = arith.mulf %get3A_524, %get3A_524 : vector<16xf32>
      %add3A_527 = arith.addf %add3A_521, %mul3A_526 : vector<16xf32>
      %get3A_528 = arith.index_cast %scan3A_432 : i32 to index
      %get3A_529 = arith.constant 256 : index
      %get3A_530 = tpu.vector_load %arg7[%get3A_528, %get3A_529] {strides = array<i32>} : memref<16x1024xf32, #tpu.memory_space<vmem>>, vector<16xf32>,
      %add3A_531 = arith.addf %add3A_525, %get3A_530 : vector<16xf32>
      %mul3A_532 = arith.mulf %get3A_530, %get3A_530 : vector<16xf32>
      %add3A_533 = arith.addf %add3A_527, %mul3A_532 : vector<16xf32>
      %get3A_534 = arith.index_cast %scan3A_432 : i32 to index
      %get3A_535 = arith.constant 272 : index
      %get3A_536 = tpu.vector_load %arg7[%get3A_534, %get3A_535] {strides = array<i32>} : memref<16x1024xf32, #tpu.memory_space<vmem>>, vector<16xf32>,
      %add3A_537 = arith.addf %add3A_531, %get3A_536 : vector<16xf32>
      %mul3A_538 = arith.mulf %get3A_536, %get3A_536 : vector<16xf32>
      %add3A_539 = arith.addf %add3A_533, %mul3A_538 : vector<16xf32>
      %get3A_540 = arith.index_cast %scan3A_432 : i32 to index
      %get3A_541 = arith.constant 288 : index
      %get3A_542 = tpu.vector_load %arg7[%get3A_540, %get3A_541] {strides = array<i32>} : memref<16x1024xf32, #tpu.memory_space<vmem>>, vector<16xf32>,
      %add3A_543 = arith.addf %add3A_537, %get3A_542 : vector<16xf32>
      %mul3A_544 = arith.mulf %get3A_542, %get3A_542 : vector<16xf32>
      %add3A_545 = arith.addf %add3A_539, %mul3A_544 : vector<16xf32>
      %get3A_546 = arith.index_cast %scan3A_432 : i32 to index
      %get3A_547 = arith.constant 304 : index
      %get3A_548 = tpu.vector_load %arg7[%get3A_546, %get3A_547] {strides = array<i32>} : memref<16x1024xf32, #tpu.memory_space<vmem>>, vector<16xf32>,
      %add3A_549 = arith.addf %add3A_543, %get3A_548 : vector<16xf32>
      %mul3A_550 = arith.mulf %get3A_548, %get3A_548 : vector<16xf32>
      %add3A_551 = arith.addf %add3A_545, %mul3A_550 : vector<16xf32>
      %get3A_552 = arith.index_cast %scan3A_432 : i32 to index
      %get3A_553 = arith.constant 320 : index
      %get3A_554 = tpu.vector_load %arg7[%get3A_552, %get3A_553] {strides = array<i32>} : memref<16x1024xf32, #tpu.memory_space<vmem>>, vector<16xf32>,
      %add3A_555 = arith.addf %add3A_549, %get3A_554 : vector<16xf32>
      %mul3A_556 = arith.mulf %get3A_554, %get3A_554 : vector<16xf32>
      %add3A_557 = arith.addf %add3A_551, %mul3A_556 : vector<16xf32>
      %get3A_558 = arith.index_cast %scan3A_432 : i32 to index
      %get3A_559 = arith.constant 336 : index
      %get3A_560 = tpu.vector_load %arg7[%get3A_558, %get3A_559] {strides = array<i32>} : memref<16x1024xf32, #tpu.memory_space<vmem>>, vector<16xf32>,
      %add3A_561 = arith.addf %add3A_555, %get3A_560 : vector<16xf32>
      %mul3A_562 = arith.mulf %get3A_560, %get3A_560 : vector<16xf32>
      %add3A_563 = arith.addf %add3A_557, %mul3A_562 : vector<16xf32>
      %get3A_564 = arith.index_cast %scan3A_432 : i32 to index
      %get3A_565 = arith.constant 352 : index
      %get3A_566 = tpu.vector_load %arg7[%get3A_564, %get3A_565] {strides = array<i32>} : memref<16x1024xf32, #tpu.memory_space<vmem>>, vector<16xf32>,
      %add3A_567 = arith.addf %add3A_561, %get3A_566 : vector<16xf32>
      %mul3A_568 = arith.mulf %get3A_566, %get3A_566 : vector<16xf32>
      %add3A_569 = arith.addf %add3A_563, %mul3A_568 : vector<16xf32>
      %get3A_570 = arith.index_cast %scan3A_432 : i32 to index
      %get3A_571 = arith.constant 368 : index
      %get3A_572 = tpu.vector_load %arg7[%get3A_570, %get3A_571] {strides = array<i32>} : memref<16x1024xf32, #tpu.memory_space<vmem>>, vector<16xf32>,
      %add3A_573 = arith.addf %add3A_567, %get3A_572 : vector<16xf32>
      %mul3A_574 = arith.mulf %get3A_572, %get3A_572 : vector<16xf32>
      %add3A_575 = arith.addf %add3A_569, %mul3A_574 : vector<16xf32>
      %get3A_576 = arith.index_cast %scan3A_432 : i32 to index
      %get3A_577 = arith.constant 384 : index
      %get3A_578 = tpu.vector_load %arg7[%get3A_576, %get3A_577] {strides = array<i32>} : memref<16x1024xf32, #tpu.memory_space<vmem>>, vector<16xf32>,
      %add3A_579 = arith.addf %add3A_573, %get3A_578 : vector<16xf32>
      %mul3A_580 = arith.mulf %get3A_578, %get3A_578 : vector<16xf32>
      %add3A_581 = arith.addf %add3A_575, %mul3A_580 : vector<16xf32>
      %get3A_582 = arith.index_cast %scan3A_432 : i32 to index
      %get3A_583 = arith.constant 400 : index
      %get3A_584 = tpu.vector_load %arg7[%get3A_582, %get3A_583] {strides = array<i32>} : memref<16x1024xf32, #tpu.memory_space<vmem>>, vector<16xf32>,
      %add3A_585 = arith.addf %add3A_579, %get3A_584 : vector<16xf32>
      %mul3A_586 = arith.mulf %get3A_584, %get3A_584 : vector<16xf32>
      %add3A_587 = arith.addf %add3A_581, %mul3A_586 : vector<16xf32>
      %get3A_588 = arith.index_cast %scan3A_432 : i32 to index
      %get3A_589 = arith.constant 416 : index
      %get3A_590 = tpu.vector_load %arg7[%get3A_588, %get3A_589] {strides = array<i32>} : memref<16x1024xf32, #tpu.memory_space<vmem>>, vector<16xf32>,
      %add3A_591 = arith.addf %add3A_585, %get3A_590 : vector<16xf32>
      %mul3A_592 = arith.mulf %get3A_590, %get3A_590 : vector<16xf32>
      %add3A_593 = arith.addf %add3A_587, %mul3A_592 : vector<16xf32>
      %get3A_594 = arith.index_cast %scan3A_432 : i32 to index
      %get3A_595 = arith.constant 432 : index
      %get3A_596 = tpu.vector_load %arg7[%get3A_594, %get3A_595] {strides = array<i32>} : memref<16x1024xf32, #tpu.memory_space<vmem>>, vector<16xf32>,
      %add3A_597 = arith.addf %add3A_591, %get3A_596 : vector<16xf32>
      %mul3A_598 = arith.mulf %get3A_596, %get3A_596 : vector<16xf32>
      %add3A_599 = arith.addf %add3A_593, %mul3A_598 : vector<16xf32>
      %get3A_600 = arith.index_cast %scan3A_432 : i32 to index
      %get3A_601 = arith.constant 448 : index
      %get3A_602 = tpu.vector_load %arg7[%get3A_600, %get3A_601] {strides = array<i32>} : memref<16x1024xf32, #tpu.memory_space<vmem>>, vector<16xf32>,
      %add3A_603 = arith.addf %add3A_597, %get3A_602 : vector<16xf32>
      %mul3A_604 = arith.mulf %get3A_602, %get3A_602 : vector<16xf32>
      %add3A_605 = arith.addf %add3A_599, %mul3A_604 : vector<16xf32>
      %get3A_606 = arith.index_cast %scan3A_432 : i32 to index
      %get3A_607 = arith.constant 464 : index
      %get3A_608 = tpu.vector_load %arg7[%get3A_606, %get3A_607] {strides = array<i32>} : memref<16x1024xf32, #tpu.memory_space<vmem>>, vector<16xf32>,
      %add3A_609 = arith.addf %add3A_603, %get3A_608 : vector<16xf32>
      %mul3A_610 = arith.mulf %get3A_608, %get3A_608 : vector<16xf32>
      %add3A_611 = arith.addf %add3A_605, %mul3A_610 : vector<16xf32>
      %get3A_612 = arith.index_cast %scan3A_432 : i32 to index
      %get3A_613 = arith.constant 480 : index
      %get3A_614 = tpu.vector_load %arg7[%get3A_612, %get3A_613] {strides = array<i32>} : memref<16x1024xf32, #tpu.memory_space<vmem>>, vector<16xf32>,
      %add3A_615 = arith.addf %add3A_609, %get3A_614 : vector<16xf32>
      %mul3A_616 = arith.mulf %get3A_614, %get3A_614 : vector<16xf32>
      %add3A_617 = arith.addf %add3A_611, %mul3A_616 : vector<16xf32>
      %get3A_618 = arith.index_cast %scan3A_432 : i32 to index
      %get3A_619 = arith.constant 496 : index
      %get3A_620 = tpu.vector_load %arg7[%get3A_618, %get3A_619] {strides = array<i32>} : memref<16x1024xf32, #tpu.memory_space<vmem>>, vector<16xf32>,
      %add3A_621 = arith.addf %add3A_615, %get3A_620 : vector<16xf32>
      %mul3A_622 = arith.mulf %get3A_620, %get3A_620 : vector<16xf32>
      %add3A_623 = arith.addf %add3A_617, %mul3A_622 : vector<16xf32>
      %get3A_624 = arith.index_cast %scan3A_432 : i32 to index
      %get3A_625 = arith.constant 512 : index
      %get3A_626 = tpu.vector_load %arg7[%get3A_624, %get3A_625] {strides = array<i32>} : memref<16x1024xf32, #tpu.memory_space<vmem>>, vector<16xf32>,
      %add3A_627 = arith.addf %add3A_621, %get3A_626 : vector<16xf32>
      %mul3A_628 = arith.mulf %get3A_626, %get3A_626 : vector<16xf32>
      %add3A_629 = arith.addf %add3A_623, %mul3A_628 : vector<16xf32>
      %get3A_630 = arith.index_cast %scan3A_432 : i32 to index
      %get3A_631 = arith.constant 528 : index
      %get3A_632 = tpu.vector_load %arg7[%get3A_630, %get3A_631] {strides = array<i32>} : memref<16x1024xf32, #tpu.memory_space<vmem>>, vector<16xf32>,
      %add3A_633 = arith.addf %add3A_627, %get3A_632 : vector<16xf32>
      %mul3A_634 = arith.mulf %get3A_632, %get3A_632 : vector<16xf32>
      %add3A_635 = arith.addf %add3A_629, %mul3A_634 : vector<16xf32>
      %get3A_636 = arith.index_cast %scan3A_432 : i32 to index
      %get3A_637 = arith.constant 544 : index
      %get3A_638 = tpu.vector_load %arg7[%get3A_636, %get3A_637] {strides = array<i32>} : memref<16x1024xf32, #tpu.memory_space<vmem>>, vector<16xf32>,
      %add3A_639 = arith.addf %add3A_633, %get3A_638 : vector<16xf32>
      %mul3A_640 = arith.mulf %get3A_638, %get3A_638 : vector<16xf32>
      %add3A_641 = arith.addf %add3A_635, %mul3A_640 : vector<16xf32>
      %get3A_642 = arith.index_cast %scan3A_432 : i32 to index
      %get3A_643 = arith.constant 560 : index
      %get3A_644 = tpu.vector_load %arg7[%get3A_642, %get3A_643] {strides = array<i32>} : memref<16x1024xf32, #tpu.memory_space<vmem>>, vector<16xf32>,
      %add3A_645 = arith.addf %add3A_639, %get3A_644 : vector<16xf32>
      %mul3A_646 = arith.mulf %get3A_644, %get3A_644 : vector<16xf32>
      %add3A_647 = arith.addf %add3A_641, %mul3A_646 : vector<16xf32>
      %get3A_648 = arith.index_cast %scan3A_432 : i32 to index
      %get3A_649 = arith.constant 576 : index
      %get3A_650 = tpu.vector_load %arg7[%get3A_648, %get3A_649] {strides = array<i32>} : memref<16x1024xf32, #tpu.memory_space<vmem>>, vector<16xf32>,
      %add3A_651 = arith.addf %add3A_645, %get3A_650 : vector<16xf32>
      %mul3A_652 = arith.mulf %get3A_650, %get3A_650 : vector<16xf32>
      %add3A_653 = arith.addf %add3A_647, %mul3A_652 : vector<16xf32>
      %get3A_654 = arith.index_cast %scan3A_432 : i32 to index
      %get3A_655 = arith.constant 592 : index
      %get3A_656 = tpu.vector_load %arg7[%get3A_654, %get3A_655] {strides = array<i32>} : memref<16x1024xf32, #tpu.memory_space<vmem>>, vector<16xf32>,
      %add3A_657 = arith.addf %add3A_651, %get3A_656 : vector<16xf32>
      %mul3A_658 = arith.mulf %get3A_656, %get3A_656 : vector<16xf32>
      %add3A_659 = arith.addf %add3A_653, %mul3A_658 : vector<16xf32>
      %get3A_660 = arith.index_cast %scan3A_432 : i32 to index
      %get3A_661 = arith.constant 608 : index
      %get3A_662 = tpu.vector_load %arg7[%get3A_660, %get3A_661] {strides = array<i32>} : memref<16x1024xf32, #tpu.memory_space<vmem>>, vector<16xf32>,
      %add3A_663 = arith.addf %add3A_657, %get3A_662 : vector<16xf32>
      %mul3A_664 = arith.mulf %get3A_662, %get3A_662 : vector<16xf32>
      %add3A_665 = arith.addf %add3A_659, %mul3A_664 : vector<16xf32>
      %get3A_666 = arith.index_cast %scan3A_432 : i32 to index
      %get3A_667 = arith.constant 624 : index
      %get3A_668 = tpu.vector_load %arg7[%get3A_666, %get3A_667] {strides = array<i32>} : memref<16x1024xf32, #tpu.memory_space<vmem>>, vector<16xf32>,
      %add3A_669 = arith.addf %add3A_663, %get3A_668 : vector<16xf32>
      %mul3A_670 = arith.mulf %get3A_668, %get3A_668 : vector<16xf32>
      %add3A_671 = arith.addf %add3A_665, %mul3A_670 : vector<16xf32>
      %get3A_672 = arith.index_cast %scan3A_432 : i32 to index
      %get3A_673 = arith.constant 640 : index
      %get3A_674 = tpu.vector_load %arg7[%get3A_672, %get3A_673] {strides = array<i32>} : memref<16x1024xf32, #tpu.memory_space<vmem>>, vector<16xf32>,
      %add3A_675 = arith.addf %add3A_669, %get3A_674 : vector<16xf32>
      %mul3A_676 = arith.mulf %get3A_674, %get3A_674 : vector<16xf32>
      %add3A_677 = arith.addf %add3A_671, %mul3A_676 : vector<16xf32>
      %get3A_678 = arith.index_cast %scan3A_432 : i32 to index
      %get3A_679 = arith.constant 656 : index
      %get3A_680 = tpu.vector_load %arg7[%get3A_678, %get3A_679] {strides = array<i32>} : memref<16x1024xf32, #tpu.memory_space<vmem>>, vector<16xf32>,
      %add3A_681 = arith.addf %add3A_675, %get3A_680 : vector<16xf32>
      %mul3A_682 = arith.mulf %get3A_680, %get3A_680 : vector<16xf32>
      %add3A_683 = arith.addf %add3A_677, %mul3A_682 : vector<16xf32>
      %get3A_684 = arith.index_cast %scan3A_432 : i32 to index
      %get3A_685 = arith.constant 672 : index
      %get3A_686 = tpu.vector_load %arg7[%get3A_684, %get3A_685] {strides = array<i32>} : memref<16x1024xf32, #tpu.memory_space<vmem>>, vector<16xf32>,
      %add3A_687 = arith.addf %add3A_681, %get3A_686 : vector<16xf32>
      %mul3A_688 = arith.mulf %get3A_686, %get3A_686 : vector<16xf32>
      %add3A_689 = arith.addf %add3A_683, %mul3A_688 : vector<16xf32>
      %get3A_690 = arith.index_cast %scan3A_432 : i32 to index
      %get3A_691 = arith.constant 688 : index
      %get3A_692 = tpu.vector_load %arg7[%get3A_690, %get3A_691] {strides = array<i32>} : memref<16x1024xf32, #tpu.memory_space<vmem>>, vector<16xf32>,
      %add3A_693 = arith.addf %add3A_687, %get3A_692 : vector<16xf32>
      %mul3A_694 = arith.mulf %get3A_692, %get3A_692 : vector<16xf32>
      %add3A_695 = arith.addf %add3A_689, %mul3A_694 : vector<16xf32>
      %get3A_696 = arith.index_cast %scan3A_432 : i32 to index
      %get3A_697 = arith.constant 704 : index
      %get3A_698 = tpu.vector_load %arg7[%get3A_696, %get3A_697] {strides = array<i32>} : memref<16x1024xf32, #tpu.memory_space<vmem>>, vector<16xf32>,
      %add3A_699 = arith.addf %add3A_693, %get3A_698 : vector<16xf32>
      %mul3A_700 = arith.mulf %get3A_698, %get3A_698 : vector<16xf32>
      %add3A_701 = arith.addf %add3A_695, %mul3A_700 : vector<16xf32>
      %get3A_702 = arith.index_cast %scan3A_432 : i32 to index
      %get3A_703 = arith.constant 720 : index
      %get3A_704 = tpu.vector_load %arg7[%get3A_702, %get3A_703] {strides = array<i32>} : memref<16x1024xf32, #tpu.memory_space<vmem>>, vector<16xf32>,
      %add3A_705 = arith.addf %add3A_699, %get3A_704 : vector<16xf32>
      %mul3A_706 = arith.mulf %get3A_704, %get3A_704 : vector<16xf32>
      %add3A_707 = arith.addf %add3A_701, %mul3A_706 : vector<16xf32>
      %get3A_708 = arith.index_cast %scan3A_432 : i32 to index
      %get3A_709 = arith.constant 736 : index
      %get3A_710 = tpu.vector_load %arg7[%get3A_708, %get3A_709] {strides = array<i32>} : memref<16x1024xf32, #tpu.memory_space<vmem>>, vector<16xf32>,
      %add3A_711 = arith.addf %add3A_705, %get3A_710 : vector<16xf32>
      %mul3A_712 = arith.mulf %get3A_710, %get3A_710 : vector<16xf32>
      %add3A_713 = arith.addf %add3A_707, %mul3A_712 : vector<16xf32>
      %get3A_714 = arith.index_cast %scan3A_432 : i32 to index
      %get3A_715 = arith.constant 752 : index
      %get3A_716 = tpu.vector_load %arg7[%get3A_714, %get3A_715] {strides = array<i32>} : memref<16x1024xf32, #tpu.memory_space<vmem>>, vector<16xf32>,
      %add3A_717 = arith.addf %add3A_711, %get3A_716 : vector<16xf32>
      %mul3A_718 = arith.mulf %get3A_716, %get3A_716 : vector<16xf32>
      %add3A_719 = arith.addf %add3A_713, %mul3A_718 : vector<16xf32>
      %get3A_720 = arith.index_cast %scan3A_432 : i32 to index
      %get3A_721 = arith.constant 768 : index
      %get3A_722 = tpu.vector_load %arg7[%get3A_720, %get3A_721] {strides = array<i32>} : memref<16x1024xf32, #tpu.memory_space<vmem>>, vector<16xf32>,
      %add3A_723 = arith.addf %add3A_717, %get3A_722 : vector<16xf32>
      %mul3A_724 = arith.mulf %get3A_722, %get3A_722 : vector<16xf32>
      %add3A_725 = arith.addf %add3A_719, %mul3A_724 : vector<16xf32>
      %get3A_726 = arith.index_cast %scan3A_432 : i32 to index
      %get3A_727 = arith.constant 784 : index
      %get3A_728 = tpu.vector_load %arg7[%get3A_726, %get3A_727] {strides = array<i32>} : memref<16x1024xf32, #tpu.memory_space<vmem>>, vector<16xf32>,
      %add3A_729 = arith.addf %add3A_723, %get3A_728 : vector<16xf32>
      %mul3A_730 = arith.mulf %get3A_728, %get3A_728 : vector<16xf32>
      %add3A_731 = arith.addf %add3A_725, %mul3A_730 : vector<16xf32>
      %get3A_732 = arith.index_cast %scan3A_432 : i32 to index
      %get3A_733 = arith.constant 800 : index
      %get3A_734 = tpu.vector_load %arg7[%get3A_732, %get3A_733] {strides = array<i32>} : memref<16x1024xf32, #tpu.memory_space<vmem>>, vector<16xf32>,
      %add3A_735 = arith.addf %add3A_729, %get3A_734 : vector<16xf32>
      %mul3A_736 = arith.mulf %get3A_734, %get3A_734 : vector<16xf32>
      %add3A_737 = arith.addf %add3A_731, %mul3A_736 : vector<16xf32>
      %get3A_738 = arith.index_cast %scan3A_432 : i32 to index
      %get3A_739 = arith.constant 816 : index
      %get3A_740 = tpu.vector_load %arg7[%get3A_738, %get3A_739] {strides = array<i32>} : memref<16x1024xf32, #tpu.memory_space<vmem>>, vector<16xf32>,
      %add3A_741 = arith.addf %add3A_735, %get3A_740 : vector<16xf32>
      %mul3A_742 = arith.mulf %get3A_740, %get3A_740 : vector<16xf32>
      %add3A_743 = arith.addf %add3A_737, %mul3A_742 : vector<16xf32>
      %get3A_744 = arith.index_cast %scan3A_432 : i32 to index
      %get3A_745 = arith.constant 832 : index
      %get3A_746 = tpu.vector_load %arg7[%get3A_744, %get3A_745] {strides = array<i32>} : memref<16x1024xf32, #tpu.memory_space<vmem>>, vector<16xf32>,
      %add3A_747 = arith.addf %add3A_741, %get3A_746 : vector<16xf32>
      %mul3A_748 = arith.mulf %get3A_746, %get3A_746 : vector<16xf32>
      %add3A_749 = arith.addf %add3A_743, %mul3A_748 : vector<16xf32>
      %get3A_750 = arith.index_cast %scan3A_432 : i32 to index
      %get3A_751 = arith.constant 848 : index
      %get3A_752 = tpu.vector_load %arg7[%get3A_750, %get3A_751] {strides = array<i32>} : memref<16x1024xf32, #tpu.memory_space<vmem>>, vector<16xf32>,
      %add3A_753 = arith.addf %add3A_747, %get3A_752 : vector<16xf32>
      %mul3A_754 = arith.mulf %get3A_752, %get3A_752 : vector<16xf32>
      %add3A_755 = arith.addf %add3A_749, %mul3A_754 : vector<16xf32>
      %get3A_756 = arith.index_cast %scan3A_432 : i32 to index
      %get3A_757 = arith.constant 864 : index
      %get3A_758 = tpu.vector_load %arg7[%get3A_756, %get3A_757] {strides = array<i32>} : memref<16x1024xf32, #tpu.memory_space<vmem>>, vector<16xf32>,
      %add3A_759 = arith.addf %add3A_753, %get3A_758 : vector<16xf32>
      %mul3A_760 = arith.mulf %get3A_758, %get3A_758 : vector<16xf32>
      %add3A_761 = arith.addf %add3A_755, %mul3A_760 : vector<16xf32>
      %get3A_762 = arith.index_cast %scan3A_432 : i32 to index
      %get3A_763 = arith.constant 880 : index
      %get3A_764 = tpu.vector_load %arg7[%get3A_762, %get3A_763] {strides = array<i32>} : memref<16x1024xf32, #tpu.memory_space<vmem>>, vector<16xf32>,
      %add3A_765 = arith.addf %add3A_759, %get3A_764 : vector<16xf32>
      %mul3A_766 = arith.mulf %get3A_764, %get3A_764 : vector<16xf32>
      %add3A_767 = arith.addf %add3A_761, %mul3A_766 : vector<16xf32>
      %get3A_768 = arith.index_cast %scan3A_432 : i32 to index
      %get3A_769 = arith.constant 896 : index
      %get3A_770 = tpu.vector_load %arg7[%get3A_768, %get3A_769] {strides = array<i32>} : memref<16x1024xf32, #tpu.memory_space<vmem>>, vector<16xf32>,
      %add3A_771 = arith.addf %add3A_765, %get3A_770 : vector<16xf32>
      %mul3A_772 = arith.mulf %get3A_770, %get3A_770 : vector<16xf32>
      %add3A_773 = arith.addf %add3A_767, %mul3A_772 : vector<16xf32>
      %get3A_774 = arith.index_cast %scan3A_432 : i32 to index
      %get3A_775 = arith.constant 912 : index
      %get3A_776 = tpu.vector_load %arg7[%get3A_774, %get3A_775] {strides = array<i32>} : memref<16x1024xf32, #tpu.memory_space<vmem>>, vector<16xf32>,
      %add3A_777 = arith.addf %add3A_771, %get3A_776 : vector<16xf32>
      %mul3A_778 = arith.mulf %get3A_776, %get3A_776 : vector<16xf32>
      %add3A_779 = arith.addf %add3A_773, %mul3A_778 : vector<16xf32>
      %get3A_780 = arith.index_cast %scan3A_432 : i32 to index
      %get3A_781 = arith.constant 928 : index
      %get3A_782 = tpu.vector_load %arg7[%get3A_780, %get3A_781] {strides = array<i32>} : memref<16x1024xf32, #tpu.memory_space<vmem>>, vector<16xf32>,
      %add3A_783 = arith.addf %add3A_777, %get3A_782 : vector<16xf32>
      %mul3A_784 = arith.mulf %get3A_782, %get3A_782 : vector<16xf32>
      %add3A_785 = arith.addf %add3A_779, %mul3A_784 : vector<16xf32>
      %get3A_786 = arith.index_cast %scan3A_432 : i32 to index
      %get3A_787 = arith.constant 944 : index
      %get3A_788 = tpu.vector_load %arg7[%get3A_786, %get3A_787] {strides = array<i32>} : memref<16x1024xf32, #tpu.memory_space<vmem>>, vector<16xf32>,
      %add3A_789 = arith.addf %add3A_783, %get3A_788 : vector<16xf32>
      %mul3A_790 = arith.mulf %get3A_788, %get3A_788 : vector<16xf32>
      %add3A_791 = arith.addf %add3A_785, %mul3A_790 : vector<16xf32>
      %get3A_792 = arith.index_cast %scan3A_432 : i32 to index
      %get3A_793 = arith.constant 960 : index
      %get3A_794 = tpu.vector_load %arg7[%get3A_792, %get3A_793] {strides = array<i32>} : memref<16x1024xf32, #tpu.memory_space<vmem>>, vector<16xf32>,
      %add3A_795 = arith.addf %add3A_789, %get3A_794 : vector<16xf32>
      %mul3A_796 = arith.mulf %get3A_794, %get3A_794 : vector<16xf32>
      %add3A_797 = arith.addf %add3A_791, %mul3A_796 : vector<16xf32>
      %get3A_798 = arith.index_cast %scan3A_432 : i32 to index
      %get3A_799 = arith.constant 976 : index
      %get3A_800 = tpu.vector_load %arg7[%get3A_798, %get3A_799] {strides = array<i32>} : memref<16x1024xf32, #tpu.memory_space<vmem>>, vector<16xf32>,
      %add3A_801 = arith.addf %add3A_795, %get3A_800 : vector<16xf32>
      %mul3A_802 = arith.mulf %get3A_800, %get3A_800 : vector<16xf32>
      %add3A_803 = arith.addf %add3A_797, %mul3A_802 : vector<16xf32>
      %get3A_804 = arith.index_cast %scan3A_432 : i32 to index
      %get3A_805 = arith.constant 992 : index
      %get3A_806 = tpu.vector_load %arg7[%get3A_804, %get3A_805] {strides = array<i32>} : memref<16x1024xf32, #tpu.memory_space<vmem>>, vector<16xf32>,
      %add3A_807 = arith.addf %add3A_801, %get3A_806 : vector<16xf32>
      %mul3A_808 = arith.mulf %get3A_806, %get3A_806 : vector<16xf32>
      %add3A_809 = arith.addf %add3A_803, %mul3A_808 : vector<16xf32>
      %get3A_810 = arith.index_cast %scan3A_432 : i32 to index
      %get3A_811 = arith.constant 1008 : index
      %get3A_812 = tpu.vector_load %arg7[%get3A_810, %get3A_811] {strides = array<i32>} : memref<16x1024xf32, #tpu.memory_space<vmem>>, vector<16xf32>,
      %add3A_813 = arith.addf %add3A_807, %get3A_812 : vector<16xf32>
      %mul3A_814 = arith.mulf %get3A_812, %get3A_812 : vector<16xf32>
      %add3A_815 = arith.addf %add3A_809, %mul3A_814 : vector<16xf32>
      %swap3A = arith.index_cast %scan3A_432 : i32 to index
      %swap3A_816 = arith.constant 0 : index
      %swap3A_817 = tpu.vector_load %arg11[%swap3A, %swap3A_816] {strides = array<i32>} : memref<16x16xf32, #tpu.memory_space<vmem>>, vector<16xf32>,
      tpu.vector_store %arg11[%swap3A, %swap3A_816], %add3A_813 {strides = array<i32>} : memref<16x16xf32, #tpu.memory_space<vmem>>, vector<16xf32>,
      %swap3A_818 = arith.index_cast %scan3A_432 : i32 to index
      %swap3A_819 = arith.constant 0 : index
      %swap3A_820 = tpu.vector_load %arg12[%swap3A_818, %swap3A_819] {strides = array<i32>} : memref<16x16xf32, #tpu.memory_space<vmem>>, vector<16xf32>,
      tpu.vector_store %arg12[%swap3A_818, %swap3A_819], %add3A_815 {strides = array<i32>} : memref<16x16xf32, #tpu.memory_space<vmem>>, vector<16xf32>,
      %scan3A_821 = arith.constant 0 : i32
      scf.yield %scan3A_821 : i32
    }
    %scan3A_22 = arith.constant 16 : i32
    %broadcast_in_dim3A = arith.constant 0.000000e+00 : f32
    %broadcast_in_dim3A_23 = vector.broadcast %broadcast_in_dim3A : f32 to vector<16xf32>
    %broadcast_in_dim3A_24 = arith.constant 0.000000e+00 : f32
    %broadcast_in_dim3A_25 = vector.broadcast %broadcast_in_dim3A_24 : f32 to vector<16xf32>
    %broadcast_in_dim3A_26 = arith.constant 0 : i32
    %broadcast_in_dim3A_27 = vector.broadcast %broadcast_in_dim3A_26 : i32 to vector<16xi32>
    %gather3A = tpu.vector_load_idx %arg11[%iota3A, %broadcast_in_dim3A_27] : memref<16x16xf32, #tpu.memory_space<vmem>>[vector<16xi32>, vector<16xi32>], vector<16xf32>,
    %add3A_28 = arith.addf %broadcast_in_dim3A_23, %gather3A : vector<16xf32>
    %gather3A_29 = tpu.vector_load_idx %arg12[%iota3A, %broadcast_in_dim3A_27] : memref<16x16xf32, #tpu.memory_space<vmem>>[vector<16xi32>, vector<16xi32>], vector<16xf32>,
    %add3A_30 = arith.addf %broadcast_in_dim3A_25, %gather3A_29 : vector<16xf32>
    %broadcast_in_dim3A_31 = arith.constant 1 : i32
    %broadcast_in_dim3A_32 = vector.broadcast %broadcast_in_dim3A_31 : i32 to vector<16xi32>
    %gather3A_33 = tpu.vector_load_idx %arg11[%iota3A, %broadcast_in_dim3A_32] : memref<16x16xf32, #tpu.memory_space<vmem>>[vector<16xi32>, vector<16xi32>], vector<16xf32>,
    %add3A_34 = arith.addf %add3A_28, %gather3A_33 : vector<16xf32>
    %gather3A_35 = tpu.vector_load_idx %arg12[%iota3A, %broadcast_in_dim3A_32] : memref<16x16xf32, #tpu.memory_space<vmem>>[vector<16xi32>, vector<16xi32>], vector<16xf32>,
    %add3A_36 = arith.addf %add3A_30, %gather3A_35 : vector<16xf32>
    %broadcast_in_dim3A_37 = arith.constant 2 : i32
    %broadcast_in_dim3A_38 = vector.broadcast %broadcast_in_dim3A_37 : i32 to vector<16xi32>
    %gather3A_39 = tpu.vector_load_idx %arg11[%iota3A, %broadcast_in_dim3A_38] : memref<16x16xf32, #tpu.memory_space<vmem>>[vector<16xi32>, vector<16xi32>], vector<16xf32>,
    %add3A_40 = arith.addf %add3A_34, %gather3A_39 : vector<16xf32>
    %gather3A_41 = tpu.vector_load_idx %arg12[%iota3A, %broadcast_in_dim3A_38] : memref<16x16xf32, #tpu.memory_space<vmem>>[vector<16xi32>, vector<16xi32>], vector<16xf32>,
    %add3A_42 = arith.addf %add3A_36, %gather3A_41 : vector<16xf32>
    %broadcast_in_dim3A_43 = arith.constant 3 : i32
    %broadcast_in_dim3A_44 = vector.broadcast %broadcast_in_dim3A_43 : i32 to vector<16xi32>
    %gather3A_45 = tpu.vector_load_idx %arg11[%iota3A, %broadcast_in_dim3A_44] : memref<16x16xf32, #tpu.memory_space<vmem>>[vector<16xi32>, vector<16xi32>], vector<16xf32>,
    %add3A_46 = arith.addf %add3A_40, %gather3A_45 : vector<16xf32>
    %gather3A_47 = tpu.vector_load_idx %arg12[%iota3A, %broadcast_in_dim3A_44] : memref<16x16xf32, #tpu.memory_space<vmem>>[vector<16xi32>, vector<16xi32>], vector<16xf32>,
    %add3A_48 = arith.addf %add3A_42, %gather3A_47 : vector<16xf32>
    %broadcast_in_dim3A_49 = arith.constant 4 : i32
    %broadcast_in_dim3A_50 = vector.broadcast %broadcast_in_dim3A_49 : i32 to vector<16xi32>
    %gather3A_51 = tpu.vector_load_idx %arg11[%iota3A, %broadcast_in_dim3A_50] : memref<16x16xf32, #tpu.memory_space<vmem>>[vector<16xi32>, vector<16xi32>], vector<16xf32>,
    %add3A_52 = arith.addf %add3A_46, %gather3A_51 : vector<16xf32>
    %gather3A_53 = tpu.vector_load_idx %arg12[%iota3A, %broadcast_in_dim3A_50] : memref<16x16xf32, #tpu.memory_space<vmem>>[vector<16xi32>, vector<16xi32>], vector<16xf32>,
    %add3A_54 = arith.addf %add3A_48, %gather3A_53 : vector<16xf32>
    %broadcast_in_dim3A_55 = arith.constant 5 : i32
    %broadcast_in_dim3A_56 = vector.broadcast %broadcast_in_dim3A_55 : i32 to vector<16xi32>
    %gather3A_57 = tpu.vector_load_idx %arg11[%iota3A, %broadcast_in_dim3A_56] : memref<16x16xf32, #tpu.memory_space<vmem>>[vector<16xi32>, vector<16xi32>], vector<16xf32>,
    %add3A_58 = arith.addf %add3A_52, %gather3A_57 : vector<16xf32>
    %gather3A_59 = tpu.vector_load_idx %arg12[%iota3A, %broadcast_in_dim3A_56] : memref<16x16xf32, #tpu.memory_space<vmem>>[vector<16xi32>, vector<16xi32>], vector<16xf32>,
    %add3A_60 = arith.addf %add3A_54, %gather3A_59 : vector<16xf32>
    %broadcast_in_dim3A_61 = arith.constant 6 : i32
    %broadcast_in_dim3A_62 = vector.broadcast %broadcast_in_dim3A_61 : i32 to vector<16xi32>
    %gather3A_63 = tpu.vector_load_idx %arg11[%iota3A, %broadcast_in_dim3A_62] : memref<16x16xf32, #tpu.memory_space<vmem>>[vector<16xi32>, vector<16xi32>], vector<16xf32>,
    %add3A_64 = arith.addf %add3A_58, %gather3A_63 : vector<16xf32>
    %gather3A_65 = tpu.vector_load_idx %arg12[%iota3A, %broadcast_in_dim3A_62] : memref<16x16xf32, #tpu.memory_space<vmem>>[vector<16xi32>, vector<16xi32>], vector<16xf32>,
    %add3A_66 = arith.addf %add3A_60, %gather3A_65 : vector<16xf32>
    %broadcast_in_dim3A_67 = arith.constant 7 : i32
    %broadcast_in_dim3A_68 = vector.broadcast %broadcast_in_dim3A_67 : i32 to vector<16xi32>
    %gather3A_69 = tpu.vector_load_idx %arg11[%iota3A, %broadcast_in_dim3A_68] : memref<16x16xf32, #tpu.memory_space<vmem>>[vector<16xi32>, vector<16xi32>], vector<16xf32>,
    %add3A_70 = arith.addf %add3A_64, %gather3A_69 : vector<16xf32>
    %gather3A_71 = tpu.vector_load_idx %arg12[%iota3A, %broadcast_in_dim3A_68] : memref<16x16xf32, #tpu.memory_space<vmem>>[vector<16xi32>, vector<16xi32>], vector<16xf32>,
    %add3A_72 = arith.addf %add3A_66, %gather3A_71 : vector<16xf32>
    %broadcast_in_dim3A_73 = arith.constant 8 : i32
    %broadcast_in_dim3A_74 = vector.broadcast %broadcast_in_dim3A_73 : i32 to vector<16xi32>
    %gather3A_75 = tpu.vector_load_idx %arg11[%iota3A, %broadcast_in_dim3A_74] : memref<16x16xf32, #tpu.memory_space<vmem>>[vector<16xi32>, vector<16xi32>], vector<16xf32>,
    %add3A_76 = arith.addf %add3A_70, %gather3A_75 : vector<16xf32>
    %gather3A_77 = tpu.vector_load_idx %arg12[%iota3A, %broadcast_in_dim3A_74] : memref<16x16xf32, #tpu.memory_space<vmem>>[vector<16xi32>, vector<16xi32>], vector<16xf32>,
    %add3A_78 = arith.addf %add3A_72, %gather3A_77 : vector<16xf32>
    %broadcast_in_dim3A_79 = arith.constant 9 : i32
    %broadcast_in_dim3A_80 = vector.broadcast %broadcast_in_dim3A_79 : i32 to vector<16xi32>
    %gather3A_81 = tpu.vector_load_idx %arg11[%iota3A, %broadcast_in_dim3A_80] : memref<16x16xf32, #tpu.memory_space<vmem>>[vector<16xi32>, vector<16xi32>], vector<16xf32>,
    %add3A_82 = arith.addf %add3A_76, %gather3A_81 : vector<16xf32>
    %gather3A_83 = tpu.vector_load_idx %arg12[%iota3A, %broadcast_in_dim3A_80] : memref<16x16xf32, #tpu.memory_space<vmem>>[vector<16xi32>, vector<16xi32>], vector<16xf32>,
    %add3A_84 = arith.addf %add3A_78, %gather3A_83 : vector<16xf32>
    %broadcast_in_dim3A_85 = arith.constant 10 : i32
    %broadcast_in_dim3A_86 = vector.broadcast %broadcast_in_dim3A_85 : i32 to vector<16xi32>
    %gather3A_87 = tpu.vector_load_idx %arg11[%iota3A, %broadcast_in_dim3A_86] : memref<16x16xf32, #tpu.memory_space<vmem>>[vector<16xi32>, vector<16xi32>], vector<16xf32>,
    %add3A_88 = arith.addf %add3A_82, %gather3A_87 : vector<16xf32>
    %gather3A_89 = tpu.vector_load_idx %arg12[%iota3A, %broadcast_in_dim3A_86] : memref<16x16xf32, #tpu.memory_space<vmem>>[vector<16xi32>, vector<16xi32>], vector<16xf32>,
    %add3A_90 = arith.addf %add3A_84, %gather3A_89 : vector<16xf32>
    %broadcast_in_dim3A_91 = arith.constant 11 : i32
    %broadcast_in_dim3A_92 = vector.broadcast %broadcast_in_dim3A_91 : i32 to vector<16xi32>
    %gather3A_93 = tpu.vector_load_idx %arg11[%iota3A, %broadcast_in_dim3A_92] : memref<16x16xf32, #tpu.memory_space<vmem>>[vector<16xi32>, vector<16xi32>], vector<16xf32>,
    %add3A_94 = arith.addf %add3A_88, %gather3A_93 : vector<16xf32>
    %gather3A_95 = tpu.vector_load_idx %arg12[%iota3A, %broadcast_in_dim3A_92] : memref<16x16xf32, #tpu.memory_space<vmem>>[vector<16xi32>, vector<16xi32>], vector<16xf32>,
    %add3A_96 = arith.addf %add3A_90, %gather3A_95 : vector<16xf32>
    %broadcast_in_dim3A_97 = arith.constant 12 : i32
    %broadcast_in_dim3A_98 = vector.broadcast %broadcast_in_dim3A_97 : i32 to vector<16xi32>
    %gather3A_99 = tpu.vector_load_idx %arg11[%iota3A, %broadcast_in_dim3A_98] : memref<16x16xf32, #tpu.memory_space<vmem>>[vector<16xi32>, vector<16xi32>], vector<16xf32>,
    %add3A_100 = arith.addf %add3A_94, %gather3A_99 : vector<16xf32>
    %gather3A_101 = tpu.vector_load_idx %arg12[%iota3A, %broadcast_in_dim3A_98] : memref<16x16xf32, #tpu.memory_space<vmem>>[vector<16xi32>, vector<16xi32>], vector<16xf32>,
    %add3A_102 = arith.addf %add3A_96, %gather3A_101 : vector<16xf32>
    %broadcast_in_dim3A_103 = arith.constant 13 : i32
    %broadcast_in_dim3A_104 = vector.broadcast %broadcast_in_dim3A_103 : i32 to vector<16xi32>
    %gather3A_105 = tpu.vector_load_idx %arg11[%iota3A, %broadcast_in_dim3A_104] : memref<16x16xf32, #tpu.memory_space<vmem>>[vector<16xi32>, vector<16xi32>], vector<16xf32>,
    %add3A_106 = arith.addf %add3A_100, %gather3A_105 : vector<16xf32>
    %gather3A_107 = tpu.vector_load_idx %arg12[%iota3A, %broadcast_in_dim3A_104] : memref<16x16xf32, #tpu.memory_space<vmem>>[vector<16xi32>, vector<16xi32>], vector<16xf32>,
    %add3A_108 = arith.addf %add3A_102, %gather3A_107 : vector<16xf32>
    %broadcast_in_dim3A_109 = arith.constant 14 : i32
    %broadcast_in_dim3A_110 = vector.broadcast %broadcast_in_dim3A_109 : i32 to vector<16xi32>
    %gather3A_111 = tpu.vector_load_idx %arg11[%iota3A, %broadcast_in_dim3A_110] : memref<16x16xf32, #tpu.memory_space<vmem>>[vector<16xi32>, vector<16xi32>], vector<16xf32>,
    %add3A_112 = arith.addf %add3A_106, %gather3A_111 : vector<16xf32>
    %gather3A_113 = tpu.vector_load_idx %arg12[%iota3A, %broadcast_in_dim3A_110] : memref<16x16xf32, #tpu.memory_space<vmem>>[vector<16xi32>, vector<16xi32>], vector<16xf32>,
    %add3A_114 = arith.addf %add3A_108, %gather3A_113 : vector<16xf32>
    %broadcast_in_dim3A_115 = arith.constant 15 : i32
    %broadcast_in_dim3A_116 = vector.broadcast %broadcast_in_dim3A_115 : i32 to vector<16xi32>
    %gather3A_117 = tpu.vector_load_idx %arg11[%iota3A, %broadcast_in_dim3A_116] : memref<16x16xf32, #tpu.memory_space<vmem>>[vector<16xi32>, vector<16xi32>], vector<16xf32>,
    %add3A_118 = arith.addf %add3A_112, %gather3A_117 : vector<16xf32>
    %gather3A_119 = tpu.vector_load_idx %arg12[%iota3A, %broadcast_in_dim3A_116] : memref<16x16xf32, #tpu.memory_space<vmem>>[vector<16xi32>, vector<16xi32>], vector<16xf32>,
    %add3A_120 = arith.addf %add3A_114, %gather3A_119 : vector<16xf32>
    %mul3A_121 = arith.constant 9.765625E-4 : f32
    %mul3A_122 = vector.broadcast %mul3A_121 : f32 to vector<16xf32>
    %mul3A_123 = arith.mulf %add3A_118, %mul3A_122 : vector<16xf32>
    %mul3A_124 = arith.constant 9.765625E-4 : f32
    %mul3A_125 = vector.broadcast %mul3A_124 : f32 to vector<16xf32>
    %mul3A_126 = arith.mulf %add3A_120, %mul3A_125 : vector<16xf32>
    %mul3A_127 = arith.mulf %mul3A_123, %mul3A_123 : vector<16xf32>
    %sub3A = arith.subf %mul3A_126, %mul3A_127 : vector<16xf32>
    %add3A_128 = arith.constant 9.99999974E-6 : f32
    %add3A_129 = vector.broadcast %add3A_128 : f32 to vector<16xf32>
    %add3A_130 = arith.addf %sub3A, %add3A_129 : vector<16xf32>
    %add3A_131 = arith.constant 1.000000e+00 : f32
    %add3A_132 = vector.broadcast %add3A_131 : f32 to vector<16xf32>
    %add3A_133 = arith.addf %add3A_132, %add3A_130 : vector<16xf32>
    %mul3A_134 = arith.constant 5.000000e-01 : f32
    %mul3A_135 = vector.broadcast %mul3A_134 : f32 to vector<16xf32>
    %mul3A_136 = arith.mulf %mul3A_135, %add3A_133 : vector<16xf32>
    %div3A = arith.divf %add3A_130, %mul3A_136 : vector<16xf32>
    %add3A_137 = arith.addf %mul3A_136, %div3A : vector<16xf32>
    %mul3A_138 = arith.constant 5.000000e-01 : f32
    %mul3A_139 = vector.broadcast %mul3A_138 : f32 to vector<16xf32>
    %mul3A_140 = arith.mulf %mul3A_139, %add3A_137 : vector<16xf32>
    %div3A_141 = arith.divf %add3A_130, %mul3A_140 : vector<16xf32>
    %add3A_142 = arith.addf %mul3A_140, %div3A_141 : vector<16xf32>
    %mul3A_143 = arith.constant 5.000000e-01 : f32
    %mul3A_144 = vector.broadcast %mul3A_143 : f32 to vector<16xf32>
    %mul3A_145 = arith.mulf %mul3A_144, %add3A_142 : vector<16xf32>
    %div3A_146 = arith.divf %add3A_130, %mul3A_145 : vector<16xf32>
    %add3A_147 = arith.addf %mul3A_145, %div3A_146 : vector<16xf32>
    %mul3A_148 = arith.constant 5.000000e-01 : f32
    %mul3A_149 = vector.broadcast %mul3A_148 : f32 to vector<16xf32>
    %mul3A_150 = arith.mulf %mul3A_149, %add3A_147 : vector<16xf32>
    %div3A_151 = arith.divf %add3A_130, %mul3A_150 : vector<16xf32>
    %add3A_152 = arith.addf %mul3A_150, %div3A_151 : vector<16xf32>
    %mul3A_153 = arith.constant 5.000000e-01 : f32
    %mul3A_154 = vector.broadcast %mul3A_153 : f32 to vector<16xf32>
    %mul3A_155 = arith.mulf %mul3A_154, %add3A_152 : vector<16xf32>
    %div3A_156 = arith.divf %add3A_130, %mul3A_155 : vector<16xf32>
    %add3A_157 = arith.addf %mul3A_155, %div3A_156 : vector<16xf32>
    %mul3A_158 = arith.constant 5.000000e-01 : f32
    %mul3A_159 = vector.broadcast %mul3A_158 : f32 to vector<16xf32>
    %mul3A_160 = arith.mulf %mul3A_159, %add3A_157 : vector<16xf32>
    %div3A_161 = arith.divf %add3A_130, %mul3A_160 : vector<16xf32>
    %add3A_162 = arith.addf %mul3A_160, %div3A_161 : vector<16xf32>
    %mul3A_163 = arith.constant 5.000000e-01 : f32
    %mul3A_164 = vector.broadcast %mul3A_163 : f32 to vector<16xf32>
    %mul3A_165 = arith.mulf %mul3A_164, %add3A_162 : vector<16xf32>
    %div3A_166 = arith.divf %add3A_130, %mul3A_165 : vector<16xf32>
    %add3A_167 = arith.addf %mul3A_165, %div3A_166 : vector<16xf32>
    %mul3A_168 = arith.constant 5.000000e-01 : f32
    %mul3A_169 = vector.broadcast %mul3A_168 : f32 to vector<16xf32>
    %mul3A_170 = arith.mulf %mul3A_169, %add3A_167 : vector<16xf32>
    %div3A_171 = arith.divf %add3A_130, %mul3A_170 : vector<16xf32>
    %add3A_172 = arith.addf %mul3A_170, %div3A_171 : vector<16xf32>
    %mul3A_173 = arith.constant 5.000000e-01 : f32
    %mul3A_174 = vector.broadcast %mul3A_173 : f32 to vector<16xf32>
    %mul3A_175 = arith.mulf %mul3A_174, %add3A_172 : vector<16xf32>
    %div3A_176 = arith.divf %add3A_130, %mul3A_175 : vector<16xf32>
    %add3A_177 = arith.addf %mul3A_175, %div3A_176 : vector<16xf32>
    %mul3A_178 = arith.constant 5.000000e-01 : f32
    %mul3A_179 = vector.broadcast %mul3A_178 : f32 to vector<16xf32>
    %mul3A_180 = arith.mulf %mul3A_179, %add3A_177 : vector<16xf32>
    %div3A_181 = arith.divf %add3A_130, %mul3A_180 : vector<16xf32>
    %add3A_182 = arith.addf %mul3A_180, %div3A_181 : vector<16xf32>
    %mul3A_183 = arith.constant 5.000000e-01 : f32
    %mul3A_184 = vector.broadcast %mul3A_183 : f32 to vector<16xf32>
    %mul3A_185 = arith.mulf %mul3A_184, %add3A_182 : vector<16xf32>
    %div3A_186 = arith.divf %add3A_130, %mul3A_185 : vector<16xf32>
    %add3A_187 = arith.addf %mul3A_185, %div3A_186 : vector<16xf32>
    %mul3A_188 = arith.constant 5.000000e-01 : f32
    %mul3A_189 = vector.broadcast %mul3A_188 : f32 to vector<16xf32>
    %mul3A_190 = arith.mulf %mul3A_189, %add3A_187 : vector<16xf32>
    %div3A_191 = arith.divf %add3A_130, %mul3A_190 : vector<16xf32>
    %add3A_192 = arith.addf %mul3A_190, %div3A_191 : vector<16xf32>
    %mul3A_193 = arith.constant 5.000000e-01 : f32
    %mul3A_194 = vector.broadcast %mul3A_193 : f32 to vector<16xf32>
    %mul3A_195 = arith.mulf %mul3A_194, %add3A_192 : vector<16xf32>
    %div3A_196 = arith.constant 1.000000e+00 : f32
    %div3A_197 = vector.broadcast %div3A_196 : f32 to vector<16xf32>
    %div3A_198 = arith.divf %div3A_197, %mul3A_195 : vector<16xf32>
    %mul3A_199 = arith.mulf %get3A_12, %div3A_198 : vector<16xf32>
    %scan3A_200 = arith.constant 0 : i32
    %scan3A_201 = arith.constant 0 : i32
    %scan3A_202 = arith.constant 16 : i32
    %scan3A_203 = arith.addi %scan3A_201, %scan3A_202 : i32
    %scan3A_204 = arith.constant 1 : i32
    %scan3A_205 = scf.for %scan3A_432 = %scan3A_201 to %scan3A_203 step %scan3A_204 iter_args(%scan3A_433 = %scan3A_200) -> (i32)  : i32 {
      %broadcast_in_dim3A_434 = vector.broadcast %scan3A_432 : i32 to vector<16xi32>
      %broadcast_in_dim3A_435 = vector.shape_cast %broadcast_in_dim3A_434 : vector<16xi32> to vector<16x1xi32>
      %gather3A_436 = vector.shape_cast %broadcast_in_dim3A_435 : vector<16x1xi32> to vector<16xi32>
      %gather3A_437 = tpu.dynamic_gather %mul3A_123[%gather3A_436] in [0] : vector<16xf32>, vector<16xi32> -> vector<16xf32>
      %broadcast_in_dim3A_438 = vector.broadcast %scan3A_432 : i32 to vector<16xi32>
      %broadcast_in_dim3A_439 = vector.shape_cast %broadcast_in_dim3A_438 : vector<16xi32> to vector<16x1xi32>
      %gather3A_440 = vector.shape_cast %broadcast_in_dim3A_439 : vector<16x1xi32> to vector<16xi32>
      %gather3A_441 = tpu.dynamic_gather %mul3A_199[%gather3A_440] in [0] : vector<16xf32>, vector<16xi32> -> vector<16xf32>
      %get3A_442 = arith.index_cast %scan3A_432 : i32 to index
      %get3A_443 = arith.constant 0 : index
      %get3A_444 = tpu.vector_load %arg7[%get3A_442, %get3A_443] {strides = array<i32>} : memref<16x1024xf32, #tpu.memory_space<vmem>>, vector<16xf32>,
      %sub3A_445 = arith.subf %get3A_444, %gather3A_437 : vector<16xf32>
      %mul3A_446 = arith.mulf %sub3A_445, %gather3A_441 : vector<16xf32>
      %swap3A = arith.index_cast %scan3A_432 : i32 to index
      %swap3A_447 = arith.constant 0 : index
      %swap3A_448 = tpu.vector_load %arg9[%swap3A, %swap3A_447] {strides = array<i32>} : memref<16x1024xf32, #tpu.memory_space<vmem>>, vector<16xf32>,
      tpu.vector_store %arg9[%swap3A, %swap3A_447], %mul3A_446 {strides = array<i32>} : memref<16x1024xf32, #tpu.memory_space<vmem>>, vector<16xf32>,
      %get3A_449 = arith.index_cast %scan3A_432 : i32 to index
      %get3A_450 = arith.constant 16 : index
      %get3A_451 = tpu.vector_load %arg7[%get3A_449, %get3A_450] {strides = array<i32>} : memref<16x1024xf32, #tpu.memory_space<vmem>>, vector<16xf32>,
      %sub3A_452 = arith.subf %get3A_451, %gather3A_437 : vector<16xf32>
      %mul3A_453 = arith.mulf %sub3A_452, %gather3A_441 : vector<16xf32>
      %swap3A_454 = arith.index_cast %scan3A_432 : i32 to index
      %swap3A_455 = arith.constant 16 : index
      %swap3A_456 = tpu.vector_load %arg9[%swap3A_454, %swap3A_455] {strides = array<i32>} : memref<16x1024xf32, #tpu.memory_space<vmem>>, vector<16xf32>,
      tpu.vector_store %arg9[%swap3A_454, %swap3A_455], %mul3A_453 {strides = array<i32>} : memref<16x1024xf32, #tpu.memory_space<vmem>>, vector<16xf32>,
      %get3A_457 = arith.index_cast %scan3A_432 : i32 to index
      %get3A_458 = arith.constant 32 : index
      %get3A_459 = tpu.vector_load %arg7[%get3A_457, %get3A_458] {strides = array<i32>} : memref<16x1024xf32, #tpu.memory_space<vmem>>, vector<16xf32>,
      %sub3A_460 = arith.subf %get3A_459, %gather3A_437 : vector<16xf32>
      %mul3A_461 = arith.mulf %sub3A_460, %gather3A_441 : vector<16xf32>
      %swap3A_462 = arith.index_cast %scan3A_432 : i32 to index
      %swap3A_463 = arith.constant 32 : index
      %swap3A_464 = tpu.vector_load %arg9[%swap3A_462, %swap3A_463] {strides = array<i32>} : memref<16x1024xf32, #tpu.memory_space<vmem>>, vector<16xf32>,
      tpu.vector_store %arg9[%swap3A_462, %swap3A_463], %mul3A_461 {strides = array<i32>} : memref<16x1024xf32, #tpu.memory_space<vmem>>, vector<16xf32>,
      %get3A_465 = arith.index_cast %scan3A_432 : i32 to index
      %get3A_466 = arith.constant 48 : index
      %get3A_467 = tpu.vector_load %arg7[%get3A_465, %get3A_466] {strides = array<i32>} : memref<16x1024xf32, #tpu.memory_space<vmem>>, vector<16xf32>,
      %sub3A_468 = arith.subf %get3A_467, %gather3A_437 : vector<16xf32>
      %mul3A_469 = arith.mulf %sub3A_468, %gather3A_441 : vector<16xf32>
      %swap3A_470 = arith.index_cast %scan3A_432 : i32 to index
      %swap3A_471 = arith.constant 48 : index
      %swap3A_472 = tpu.vector_load %arg9[%swap3A_470, %swap3A_471] {strides = array<i32>} : memref<16x1024xf32, #tpu.memory_space<vmem>>, vector<16xf32>,
      tpu.vector_store %arg9[%swap3A_470, %swap3A_471], %mul3A_469 {strides = array<i32>} : memref<16x1024xf32, #tpu.memory_space<vmem>>, vector<16xf32>,
      %get3A_473 = arith.index_cast %scan3A_432 : i32 to index
      %get3A_474 = arith.constant 64 : index
      %get3A_475 = tpu.vector_load %arg7[%get3A_473, %get3A_474] {strides = array<i32>} : memref<16x1024xf32, #tpu.memory_space<vmem>>, vector<16xf32>,
      %sub3A_476 = arith.subf %get3A_475, %gather3A_437 : vector<16xf32>
      %mul3A_477 = arith.mulf %sub3A_476, %gather3A_441 : vector<16xf32>
      %swap3A_478 = arith.index_cast %scan3A_432 : i32 to index
      %swap3A_479 = arith.constant 64 : index
      %swap3A_480 = tpu.vector_load %arg9[%swap3A_478, %swap3A_479] {strides = array<i32>} : memref<16x1024xf32, #tpu.memory_space<vmem>>, vector<16xf32>,
      tpu.vector_store %arg9[%swap3A_478, %swap3A_479], %mul3A_477 {strides = array<i32>} : memref<16x1024xf32, #tpu.memory_space<vmem>>, vector<16xf32>,
      %get3A_481 = arith.index_cast %scan3A_432 : i32 to index
      %get3A_482 = arith.constant 80 : index
      %get3A_483 = tpu.vector_load %arg7[%get3A_481, %get3A_482] {strides = array<i32>} : memref<16x1024xf32, #tpu.memory_space<vmem>>, vector<16xf32>,
      %sub3A_484 = arith.subf %get3A_483, %gather3A_437 : vector<16xf32>
      %mul3A_485 = arith.mulf %sub3A_484, %gather3A_441 : vector<16xf32>
      %swap3A_486 = arith.index_cast %scan3A_432 : i32 to index
      %swap3A_487 = arith.constant 80 : index
      %swap3A_488 = tpu.vector_load %arg9[%swap3A_486, %swap3A_487] {strides = array<i32>} : memref<16x1024xf32, #tpu.memory_space<vmem>>, vector<16xf32>,
      tpu.vector_store %arg9[%swap3A_486, %swap3A_487], %mul3A_485 {strides = array<i32>} : memref<16x1024xf32, #tpu.memory_space<vmem>>, vector<16xf32>,
      %get3A_489 = arith.index_cast %scan3A_432 : i32 to index
      %get3A_490 = arith.constant 96 : index
      %get3A_491 = tpu.vector_load %arg7[%get3A_489, %get3A_490] {strides = array<i32>} : memref<16x1024xf32, #tpu.memory_space<vmem>>, vector<16xf32>,
      %sub3A_492 = arith.subf %get3A_491, %gather3A_437 : vector<16xf32>
      %mul3A_493 = arith.mulf %sub3A_492, %gather3A_441 : vector<16xf32>
      %swap3A_494 = arith.index_cast %scan3A_432 : i32 to index
      %swap3A_495 = arith.constant 96 : index
      %swap3A_496 = tpu.vector_load %arg9[%swap3A_494, %swap3A_495] {strides = array<i32>} : memref<16x1024xf32, #tpu.memory_space<vmem>>, vector<16xf32>,
      tpu.vector_store %arg9[%swap3A_494, %swap3A_495], %mul3A_493 {strides = array<i32>} : memref<16x1024xf32, #tpu.memory_space<vmem>>, vector<16xf32>,
      %get3A_497 = arith.index_cast %scan3A_432 : i32 to index
      %get3A_498 = arith.constant 112 : index
      %get3A_499 = tpu.vector_load %arg7[%get3A_497, %get3A_498] {strides = array<i32>} : memref<16x1024xf32, #tpu.memory_space<vmem>>, vector<16xf32>,
      %sub3A_500 = arith.subf %get3A_499, %gather3A_437 : vector<16xf32>
      %mul3A_501 = arith.mulf %sub3A_500, %gather3A_441 : vector<16xf32>
      %swap3A_502 = arith.index_cast %scan3A_432 : i32 to index
      %swap3A_503 = arith.constant 112 : index
      %swap3A_504 = tpu.vector_load %arg9[%swap3A_502, %swap3A_503] {strides = array<i32>} : memref<16x1024xf32, #tpu.memory_space<vmem>>, vector<16xf32>,
      tpu.vector_store %arg9[%swap3A_502, %swap3A_503], %mul3A_501 {strides = array<i32>} : memref<16x1024xf32, #tpu.memory_space<vmem>>, vector<16xf32>,
      %get3A_505 = arith.index_cast %scan3A_432 : i32 to index
      %get3A_506 = arith.constant 128 : index
      %get3A_507 = tpu.vector_load %arg7[%get3A_505, %get3A_506] {strides = array<i32>} : memref<16x1024xf32, #tpu.memory_space<vmem>>, vector<16xf32>,
      %sub3A_508 = arith.subf %get3A_507, %gather3A_437 : vector<16xf32>
      %mul3A_509 = arith.mulf %sub3A_508, %gather3A_441 : vector<16xf32>
      %swap3A_510 = arith.index_cast %scan3A_432 : i32 to index
      %swap3A_511 = arith.constant 128 : index
      %swap3A_512 = tpu.vector_load %arg9[%swap3A_510, %swap3A_511] {strides = array<i32>} : memref<16x1024xf32, #tpu.memory_space<vmem>>, vector<16xf32>,
      tpu.vector_store %arg9[%swap3A_510, %swap3A_511], %mul3A_509 {strides = array<i32>} : memref<16x1024xf32, #tpu.memory_space<vmem>>, vector<16xf32>,
      %get3A_513 = arith.index_cast %scan3A_432 : i32 to index
      %get3A_514 = arith.constant 144 : index
      %get3A_515 = tpu.vector_load %arg7[%get3A_513, %get3A_514] {strides = array<i32>} : memref<16x1024xf32, #tpu.memory_space<vmem>>, vector<16xf32>,
      %sub3A_516 = arith.subf %get3A_515, %gather3A_437 : vector<16xf32>
      %mul3A_517 = arith.mulf %sub3A_516, %gather3A_441 : vector<16xf32>
      %swap3A_518 = arith.index_cast %scan3A_432 : i32 to index
      %swap3A_519 = arith.constant 144 : index
      %swap3A_520 = tpu.vector_load %arg9[%swap3A_518, %swap3A_519] {strides = array<i32>} : memref<16x1024xf32, #tpu.memory_space<vmem>>, vector<16xf32>,
      tpu.vector_store %arg9[%swap3A_518, %swap3A_519], %mul3A_517 {strides = array<i32>} : memref<16x1024xf32, #tpu.memory_space<vmem>>, vector<16xf32>,
      %get3A_521 = arith.index_cast %scan3A_432 : i32 to index
      %get3A_522 = arith.constant 160 : index
      %get3A_523 = tpu.vector_load %arg7[%get3A_521, %get3A_522] {strides = array<i32>} : memref<16x1024xf32, #tpu.memory_space<vmem>>, vector<16xf32>,
      %sub3A_524 = arith.subf %get3A_523, %gather3A_437 : vector<16xf32>
      %mul3A_525 = arith.mulf %sub3A_524, %gather3A_441 : vector<16xf32>
      %swap3A_526 = arith.index_cast %scan3A_432 : i32 to index
      %swap3A_527 = arith.constant 160 : index
      %swap3A_528 = tpu.vector_load %arg9[%swap3A_526, %swap3A_527] {strides = array<i32>} : memref<16x1024xf32, #tpu.memory_space<vmem>>, vector<16xf32>,
      tpu.vector_store %arg9[%swap3A_526, %swap3A_527], %mul3A_525 {strides = array<i32>} : memref<16x1024xf32, #tpu.memory_space<vmem>>, vector<16xf32>,
      %get3A_529 = arith.index_cast %scan3A_432 : i32 to index
      %get3A_530 = arith.constant 176 : index
      %get3A_531 = tpu.vector_load %arg7[%get3A_529, %get3A_530] {strides = array<i32>} : memref<16x1024xf32, #tpu.memory_space<vmem>>, vector<16xf32>,
      %sub3A_532 = arith.subf %get3A_531, %gather3A_437 : vector<16xf32>
      %mul3A_533 = arith.mulf %sub3A_532, %gather3A_441 : vector<16xf32>
      %swap3A_534 = arith.index_cast %scan3A_432 : i32 to index
      %swap3A_535 = arith.constant 176 : index
      %swap3A_536 = tpu.vector_load %arg9[%swap3A_534, %swap3A_535] {strides = array<i32>} : memref<16x1024xf32, #tpu.memory_space<vmem>>, vector<16xf32>,
      tpu.vector_store %arg9[%swap3A_534, %swap3A_535], %mul3A_533 {strides = array<i32>} : memref<16x1024xf32, #tpu.memory_space<vmem>>, vector<16xf32>,
      %get3A_537 = arith.index_cast %scan3A_432 : i32 to index
      %get3A_538 = arith.constant 192 : index
      %get3A_539 = tpu.vector_load %arg7[%get3A_537, %get3A_538] {strides = array<i32>} : memref<16x1024xf32, #tpu.memory_space<vmem>>, vector<16xf32>,
      %sub3A_540 = arith.subf %get3A_539, %gather3A_437 : vector<16xf32>
      %mul3A_541 = arith.mulf %sub3A_540, %gather3A_441 : vector<16xf32>
      %swap3A_542 = arith.index_cast %scan3A_432 : i32 to index
      %swap3A_543 = arith.constant 192 : index
      %swap3A_544 = tpu.vector_load %arg9[%swap3A_542, %swap3A_543] {strides = array<i32>} : memref<16x1024xf32, #tpu.memory_space<vmem>>, vector<16xf32>,
      tpu.vector_store %arg9[%swap3A_542, %swap3A_543], %mul3A_541 {strides = array<i32>} : memref<16x1024xf32, #tpu.memory_space<vmem>>, vector<16xf32>,
      %get3A_545 = arith.index_cast %scan3A_432 : i32 to index
      %get3A_546 = arith.constant 208 : index
      %get3A_547 = tpu.vector_load %arg7[%get3A_545, %get3A_546] {strides = array<i32>} : memref<16x1024xf32, #tpu.memory_space<vmem>>, vector<16xf32>,
      %sub3A_548 = arith.subf %get3A_547, %gather3A_437 : vector<16xf32>
      %mul3A_549 = arith.mulf %sub3A_548, %gather3A_441 : vector<16xf32>
      %swap3A_550 = arith.index_cast %scan3A_432 : i32 to index
      %swap3A_551 = arith.constant 208 : index
      %swap3A_552 = tpu.vector_load %arg9[%swap3A_550, %swap3A_551] {strides = array<i32>} : memref<16x1024xf32, #tpu.memory_space<vmem>>, vector<16xf32>,
      tpu.vector_store %arg9[%swap3A_550, %swap3A_551], %mul3A_549 {strides = array<i32>} : memref<16x1024xf32, #tpu.memory_space<vmem>>, vector<16xf32>,
      %get3A_553 = arith.index_cast %scan3A_432 : i32 to index
      %get3A_554 = arith.constant 224 : index
      %get3A_555 = tpu.vector_load %arg7[%get3A_553, %get3A_554] {strides = array<i32>} : memref<16x1024xf32, #tpu.memory_space<vmem>>, vector<16xf32>,
      %sub3A_556 = arith.subf %get3A_555, %gather3A_437 : vector<16xf32>
      %mul3A_557 = arith.mulf %sub3A_556, %gather3A_441 : vector<16xf32>
      %swap3A_558 = arith.index_cast %scan3A_432 : i32 to index
      %swap3A_559 = arith.constant 224 : index
      %swap3A_560 = tpu.vector_load %arg9[%swap3A_558, %swap3A_559] {strides = array<i32>} : memref<16x1024xf32, #tpu.memory_space<vmem>>, vector<16xf32>,
      tpu.vector_store %arg9[%swap3A_558, %swap3A_559], %mul3A_557 {strides = array<i32>} : memref<16x1024xf32, #tpu.memory_space<vmem>>, vector<16xf32>,
      %get3A_561 = arith.index_cast %scan3A_432 : i32 to index
      %get3A_562 = arith.constant 240 : index
      %get3A_563 = tpu.vector_load %arg7[%get3A_561, %get3A_562] {strides = array<i32>} : memref<16x1024xf32, #tpu.memory_space<vmem>>, vector<16xf32>,
      %sub3A_564 = arith.subf %get3A_563, %gather3A_437 : vector<16xf32>
      %mul3A_565 = arith.mulf %sub3A_564, %gather3A_441 : vector<16xf32>
      %swap3A_566 = arith.index_cast %scan3A_432 : i32 to index
      %swap3A_567 = arith.constant 240 : index
      %swap3A_568 = tpu.vector_load %arg9[%swap3A_566, %swap3A_567] {strides = array<i32>} : memref<16x1024xf32, #tpu.memory_space<vmem>>, vector<16xf32>,
      tpu.vector_store %arg9[%swap3A_566, %swap3A_567], %mul3A_565 {strides = array<i32>} : memref<16x1024xf32, #tpu.memory_space<vmem>>, vector<16xf32>,
      %get3A_569 = arith.index_cast %scan3A_432 : i32 to index
      %get3A_570 = arith.constant 256 : index
      %get3A_571 = tpu.vector_load %arg7[%get3A_569, %get3A_570] {strides = array<i32>} : memref<16x1024xf32, #tpu.memory_space<vmem>>, vector<16xf32>,
      %sub3A_572 = arith.subf %get3A_571, %gather3A_437 : vector<16xf32>
      %mul3A_573 = arith.mulf %sub3A_572, %gather3A_441 : vector<16xf32>
      %swap3A_574 = arith.index_cast %scan3A_432 : i32 to index
      %swap3A_575 = arith.constant 256 : index
      %swap3A_576 = tpu.vector_load %arg9[%swap3A_574, %swap3A_575] {strides = array<i32>} : memref<16x1024xf32, #tpu.memory_space<vmem>>, vector<16xf32>,
      tpu.vector_store %arg9[%swap3A_574, %swap3A_575], %mul3A_573 {strides = array<i32>} : memref<16x1024xf32, #tpu.memory_space<vmem>>, vector<16xf32>,
      %get3A_577 = arith.index_cast %scan3A_432 : i32 to index
      %get3A_578 = arith.constant 272 : index
      %get3A_579 = tpu.vector_load %arg7[%get3A_577, %get3A_578] {strides = array<i32>} : memref<16x1024xf32, #tpu.memory_space<vmem>>, vector<16xf32>,
      %sub3A_580 = arith.subf %get3A_579, %gather3A_437 : vector<16xf32>
      %mul3A_581 = arith.mulf %sub3A_580, %gather3A_441 : vector<16xf32>
      %swap3A_582 = arith.index_cast %scan3A_432 : i32 to index
      %swap3A_583 = arith.constant 272 : index
      %swap3A_584 = tpu.vector_load %arg9[%swap3A_582, %swap3A_583] {strides = array<i32>} : memref<16x1024xf32, #tpu.memory_space<vmem>>, vector<16xf32>,
      tpu.vector_store %arg9[%swap3A_582, %swap3A_583], %mul3A_581 {strides = array<i32>} : memref<16x1024xf32, #tpu.memory_space<vmem>>, vector<16xf32>,
      %get3A_585 = arith.index_cast %scan3A_432 : i32 to index
      %get3A_586 = arith.constant 288 : index
      %get3A_587 = tpu.vector_load %arg7[%get3A_585, %get3A_586] {strides = array<i32>} : memref<16x1024xf32, #tpu.memory_space<vmem>>, vector<16xf32>,
      %sub3A_588 = arith.subf %get3A_587, %gather3A_437 : vector<16xf32>
      %mul3A_589 = arith.mulf %sub3A_588, %gather3A_441 : vector<16xf32>
      %swap3A_590 = arith.index_cast %scan3A_432 : i32 to index
      %swap3A_591 = arith.constant 288 : index
      %swap3A_592 = tpu.vector_load %arg9[%swap3A_590, %swap3A_591] {strides = array<i32>} : memref<16x1024xf32, #tpu.memory_space<vmem>>, vector<16xf32>,
      tpu.vector_store %arg9[%swap3A_590, %swap3A_591], %mul3A_589 {strides = array<i32>} : memref<16x1024xf32, #tpu.memory_space<vmem>>, vector<16xf32>,
      %get3A_593 = arith.index_cast %scan3A_432 : i32 to index
      %get3A_594 = arith.constant 304 : index
      %get3A_595 = tpu.vector_load %arg7[%get3A_593, %get3A_594] {strides = array<i32>} : memref<16x1024xf32, #tpu.memory_space<vmem>>, vector<16xf32>,
      %sub3A_596 = arith.subf %get3A_595, %gather3A_437 : vector<16xf32>
      %mul3A_597 = arith.mulf %sub3A_596, %gather3A_441 : vector<16xf32>
      %swap3A_598 = arith.index_cast %scan3A_432 : i32 to index
      %swap3A_599 = arith.constant 304 : index
      %swap3A_600 = tpu.vector_load %arg9[%swap3A_598, %swap3A_599] {strides = array<i32>} : memref<16x1024xf32, #tpu.memory_space<vmem>>, vector<16xf32>,
      tpu.vector_store %arg9[%swap3A_598, %swap3A_599], %mul3A_597 {strides = array<i32>} : memref<16x1024xf32, #tpu.memory_space<vmem>>, vector<16xf32>,
      %get3A_601 = arith.index_cast %scan3A_432 : i32 to index
      %get3A_602 = arith.constant 320 : index
      %get3A_603 = tpu.vector_load %arg7[%get3A_601, %get3A_602] {strides = array<i32>} : memref<16x1024xf32, #tpu.memory_space<vmem>>, vector<16xf32>,
      %sub3A_604 = arith.subf %get3A_603, %gather3A_437 : vector<16xf32>
      %mul3A_605 = arith.mulf %sub3A_604, %gather3A_441 : vector<16xf32>
      %swap3A_606 = arith.index_cast %scan3A_432 : i32 to index
      %swap3A_607 = arith.constant 320 : index
      %swap3A_608 = tpu.vector_load %arg9[%swap3A_606, %swap3A_607] {strides = array<i32>} : memref<16x1024xf32, #tpu.memory_space<vmem>>, vector<16xf32>,
      tpu.vector_store %arg9[%swap3A_606, %swap3A_607], %mul3A_605 {strides = array<i32>} : memref<16x1024xf32, #tpu.memory_space<vmem>>, vector<16xf32>,
      %get3A_609 = arith.index_cast %scan3A_432 : i32 to index
      %get3A_610 = arith.constant 336 : index
      %get3A_611 = tpu.vector_load %arg7[%get3A_609, %get3A_610] {strides = array<i32>} : memref<16x1024xf32, #tpu.memory_space<vmem>>, vector<16xf32>,
      %sub3A_612 = arith.subf %get3A_611, %gather3A_437 : vector<16xf32>
      %mul3A_613 = arith.mulf %sub3A_612, %gather3A_441 : vector<16xf32>
      %swap3A_614 = arith.index_cast %scan3A_432 : i32 to index
      %swap3A_615 = arith.constant 336 : index
      %swap3A_616 = tpu.vector_load %arg9[%swap3A_614, %swap3A_615] {strides = array<i32>} : memref<16x1024xf32, #tpu.memory_space<vmem>>, vector<16xf32>,
      tpu.vector_store %arg9[%swap3A_614, %swap3A_615], %mul3A_613 {strides = array<i32>} : memref<16x1024xf32, #tpu.memory_space<vmem>>, vector<16xf32>,
      %get3A_617 = arith.index_cast %scan3A_432 : i32 to index
      %get3A_618 = arith.constant 352 : index
      %get3A_619 = tpu.vector_load %arg7[%get3A_617, %get3A_618] {strides = array<i32>} : memref<16x1024xf32, #tpu.memory_space<vmem>>, vector<16xf32>,
      %sub3A_620 = arith.subf %get3A_619, %gather3A_437 : vector<16xf32>
      %mul3A_621 = arith.mulf %sub3A_620, %gather3A_441 : vector<16xf32>
      %swap3A_622 = arith.index_cast %scan3A_432 : i32 to index
      %swap3A_623 = arith.constant 352 : index
      %swap3A_624 = tpu.vector_load %arg9[%swap3A_622, %swap3A_623] {strides = array<i32>} : memref<16x1024xf32, #tpu.memory_space<vmem>>, vector<16xf32>,
      tpu.vector_store %arg9[%swap3A_622, %swap3A_623], %mul3A_621 {strides = array<i32>} : memref<16x1024xf32, #tpu.memory_space<vmem>>, vector<16xf32>,
      %get3A_625 = arith.index_cast %scan3A_432 : i32 to index
      %get3A_626 = arith.constant 368 : index
      %get3A_627 = tpu.vector_load %arg7[%get3A_625, %get3A_626] {strides = array<i32>} : memref<16x1024xf32, #tpu.memory_space<vmem>>, vector<16xf32>,
      %sub3A_628 = arith.subf %get3A_627, %gather3A_437 : vector<16xf32>
      %mul3A_629 = arith.mulf %sub3A_628, %gather3A_441 : vector<16xf32>
      %swap3A_630 = arith.index_cast %scan3A_432 : i32 to index
      %swap3A_631 = arith.constant 368 : index
      %swap3A_632 = tpu.vector_load %arg9[%swap3A_630, %swap3A_631] {strides = array<i32>} : memref<16x1024xf32, #tpu.memory_space<vmem>>, vector<16xf32>,
      tpu.vector_store %arg9[%swap3A_630, %swap3A_631], %mul3A_629 {strides = array<i32>} : memref<16x1024xf32, #tpu.memory_space<vmem>>, vector<16xf32>,
      %get3A_633 = arith.index_cast %scan3A_432 : i32 to index
      %get3A_634 = arith.constant 384 : index
      %get3A_635 = tpu.vector_load %arg7[%get3A_633, %get3A_634] {strides = array<i32>} : memref<16x1024xf32, #tpu.memory_space<vmem>>, vector<16xf32>,
      %sub3A_636 = arith.subf %get3A_635, %gather3A_437 : vector<16xf32>
      %mul3A_637 = arith.mulf %sub3A_636, %gather3A_441 : vector<16xf32>
      %swap3A_638 = arith.index_cast %scan3A_432 : i32 to index
      %swap3A_639 = arith.constant 384 : index
      %swap3A_640 = tpu.vector_load %arg9[%swap3A_638, %swap3A_639] {strides = array<i32>} : memref<16x1024xf32, #tpu.memory_space<vmem>>, vector<16xf32>,
      tpu.vector_store %arg9[%swap3A_638, %swap3A_639], %mul3A_637 {strides = array<i32>} : memref<16x1024xf32, #tpu.memory_space<vmem>>, vector<16xf32>,
      %get3A_641 = arith.index_cast %scan3A_432 : i32 to index
      %get3A_642 = arith.constant 400 : index
      %get3A_643 = tpu.vector_load %arg7[%get3A_641, %get3A_642] {strides = array<i32>} : memref<16x1024xf32, #tpu.memory_space<vmem>>, vector<16xf32>,
      %sub3A_644 = arith.subf %get3A_643, %gather3A_437 : vector<16xf32>
      %mul3A_645 = arith.mulf %sub3A_644, %gather3A_441 : vector<16xf32>
      %swap3A_646 = arith.index_cast %scan3A_432 : i32 to index
      %swap3A_647 = arith.constant 400 : index
      %swap3A_648 = tpu.vector_load %arg9[%swap3A_646, %swap3A_647] {strides = array<i32>} : memref<16x1024xf32, #tpu.memory_space<vmem>>, vector<16xf32>,
      tpu.vector_store %arg9[%swap3A_646, %swap3A_647], %mul3A_645 {strides = array<i32>} : memref<16x1024xf32, #tpu.memory_space<vmem>>, vector<16xf32>,
      %get3A_649 = arith.index_cast %scan3A_432 : i32 to index
      %get3A_650 = arith.constant 416 : index
      %get3A_651 = tpu.vector_load %arg7[%get3A_649, %get3A_650] {strides = array<i32>} : memref<16x1024xf32, #tpu.memory_space<vmem>>, vector<16xf32>,
      %sub3A_652 = arith.subf %get3A_651, %gather3A_437 : vector<16xf32>
      %mul3A_653 = arith.mulf %sub3A_652, %gather3A_441 : vector<16xf32>
      %swap3A_654 = arith.index_cast %scan3A_432 : i32 to index
      %swap3A_655 = arith.constant 416 : index
      %swap3A_656 = tpu.vector_load %arg9[%swap3A_654, %swap3A_655] {strides = array<i32>} : memref<16x1024xf32, #tpu.memory_space<vmem>>, vector<16xf32>,
      tpu.vector_store %arg9[%swap3A_654, %swap3A_655], %mul3A_653 {strides = array<i32>} : memref<16x1024xf32, #tpu.memory_space<vmem>>, vector<16xf32>,
      %get3A_657 = arith.index_cast %scan3A_432 : i32 to index
      %get3A_658 = arith.constant 432 : index
      %get3A_659 = tpu.vector_load %arg7[%get3A_657, %get3A_658] {strides = array<i32>} : memref<16x1024xf32, #tpu.memory_space<vmem>>, vector<16xf32>,
      %sub3A_660 = arith.subf %get3A_659, %gather3A_437 : vector<16xf32>
      %mul3A_661 = arith.mulf %sub3A_660, %gather3A_441 : vector<16xf32>
      %swap3A_662 = arith.index_cast %scan3A_432 : i32 to index
      %swap3A_663 = arith.constant 432 : index
      %swap3A_664 = tpu.vector_load %arg9[%swap3A_662, %swap3A_663] {strides = array<i32>} : memref<16x1024xf32, #tpu.memory_space<vmem>>, vector<16xf32>,
      tpu.vector_store %arg9[%swap3A_662, %swap3A_663], %mul3A_661 {strides = array<i32>} : memref<16x1024xf32, #tpu.memory_space<vmem>>, vector<16xf32>,
      %get3A_665 = arith.index_cast %scan3A_432 : i32 to index
      %get3A_666 = arith.constant 448 : index
      %get3A_667 = tpu.vector_load %arg7[%get3A_665, %get3A_666] {strides = array<i32>} : memref<16x1024xf32, #tpu.memory_space<vmem>>, vector<16xf32>,
      %sub3A_668 = arith.subf %get3A_667, %gather3A_437 : vector<16xf32>
      %mul3A_669 = arith.mulf %sub3A_668, %gather3A_441 : vector<16xf32>
      %swap3A_670 = arith.index_cast %scan3A_432 : i32 to index
      %swap3A_671 = arith.constant 448 : index
      %swap3A_672 = tpu.vector_load %arg9[%swap3A_670, %swap3A_671] {strides = array<i32>} : memref<16x1024xf32, #tpu.memory_space<vmem>>, vector<16xf32>,
      tpu.vector_store %arg9[%swap3A_670, %swap3A_671], %mul3A_669 {strides = array<i32>} : memref<16x1024xf32, #tpu.memory_space<vmem>>, vector<16xf32>,
      %get3A_673 = arith.index_cast %scan3A_432 : i32 to index
      %get3A_674 = arith.constant 464 : index
      %get3A_675 = tpu.vector_load %arg7[%get3A_673, %get3A_674] {strides = array<i32>} : memref<16x1024xf32, #tpu.memory_space<vmem>>, vector<16xf32>,
      %sub3A_676 = arith.subf %get3A_675, %gather3A_437 : vector<16xf32>
      %mul3A_677 = arith.mulf %sub3A_676, %gather3A_441 : vector<16xf32>
      %swap3A_678 = arith.index_cast %scan3A_432 : i32 to index
      %swap3A_679 = arith.constant 464 : index
      %swap3A_680 = tpu.vector_load %arg9[%swap3A_678, %swap3A_679] {strides = array<i32>} : memref<16x1024xf32, #tpu.memory_space<vmem>>, vector<16xf32>,
      tpu.vector_store %arg9[%swap3A_678, %swap3A_679], %mul3A_677 {strides = array<i32>} : memref<16x1024xf32, #tpu.memory_space<vmem>>, vector<16xf32>,
      %get3A_681 = arith.index_cast %scan3A_432 : i32 to index
      %get3A_682 = arith.constant 480 : index
      %get3A_683 = tpu.vector_load %arg7[%get3A_681, %get3A_682] {strides = array<i32>} : memref<16x1024xf32, #tpu.memory_space<vmem>>, vector<16xf32>,
      %sub3A_684 = arith.subf %get3A_683, %gather3A_437 : vector<16xf32>
      %mul3A_685 = arith.mulf %sub3A_684, %gather3A_441 : vector<16xf32>
      %swap3A_686 = arith.index_cast %scan3A_432 : i32 to index
      %swap3A_687 = arith.constant 480 : index
      %swap3A_688 = tpu.vector_load %arg9[%swap3A_686, %swap3A_687] {strides = array<i32>} : memref<16x1024xf32, #tpu.memory_space<vmem>>, vector<16xf32>,
      tpu.vector_store %arg9[%swap3A_686, %swap3A_687], %mul3A_685 {strides = array<i32>} : memref<16x1024xf32, #tpu.memory_space<vmem>>, vector<16xf32>,
      %get3A_689 = arith.index_cast %scan3A_432 : i32 to index
      %get3A_690 = arith.constant 496 : index
      %get3A_691 = tpu.vector_load %arg7[%get3A_689, %get3A_690] {strides = array<i32>} : memref<16x1024xf32, #tpu.memory_space<vmem>>, vector<16xf32>,
      %sub3A_692 = arith.subf %get3A_691, %gather3A_437 : vector<16xf32>
      %mul3A_693 = arith.mulf %sub3A_692, %gather3A_441 : vector<16xf32>
      %swap3A_694 = arith.index_cast %scan3A_432 : i32 to index
      %swap3A_695 = arith.constant 496 : index
      %swap3A_696 = tpu.vector_load %arg9[%swap3A_694, %swap3A_695] {strides = array<i32>} : memref<16x1024xf32, #tpu.memory_space<vmem>>, vector<16xf32>,
      tpu.vector_store %arg9[%swap3A_694, %swap3A_695], %mul3A_693 {strides = array<i32>} : memref<16x1024xf32, #tpu.memory_space<vmem>>, vector<16xf32>,
      %get3A_697 = arith.index_cast %scan3A_432 : i32 to index
      %get3A_698 = arith.constant 512 : index
      %get3A_699 = tpu.vector_load %arg7[%get3A_697, %get3A_698] {strides = array<i32>} : memref<16x1024xf32, #tpu.memory_space<vmem>>, vector<16xf32>,
      %sub3A_700 = arith.subf %get3A_699, %gather3A_437 : vector<16xf32>
      %mul3A_701 = arith.mulf %sub3A_700, %gather3A_441 : vector<16xf32>
      %swap3A_702 = arith.index_cast %scan3A_432 : i32 to index
      %swap3A_703 = arith.constant 512 : index
      %swap3A_704 = tpu.vector_load %arg9[%swap3A_702, %swap3A_703] {strides = array<i32>} : memref<16x1024xf32, #tpu.memory_space<vmem>>, vector<16xf32>,
      tpu.vector_store %arg9[%swap3A_702, %swap3A_703], %mul3A_701 {strides = array<i32>} : memref<16x1024xf32, #tpu.memory_space<vmem>>, vector<16xf32>,
      %get3A_705 = arith.index_cast %scan3A_432 : i32 to index
      %get3A_706 = arith.constant 528 : index
      %get3A_707 = tpu.vector_load %arg7[%get3A_705, %get3A_706] {strides = array<i32>} : memref<16x1024xf32, #tpu.memory_space<vmem>>, vector<16xf32>,
      %sub3A_708 = arith.subf %get3A_707, %gather3A_437 : vector<16xf32>
      %mul3A_709 = arith.mulf %sub3A_708, %gather3A_441 : vector<16xf32>
      %swap3A_710 = arith.index_cast %scan3A_432 : i32 to index
      %swap3A_711 = arith.constant 528 : index
      %swap3A_712 = tpu.vector_load %arg9[%swap3A_710, %swap3A_711] {strides = array<i32>} : memref<16x1024xf32, #tpu.memory_space<vmem>>, vector<16xf32>,
      tpu.vector_store %arg9[%swap3A_710, %swap3A_711], %mul3A_709 {strides = array<i32>} : memref<16x1024xf32, #tpu.memory_space<vmem>>, vector<16xf32>,
      %get3A_713 = arith.index_cast %scan3A_432 : i32 to index
      %get3A_714 = arith.constant 544 : index
      %get3A_715 = tpu.vector_load %arg7[%get3A_713, %get3A_714] {strides = array<i32>} : memref<16x1024xf32, #tpu.memory_space<vmem>>, vector<16xf32>,
      %sub3A_716 = arith.subf %get3A_715, %gather3A_437 : vector<16xf32>
      %mul3A_717 = arith.mulf %sub3A_716, %gather3A_441 : vector<16xf32>
      %swap3A_718 = arith.index_cast %scan3A_432 : i32 to index
      %swap3A_719 = arith.constant 544 : index
      %swap3A_720 = tpu.vector_load %arg9[%swap3A_718, %swap3A_719] {strides = array<i32>} : memref<16x1024xf32, #tpu.memory_space<vmem>>, vector<16xf32>,
      tpu.vector_store %arg9[%swap3A_718, %swap3A_719], %mul3A_717 {strides = array<i32>} : memref<16x1024xf32, #tpu.memory_space<vmem>>, vector<16xf32>,
      %get3A_721 = arith.index_cast %scan3A_432 : i32 to index
      %get3A_722 = arith.constant 560 : index
      %get3A_723 = tpu.vector_load %arg7[%get3A_721, %get3A_722] {strides = array<i32>} : memref<16x1024xf32, #tpu.memory_space<vmem>>, vector<16xf32>,
      %sub3A_724 = arith.subf %get3A_723, %gather3A_437 : vector<16xf32>
      %mul3A_725 = arith.mulf %sub3A_724, %gather3A_441 : vector<16xf32>
      %swap3A_726 = arith.index_cast %scan3A_432 : i32 to index
      %swap3A_727 = arith.constant 560 : index
      %swap3A_728 = tpu.vector_load %arg9[%swap3A_726, %swap3A_727] {strides = array<i32>} : memref<16x1024xf32, #tpu.memory_space<vmem>>, vector<16xf32>,
      tpu.vector_store %arg9[%swap3A_726, %swap3A_727], %mul3A_725 {strides = array<i32>} : memref<16x1024xf32, #tpu.memory_space<vmem>>, vector<16xf32>,
      %get3A_729 = arith.index_cast %scan3A_432 : i32 to index
      %get3A_730 = arith.constant 576 : index
      %get3A_731 = tpu.vector_load %arg7[%get3A_729, %get3A_730] {strides = array<i32>} : memref<16x1024xf32, #tpu.memory_space<vmem>>, vector<16xf32>,
      %sub3A_732 = arith.subf %get3A_731, %gather3A_437 : vector<16xf32>
      %mul3A_733 = arith.mulf %sub3A_732, %gather3A_441 : vector<16xf32>
      %swap3A_734 = arith.index_cast %scan3A_432 : i32 to index
      %swap3A_735 = arith.constant 576 : index
      %swap3A_736 = tpu.vector_load %arg9[%swap3A_734, %swap3A_735] {strides = array<i32>} : memref<16x1024xf32, #tpu.memory_space<vmem>>, vector<16xf32>,
      tpu.vector_store %arg9[%swap3A_734, %swap3A_735], %mul3A_733 {strides = array<i32>} : memref<16x1024xf32, #tpu.memory_space<vmem>>, vector<16xf32>,
      %get3A_737 = arith.index_cast %scan3A_432 : i32 to index
      %get3A_738 = arith.constant 592 : index
      %get3A_739 = tpu.vector_load %arg7[%get3A_737, %get3A_738] {strides = array<i32>} : memref<16x1024xf32, #tpu.memory_space<vmem>>, vector<16xf32>,
      %sub3A_740 = arith.subf %get3A_739, %gather3A_437 : vector<16xf32>
      %mul3A_741 = arith.mulf %sub3A_740, %gather3A_441 : vector<16xf32>
      %swap3A_742 = arith.index_cast %scan3A_432 : i32 to index
      %swap3A_743 = arith.constant 592 : index
      %swap3A_744 = tpu.vector_load %arg9[%swap3A_742, %swap3A_743] {strides = array<i32>} : memref<16x1024xf32, #tpu.memory_space<vmem>>, vector<16xf32>,
      tpu.vector_store %arg9[%swap3A_742, %swap3A_743], %mul3A_741 {strides = array<i32>} : memref<16x1024xf32, #tpu.memory_space<vmem>>, vector<16xf32>,
      %get3A_745 = arith.index_cast %scan3A_432 : i32 to index
      %get3A_746 = arith.constant 608 : index
      %get3A_747 = tpu.vector_load %arg7[%get3A_745, %get3A_746] {strides = array<i32>} : memref<16x1024xf32, #tpu.memory_space<vmem>>, vector<16xf32>,
      %sub3A_748 = arith.subf %get3A_747, %gather3A_437 : vector<16xf32>
      %mul3A_749 = arith.mulf %sub3A_748, %gather3A_441 : vector<16xf32>
      %swap3A_750 = arith.index_cast %scan3A_432 : i32 to index
      %swap3A_751 = arith.constant 608 : index
      %swap3A_752 = tpu.vector_load %arg9[%swap3A_750, %swap3A_751] {strides = array<i32>} : memref<16x1024xf32, #tpu.memory_space<vmem>>, vector<16xf32>,
      tpu.vector_store %arg9[%swap3A_750, %swap3A_751], %mul3A_749 {strides = array<i32>} : memref<16x1024xf32, #tpu.memory_space<vmem>>, vector<16xf32>,
      %get3A_753 = arith.index_cast %scan3A_432 : i32 to index
      %get3A_754 = arith.constant 624 : index
      %get3A_755 = tpu.vector_load %arg7[%get3A_753, %get3A_754] {strides = array<i32>} : memref<16x1024xf32, #tpu.memory_space<vmem>>, vector<16xf32>,
      %sub3A_756 = arith.subf %get3A_755, %gather3A_437 : vector<16xf32>
      %mul3A_757 = arith.mulf %sub3A_756, %gather3A_441 : vector<16xf32>
      %swap3A_758 = arith.index_cast %scan3A_432 : i32 to index
      %swap3A_759 = arith.constant 624 : index
      %swap3A_760 = tpu.vector_load %arg9[%swap3A_758, %swap3A_759] {strides = array<i32>} : memref<16x1024xf32, #tpu.memory_space<vmem>>, vector<16xf32>,
      tpu.vector_store %arg9[%swap3A_758, %swap3A_759], %mul3A_757 {strides = array<i32>} : memref<16x1024xf32, #tpu.memory_space<vmem>>, vector<16xf32>,
      %get3A_761 = arith.index_cast %scan3A_432 : i32 to index
      %get3A_762 = arith.constant 640 : index
      %get3A_763 = tpu.vector_load %arg7[%get3A_761, %get3A_762] {strides = array<i32>} : memref<16x1024xf32, #tpu.memory_space<vmem>>, vector<16xf32>,
      %sub3A_764 = arith.subf %get3A_763, %gather3A_437 : vector<16xf32>
      %mul3A_765 = arith.mulf %sub3A_764, %gather3A_441 : vector<16xf32>
      %swap3A_766 = arith.index_cast %scan3A_432 : i32 to index
      %swap3A_767 = arith.constant 640 : index
      %swap3A_768 = tpu.vector_load %arg9[%swap3A_766, %swap3A_767] {strides = array<i32>} : memref<16x1024xf32, #tpu.memory_space<vmem>>, vector<16xf32>,
      tpu.vector_store %arg9[%swap3A_766, %swap3A_767], %mul3A_765 {strides = array<i32>} : memref<16x1024xf32, #tpu.memory_space<vmem>>, vector<16xf32>,
      %get3A_769 = arith.index_cast %scan3A_432 : i32 to index
      %get3A_770 = arith.constant 656 : index
      %get3A_771 = tpu.vector_load %arg7[%get3A_769, %get3A_770] {strides = array<i32>} : memref<16x1024xf32, #tpu.memory_space<vmem>>, vector<16xf32>,
      %sub3A_772 = arith.subf %get3A_771, %gather3A_437 : vector<16xf32>
      %mul3A_773 = arith.mulf %sub3A_772, %gather3A_441 : vector<16xf32>
      %swap3A_774 = arith.index_cast %scan3A_432 : i32 to index
      %swap3A_775 = arith.constant 656 : index
      %swap3A_776 = tpu.vector_load %arg9[%swap3A_774, %swap3A_775] {strides = array<i32>} : memref<16x1024xf32, #tpu.memory_space<vmem>>, vector<16xf32>,
      tpu.vector_store %arg9[%swap3A_774, %swap3A_775], %mul3A_773 {strides = array<i32>} : memref<16x1024xf32, #tpu.memory_space<vmem>>, vector<16xf32>,
      %get3A_777 = arith.index_cast %scan3A_432 : i32 to index
      %get3A_778 = arith.constant 672 : index
      %get3A_779 = tpu.vector_load %arg7[%get3A_777, %get3A_778] {strides = array<i32>} : memref<16x1024xf32, #tpu.memory_space<vmem>>, vector<16xf32>,
      %sub3A_780 = arith.subf %get3A_779, %gather3A_437 : vector<16xf32>
      %mul3A_781 = arith.mulf %sub3A_780, %gather3A_441 : vector<16xf32>
      %swap3A_782 = arith.index_cast %scan3A_432 : i32 to index
      %swap3A_783 = arith.constant 672 : index
      %swap3A_784 = tpu.vector_load %arg9[%swap3A_782, %swap3A_783] {strides = array<i32>} : memref<16x1024xf32, #tpu.memory_space<vmem>>, vector<16xf32>,
      tpu.vector_store %arg9[%swap3A_782, %swap3A_783], %mul3A_781 {strides = array<i32>} : memref<16x1024xf32, #tpu.memory_space<vmem>>, vector<16xf32>,
      %get3A_785 = arith.index_cast %scan3A_432 : i32 to index
      %get3A_786 = arith.constant 688 : index
      %get3A_787 = tpu.vector_load %arg7[%get3A_785, %get3A_786] {strides = array<i32>} : memref<16x1024xf32, #tpu.memory_space<vmem>>, vector<16xf32>,
      %sub3A_788 = arith.subf %get3A_787, %gather3A_437 : vector<16xf32>
      %mul3A_789 = arith.mulf %sub3A_788, %gather3A_441 : vector<16xf32>
      %swap3A_790 = arith.index_cast %scan3A_432 : i32 to index
      %swap3A_791 = arith.constant 688 : index
      %swap3A_792 = tpu.vector_load %arg9[%swap3A_790, %swap3A_791] {strides = array<i32>} : memref<16x1024xf32, #tpu.memory_space<vmem>>, vector<16xf32>,
      tpu.vector_store %arg9[%swap3A_790, %swap3A_791], %mul3A_789 {strides = array<i32>} : memref<16x1024xf32, #tpu.memory_space<vmem>>, vector<16xf32>,
      %get3A_793 = arith.index_cast %scan3A_432 : i32 to index
      %get3A_794 = arith.constant 704 : index
      %get3A_795 = tpu.vector_load %arg7[%get3A_793, %get3A_794] {strides = array<i32>} : memref<16x1024xf32, #tpu.memory_space<vmem>>, vector<16xf32>,
      %sub3A_796 = arith.subf %get3A_795, %gather3A_437 : vector<16xf32>
      %mul3A_797 = arith.mulf %sub3A_796, %gather3A_441 : vector<16xf32>
      %swap3A_798 = arith.index_cast %scan3A_432 : i32 to index
      %swap3A_799 = arith.constant 704 : index
      %swap3A_800 = tpu.vector_load %arg9[%swap3A_798, %swap3A_799] {strides = array<i32>} : memref<16x1024xf32, #tpu.memory_space<vmem>>, vector<16xf32>,
      tpu.vector_store %arg9[%swap3A_798, %swap3A_799], %mul3A_797 {strides = array<i32>} : memref<16x1024xf32, #tpu.memory_space<vmem>>, vector<16xf32>,
      %get3A_801 = arith.index_cast %scan3A_432 : i32 to index
      %get3A_802 = arith.constant 720 : index
      %get3A_803 = tpu.vector_load %arg7[%get3A_801, %get3A_802] {strides = array<i32>} : memref<16x1024xf32, #tpu.memory_space<vmem>>, vector<16xf32>,
      %sub3A_804 = arith.subf %get3A_803, %gather3A_437 : vector<16xf32>
      %mul3A_805 = arith.mulf %sub3A_804, %gather3A_441 : vector<16xf32>
      %swap3A_806 = arith.index_cast %scan3A_432 : i32 to index
      %swap3A_807 = arith.constant 720 : index
      %swap3A_808 = tpu.vector_load %arg9[%swap3A_806, %swap3A_807] {strides = array<i32>} : memref<16x1024xf32, #tpu.memory_space<vmem>>, vector<16xf32>,
      tpu.vector_store %arg9[%swap3A_806, %swap3A_807], %mul3A_805 {strides = array<i32>} : memref<16x1024xf32, #tpu.memory_space<vmem>>, vector<16xf32>,
      %get3A_809 = arith.index_cast %scan3A_432 : i32 to index
      %get3A_810 = arith.constant 736 : index
      %get3A_811 = tpu.vector_load %arg7[%get3A_809, %get3A_810] {strides = array<i32>} : memref<16x1024xf32, #tpu.memory_space<vmem>>, vector<16xf32>,
      %sub3A_812 = arith.subf %get3A_811, %gather3A_437 : vector<16xf32>
      %mul3A_813 = arith.mulf %sub3A_812, %gather3A_441 : vector<16xf32>
      %swap3A_814 = arith.index_cast %scan3A_432 : i32 to index
      %swap3A_815 = arith.constant 736 : index
      %swap3A_816 = tpu.vector_load %arg9[%swap3A_814, %swap3A_815] {strides = array<i32>} : memref<16x1024xf32, #tpu.memory_space<vmem>>, vector<16xf32>,
      tpu.vector_store %arg9[%swap3A_814, %swap3A_815], %mul3A_813 {strides = array<i32>} : memref<16x1024xf32, #tpu.memory_space<vmem>>, vector<16xf32>,
      %get3A_817 = arith.index_cast %scan3A_432 : i32 to index
      %get3A_818 = arith.constant 752 : index
      %get3A_819 = tpu.vector_load %arg7[%get3A_817, %get3A_818] {strides = array<i32>} : memref<16x1024xf32, #tpu.memory_space<vmem>>, vector<16xf32>,
      %sub3A_820 = arith.subf %get3A_819, %gather3A_437 : vector<16xf32>
      %mul3A_821 = arith.mulf %sub3A_820, %gather3A_441 : vector<16xf32>
      %swap3A_822 = arith.index_cast %scan3A_432 : i32 to index
      %swap3A_823 = arith.constant 752 : index
      %swap3A_824 = tpu.vector_load %arg9[%swap3A_822, %swap3A_823] {strides = array<i32>} : memref<16x1024xf32, #tpu.memory_space<vmem>>, vector<16xf32>,
      tpu.vector_store %arg9[%swap3A_822, %swap3A_823], %mul3A_821 {strides = array<i32>} : memref<16x1024xf32, #tpu.memory_space<vmem>>, vector<16xf32>,
      %get3A_825 = arith.index_cast %scan3A_432 : i32 to index
      %get3A_826 = arith.constant 768 : index
      %get3A_827 = tpu.vector_load %arg7[%get3A_825, %get3A_826] {strides = array<i32>} : memref<16x1024xf32, #tpu.memory_space<vmem>>, vector<16xf32>,
      %sub3A_828 = arith.subf %get3A_827, %gather3A_437 : vector<16xf32>
      %mul3A_829 = arith.mulf %sub3A_828, %gather3A_441 : vector<16xf32>
      %swap3A_830 = arith.index_cast %scan3A_432 : i32 to index
      %swap3A_831 = arith.constant 768 : index
      %swap3A_832 = tpu.vector_load %arg9[%swap3A_830, %swap3A_831] {strides = array<i32>} : memref<16x1024xf32, #tpu.memory_space<vmem>>, vector<16xf32>,
      tpu.vector_store %arg9[%swap3A_830, %swap3A_831], %mul3A_829 {strides = array<i32>} : memref<16x1024xf32, #tpu.memory_space<vmem>>, vector<16xf32>,
      %get3A_833 = arith.index_cast %scan3A_432 : i32 to index
      %get3A_834 = arith.constant 784 : index
      %get3A_835 = tpu.vector_load %arg7[%get3A_833, %get3A_834] {strides = array<i32>} : memref<16x1024xf32, #tpu.memory_space<vmem>>, vector<16xf32>,
      %sub3A_836 = arith.subf %get3A_835, %gather3A_437 : vector<16xf32>
      %mul3A_837 = arith.mulf %sub3A_836, %gather3A_441 : vector<16xf32>
      %swap3A_838 = arith.index_cast %scan3A_432 : i32 to index
      %swap3A_839 = arith.constant 784 : index
      %swap3A_840 = tpu.vector_load %arg9[%swap3A_838, %swap3A_839] {strides = array<i32>} : memref<16x1024xf32, #tpu.memory_space<vmem>>, vector<16xf32>,
      tpu.vector_store %arg9[%swap3A_838, %swap3A_839], %mul3A_837 {strides = array<i32>} : memref<16x1024xf32, #tpu.memory_space<vmem>>, vector<16xf32>,
      %get3A_841 = arith.index_cast %scan3A_432 : i32 to index
      %get3A_842 = arith.constant 800 : index
      %get3A_843 = tpu.vector_load %arg7[%get3A_841, %get3A_842] {strides = array<i32>} : memref<16x1024xf32, #tpu.memory_space<vmem>>, vector<16xf32>,
      %sub3A_844 = arith.subf %get3A_843, %gather3A_437 : vector<16xf32>
      %mul3A_845 = arith.mulf %sub3A_844, %gather3A_441 : vector<16xf32>
      %swap3A_846 = arith.index_cast %scan3A_432 : i32 to index
      %swap3A_847 = arith.constant 800 : index
      %swap3A_848 = tpu.vector_load %arg9[%swap3A_846, %swap3A_847] {strides = array<i32>} : memref<16x1024xf32, #tpu.memory_space<vmem>>, vector<16xf32>,
      tpu.vector_store %arg9[%swap3A_846, %swap3A_847], %mul3A_845 {strides = array<i32>} : memref<16x1024xf32, #tpu.memory_space<vmem>>, vector<16xf32>,
      %get3A_849 = arith.index_cast %scan3A_432 : i32 to index
      %get3A_850 = arith.constant 816 : index
      %get3A_851 = tpu.vector_load %arg7[%get3A_849, %get3A_850] {strides = array<i32>} : memref<16x1024xf32, #tpu.memory_space<vmem>>, vector<16xf32>,
      %sub3A_852 = arith.subf %get3A_851, %gather3A_437 : vector<16xf32>
      %mul3A_853 = arith.mulf %sub3A_852, %gather3A_441 : vector<16xf32>
      %swap3A_854 = arith.index_cast %scan3A_432 : i32 to index
      %swap3A_855 = arith.constant 816 : index
      %swap3A_856 = tpu.vector_load %arg9[%swap3A_854, %swap3A_855] {strides = array<i32>} : memref<16x1024xf32, #tpu.memory_space<vmem>>, vector<16xf32>,
      tpu.vector_store %arg9[%swap3A_854, %swap3A_855], %mul3A_853 {strides = array<i32>} : memref<16x1024xf32, #tpu.memory_space<vmem>>, vector<16xf32>,
      %get3A_857 = arith.index_cast %scan3A_432 : i32 to index
      %get3A_858 = arith.constant 832 : index
      %get3A_859 = tpu.vector_load %arg7[%get3A_857, %get3A_858] {strides = array<i32>} : memref<16x1024xf32, #tpu.memory_space<vmem>>, vector<16xf32>,
      %sub3A_860 = arith.subf %get3A_859, %gather3A_437 : vector<16xf32>
      %mul3A_861 = arith.mulf %sub3A_860, %gather3A_441 : vector<16xf32>
      %swap3A_862 = arith.index_cast %scan3A_432 : i32 to index
      %swap3A_863 = arith.constant 832 : index
      %swap3A_864 = tpu.vector_load %arg9[%swap3A_862, %swap3A_863] {strides = array<i32>} : memref<16x1024xf32, #tpu.memory_space<vmem>>, vector<16xf32>,
      tpu.vector_store %arg9[%swap3A_862, %swap3A_863], %mul3A_861 {strides = array<i32>} : memref<16x1024xf32, #tpu.memory_space<vmem>>, vector<16xf32>,
      %get3A_865 = arith.index_cast %scan3A_432 : i32 to index
      %get3A_866 = arith.constant 848 : index
      %get3A_867 = tpu.vector_load %arg7[%get3A_865, %get3A_866] {strides = array<i32>} : memref<16x1024xf32, #tpu.memory_space<vmem>>, vector<16xf32>,
      %sub3A_868 = arith.subf %get3A_867, %gather3A_437 : vector<16xf32>
      %mul3A_869 = arith.mulf %sub3A_868, %gather3A_441 : vector<16xf32>
      %swap3A_870 = arith.index_cast %scan3A_432 : i32 to index
      %swap3A_871 = arith.constant 848 : index
      %swap3A_872 = tpu.vector_load %arg9[%swap3A_870, %swap3A_871] {strides = array<i32>} : memref<16x1024xf32, #tpu.memory_space<vmem>>, vector<16xf32>,
      tpu.vector_store %arg9[%swap3A_870, %swap3A_871], %mul3A_869 {strides = array<i32>} : memref<16x1024xf32, #tpu.memory_space<vmem>>, vector<16xf32>,
      %get3A_873 = arith.index_cast %scan3A_432 : i32 to index
      %get3A_874 = arith.constant 864 : index
      %get3A_875 = tpu.vector_load %arg7[%get3A_873, %get3A_874] {strides = array<i32>} : memref<16x1024xf32, #tpu.memory_space<vmem>>, vector<16xf32>,
      %sub3A_876 = arith.subf %get3A_875, %gather3A_437 : vector<16xf32>
      %mul3A_877 = arith.mulf %sub3A_876, %gather3A_441 : vector<16xf32>
      %swap3A_878 = arith.index_cast %scan3A_432 : i32 to index
      %swap3A_879 = arith.constant 864 : index
      %swap3A_880 = tpu.vector_load %arg9[%swap3A_878, %swap3A_879] {strides = array<i32>} : memref<16x1024xf32, #tpu.memory_space<vmem>>, vector<16xf32>,
      tpu.vector_store %arg9[%swap3A_878, %swap3A_879], %mul3A_877 {strides = array<i32>} : memref<16x1024xf32, #tpu.memory_space<vmem>>, vector<16xf32>,
      %get3A_881 = arith.index_cast %scan3A_432 : i32 to index
      %get3A_882 = arith.constant 880 : index
      %get3A_883 = tpu.vector_load %arg7[%get3A_881, %get3A_882] {strides = array<i32>} : memref<16x1024xf32, #tpu.memory_space<vmem>>, vector<16xf32>,
      %sub3A_884 = arith.subf %get3A_883, %gather3A_437 : vector<16xf32>
      %mul3A_885 = arith.mulf %sub3A_884, %gather3A_441 : vector<16xf32>
      %swap3A_886 = arith.index_cast %scan3A_432 : i32 to index
      %swap3A_887 = arith.constant 880 : index
      %swap3A_888 = tpu.vector_load %arg9[%swap3A_886, %swap3A_887] {strides = array<i32>} : memref<16x1024xf32, #tpu.memory_space<vmem>>, vector<16xf32>,
      tpu.vector_store %arg9[%swap3A_886, %swap3A_887], %mul3A_885 {strides = array<i32>} : memref<16x1024xf32, #tpu.memory_space<vmem>>, vector<16xf32>,
      %get3A_889 = arith.index_cast %scan3A_432 : i32 to index
      %get3A_890 = arith.constant 896 : index
      %get3A_891 = tpu.vector_load %arg7[%get3A_889, %get3A_890] {strides = array<i32>} : memref<16x1024xf32, #tpu.memory_space<vmem>>, vector<16xf32>,
      %sub3A_892 = arith.subf %get3A_891, %gather3A_437 : vector<16xf32>
      %mul3A_893 = arith.mulf %sub3A_892, %gather3A_441 : vector<16xf32>
      %swap3A_894 = arith.index_cast %scan3A_432 : i32 to index
      %swap3A_895 = arith.constant 896 : index
      %swap3A_896 = tpu.vector_load %arg9[%swap3A_894, %swap3A_895] {strides = array<i32>} : memref<16x1024xf32, #tpu.memory_space<vmem>>, vector<16xf32>,
      tpu.vector_store %arg9[%swap3A_894, %swap3A_895], %mul3A_893 {strides = array<i32>} : memref<16x1024xf32, #tpu.memory_space<vmem>>, vector<16xf32>,
      %get3A_897 = arith.index_cast %scan3A_432 : i32 to index
      %get3A_898 = arith.constant 912 : index
      %get3A_899 = tpu.vector_load %arg7[%get3A_897, %get3A_898] {strides = array<i32>} : memref<16x1024xf32, #tpu.memory_space<vmem>>, vector<16xf32>,
      %sub3A_900 = arith.subf %get3A_899, %gather3A_437 : vector<16xf32>
      %mul3A_901 = arith.mulf %sub3A_900, %gather3A_441 : vector<16xf32>
      %swap3A_902 = arith.index_cast %scan3A_432 : i32 to index
      %swap3A_903 = arith.constant 912 : index
      %swap3A_904 = tpu.vector_load %arg9[%swap3A_902, %swap3A_903] {strides = array<i32>} : memref<16x1024xf32, #tpu.memory_space<vmem>>, vector<16xf32>,
      tpu.vector_store %arg9[%swap3A_902, %swap3A_903], %mul3A_901 {strides = array<i32>} : memref<16x1024xf32, #tpu.memory_space<vmem>>, vector<16xf32>,
      %get3A_905 = arith.index_cast %scan3A_432 : i32 to index
      %get3A_906 = arith.constant 928 : index
      %get3A_907 = tpu.vector_load %arg7[%get3A_905, %get3A_906] {strides = array<i32>} : memref<16x1024xf32, #tpu.memory_space<vmem>>, vector<16xf32>,
      %sub3A_908 = arith.subf %get3A_907, %gather3A_437 : vector<16xf32>
      %mul3A_909 = arith.mulf %sub3A_908, %gather3A_441 : vector<16xf32>
      %swap3A_910 = arith.index_cast %scan3A_432 : i32 to index
      %swap3A_911 = arith.constant 928 : index
      %swap3A_912 = tpu.vector_load %arg9[%swap3A_910, %swap3A_911] {strides = array<i32>} : memref<16x1024xf32, #tpu.memory_space<vmem>>, vector<16xf32>,
      tpu.vector_store %arg9[%swap3A_910, %swap3A_911], %mul3A_909 {strides = array<i32>} : memref<16x1024xf32, #tpu.memory_space<vmem>>, vector<16xf32>,
      %get3A_913 = arith.index_cast %scan3A_432 : i32 to index
      %get3A_914 = arith.constant 944 : index
      %get3A_915 = tpu.vector_load %arg7[%get3A_913, %get3A_914] {strides = array<i32>} : memref<16x1024xf32, #tpu.memory_space<vmem>>, vector<16xf32>,
      %sub3A_916 = arith.subf %get3A_915, %gather3A_437 : vector<16xf32>
      %mul3A_917 = arith.mulf %sub3A_916, %gather3A_441 : vector<16xf32>
      %swap3A_918 = arith.index_cast %scan3A_432 : i32 to index
      %swap3A_919 = arith.constant 944 : index
      %swap3A_920 = tpu.vector_load %arg9[%swap3A_918, %swap3A_919] {strides = array<i32>} : memref<16x1024xf32, #tpu.memory_space<vmem>>, vector<16xf32>,
      tpu.vector_store %arg9[%swap3A_918, %swap3A_919], %mul3A_917 {strides = array<i32>} : memref<16x1024xf32, #tpu.memory_space<vmem>>, vector<16xf32>,
      %get3A_921 = arith.index_cast %scan3A_432 : i32 to index
      %get3A_922 = arith.constant 960 : index
      %get3A_923 = tpu.vector_load %arg7[%get3A_921, %get3A_922] {strides = array<i32>} : memref<16x1024xf32, #tpu.memory_space<vmem>>, vector<16xf32>,
      %sub3A_924 = arith.subf %get3A_923, %gather3A_437 : vector<16xf32>
      %mul3A_925 = arith.mulf %sub3A_924, %gather3A_441 : vector<16xf32>
      %swap3A_926 = arith.index_cast %scan3A_432 : i32 to index
      %swap3A_927 = arith.constant 960 : index
      %swap3A_928 = tpu.vector_load %arg9[%swap3A_926, %swap3A_927] {strides = array<i32>} : memref<16x1024xf32, #tpu.memory_space<vmem>>, vector<16xf32>,
      tpu.vector_store %arg9[%swap3A_926, %swap3A_927], %mul3A_925 {strides = array<i32>} : memref<16x1024xf32, #tpu.memory_space<vmem>>, vector<16xf32>,
      %get3A_929 = arith.index_cast %scan3A_432 : i32 to index
      %get3A_930 = arith.constant 976 : index
      %get3A_931 = tpu.vector_load %arg7[%get3A_929, %get3A_930] {strides = array<i32>} : memref<16x1024xf32, #tpu.memory_space<vmem>>, vector<16xf32>,
      %sub3A_932 = arith.subf %get3A_931, %gather3A_437 : vector<16xf32>
      %mul3A_933 = arith.mulf %sub3A_932, %gather3A_441 : vector<16xf32>
      %swap3A_934 = arith.index_cast %scan3A_432 : i32 to index
      %swap3A_935 = arith.constant 976 : index
      %swap3A_936 = tpu.vector_load %arg9[%swap3A_934, %swap3A_935] {strides = array<i32>} : memref<16x1024xf32, #tpu.memory_space<vmem>>, vector<16xf32>,
      tpu.vector_store %arg9[%swap3A_934, %swap3A_935], %mul3A_933 {strides = array<i32>} : memref<16x1024xf32, #tpu.memory_space<vmem>>, vector<16xf32>,
      %get3A_937 = arith.index_cast %scan3A_432 : i32 to index
      %get3A_938 = arith.constant 992 : index
      %get3A_939 = tpu.vector_load %arg7[%get3A_937, %get3A_938] {strides = array<i32>} : memref<16x1024xf32, #tpu.memory_space<vmem>>, vector<16xf32>,
      %sub3A_940 = arith.subf %get3A_939, %gather3A_437 : vector<16xf32>
      %mul3A_941 = arith.mulf %sub3A_940, %gather3A_441 : vector<16xf32>
      %swap3A_942 = arith.index_cast %scan3A_432 : i32 to index
      %swap3A_943 = arith.constant 992 : index
      %swap3A_944 = tpu.vector_load %arg9[%swap3A_942, %swap3A_943] {strides = array<i32>} : memref<16x1024xf32, #tpu.memory_space<vmem>>, vector<16xf32>,
      tpu.vector_store %arg9[%swap3A_942, %swap3A_943], %mul3A_941 {strides = array<i32>} : memref<16x1024xf32, #tpu.memory_space<vmem>>, vector<16xf32>,
      %get3A_945 = arith.index_cast %scan3A_432 : i32 to index
      %get3A_946 = arith.constant 1008 : index
      %get3A_947 = tpu.vector_load %arg7[%get3A_945, %get3A_946] {strides = array<i32>} : memref<16x1024xf32, #tpu.memory_space<vmem>>, vector<16xf32>,
      %sub3A_948 = arith.subf %get3A_947, %gather3A_437 : vector<16xf32>
      %mul3A_949 = arith.mulf %sub3A_948, %gather3A_441 : vector<16xf32>
      %swap3A_950 = arith.index_cast %scan3A_432 : i32 to index
      %swap3A_951 = arith.constant 1008 : index
      %swap3A_952 = tpu.vector_load %arg9[%swap3A_950, %swap3A_951] {strides = array<i32>} : memref<16x1024xf32, #tpu.memory_space<vmem>>, vector<16xf32>,
      tpu.vector_store %arg9[%swap3A_950, %swap3A_951], %mul3A_949 {strides = array<i32>} : memref<16x1024xf32, #tpu.memory_space<vmem>>, vector<16xf32>,
      %scan3A_953 = arith.constant 0 : i32
      scf.yield %scan3A_953 : i32
    }
    %scan3A_206 = arith.constant 16 : i32
    %add3A_207 = arith.constant 0 : i32
    %add3A_208 = arith.addi %mul3A_2, %add3A_207 : i32
    %dma_start3A_209 = arith.constant 0 : i32
    %dma_start3A_210 = tpu.memref_slice %arg5[%add3A_208, %dma_start3A_209] : memref<1024x1024xf32, #tpu.memory_space<hbm>> -> memref<16x1024xf32, #tpu.memory_space<hbm>>
    %dma_start3A_211 = arith.constant 0 : i32
    %dma_start3A_212 = tpu.memref_slice %arg5[%add3A_208, %dma_start3A_211] : memref<1024x1024xf32, #tpu.memory_space<hbm>> -> memref<16x1024xf32, #tpu.memory_space<hbm>>
    tpu.enqueue_dma source(%arg9 : memref<16x1024xf32, #tpu.memory_space<vmem>>) target(%dma_start3A_212 : memref<16x1024xf32, #tpu.memory_space<hbm>>) target_semaphore(%arg16 : memref<!tpu.dma_semaphore, #tpu.memory_space<semaphore_mem>>)
    %dma_wait3A_213 = arith.constant 16 : i32
    %dma_wait3A_214 = tpu.memref_slice %arg6[%dma_wait3A_213] : memref<32xi32, #tpu.memory_space<vmem>> -> memref<16xi32, #tpu.memory_space<vmem>>
    %dma_wait3A_215 = arith.constant 0 : i32
    %dma_wait3A_216 = arith.constant 0 : i32
    %dma_wait3A_217 = tpu.memref_slice %arg2[%dma_wait3A_215, %dma_wait3A_216] : memref<1000x1024xf32, #tpu.memory_space<hbm>> -> memref<1000x1024xf32, #tpu.memory_space<hbm>>
    tpu.wait_indirect_dma semaphore(%arg15 : memref<!tpu.dma_semaphore, #tpu.memory_space<semaphore_mem>>) src(%dma_wait3A_217 : memref<1000x1024xf32, #tpu.memory_space<hbm>>) dst(%arg8 : memref<16x1024xf32, #tpu.memory_space<vmem>>)
    %iota3A_218 = tpu.iota {dimensions = array<i32: 0>} : vector<16xi32>
    %scan3A_219 = arith.constant 0 : i32
    %scan3A_220 = arith.constant 0 : i32
    %scan3A_221 = arith.constant 16 : i32
    %scan3A_222 = arith.addi %scan3A_220, %scan3A_221 : i32
    %scan3A_223 = arith.constant 1 : i32
    %scan3A_224 = scf.for %scan3A_432 = %scan3A_220 to %scan3A_222 step %scan3A_223 iter_args(%scan3A_433 = %scan3A_219) -> (i32)  : i32 {
      %get3A_434 = arith.index_cast %scan3A_432 : i32 to index
      %get3A_435 = arith.constant 0 : index
      %get3A_436 = tpu.vector_load %arg8[%get3A_434, %get3A_435] {strides = array<i32>} : memref<16x1024xf32, #tpu.memory_space<vmem>>, vector<16xf32>,
      %mul3A_437 = arith.mulf %get3A_436, %get3A_436 : vector<16xf32>
      %get3A_438 = arith.index_cast %scan3A_432 : i32 to index
      %get3A_439 = arith.constant 16 : index
      %get3A_440 = tpu.vector_load %arg8[%get3A_438, %get3A_439] {strides = array<i32>} : memref<16x1024xf32, #tpu.memory_space<vmem>>, vector<16xf32>,
      %add3A_441 = arith.addf %get3A_436, %get3A_440 : vector<16xf32>
      %mul3A_442 = arith.mulf %get3A_440, %get3A_440 : vector<16xf32>
      %add3A_443 = arith.addf %mul3A_437, %mul3A_442 : vector<16xf32>
      %get3A_444 = arith.index_cast %scan3A_432 : i32 to index
      %get3A_445 = arith.constant 32 : index
      %get3A_446 = tpu.vector_load %arg8[%get3A_444, %get3A_445] {strides = array<i32>} : memref<16x1024xf32, #tpu.memory_space<vmem>>, vector<16xf32>,
      %add3A_447 = arith.addf %add3A_441, %get3A_446 : vector<16xf32>
      %mul3A_448 = arith.mulf %get3A_446, %get3A_446 : vector<16xf32>
      %add3A_449 = arith.addf %add3A_443, %mul3A_448 : vector<16xf32>
      %get3A_450 = arith.index_cast %scan3A_432 : i32 to index
      %get3A_451 = arith.constant 48 : index
      %get3A_452 = tpu.vector_load %arg8[%get3A_450, %get3A_451] {strides = array<i32>} : memref<16x1024xf32, #tpu.memory_space<vmem>>, vector<16xf32>,
      %add3A_453 = arith.addf %add3A_447, %get3A_452 : vector<16xf32>
      %mul3A_454 = arith.mulf %get3A_452, %get3A_452 : vector<16xf32>
      %add3A_455 = arith.addf %add3A_449, %mul3A_454 : vector<16xf32>
      %get3A_456 = arith.index_cast %scan3A_432 : i32 to index
      %get3A_457 = arith.constant 64 : index
      %get3A_458 = tpu.vector_load %arg8[%get3A_456, %get3A_457] {strides = array<i32>} : memref<16x1024xf32, #tpu.memory_space<vmem>>, vector<16xf32>,
      %add3A_459 = arith.addf %add3A_453, %get3A_458 : vector<16xf32>
      %mul3A_460 = arith.mulf %get3A_458, %get3A_458 : vector<16xf32>
      %add3A_461 = arith.addf %add3A_455, %mul3A_460 : vector<16xf32>
      %get3A_462 = arith.index_cast %scan3A_432 : i32 to index
      %get3A_463 = arith.constant 80 : index
      %get3A_464 = tpu.vector_load %arg8[%get3A_462, %get3A_463] {strides = array<i32>} : memref<16x1024xf32, #tpu.memory_space<vmem>>, vector<16xf32>,
      %add3A_465 = arith.addf %add3A_459, %get3A_464 : vector<16xf32>
      %mul3A_466 = arith.mulf %get3A_464, %get3A_464 : vector<16xf32>
      %add3A_467 = arith.addf %add3A_461, %mul3A_466 : vector<16xf32>
      %get3A_468 = arith.index_cast %scan3A_432 : i32 to index
      %get3A_469 = arith.constant 96 : index
      %get3A_470 = tpu.vector_load %arg8[%get3A_468, %get3A_469] {strides = array<i32>} : memref<16x1024xf32, #tpu.memory_space<vmem>>, vector<16xf32>,
      %add3A_471 = arith.addf %add3A_465, %get3A_470 : vector<16xf32>
      %mul3A_472 = arith.mulf %get3A_470, %get3A_470 : vector<16xf32>
      %add3A_473 = arith.addf %add3A_467, %mul3A_472 : vector<16xf32>
      %get3A_474 = arith.index_cast %scan3A_432 : i32 to index
      %get3A_475 = arith.constant 112 : index
      %get3A_476 = tpu.vector_load %arg8[%get3A_474, %get3A_475] {strides = array<i32>} : memref<16x1024xf32, #tpu.memory_space<vmem>>, vector<16xf32>,
      %add3A_477 = arith.addf %add3A_471, %get3A_476 : vector<16xf32>
      %mul3A_478 = arith.mulf %get3A_476, %get3A_476 : vector<16xf32>
      %add3A_479 = arith.addf %add3A_473, %mul3A_478 : vector<16xf32>
      %get3A_480 = arith.index_cast %scan3A_432 : i32 to index
      %get3A_481 = arith.constant 128 : index
      %get3A_482 = tpu.vector_load %arg8[%get3A_480, %get3A_481] {strides = array<i32>} : memref<16x1024xf32, #tpu.memory_space<vmem>>, vector<16xf32>,
      %add3A_483 = arith.addf %add3A_477, %get3A_482 : vector<16xf32>
      %mul3A_484 = arith.mulf %get3A_482, %get3A_482 : vector<16xf32>
      %add3A_485 = arith.addf %add3A_479, %mul3A_484 : vector<16xf32>
      %get3A_486 = arith.index_cast %scan3A_432 : i32 to index
      %get3A_487 = arith.constant 144 : index
      %get3A_488 = tpu.vector_load %arg8[%get3A_486, %get3A_487] {strides = array<i32>} : memref<16x1024xf32, #tpu.memory_space<vmem>>, vector<16xf32>,
      %add3A_489 = arith.addf %add3A_483, %get3A_488 : vector<16xf32>
      %mul3A_490 = arith.mulf %get3A_488, %get3A_488 : vector<16xf32>
      %add3A_491 = arith.addf %add3A_485, %mul3A_490 : vector<16xf32>
      %get3A_492 = arith.index_cast %scan3A_432 : i32 to index
      %get3A_493 = arith.constant 160 : index
      %get3A_494 = tpu.vector_load %arg8[%get3A_492, %get3A_493] {strides = array<i32>} : memref<16x1024xf32, #tpu.memory_space<vmem>>, vector<16xf32>,
      %add3A_495 = arith.addf %add3A_489, %get3A_494 : vector<16xf32>
      %mul3A_496 = arith.mulf %get3A_494, %get3A_494 : vector<16xf32>
      %add3A_497 = arith.addf %add3A_491, %mul3A_496 : vector<16xf32>
      %get3A_498 = arith.index_cast %scan3A_432 : i32 to index
      %get3A_499 = arith.constant 176 : index
      %get3A_500 = tpu.vector_load %arg8[%get3A_498, %get3A_499] {strides = array<i32>} : memref<16x1024xf32, #tpu.memory_space<vmem>>, vector<16xf32>,
      %add3A_501 = arith.addf %add3A_495, %get3A_500 : vector<16xf32>
      %mul3A_502 = arith.mulf %get3A_500, %get3A_500 : vector<16xf32>
      %add3A_503 = arith.addf %add3A_497, %mul3A_502 : vector<16xf32>
      %get3A_504 = arith.index_cast %scan3A_432 : i32 to index
      %get3A_505 = arith.constant 192 : index
      %get3A_506 = tpu.vector_load %arg8[%get3A_504, %get3A_505] {strides = array<i32>} : memref<16x1024xf32, #tpu.memory_space<vmem>>, vector<16xf32>,
      %add3A_507 = arith.addf %add3A_501, %get3A_506 : vector<16xf32>
      %mul3A_508 = arith.mulf %get3A_506, %get3A_506 : vector<16xf32>
      %add3A_509 = arith.addf %add3A_503, %mul3A_508 : vector<16xf32>
      %get3A_510 = arith.index_cast %scan3A_432 : i32 to index
      %get3A_511 = arith.constant 208 : index
      %get3A_512 = tpu.vector_load %arg8[%get3A_510, %get3A_511] {strides = array<i32>} : memref<16x1024xf32, #tpu.memory_space<vmem>>, vector<16xf32>,
      %add3A_513 = arith.addf %add3A_507, %get3A_512 : vector<16xf32>
      %mul3A_514 = arith.mulf %get3A_512, %get3A_512 : vector<16xf32>
      %add3A_515 = arith.addf %add3A_509, %mul3A_514 : vector<16xf32>
      %get3A_516 = arith.index_cast %scan3A_432 : i32 to index
      %get3A_517 = arith.constant 224 : index
      %get3A_518 = tpu.vector_load %arg8[%get3A_516, %get3A_517] {strides = array<i32>} : memref<16x1024xf32, #tpu.memory_space<vmem>>, vector<16xf32>,
      %add3A_519 = arith.addf %add3A_513, %get3A_518 : vector<16xf32>
      %mul3A_520 = arith.mulf %get3A_518, %get3A_518 : vector<16xf32>
      %add3A_521 = arith.addf %add3A_515, %mul3A_520 : vector<16xf32>
      %get3A_522 = arith.index_cast %scan3A_432 : i32 to index
      %get3A_523 = arith.constant 240 : index
      %get3A_524 = tpu.vector_load %arg8[%get3A_522, %get3A_523] {strides = array<i32>} : memref<16x1024xf32, #tpu.memory_space<vmem>>, vector<16xf32>,
      %add3A_525 = arith.addf %add3A_519, %get3A_524 : vector<16xf32>
      %mul3A_526 = arith.mulf %get3A_524, %get3A_524 : vector<16xf32>
      %add3A_527 = arith.addf %add3A_521, %mul3A_526 : vector<16xf32>
      %get3A_528 = arith.index_cast %scan3A_432 : i32 to index
      %get3A_529 = arith.constant 256 : index
      %get3A_530 = tpu.vector_load %arg8[%get3A_528, %get3A_529] {strides = array<i32>} : memref<16x1024xf32, #tpu.memory_space<vmem>>, vector<16xf32>,
      %add3A_531 = arith.addf %add3A_525, %get3A_530 : vector<16xf32>
      %mul3A_532 = arith.mulf %get3A_530, %get3A_530 : vector<16xf32>
      %add3A_533 = arith.addf %add3A_527, %mul3A_532 : vector<16xf32>
      %get3A_534 = arith.index_cast %scan3A_432 : i32 to index
      %get3A_535 = arith.constant 272 : index
      %get3A_536 = tpu.vector_load %arg8[%get3A_534, %get3A_535] {strides = array<i32>} : memref<16x1024xf32, #tpu.memory_space<vmem>>, vector<16xf32>,
      %add3A_537 = arith.addf %add3A_531, %get3A_536 : vector<16xf32>
      %mul3A_538 = arith.mulf %get3A_536, %get3A_536 : vector<16xf32>
      %add3A_539 = arith.addf %add3A_533, %mul3A_538 : vector<16xf32>
      %get3A_540 = arith.index_cast %scan3A_432 : i32 to index
      %get3A_541 = arith.constant 288 : index
      %get3A_542 = tpu.vector_load %arg8[%get3A_540, %get3A_541] {strides = array<i32>} : memref<16x1024xf32, #tpu.memory_space<vmem>>, vector<16xf32>,
      %add3A_543 = arith.addf %add3A_537, %get3A_542 : vector<16xf32>
      %mul3A_544 = arith.mulf %get3A_542, %get3A_542 : vector<16xf32>
      %add3A_545 = arith.addf %add3A_539, %mul3A_544 : vector<16xf32>
      %get3A_546 = arith.index_cast %scan3A_432 : i32 to index
      %get3A_547 = arith.constant 304 : index
      %get3A_548 = tpu.vector_load %arg8[%get3A_546, %get3A_547] {strides = array<i32>} : memref<16x1024xf32, #tpu.memory_space<vmem>>, vector<16xf32>,
      %add3A_549 = arith.addf %add3A_543, %get3A_548 : vector<16xf32>
      %mul3A_550 = arith.mulf %get3A_548, %get3A_548 : vector<16xf32>
      %add3A_551 = arith.addf %add3A_545, %mul3A_550 : vector<16xf32>
      %get3A_552 = arith.index_cast %scan3A_432 : i32 to index
      %get3A_553 = arith.constant 320 : index
      %get3A_554 = tpu.vector_load %arg8[%get3A_552, %get3A_553] {strides = array<i32>} : memref<16x1024xf32, #tpu.memory_space<vmem>>, vector<16xf32>,
      %add3A_555 = arith.addf %add3A_549, %get3A_554 : vector<16xf32>
      %mul3A_556 = arith.mulf %get3A_554, %get3A_554 : vector<16xf32>
      %add3A_557 = arith.addf %add3A_551, %mul3A_556 : vector<16xf32>
      %get3A_558 = arith.index_cast %scan3A_432 : i32 to index
      %get3A_559 = arith.constant 336 : index
      %get3A_560 = tpu.vector_load %arg8[%get3A_558, %get3A_559] {strides = array<i32>} : memref<16x1024xf32, #tpu.memory_space<vmem>>, vector<16xf32>,
      %add3A_561 = arith.addf %add3A_555, %get3A_560 : vector<16xf32>
      %mul3A_562 = arith.mulf %get3A_560, %get3A_560 : vector<16xf32>
      %add3A_563 = arith.addf %add3A_557, %mul3A_562 : vector<16xf32>
      %get3A_564 = arith.index_cast %scan3A_432 : i32 to index
      %get3A_565 = arith.constant 352 : index
      %get3A_566 = tpu.vector_load %arg8[%get3A_564, %get3A_565] {strides = array<i32>} : memref<16x1024xf32, #tpu.memory_space<vmem>>, vector<16xf32>,
      %add3A_567 = arith.addf %add3A_561, %get3A_566 : vector<16xf32>
      %mul3A_568 = arith.mulf %get3A_566, %get3A_566 : vector<16xf32>
      %add3A_569 = arith.addf %add3A_563, %mul3A_568 : vector<16xf32>
      %get3A_570 = arith.index_cast %scan3A_432 : i32 to index
      %get3A_571 = arith.constant 368 : index
      %get3A_572 = tpu.vector_load %arg8[%get3A_570, %get3A_571] {strides = array<i32>} : memref<16x1024xf32, #tpu.memory_space<vmem>>, vector<16xf32>,
      %add3A_573 = arith.addf %add3A_567, %get3A_572 : vector<16xf32>
      %mul3A_574 = arith.mulf %get3A_572, %get3A_572 : vector<16xf32>
      %add3A_575 = arith.addf %add3A_569, %mul3A_574 : vector<16xf32>
      %get3A_576 = arith.index_cast %scan3A_432 : i32 to index
      %get3A_577 = arith.constant 384 : index
      %get3A_578 = tpu.vector_load %arg8[%get3A_576, %get3A_577] {strides = array<i32>} : memref<16x1024xf32, #tpu.memory_space<vmem>>, vector<16xf32>,
      %add3A_579 = arith.addf %add3A_573, %get3A_578 : vector<16xf32>
      %mul3A_580 = arith.mulf %get3A_578, %get3A_578 : vector<16xf32>
      %add3A_581 = arith.addf %add3A_575, %mul3A_580 : vector<16xf32>
      %get3A_582 = arith.index_cast %scan3A_432 : i32 to index
      %get3A_583 = arith.constant 400 : index
      %get3A_584 = tpu.vector_load %arg8[%get3A_582, %get3A_583] {strides = array<i32>} : memref<16x1024xf32, #tpu.memory_space<vmem>>, vector<16xf32>,
      %add3A_585 = arith.addf %add3A_579, %get3A_584 : vector<16xf32>
      %mul3A_586 = arith.mulf %get3A_584, %get3A_584 : vector<16xf32>
      %add3A_587 = arith.addf %add3A_581, %mul3A_586 : vector<16xf32>
      %get3A_588 = arith.index_cast %scan3A_432 : i32 to index
      %get3A_589 = arith.constant 416 : index
      %get3A_590 = tpu.vector_load %arg8[%get3A_588, %get3A_589] {strides = array<i32>} : memref<16x1024xf32, #tpu.memory_space<vmem>>, vector<16xf32>,
      %add3A_591 = arith.addf %add3A_585, %get3A_590 : vector<16xf32>
      %mul3A_592 = arith.mulf %get3A_590, %get3A_590 : vector<16xf32>
      %add3A_593 = arith.addf %add3A_587, %mul3A_592 : vector<16xf32>
      %get3A_594 = arith.index_cast %scan3A_432 : i32 to index
      %get3A_595 = arith.constant 432 : index
      %get3A_596 = tpu.vector_load %arg8[%get3A_594, %get3A_595] {strides = array<i32>} : memref<16x1024xf32, #tpu.memory_space<vmem>>, vector<16xf32>,
      %add3A_597 = arith.addf %add3A_591, %get3A_596 : vector<16xf32>
      %mul3A_598 = arith.mulf %get3A_596, %get3A_596 : vector<16xf32>
      %add3A_599 = arith.addf %add3A_593, %mul3A_598 : vector<16xf32>
      %get3A_600 = arith.index_cast %scan3A_432 : i32 to index
      %get3A_601 = arith.constant 448 : index
      %get3A_602 = tpu.vector_load %arg8[%get3A_600, %get3A_601] {strides = array<i32>} : memref<16x1024xf32, #tpu.memory_space<vmem>>, vector<16xf32>,
      %add3A_603 = arith.addf %add3A_597, %get3A_602 : vector<16xf32>
      %mul3A_604 = arith.mulf %get3A_602, %get3A_602 : vector<16xf32>
      %add3A_605 = arith.addf %add3A_599, %mul3A_604 : vector<16xf32>
      %get3A_606 = arith.index_cast %scan3A_432 : i32 to index
      %get3A_607 = arith.constant 464 : index
      %get3A_608 = tpu.vector_load %arg8[%get3A_606, %get3A_607] {strides = array<i32>} : memref<16x1024xf32, #tpu.memory_space<vmem>>, vector<16xf32>,
      %add3A_609 = arith.addf %add3A_603, %get3A_608 : vector<16xf32>
      %mul3A_610 = arith.mulf %get3A_608, %get3A_608 : vector<16xf32>
      %add3A_611 = arith.addf %add3A_605, %mul3A_610 : vector<16xf32>
      %get3A_612 = arith.index_cast %scan3A_432 : i32 to index
      %get3A_613 = arith.constant 480 : index
      %get3A_614 = tpu.vector_load %arg8[%get3A_612, %get3A_613] {strides = array<i32>} : memref<16x1024xf32, #tpu.memory_space<vmem>>, vector<16xf32>,
      %add3A_615 = arith.addf %add3A_609, %get3A_614 : vector<16xf32>
      %mul3A_616 = arith.mulf %get3A_614, %get3A_614 : vector<16xf32>
      %add3A_617 = arith.addf %add3A_611, %mul3A_616 : vector<16xf32>
      %get3A_618 = arith.index_cast %scan3A_432 : i32 to index
      %get3A_619 = arith.constant 496 : index
      %get3A_620 = tpu.vector_load %arg8[%get3A_618, %get3A_619] {strides = array<i32>} : memref<16x1024xf32, #tpu.memory_space<vmem>>, vector<16xf32>,
      %add3A_621 = arith.addf %add3A_615, %get3A_620 : vector<16xf32>
      %mul3A_622 = arith.mulf %get3A_620, %get3A_620 : vector<16xf32>
      %add3A_623 = arith.addf %add3A_617, %mul3A_622 : vector<16xf32>
      %get3A_624 = arith.index_cast %scan3A_432 : i32 to index
      %get3A_625 = arith.constant 512 : index
      %get3A_626 = tpu.vector_load %arg8[%get3A_624, %get3A_625] {strides = array<i32>} : memref<16x1024xf32, #tpu.memory_space<vmem>>, vector<16xf32>,
      %add3A_627 = arith.addf %add3A_621, %get3A_626 : vector<16xf32>
      %mul3A_628 = arith.mulf %get3A_626, %get3A_626 : vector<16xf32>
      %add3A_629 = arith.addf %add3A_623, %mul3A_628 : vector<16xf32>
      %get3A_630 = arith.index_cast %scan3A_432 : i32 to index
      %get3A_631 = arith.constant 528 : index
      %get3A_632 = tpu.vector_load %arg8[%get3A_630, %get3A_631] {strides = array<i32>} : memref<16x1024xf32, #tpu.memory_space<vmem>>, vector<16xf32>,
      %add3A_633 = arith.addf %add3A_627, %get3A_632 : vector<16xf32>
      %mul3A_634 = arith.mulf %get3A_632, %get3A_632 : vector<16xf32>
      %add3A_635 = arith.addf %add3A_629, %mul3A_634 : vector<16xf32>
      %get3A_636 = arith.index_cast %scan3A_432 : i32 to index
      %get3A_637 = arith.constant 544 : index
      %get3A_638 = tpu.vector_load %arg8[%get3A_636, %get3A_637] {strides = array<i32>} : memref<16x1024xf32, #tpu.memory_space<vmem>>, vector<16xf32>,
      %add3A_639 = arith.addf %add3A_633, %get3A_638 : vector<16xf32>
      %mul3A_640 = arith.mulf %get3A_638, %get3A_638 : vector<16xf32>
      %add3A_641 = arith.addf %add3A_635, %mul3A_640 : vector<16xf32>
      %get3A_642 = arith.index_cast %scan3A_432 : i32 to index
      %get3A_643 = arith.constant 560 : index
      %get3A_644 = tpu.vector_load %arg8[%get3A_642, %get3A_643] {strides = array<i32>} : memref<16x1024xf32, #tpu.memory_space<vmem>>, vector<16xf32>,
      %add3A_645 = arith.addf %add3A_639, %get3A_644 : vector<16xf32>
      %mul3A_646 = arith.mulf %get3A_644, %get3A_644 : vector<16xf32>
      %add3A_647 = arith.addf %add3A_641, %mul3A_646 : vector<16xf32>
      %get3A_648 = arith.index_cast %scan3A_432 : i32 to index
      %get3A_649 = arith.constant 576 : index
      %get3A_650 = tpu.vector_load %arg8[%get3A_648, %get3A_649] {strides = array<i32>} : memref<16x1024xf32, #tpu.memory_space<vmem>>, vector<16xf32>,
      %add3A_651 = arith.addf %add3A_645, %get3A_650 : vector<16xf32>
      %mul3A_652 = arith.mulf %get3A_650, %get3A_650 : vector<16xf32>
      %add3A_653 = arith.addf %add3A_647, %mul3A_652 : vector<16xf32>
      %get3A_654 = arith.index_cast %scan3A_432 : i32 to index
      %get3A_655 = arith.constant 592 : index
      %get3A_656 = tpu.vector_load %arg8[%get3A_654, %get3A_655] {strides = array<i32>} : memref<16x1024xf32, #tpu.memory_space<vmem>>, vector<16xf32>,
      %add3A_657 = arith.addf %add3A_651, %get3A_656 : vector<16xf32>
      %mul3A_658 = arith.mulf %get3A_656, %get3A_656 : vector<16xf32>
      %add3A_659 = arith.addf %add3A_653, %mul3A_658 : vector<16xf32>
      %get3A_660 = arith.index_cast %scan3A_432 : i32 to index
      %get3A_661 = arith.constant 608 : index
      %get3A_662 = tpu.vector_load %arg8[%get3A_660, %get3A_661] {strides = array<i32>} : memref<16x1024xf32, #tpu.memory_space<vmem>>, vector<16xf32>,
      %add3A_663 = arith.addf %add3A_657, %get3A_662 : vector<16xf32>
      %mul3A_664 = arith.mulf %get3A_662, %get3A_662 : vector<16xf32>
      %add3A_665 = arith.addf %add3A_659, %mul3A_664 : vector<16xf32>
      %get3A_666 = arith.index_cast %scan3A_432 : i32 to index
      %get3A_667 = arith.constant 624 : index
      %get3A_668 = tpu.vector_load %arg8[%get3A_666, %get3A_667] {strides = array<i32>} : memref<16x1024xf32, #tpu.memory_space<vmem>>, vector<16xf32>,
      %add3A_669 = arith.addf %add3A_663, %get3A_668 : vector<16xf32>
      %mul3A_670 = arith.mulf %get3A_668, %get3A_668 : vector<16xf32>
      %add3A_671 = arith.addf %add3A_665, %mul3A_670 : vector<16xf32>
      %get3A_672 = arith.index_cast %scan3A_432 : i32 to index
      %get3A_673 = arith.constant 640 : index
      %get3A_674 = tpu.vector_load %arg8[%get3A_672, %get3A_673] {strides = array<i32>} : memref<16x1024xf32, #tpu.memory_space<vmem>>, vector<16xf32>,
      %add3A_675 = arith.addf %add3A_669, %get3A_674 : vector<16xf32>
      %mul3A_676 = arith.mulf %get3A_674, %get3A_674 : vector<16xf32>
      %add3A_677 = arith.addf %add3A_671, %mul3A_676 : vector<16xf32>
      %get3A_678 = arith.index_cast %scan3A_432 : i32 to index
      %get3A_679 = arith.constant 656 : index
      %get3A_680 = tpu.vector_load %arg8[%get3A_678, %get3A_679] {strides = array<i32>} : memref<16x1024xf32, #tpu.memory_space<vmem>>, vector<16xf32>,
      %add3A_681 = arith.addf %add3A_675, %get3A_680 : vector<16xf32>
      %mul3A_682 = arith.mulf %get3A_680, %get3A_680 : vector<16xf32>
      %add3A_683 = arith.addf %add3A_677, %mul3A_682 : vector<16xf32>
      %get3A_684 = arith.index_cast %scan3A_432 : i32 to index
      %get3A_685 = arith.constant 672 : index
      %get3A_686 = tpu.vector_load %arg8[%get3A_684, %get3A_685] {strides = array<i32>} : memref<16x1024xf32, #tpu.memory_space<vmem>>, vector<16xf32>,
      %add3A_687 = arith.addf %add3A_681, %get3A_686 : vector<16xf32>
      %mul3A_688 = arith.mulf %get3A_686, %get3A_686 : vector<16xf32>
      %add3A_689 = arith.addf %add3A_683, %mul3A_688 : vector<16xf32>
      %get3A_690 = arith.index_cast %scan3A_432 : i32 to index
      %get3A_691 = arith.constant 688 : index
      %get3A_692 = tpu.vector_load %arg8[%get3A_690, %get3A_691] {strides = array<i32>} : memref<16x1024xf32, #tpu.memory_space<vmem>>, vector<16xf32>,
      %add3A_693 = arith.addf %add3A_687, %get3A_692 : vector<16xf32>
      %mul3A_694 = arith.mulf %get3A_692, %get3A_692 : vector<16xf32>
      %add3A_695 = arith.addf %add3A_689, %mul3A_694 : vector<16xf32>
      %get3A_696 = arith.index_cast %scan3A_432 : i32 to index
      %get3A_697 = arith.constant 704 : index
      %get3A_698 = tpu.vector_load %arg8[%get3A_696, %get3A_697] {strides = array<i32>} : memref<16x1024xf32, #tpu.memory_space<vmem>>, vector<16xf32>,
      %add3A_699 = arith.addf %add3A_693, %get3A_698 : vector<16xf32>
      %mul3A_700 = arith.mulf %get3A_698, %get3A_698 : vector<16xf32>
      %add3A_701 = arith.addf %add3A_695, %mul3A_700 : vector<16xf32>
      %get3A_702 = arith.index_cast %scan3A_432 : i32 to index
      %get3A_703 = arith.constant 720 : index
      %get3A_704 = tpu.vector_load %arg8[%get3A_702, %get3A_703] {strides = array<i32>} : memref<16x1024xf32, #tpu.memory_space<vmem>>, vector<16xf32>,
      %add3A_705 = arith.addf %add3A_699, %get3A_704 : vector<16xf32>
      %mul3A_706 = arith.mulf %get3A_704, %get3A_704 : vector<16xf32>
      %add3A_707 = arith.addf %add3A_701, %mul3A_706 : vector<16xf32>
      %get3A_708 = arith.index_cast %scan3A_432 : i32 to index
      %get3A_709 = arith.constant 736 : index
      %get3A_710 = tpu.vector_load %arg8[%get3A_708, %get3A_709] {strides = array<i32>} : memref<16x1024xf32, #tpu.memory_space<vmem>>, vector<16xf32>,
      %add3A_711 = arith.addf %add3A_705, %get3A_710 : vector<16xf32>
      %mul3A_712 = arith.mulf %get3A_710, %get3A_710 : vector<16xf32>
      %add3A_713 = arith.addf %add3A_707, %mul3A_712 : vector<16xf32>
      %get3A_714 = arith.index_cast %scan3A_432 : i32 to index
      %get3A_715 = arith.constant 752 : index
      %get3A_716 = tpu.vector_load %arg8[%get3A_714, %get3A_715] {strides = array<i32>} : memref<16x1024xf32, #tpu.memory_space<vmem>>, vector<16xf32>,
      %add3A_717 = arith.addf %add3A_711, %get3A_716 : vector<16xf32>
      %mul3A_718 = arith.mulf %get3A_716, %get3A_716 : vector<16xf32>
      %add3A_719 = arith.addf %add3A_713, %mul3A_718 : vector<16xf32>
      %get3A_720 = arith.index_cast %scan3A_432 : i32 to index
      %get3A_721 = arith.constant 768 : index
      %get3A_722 = tpu.vector_load %arg8[%get3A_720, %get3A_721] {strides = array<i32>} : memref<16x1024xf32, #tpu.memory_space<vmem>>, vector<16xf32>,
      %add3A_723 = arith.addf %add3A_717, %get3A_722 : vector<16xf32>
      %mul3A_724 = arith.mulf %get3A_722, %get3A_722 : vector<16xf32>
      %add3A_725 = arith.addf %add3A_719, %mul3A_724 : vector<16xf32>
      %get3A_726 = arith.index_cast %scan3A_432 : i32 to index
      %get3A_727 = arith.constant 784 : index
      %get3A_728 = tpu.vector_load %arg8[%get3A_726, %get3A_727] {strides = array<i32>} : memref<16x1024xf32, #tpu.memory_space<vmem>>, vector<16xf32>,
      %add3A_729 = arith.addf %add3A_723, %get3A_728 : vector<16xf32>
      %mul3A_730 = arith.mulf %get3A_728, %get3A_728 : vector<16xf32>
      %add3A_731 = arith.addf %add3A_725, %mul3A_730 : vector<16xf32>
      %get3A_732 = arith.index_cast %scan3A_432 : i32 to index
      %get3A_733 = arith.constant 800 : index
      %get3A_734 = tpu.vector_load %arg8[%get3A_732, %get3A_733] {strides = array<i32>} : memref<16x1024xf32, #tpu.memory_space<vmem>>, vector<16xf32>,
      %add3A_735 = arith.addf %add3A_729, %get3A_734 : vector<16xf32>
      %mul3A_736 = arith.mulf %get3A_734, %get3A_734 : vector<16xf32>
      %add3A_737 = arith.addf %add3A_731, %mul3A_736 : vector<16xf32>
      %get3A_738 = arith.index_cast %scan3A_432 : i32 to index
      %get3A_739 = arith.constant 816 : index
      %get3A_740 = tpu.vector_load %arg8[%get3A_738, %get3A_739] {strides = array<i32>} : memref<16x1024xf32, #tpu.memory_space<vmem>>, vector<16xf32>,
      %add3A_741 = arith.addf %add3A_735, %get3A_740 : vector<16xf32>
      %mul3A_742 = arith.mulf %get3A_740, %get3A_740 : vector<16xf32>
      %add3A_743 = arith.addf %add3A_737, %mul3A_742 : vector<16xf32>
      %get3A_744 = arith.index_cast %scan3A_432 : i32 to index
      %get3A_745 = arith.constant 832 : index
      %get3A_746 = tpu.vector_load %arg8[%get3A_744, %get3A_745] {strides = array<i32>} : memref<16x1024xf32, #tpu.memory_space<vmem>>, vector<16xf32>,
      %add3A_747 = arith.addf %add3A_741, %get3A_746 : vector<16xf32>
      %mul3A_748 = arith.mulf %get3A_746, %get3A_746 : vector<16xf32>
      %add3A_749 = arith.addf %add3A_743, %mul3A_748 : vector<16xf32>
      %get3A_750 = arith.index_cast %scan3A_432 : i32 to index
      %get3A_751 = arith.constant 848 : index
      %get3A_752 = tpu.vector_load %arg8[%get3A_750, %get3A_751] {strides = array<i32>} : memref<16x1024xf32, #tpu.memory_space<vmem>>, vector<16xf32>,
      %add3A_753 = arith.addf %add3A_747, %get3A_752 : vector<16xf32>
      %mul3A_754 = arith.mulf %get3A_752, %get3A_752 : vector<16xf32>
      %add3A_755 = arith.addf %add3A_749, %mul3A_754 : vector<16xf32>
      %get3A_756 = arith.index_cast %scan3A_432 : i32 to index
      %get3A_757 = arith.constant 864 : index
      %get3A_758 = tpu.vector_load %arg8[%get3A_756, %get3A_757] {strides = array<i32>} : memref<16x1024xf32, #tpu.memory_space<vmem>>, vector<16xf32>,
      %add3A_759 = arith.addf %add3A_753, %get3A_758 : vector<16xf32>
      %mul3A_760 = arith.mulf %get3A_758, %get3A_758 : vector<16xf32>
      %add3A_761 = arith.addf %add3A_755, %mul3A_760 : vector<16xf32>
      %get3A_762 = arith.index_cast %scan3A_432 : i32 to index
      %get3A_763 = arith.constant 880 : index
      %get3A_764 = tpu.vector_load %arg8[%get3A_762, %get3A_763] {strides = array<i32>} : memref<16x1024xf32, #tpu.memory_space<vmem>>, vector<16xf32>,
      %add3A_765 = arith.addf %add3A_759, %get3A_764 : vector<16xf32>
      %mul3A_766 = arith.mulf %get3A_764, %get3A_764 : vector<16xf32>
      %add3A_767 = arith.addf %add3A_761, %mul3A_766 : vector<16xf32>
      %get3A_768 = arith.index_cast %scan3A_432 : i32 to index
      %get3A_769 = arith.constant 896 : index
      %get3A_770 = tpu.vector_load %arg8[%get3A_768, %get3A_769] {strides = array<i32>} : memref<16x1024xf32, #tpu.memory_space<vmem>>, vector<16xf32>,
      %add3A_771 = arith.addf %add3A_765, %get3A_770 : vector<16xf32>
      %mul3A_772 = arith.mulf %get3A_770, %get3A_770 : vector<16xf32>
      %add3A_773 = arith.addf %add3A_767, %mul3A_772 : vector<16xf32>
      %get3A_774 = arith.index_cast %scan3A_432 : i32 to index
      %get3A_775 = arith.constant 912 : index
      %get3A_776 = tpu.vector_load %arg8[%get3A_774, %get3A_775] {strides = array<i32>} : memref<16x1024xf32, #tpu.memory_space<vmem>>, vector<16xf32>,
      %add3A_777 = arith.addf %add3A_771, %get3A_776 : vector<16xf32>
      %mul3A_778 = arith.mulf %get3A_776, %get3A_776 : vector<16xf32>
      %add3A_779 = arith.addf %add3A_773, %mul3A_778 : vector<16xf32>
      %get3A_780 = arith.index_cast %scan3A_432 : i32 to index
      %get3A_781 = arith.constant 928 : index
      %get3A_782 = tpu.vector_load %arg8[%get3A_780, %get3A_781] {strides = array<i32>} : memref<16x1024xf32, #tpu.memory_space<vmem>>, vector<16xf32>,
      %add3A_783 = arith.addf %add3A_777, %get3A_782 : vector<16xf32>
      %mul3A_784 = arith.mulf %get3A_782, %get3A_782 : vector<16xf32>
      %add3A_785 = arith.addf %add3A_779, %mul3A_784 : vector<16xf32>
      %get3A_786 = arith.index_cast %scan3A_432 : i32 to index
      %get3A_787 = arith.constant 944 : index
      %get3A_788 = tpu.vector_load %arg8[%get3A_786, %get3A_787] {strides = array<i32>} : memref<16x1024xf32, #tpu.memory_space<vmem>>, vector<16xf32>,
      %add3A_789 = arith.addf %add3A_783, %get3A_788 : vector<16xf32>
      %mul3A_790 = arith.mulf %get3A_788, %get3A_788 : vector<16xf32>
      %add3A_791 = arith.addf %add3A_785, %mul3A_790 : vector<16xf32>
      %get3A_792 = arith.index_cast %scan3A_432 : i32 to index
      %get3A_793 = arith.constant 960 : index
      %get3A_794 = tpu.vector_load %arg8[%get3A_792, %get3A_793] {strides = array<i32>} : memref<16x1024xf32, #tpu.memory_space<vmem>>, vector<16xf32>,
      %add3A_795 = arith.addf %add3A_789, %get3A_794 : vector<16xf32>
      %mul3A_796 = arith.mulf %get3A_794, %get3A_794 : vector<16xf32>
      %add3A_797 = arith.addf %add3A_791, %mul3A_796 : vector<16xf32>
      %get3A_798 = arith.index_cast %scan3A_432 : i32 to index
      %get3A_799 = arith.constant 976 : index
      %get3A_800 = tpu.vector_load %arg8[%get3A_798, %get3A_799] {strides = array<i32>} : memref<16x1024xf32, #tpu.memory_space<vmem>>, vector<16xf32>,
      %add3A_801 = arith.addf %add3A_795, %get3A_800 : vector<16xf32>
      %mul3A_802 = arith.mulf %get3A_800, %get3A_800 : vector<16xf32>
      %add3A_803 = arith.addf %add3A_797, %mul3A_802 : vector<16xf32>
      %get3A_804 = arith.index_cast %scan3A_432 : i32 to index
      %get3A_805 = arith.constant 992 : index
      %get3A_806 = tpu.vector_load %arg8[%get3A_804, %get3A_805] {strides = array<i32>} : memref<16x1024xf32, #tpu.memory_space<vmem>>, vector<16xf32>,
      %add3A_807 = arith.addf %add3A_801, %get3A_806 : vector<16xf32>
      %mul3A_808 = arith.mulf %get3A_806, %get3A_806 : vector<16xf32>
      %add3A_809 = arith.addf %add3A_803, %mul3A_808 : vector<16xf32>
      %get3A_810 = arith.index_cast %scan3A_432 : i32 to index
      %get3A_811 = arith.constant 1008 : index
      %get3A_812 = tpu.vector_load %arg8[%get3A_810, %get3A_811] {strides = array<i32>} : memref<16x1024xf32, #tpu.memory_space<vmem>>, vector<16xf32>,
      %add3A_813 = arith.addf %add3A_807, %get3A_812 : vector<16xf32>
      %mul3A_814 = arith.mulf %get3A_812, %get3A_812 : vector<16xf32>
      %add3A_815 = arith.addf %add3A_809, %mul3A_814 : vector<16xf32>
      %swap3A = arith.index_cast %scan3A_432 : i32 to index
      %swap3A_816 = arith.constant 0 : index
      %swap3A_817 = tpu.vector_load %arg11[%swap3A, %swap3A_816] {strides = array<i32>} : memref<16x16xf32, #tpu.memory_space<vmem>>, vector<16xf32>,
      tpu.vector_store %arg11[%swap3A, %swap3A_816], %add3A_813 {strides = array<i32>} : memref<16x16xf32, #tpu.memory_space<vmem>>, vector<16xf32>,
      %swap3A_818 = arith.index_cast %scan3A_432 : i32 to index
      %swap3A_819 = arith.constant 0 : index
      %swap3A_820 = tpu.vector_load %arg12[%swap3A_818, %swap3A_819] {strides = array<i32>} : memref<16x16xf32, #tpu.memory_space<vmem>>, vector<16xf32>,
      tpu.vector_store %arg12[%swap3A_818, %swap3A_819], %add3A_815 {strides = array<i32>} : memref<16x16xf32, #tpu.memory_space<vmem>>, vector<16xf32>,
      %scan3A_821 = arith.constant 0 : i32
      scf.yield %scan3A_821 : i32
    }
    %scan3A_225 = arith.constant 16 : i32
    %broadcast_in_dim3A_226 = arith.constant 0.000000e+00 : f32
    %broadcast_in_dim3A_227 = vector.broadcast %broadcast_in_dim3A_226 : f32 to vector<16xf32>
    %broadcast_in_dim3A_228 = arith.constant 0.000000e+00 : f32
    %broadcast_in_dim3A_229 = vector.broadcast %broadcast_in_dim3A_228 : f32 to vector<16xf32>
    %broadcast_in_dim3A_230 = arith.constant 0 : i32
    %broadcast_in_dim3A_231 = vector.broadcast %broadcast_in_dim3A_230 : i32 to vector<16xi32>
    %gather3A_232 = tpu.vector_load_idx %arg11[%iota3A_218, %broadcast_in_dim3A_231] : memref<16x16xf32, #tpu.memory_space<vmem>>[vector<16xi32>, vector<16xi32>], vector<16xf32>,
    %add3A_233 = arith.addf %broadcast_in_dim3A_227, %gather3A_232 : vector<16xf32>
    %gather3A_234 = tpu.vector_load_idx %arg12[%iota3A_218, %broadcast_in_dim3A_231] : memref<16x16xf32, #tpu.memory_space<vmem>>[vector<16xi32>, vector<16xi32>], vector<16xf32>,
    %add3A_235 = arith.addf %broadcast_in_dim3A_229, %gather3A_234 : vector<16xf32>
    %broadcast_in_dim3A_236 = arith.constant 1 : i32
    %broadcast_in_dim3A_237 = vector.broadcast %broadcast_in_dim3A_236 : i32 to vector<16xi32>
    %gather3A_238 = tpu.vector_load_idx %arg11[%iota3A_218, %broadcast_in_dim3A_237] : memref<16x16xf32, #tpu.memory_space<vmem>>[vector<16xi32>, vector<16xi32>], vector<16xf32>,
    %add3A_239 = arith.addf %add3A_233, %gather3A_238 : vector<16xf32>
    %gather3A_240 = tpu.vector_load_idx %arg12[%iota3A_218, %broadcast_in_dim3A_237] : memref<16x16xf32, #tpu.memory_space<vmem>>[vector<16xi32>, vector<16xi32>], vector<16xf32>,
    %add3A_241 = arith.addf %add3A_235, %gather3A_240 : vector<16xf32>
    %broadcast_in_dim3A_242 = arith.constant 2 : i32
    %broadcast_in_dim3A_243 = vector.broadcast %broadcast_in_dim3A_242 : i32 to vector<16xi32>
    %gather3A_244 = tpu.vector_load_idx %arg11[%iota3A_218, %broadcast_in_dim3A_243] : memref<16x16xf32, #tpu.memory_space<vmem>>[vector<16xi32>, vector<16xi32>], vector<16xf32>,
    %add3A_245 = arith.addf %add3A_239, %gather3A_244 : vector<16xf32>
    %gather3A_246 = tpu.vector_load_idx %arg12[%iota3A_218, %broadcast_in_dim3A_243] : memref<16x16xf32, #tpu.memory_space<vmem>>[vector<16xi32>, vector<16xi32>], vector<16xf32>,
    %add3A_247 = arith.addf %add3A_241, %gather3A_246 : vector<16xf32>
    %broadcast_in_dim3A_248 = arith.constant 3 : i32
    %broadcast_in_dim3A_249 = vector.broadcast %broadcast_in_dim3A_248 : i32 to vector<16xi32>
    %gather3A_250 = tpu.vector_load_idx %arg11[%iota3A_218, %broadcast_in_dim3A_249] : memref<16x16xf32, #tpu.memory_space<vmem>>[vector<16xi32>, vector<16xi32>], vector<16xf32>,
    %add3A_251 = arith.addf %add3A_245, %gather3A_250 : vector<16xf32>
    %gather3A_252 = tpu.vector_load_idx %arg12[%iota3A_218, %broadcast_in_dim3A_249] : memref<16x16xf32, #tpu.memory_space<vmem>>[vector<16xi32>, vector<16xi32>], vector<16xf32>,
    %add3A_253 = arith.addf %add3A_247, %gather3A_252 : vector<16xf32>
    %broadcast_in_dim3A_254 = arith.constant 4 : i32
    %broadcast_in_dim3A_255 = vector.broadcast %broadcast_in_dim3A_254 : i32 to vector<16xi32>
    %gather3A_256 = tpu.vector_load_idx %arg11[%iota3A_218, %broadcast_in_dim3A_255] : memref<16x16xf32, #tpu.memory_space<vmem>>[vector<16xi32>, vector<16xi32>], vector<16xf32>,
    %add3A_257 = arith.addf %add3A_251, %gather3A_256 : vector<16xf32>
    %gather3A_258 = tpu.vector_load_idx %arg12[%iota3A_218, %broadcast_in_dim3A_255] : memref<16x16xf32, #tpu.memory_space<vmem>>[vector<16xi32>, vector<16xi32>], vector<16xf32>,
    %add3A_259 = arith.addf %add3A_253, %gather3A_258 : vector<16xf32>
    %broadcast_in_dim3A_260 = arith.constant 5 : i32
    %broadcast_in_dim3A_261 = vector.broadcast %broadcast_in_dim3A_260 : i32 to vector<16xi32>
    %gather3A_262 = tpu.vector_load_idx %arg11[%iota3A_218, %broadcast_in_dim3A_261] : memref<16x16xf32, #tpu.memory_space<vmem>>[vector<16xi32>, vector<16xi32>], vector<16xf32>,
    %add3A_263 = arith.addf %add3A_257, %gather3A_262 : vector<16xf32>
    %gather3A_264 = tpu.vector_load_idx %arg12[%iota3A_218, %broadcast_in_dim3A_261] : memref<16x16xf32, #tpu.memory_space<vmem>>[vector<16xi32>, vector<16xi32>], vector<16xf32>,
    %add3A_265 = arith.addf %add3A_259, %gather3A_264 : vector<16xf32>
    %broadcast_in_dim3A_266 = arith.constant 6 : i32
    %broadcast_in_dim3A_267 = vector.broadcast %broadcast_in_dim3A_266 : i32 to vector<16xi32>
    %gather3A_268 = tpu.vector_load_idx %arg11[%iota3A_218, %broadcast_in_dim3A_267] : memref<16x16xf32, #tpu.memory_space<vmem>>[vector<16xi32>, vector<16xi32>], vector<16xf32>,
    %add3A_269 = arith.addf %add3A_263, %gather3A_268 : vector<16xf32>
    %gather3A_270 = tpu.vector_load_idx %arg12[%iota3A_218, %broadcast_in_dim3A_267] : memref<16x16xf32, #tpu.memory_space<vmem>>[vector<16xi32>, vector<16xi32>], vector<16xf32>,
    %add3A_271 = arith.addf %add3A_265, %gather3A_270 : vector<16xf32>
    %broadcast_in_dim3A_272 = arith.constant 7 : i32
    %broadcast_in_dim3A_273 = vector.broadcast %broadcast_in_dim3A_272 : i32 to vector<16xi32>
    %gather3A_274 = tpu.vector_load_idx %arg11[%iota3A_218, %broadcast_in_dim3A_273] : memref<16x16xf32, #tpu.memory_space<vmem>>[vector<16xi32>, vector<16xi32>], vector<16xf32>,
    %add3A_275 = arith.addf %add3A_269, %gather3A_274 : vector<16xf32>
    %gather3A_276 = tpu.vector_load_idx %arg12[%iota3A_218, %broadcast_in_dim3A_273] : memref<16x16xf32, #tpu.memory_space<vmem>>[vector<16xi32>, vector<16xi32>], vector<16xf32>,
    %add3A_277 = arith.addf %add3A_271, %gather3A_276 : vector<16xf32>
    %broadcast_in_dim3A_278 = arith.constant 8 : i32
    %broadcast_in_dim3A_279 = vector.broadcast %broadcast_in_dim3A_278 : i32 to vector<16xi32>
    %gather3A_280 = tpu.vector_load_idx %arg11[%iota3A_218, %broadcast_in_dim3A_279] : memref<16x16xf32, #tpu.memory_space<vmem>>[vector<16xi32>, vector<16xi32>], vector<16xf32>,
    %add3A_281 = arith.addf %add3A_275, %gather3A_280 : vector<16xf32>
    %gather3A_282 = tpu.vector_load_idx %arg12[%iota3A_218, %broadcast_in_dim3A_279] : memref<16x16xf32, #tpu.memory_space<vmem>>[vector<16xi32>, vector<16xi32>], vector<16xf32>,
    %add3A_283 = arith.addf %add3A_277, %gather3A_282 : vector<16xf32>
    %broadcast_in_dim3A_284 = arith.constant 9 : i32
    %broadcast_in_dim3A_285 = vector.broadcast %broadcast_in_dim3A_284 : i32 to vector<16xi32>
    %gather3A_286 = tpu.vector_load_idx %arg11[%iota3A_218, %broadcast_in_dim3A_285] : memref<16x16xf32, #tpu.memory_space<vmem>>[vector<16xi32>, vector<16xi32>], vector<16xf32>,
    %add3A_287 = arith.addf %add3A_281, %gather3A_286 : vector<16xf32>
    %gather3A_288 = tpu.vector_load_idx %arg12[%iota3A_218, %broadcast_in_dim3A_285] : memref<16x16xf32, #tpu.memory_space<vmem>>[vector<16xi32>, vector<16xi32>], vector<16xf32>,
    %add3A_289 = arith.addf %add3A_283, %gather3A_288 : vector<16xf32>
    %broadcast_in_dim3A_290 = arith.constant 10 : i32
    %broadcast_in_dim3A_291 = vector.broadcast %broadcast_in_dim3A_290 : i32 to vector<16xi32>
    %gather3A_292 = tpu.vector_load_idx %arg11[%iota3A_218, %broadcast_in_dim3A_291] : memref<16x16xf32, #tpu.memory_space<vmem>>[vector<16xi32>, vector<16xi32>], vector<16xf32>,
    %add3A_293 = arith.addf %add3A_287, %gather3A_292 : vector<16xf32>
    %gather3A_294 = tpu.vector_load_idx %arg12[%iota3A_218, %broadcast_in_dim3A_291] : memref<16x16xf32, #tpu.memory_space<vmem>>[vector<16xi32>, vector<16xi32>], vector<16xf32>,
    %add3A_295 = arith.addf %add3A_289, %gather3A_294 : vector<16xf32>
    %broadcast_in_dim3A_296 = arith.constant 11 : i32
    %broadcast_in_dim3A_297 = vector.broadcast %broadcast_in_dim3A_296 : i32 to vector<16xi32>
    %gather3A_298 = tpu.vector_load_idx %arg11[%iota3A_218, %broadcast_in_dim3A_297] : memref<16x16xf32, #tpu.memory_space<vmem>>[vector<16xi32>, vector<16xi32>], vector<16xf32>,
    %add3A_299 = arith.addf %add3A_293, %gather3A_298 : vector<16xf32>
    %gather3A_300 = tpu.vector_load_idx %arg12[%iota3A_218, %broadcast_in_dim3A_297] : memref<16x16xf32, #tpu.memory_space<vmem>>[vector<16xi32>, vector<16xi32>], vector<16xf32>,
    %add3A_301 = arith.addf %add3A_295, %gather3A_300 : vector<16xf32>
    %broadcast_in_dim3A_302 = arith.constant 12 : i32
    %broadcast_in_dim3A_303 = vector.broadcast %broadcast_in_dim3A_302 : i32 to vector<16xi32>
    %gather3A_304 = tpu.vector_load_idx %arg11[%iota3A_218, %broadcast_in_dim3A_303] : memref<16x16xf32, #tpu.memory_space<vmem>>[vector<16xi32>, vector<16xi32>], vector<16xf32>,
    %add3A_305 = arith.addf %add3A_299, %gather3A_304 : vector<16xf32>
    %gather3A_306 = tpu.vector_load_idx %arg12[%iota3A_218, %broadcast_in_dim3A_303] : memref<16x16xf32, #tpu.memory_space<vmem>>[vector<16xi32>, vector<16xi32>], vector<16xf32>,
    %add3A_307 = arith.addf %add3A_301, %gather3A_306 : vector<16xf32>
    %broadcast_in_dim3A_308 = arith.constant 13 : i32
    %broadcast_in_dim3A_309 = vector.broadcast %broadcast_in_dim3A_308 : i32 to vector<16xi32>
    %gather3A_310 = tpu.vector_load_idx %arg11[%iota3A_218, %broadcast_in_dim3A_309] : memref<16x16xf32, #tpu.memory_space<vmem>>[vector<16xi32>, vector<16xi32>], vector<16xf32>,
    %add3A_311 = arith.addf %add3A_305, %gather3A_310 : vector<16xf32>
    %gather3A_312 = tpu.vector_load_idx %arg12[%iota3A_218, %broadcast_in_dim3A_309] : memref<16x16xf32, #tpu.memory_space<vmem>>[vector<16xi32>, vector<16xi32>], vector<16xf32>,
    %add3A_313 = arith.addf %add3A_307, %gather3A_312 : vector<16xf32>
    %broadcast_in_dim3A_314 = arith.constant 14 : i32
    %broadcast_in_dim3A_315 = vector.broadcast %broadcast_in_dim3A_314 : i32 to vector<16xi32>
    %gather3A_316 = tpu.vector_load_idx %arg11[%iota3A_218, %broadcast_in_dim3A_315] : memref<16x16xf32, #tpu.memory_space<vmem>>[vector<16xi32>, vector<16xi32>], vector<16xf32>,
    %add3A_317 = arith.addf %add3A_311, %gather3A_316 : vector<16xf32>
    %gather3A_318 = tpu.vector_load_idx %arg12[%iota3A_218, %broadcast_in_dim3A_315] : memref<16x16xf32, #tpu.memory_space<vmem>>[vector<16xi32>, vector<16xi32>], vector<16xf32>,
    %add3A_319 = arith.addf %add3A_313, %gather3A_318 : vector<16xf32>
    %broadcast_in_dim3A_320 = arith.constant 15 : i32
    %broadcast_in_dim3A_321 = vector.broadcast %broadcast_in_dim3A_320 : i32 to vector<16xi32>
    %gather3A_322 = tpu.vector_load_idx %arg11[%iota3A_218, %broadcast_in_dim3A_321] : memref<16x16xf32, #tpu.memory_space<vmem>>[vector<16xi32>, vector<16xi32>], vector<16xf32>,
    %add3A_323 = arith.addf %add3A_317, %gather3A_322 : vector<16xf32>
    %gather3A_324 = tpu.vector_load_idx %arg12[%iota3A_218, %broadcast_in_dim3A_321] : memref<16x16xf32, #tpu.memory_space<vmem>>[vector<16xi32>, vector<16xi32>], vector<16xf32>,
    %add3A_325 = arith.addf %add3A_319, %gather3A_324 : vector<16xf32>
    %mul3A_326 = arith.constant 9.765625E-4 : f32
    %mul3A_327 = vector.broadcast %mul3A_326 : f32 to vector<16xf32>
    %mul3A_328 = arith.mulf %add3A_323, %mul3A_327 : vector<16xf32>
    %mul3A_329 = arith.constant 9.765625E-4 : f32
    %mul3A_330 = vector.broadcast %mul3A_329 : f32 to vector<16xf32>
    %mul3A_331 = arith.mulf %add3A_325, %mul3A_330 : vector<16xf32>
    %mul3A_332 = arith.mulf %mul3A_328, %mul3A_328 : vector<16xf32>
    %sub3A_333 = arith.subf %mul3A_331, %mul3A_332 : vector<16xf32>
    %add3A_334 = arith.constant 9.99999974E-6 : f32
    %add3A_335 = vector.broadcast %add3A_334 : f32 to vector<16xf32>
    %add3A_336 = arith.addf %sub3A_333, %add3A_335 : vector<16xf32>
    %add3A_337 = arith.constant 1.000000e+00 : f32
    %add3A_338 = vector.broadcast %add3A_337 : f32 to vector<16xf32>
    %add3A_339 = arith.addf %add3A_338, %add3A_336 : vector<16xf32>
    %mul3A_340 = arith.constant 5.000000e-01 : f32
    %mul3A_341 = vector.broadcast %mul3A_340 : f32 to vector<16xf32>
    %mul3A_342 = arith.mulf %mul3A_341, %add3A_339 : vector<16xf32>
    %div3A_343 = arith.divf %add3A_336, %mul3A_342 : vector<16xf32>
    %add3A_344 = arith.addf %mul3A_342, %div3A_343 : vector<16xf32>
    %mul3A_345 = arith.constant 5.000000e-01 : f32
    %mul3A_346 = vector.broadcast %mul3A_345 : f32 to vector<16xf32>
    %mul3A_347 = arith.mulf %mul3A_346, %add3A_344 : vector<16xf32>
    %div3A_348 = arith.divf %add3A_336, %mul3A_347 : vector<16xf32>
    %add3A_349 = arith.addf %mul3A_347, %div3A_348 : vector<16xf32>
    %mul3A_350 = arith.constant 5.000000e-01 : f32
    %mul3A_351 = vector.broadcast %mul3A_350 : f32 to vector<16xf32>
    %mul3A_352 = arith.mulf %mul3A_351, %add3A_349 : vector<16xf32>
    %div3A_353 = arith.divf %add3A_336, %mul3A_352 : vector<16xf32>
    %add3A_354 = arith.addf %mul3A_352, %div3A_353 : vector<16xf32>
    %mul3A_355 = arith.constant 5.000000e-01 : f32
    %mul3A_356 = vector.broadcast %mul3A_355 : f32 to vector<16xf32>
    %mul3A_357 = arith.mulf %mul3A_356, %add3A_354 : vector<16xf32>
    %div3A_358 = arith.divf %add3A_336, %mul3A_357 : vector<16xf32>
    %add3A_359 = arith.addf %mul3A_357, %div3A_358 : vector<16xf32>
    %mul3A_360 = arith.constant 5.000000e-01 : f32
    %mul3A_361 = vector.broadcast %mul3A_360 : f32 to vector<16xf32>
    %mul3A_362 = arith.mulf %mul3A_361, %add3A_359 : vector<16xf32>
    %div3A_363 = arith.divf %add3A_336, %mul3A_362 : vector<16xf32>
    %add3A_364 = arith.addf %mul3A_362, %div3A_363 : vector<16xf32>
    %mul3A_365 = arith.constant 5.000000e-01 : f32
    %mul3A_366 = vector.broadcast %mul3A_365 : f32 to vector<16xf32>
    %mul3A_367 = arith.mulf %mul3A_366, %add3A_364 : vector<16xf32>
    %div3A_368 = arith.divf %add3A_336, %mul3A_367 : vector<16xf32>
    %add3A_369 = arith.addf %mul3A_367, %div3A_368 : vector<16xf32>
    %mul3A_370 = arith.constant 5.000000e-01 : f32
    %mul3A_371 = vector.broadcast %mul3A_370 : f32 to vector<16xf32>
    %mul3A_372 = arith.mulf %mul3A_371, %add3A_369 : vector<16xf32>
    %div3A_373 = arith.divf %add3A_336, %mul3A_372 : vector<16xf32>
    %add3A_374 = arith.addf %mul3A_372, %div3A_373 : vector<16xf32>
    %mul3A_375 = arith.constant 5.000000e-01 : f32
    %mul3A_376 = vector.broadcast %mul3A_375 : f32 to vector<16xf32>
    %mul3A_377 = arith.mulf %mul3A_376, %add3A_374 : vector<16xf32>
    %div3A_378 = arith.divf %add3A_336, %mul3A_377 : vector<16xf32>
    %add3A_379 = arith.addf %mul3A_377, %div3A_378 : vector<16xf32>
    %mul3A_380 = arith.constant 5.000000e-01 : f32
    %mul3A_381 = vector.broadcast %mul3A_380 : f32 to vector<16xf32>
    %mul3A_382 = arith.mulf %mul3A_381, %add3A_379 : vector<16xf32>
    %div3A_383 = arith.divf %add3A_336, %mul3A_382 : vector<16xf32>
    %add3A_384 = arith.addf %mul3A_382, %div3A_383 : vector<16xf32>
    %mul3A_385 = arith.constant 5.000000e-01 : f32
    %mul3A_386 = vector.broadcast %mul3A_385 : f32 to vector<16xf32>
    %mul3A_387 = arith.mulf %mul3A_386, %add3A_384 : vector<16xf32>
    %div3A_388 = arith.divf %add3A_336, %mul3A_387 : vector<16xf32>
    %add3A_389 = arith.addf %mul3A_387, %div3A_388 : vector<16xf32>
    %mul3A_390 = arith.constant 5.000000e-01 : f32
    %mul3A_391 = vector.broadcast %mul3A_390 : f32 to vector<16xf32>
    %mul3A_392 = arith.mulf %mul3A_391, %add3A_389 : vector<16xf32>
    %div3A_393 = arith.divf %add3A_336, %mul3A_392 : vector<16xf32>
    %add3A_394 = arith.addf %mul3A_392, %div3A_393 : vector<16xf32>
    %mul3A_395 = arith.constant 5.000000e-01 : f32
    %mul3A_396 = vector.broadcast %mul3A_395 : f32 to vector<16xf32>
    %mul3A_397 = arith.mulf %mul3A_396, %add3A_394 : vector<16xf32>
    %div3A_398 = arith.divf %add3A_336, %mul3A_397 : vector<16xf32>
    %add3A_399 = arith.addf %mul3A_397, %div3A_398 : vector<16xf32>
    %mul3A_400 = arith.constant 5.000000e-01 : f32
    %mul3A_401 = vector.broadcast %mul3A_400 : f32 to vector<16xf32>
    %mul3A_402 = arith.mulf %mul3A_401, %add3A_399 : vector<16xf32>
    %div3A_403 = arith.constant 1.000000e+00 : f32
    %div3A_404 = vector.broadcast %div3A_403 : f32 to vector<16xf32>
    %div3A_405 = arith.divf %div3A_404, %mul3A_402 : vector<16xf32>
    %mul3A_406 = arith.mulf %get3A_12, %div3A_405 : vector<16xf32>
    %scan3A_407 = arith.constant 0 : i32
    %scan3A_408 = arith.constant 0 : i32
    %scan3A_409 = arith.constant 16 : i32
    %scan3A_410 = arith.addi %scan3A_408, %scan3A_409 : i32
    %scan3A_411 = arith.constant 1 : i32
    %scan3A_412 = scf.for %scan3A_432 = %scan3A_408 to %scan3A_410 step %scan3A_411 iter_args(%scan3A_433 = %scan3A_407) -> (i32)  : i32 {
      %broadcast_in_dim3A_434 = vector.broadcast %scan3A_432 : i32 to vector<16xi32>
      %broadcast_in_dim3A_435 = vector.shape_cast %broadcast_in_dim3A_434 : vector<16xi32> to vector<16x1xi32>
      %gather3A_436 = vector.shape_cast %broadcast_in_dim3A_435 : vector<16x1xi32> to vector<16xi32>
      %gather3A_437 = tpu.dynamic_gather %mul3A_328[%gather3A_436] in [0] : vector<16xf32>, vector<16xi32> -> vector<16xf32>
      %broadcast_in_dim3A_438 = vector.broadcast %scan3A_432 : i32 to vector<16xi32>
      %broadcast_in_dim3A_439 = vector.shape_cast %broadcast_in_dim3A_438 : vector<16xi32> to vector<16x1xi32>
      %gather3A_440 = vector.shape_cast %broadcast_in_dim3A_439 : vector<16x1xi32> to vector<16xi32>
      %gather3A_441 = tpu.dynamic_gather %mul3A_406[%gather3A_440] in [0] : vector<16xf32>, vector<16xi32> -> vector<16xf32>
      %get3A_442 = arith.index_cast %scan3A_432 : i32 to index
      %get3A_443 = arith.constant 0 : index
      %get3A_444 = tpu.vector_load %arg8[%get3A_442, %get3A_443] {strides = array<i32>} : memref<16x1024xf32, #tpu.memory_space<vmem>>, vector<16xf32>,
      %sub3A_445 = arith.subf %get3A_444, %gather3A_437 : vector<16xf32>
      %mul3A_446 = arith.mulf %sub3A_445, %gather3A_441 : vector<16xf32>
      %swap3A = arith.index_cast %scan3A_432 : i32 to index
      %swap3A_447 = arith.constant 0 : index
      %swap3A_448 = tpu.vector_load %arg10[%swap3A, %swap3A_447] {strides = array<i32>} : memref<16x1024xf32, #tpu.memory_space<vmem>>, vector<16xf32>,
      tpu.vector_store %arg10[%swap3A, %swap3A_447], %mul3A_446 {strides = array<i32>} : memref<16x1024xf32, #tpu.memory_space<vmem>>, vector<16xf32>,
      %get3A_449 = arith.index_cast %scan3A_432 : i32 to index
      %get3A_450 = arith.constant 16 : index
      %get3A_451 = tpu.vector_load %arg8[%get3A_449, %get3A_450] {strides = array<i32>} : memref<16x1024xf32, #tpu.memory_space<vmem>>, vector<16xf32>,
      %sub3A_452 = arith.subf %get3A_451, %gather3A_437 : vector<16xf32>
      %mul3A_453 = arith.mulf %sub3A_452, %gather3A_441 : vector<16xf32>
      %swap3A_454 = arith.index_cast %scan3A_432 : i32 to index
      %swap3A_455 = arith.constant 16 : index
      %swap3A_456 = tpu.vector_load %arg10[%swap3A_454, %swap3A_455] {strides = array<i32>} : memref<16x1024xf32, #tpu.memory_space<vmem>>, vector<16xf32>,
      tpu.vector_store %arg10[%swap3A_454, %swap3A_455], %mul3A_453 {strides = array<i32>} : memref<16x1024xf32, #tpu.memory_space<vmem>>, vector<16xf32>,
      %get3A_457 = arith.index_cast %scan3A_432 : i32 to index
      %get3A_458 = arith.constant 32 : index
      %get3A_459 = tpu.vector_load %arg8[%get3A_457, %get3A_458] {strides = array<i32>} : memref<16x1024xf32, #tpu.memory_space<vmem>>, vector<16xf32>,
      %sub3A_460 = arith.subf %get3A_459, %gather3A_437 : vector<16xf32>
      %mul3A_461 = arith.mulf %sub3A_460, %gather3A_441 : vector<16xf32>
      %swap3A_462 = arith.index_cast %scan3A_432 : i32 to index
      %swap3A_463 = arith.constant 32 : index
      %swap3A_464 = tpu.vector_load %arg10[%swap3A_462, %swap3A_463] {strides = array<i32>} : memref<16x1024xf32, #tpu.memory_space<vmem>>, vector<16xf32>,
      tpu.vector_store %arg10[%swap3A_462, %swap3A_463], %mul3A_461 {strides = array<i32>} : memref<16x1024xf32, #tpu.memory_space<vmem>>, vector<16xf32>,
      %get3A_465 = arith.index_cast %scan3A_432 : i32 to index
      %get3A_466 = arith.constant 48 : index
      %get3A_467 = tpu.vector_load %arg8[%get3A_465, %get3A_466] {strides = array<i32>} : memref<16x1024xf32, #tpu.memory_space<vmem>>, vector<16xf32>,
      %sub3A_468 = arith.subf %get3A_467, %gather3A_437 : vector<16xf32>
      %mul3A_469 = arith.mulf %sub3A_468, %gather3A_441 : vector<16xf32>
      %swap3A_470 = arith.index_cast %scan3A_432 : i32 to index
      %swap3A_471 = arith.constant 48 : index
      %swap3A_472 = tpu.vector_load %arg10[%swap3A_470, %swap3A_471] {strides = array<i32>} : memref<16x1024xf32, #tpu.memory_space<vmem>>, vector<16xf32>,
      tpu.vector_store %arg10[%swap3A_470, %swap3A_471], %mul3A_469 {strides = array<i32>} : memref<16x1024xf32, #tpu.memory_space<vmem>>, vector<16xf32>,
      %get3A_473 = arith.index_cast %scan3A_432 : i32 to index
      %get3A_474 = arith.constant 64 : index
      %get3A_475 = tpu.vector_load %arg8[%get3A_473, %get3A_474] {strides = array<i32>} : memref<16x1024xf32, #tpu.memory_space<vmem>>, vector<16xf32>,
      %sub3A_476 = arith.subf %get3A_475, %gather3A_437 : vector<16xf32>
      %mul3A_477 = arith.mulf %sub3A_476, %gather3A_441 : vector<16xf32>
      %swap3A_478 = arith.index_cast %scan3A_432 : i32 to index
      %swap3A_479 = arith.constant 64 : index
      %swap3A_480 = tpu.vector_load %arg10[%swap3A_478, %swap3A_479] {strides = array<i32>} : memref<16x1024xf32, #tpu.memory_space<vmem>>, vector<16xf32>,
      tpu.vector_store %arg10[%swap3A_478, %swap3A_479], %mul3A_477 {strides = array<i32>} : memref<16x1024xf32, #tpu.memory_space<vmem>>, vector<16xf32>,
      %get3A_481 = arith.index_cast %scan3A_432 : i32 to index
      %get3A_482 = arith.constant 80 : index
      %get3A_483 = tpu.vector_load %arg8[%get3A_481, %get3A_482] {strides = array<i32>} : memref<16x1024xf32, #tpu.memory_space<vmem>>, vector<16xf32>,
      %sub3A_484 = arith.subf %get3A_483, %gather3A_437 : vector<16xf32>
      %mul3A_485 = arith.mulf %sub3A_484, %gather3A_441 : vector<16xf32>
      %swap3A_486 = arith.index_cast %scan3A_432 : i32 to index
      %swap3A_487 = arith.constant 80 : index
      %swap3A_488 = tpu.vector_load %arg10[%swap3A_486, %swap3A_487] {strides = array<i32>} : memref<16x1024xf32, #tpu.memory_space<vmem>>, vector<16xf32>,
      tpu.vector_store %arg10[%swap3A_486, %swap3A_487], %mul3A_485 {strides = array<i32>} : memref<16x1024xf32, #tpu.memory_space<vmem>>, vector<16xf32>,
      %get3A_489 = arith.index_cast %scan3A_432 : i32 to index
      %get3A_490 = arith.constant 96 : index
      %get3A_491 = tpu.vector_load %arg8[%get3A_489, %get3A_490] {strides = array<i32>} : memref<16x1024xf32, #tpu.memory_space<vmem>>, vector<16xf32>,
      %sub3A_492 = arith.subf %get3A_491, %gather3A_437 : vector<16xf32>
      %mul3A_493 = arith.mulf %sub3A_492, %gather3A_441 : vector<16xf32>
      %swap3A_494 = arith.index_cast %scan3A_432 : i32 to index
      %swap3A_495 = arith.constant 96 : index
      %swap3A_496 = tpu.vector_load %arg10[%swap3A_494, %swap3A_495] {strides = array<i32>} : memref<16x1024xf32, #tpu.memory_space<vmem>>, vector<16xf32>,
      tpu.vector_store %arg10[%swap3A_494, %swap3A_495], %mul3A_493 {strides = array<i32>} : memref<16x1024xf32, #tpu.memory_space<vmem>>, vector<16xf32>,
      %get3A_497 = arith.index_cast %scan3A_432 : i32 to index
      %get3A_498 = arith.constant 112 : index
      %get3A_499 = tpu.vector_load %arg8[%get3A_497, %get3A_498] {strides = array<i32>} : memref<16x1024xf32, #tpu.memory_space<vmem>>, vector<16xf32>,
      %sub3A_500 = arith.subf %get3A_499, %gather3A_437 : vector<16xf32>
      %mul3A_501 = arith.mulf %sub3A_500, %gather3A_441 : vector<16xf32>
      %swap3A_502 = arith.index_cast %scan3A_432 : i32 to index
      %swap3A_503 = arith.constant 112 : index
      %swap3A_504 = tpu.vector_load %arg10[%swap3A_502, %swap3A_503] {strides = array<i32>} : memref<16x1024xf32, #tpu.memory_space<vmem>>, vector<16xf32>,
      tpu.vector_store %arg10[%swap3A_502, %swap3A_503], %mul3A_501 {strides = array<i32>} : memref<16x1024xf32, #tpu.memory_space<vmem>>, vector<16xf32>,
      %get3A_505 = arith.index_cast %scan3A_432 : i32 to index
      %get3A_506 = arith.constant 128 : index
      %get3A_507 = tpu.vector_load %arg8[%get3A_505, %get3A_506] {strides = array<i32>} : memref<16x1024xf32, #tpu.memory_space<vmem>>, vector<16xf32>,
      %sub3A_508 = arith.subf %get3A_507, %gather3A_437 : vector<16xf32>
      %mul3A_509 = arith.mulf %sub3A_508, %gather3A_441 : vector<16xf32>
      %swap3A_510 = arith.index_cast %scan3A_432 : i32 to index
      %swap3A_511 = arith.constant 128 : index
      %swap3A_512 = tpu.vector_load %arg10[%swap3A_510, %swap3A_511] {strides = array<i32>} : memref<16x1024xf32, #tpu.memory_space<vmem>>, vector<16xf32>,
      tpu.vector_store %arg10[%swap3A_510, %swap3A_511], %mul3A_509 {strides = array<i32>} : memref<16x1024xf32, #tpu.memory_space<vmem>>, vector<16xf32>,
      %get3A_513 = arith.index_cast %scan3A_432 : i32 to index
      %get3A_514 = arith.constant 144 : index
      %get3A_515 = tpu.vector_load %arg8[%get3A_513, %get3A_514] {strides = array<i32>} : memref<16x1024xf32, #tpu.memory_space<vmem>>, vector<16xf32>,
      %sub3A_516 = arith.subf %get3A_515, %gather3A_437 : vector<16xf32>
      %mul3A_517 = arith.mulf %sub3A_516, %gather3A_441 : vector<16xf32>
      %swap3A_518 = arith.index_cast %scan3A_432 : i32 to index
      %swap3A_519 = arith.constant 144 : index
      %swap3A_520 = tpu.vector_load %arg10[%swap3A_518, %swap3A_519] {strides = array<i32>} : memref<16x1024xf32, #tpu.memory_space<vmem>>, vector<16xf32>,
      tpu.vector_store %arg10[%swap3A_518, %swap3A_519], %mul3A_517 {strides = array<i32>} : memref<16x1024xf32, #tpu.memory_space<vmem>>, vector<16xf32>,
      %get3A_521 = arith.index_cast %scan3A_432 : i32 to index
      %get3A_522 = arith.constant 160 : index
      %get3A_523 = tpu.vector_load %arg8[%get3A_521, %get3A_522] {strides = array<i32>} : memref<16x1024xf32, #tpu.memory_space<vmem>>, vector<16xf32>,
      %sub3A_524 = arith.subf %get3A_523, %gather3A_437 : vector<16xf32>
      %mul3A_525 = arith.mulf %sub3A_524, %gather3A_441 : vector<16xf32>
      %swap3A_526 = arith.index_cast %scan3A_432 : i32 to index
      %swap3A_527 = arith.constant 160 : index
      %swap3A_528 = tpu.vector_load %arg10[%swap3A_526, %swap3A_527] {strides = array<i32>} : memref<16x1024xf32, #tpu.memory_space<vmem>>, vector<16xf32>,
      tpu.vector_store %arg10[%swap3A_526, %swap3A_527], %mul3A_525 {strides = array<i32>} : memref<16x1024xf32, #tpu.memory_space<vmem>>, vector<16xf32>,
      %get3A_529 = arith.index_cast %scan3A_432 : i32 to index
      %get3A_530 = arith.constant 176 : index
      %get3A_531 = tpu.vector_load %arg8[%get3A_529, %get3A_530] {strides = array<i32>} : memref<16x1024xf32, #tpu.memory_space<vmem>>, vector<16xf32>,
      %sub3A_532 = arith.subf %get3A_531, %gather3A_437 : vector<16xf32>
      %mul3A_533 = arith.mulf %sub3A_532, %gather3A_441 : vector<16xf32>
      %swap3A_534 = arith.index_cast %scan3A_432 : i32 to index
      %swap3A_535 = arith.constant 176 : index
      %swap3A_536 = tpu.vector_load %arg10[%swap3A_534, %swap3A_535] {strides = array<i32>} : memref<16x1024xf32, #tpu.memory_space<vmem>>, vector<16xf32>,
      tpu.vector_store %arg10[%swap3A_534, %swap3A_535], %mul3A_533 {strides = array<i32>} : memref<16x1024xf32, #tpu.memory_space<vmem>>, vector<16xf32>,
      %get3A_537 = arith.index_cast %scan3A_432 : i32 to index
      %get3A_538 = arith.constant 192 : index
      %get3A_539 = tpu.vector_load %arg8[%get3A_537, %get3A_538] {strides = array<i32>} : memref<16x1024xf32, #tpu.memory_space<vmem>>, vector<16xf32>,
      %sub3A_540 = arith.subf %get3A_539, %gather3A_437 : vector<16xf32>
      %mul3A_541 = arith.mulf %sub3A_540, %gather3A_441 : vector<16xf32>
      %swap3A_542 = arith.index_cast %scan3A_432 : i32 to index
      %swap3A_543 = arith.constant 192 : index
      %swap3A_544 = tpu.vector_load %arg10[%swap3A_542, %swap3A_543] {strides = array<i32>} : memref<16x1024xf32, #tpu.memory_space<vmem>>, vector<16xf32>,
      tpu.vector_store %arg10[%swap3A_542, %swap3A_543], %mul3A_541 {strides = array<i32>} : memref<16x1024xf32, #tpu.memory_space<vmem>>, vector<16xf32>,
      %get3A_545 = arith.index_cast %scan3A_432 : i32 to index
      %get3A_546 = arith.constant 208 : index
      %get3A_547 = tpu.vector_load %arg8[%get3A_545, %get3A_546] {strides = array<i32>} : memref<16x1024xf32, #tpu.memory_space<vmem>>, vector<16xf32>,
      %sub3A_548 = arith.subf %get3A_547, %gather3A_437 : vector<16xf32>
      %mul3A_549 = arith.mulf %sub3A_548, %gather3A_441 : vector<16xf32>
      %swap3A_550 = arith.index_cast %scan3A_432 : i32 to index
      %swap3A_551 = arith.constant 208 : index
      %swap3A_552 = tpu.vector_load %arg10[%swap3A_550, %swap3A_551] {strides = array<i32>} : memref<16x1024xf32, #tpu.memory_space<vmem>>, vector<16xf32>,
      tpu.vector_store %arg10[%swap3A_550, %swap3A_551], %mul3A_549 {strides = array<i32>} : memref<16x1024xf32, #tpu.memory_space<vmem>>, vector<16xf32>,
      %get3A_553 = arith.index_cast %scan3A_432 : i32 to index
      %get3A_554 = arith.constant 224 : index
      %get3A_555 = tpu.vector_load %arg8[%get3A_553, %get3A_554] {strides = array<i32>} : memref<16x1024xf32, #tpu.memory_space<vmem>>, vector<16xf32>,
      %sub3A_556 = arith.subf %get3A_555, %gather3A_437 : vector<16xf32>
      %mul3A_557 = arith.mulf %sub3A_556, %gather3A_441 : vector<16xf32>
      %swap3A_558 = arith.index_cast %scan3A_432 : i32 to index
      %swap3A_559 = arith.constant 224 : index
      %swap3A_560 = tpu.vector_load %arg10[%swap3A_558, %swap3A_559] {strides = array<i32>} : memref<16x1024xf32, #tpu.memory_space<vmem>>, vector<16xf32>,
      tpu.vector_store %arg10[%swap3A_558, %swap3A_559], %mul3A_557 {strides = array<i32>} : memref<16x1024xf32, #tpu.memory_space<vmem>>, vector<16xf32>,
      %get3A_561 = arith.index_cast %scan3A_432 : i32 to index
      %get3A_562 = arith.constant 240 : index
      %get3A_563 = tpu.vector_load %arg8[%get3A_561, %get3A_562] {strides = array<i32>} : memref<16x1024xf32, #tpu.memory_space<vmem>>, vector<16xf32>,
      %sub3A_564 = arith.subf %get3A_563, %gather3A_437 : vector<16xf32>
      %mul3A_565 = arith.mulf %sub3A_564, %gather3A_441 : vector<16xf32>
      %swap3A_566 = arith.index_cast %scan3A_432 : i32 to index
      %swap3A_567 = arith.constant 240 : index
      %swap3A_568 = tpu.vector_load %arg10[%swap3A_566, %swap3A_567] {strides = array<i32>} : memref<16x1024xf32, #tpu.memory_space<vmem>>, vector<16xf32>,
      tpu.vector_store %arg10[%swap3A_566, %swap3A_567], %mul3A_565 {strides = array<i32>} : memref<16x1024xf32, #tpu.memory_space<vmem>>, vector<16xf32>,
      %get3A_569 = arith.index_cast %scan3A_432 : i32 to index
      %get3A_570 = arith.constant 256 : index
      %get3A_571 = tpu.vector_load %arg8[%get3A_569, %get3A_570] {strides = array<i32>} : memref<16x1024xf32, #tpu.memory_space<vmem>>, vector<16xf32>,
      %sub3A_572 = arith.subf %get3A_571, %gather3A_437 : vector<16xf32>
      %mul3A_573 = arith.mulf %sub3A_572, %gather3A_441 : vector<16xf32>
      %swap3A_574 = arith.index_cast %scan3A_432 : i32 to index
      %swap3A_575 = arith.constant 256 : index
      %swap3A_576 = tpu.vector_load %arg10[%swap3A_574, %swap3A_575] {strides = array<i32>} : memref<16x1024xf32, #tpu.memory_space<vmem>>, vector<16xf32>,
      tpu.vector_store %arg10[%swap3A_574, %swap3A_575], %mul3A_573 {strides = array<i32>} : memref<16x1024xf32, #tpu.memory_space<vmem>>, vector<16xf32>,
      %get3A_577 = arith.index_cast %scan3A_432 : i32 to index
      %get3A_578 = arith.constant 272 : index
      %get3A_579 = tpu.vector_load %arg8[%get3A_577, %get3A_578] {strides = array<i32>} : memref<16x1024xf32, #tpu.memory_space<vmem>>, vector<16xf32>,
      %sub3A_580 = arith.subf %get3A_579, %gather3A_437 : vector<16xf32>
      %mul3A_581 = arith.mulf %sub3A_580, %gather3A_441 : vector<16xf32>
      %swap3A_582 = arith.index_cast %scan3A_432 : i32 to index
      %swap3A_583 = arith.constant 272 : index
      %swap3A_584 = tpu.vector_load %arg10[%swap3A_582, %swap3A_583] {strides = array<i32>} : memref<16x1024xf32, #tpu.memory_space<vmem>>, vector<16xf32>,
      tpu.vector_store %arg10[%swap3A_582, %swap3A_583], %mul3A_581 {strides = array<i32>} : memref<16x1024xf32, #tpu.memory_space<vmem>>, vector<16xf32>,
      %get3A_585 = arith.index_cast %scan3A_432 : i32 to index
      %get3A_586 = arith.constant 288 : index
      %get3A_587 = tpu.vector_load %arg8[%get3A_585, %get3A_586] {strides = array<i32>} : memref<16x1024xf32, #tpu.memory_space<vmem>>, vector<16xf32>,
      %sub3A_588 = arith.subf %get3A_587, %gather3A_437 : vector<16xf32>
      %mul3A_589 = arith.mulf %sub3A_588, %gather3A_441 : vector<16xf32>
      %swap3A_590 = arith.index_cast %scan3A_432 : i32 to index
      %swap3A_591 = arith.constant 288 : index
      %swap3A_592 = tpu.vector_load %arg10[%swap3A_590, %swap3A_591] {strides = array<i32>} : memref<16x1024xf32, #tpu.memory_space<vmem>>, vector<16xf32>,
      tpu.vector_store %arg10[%swap3A_590, %swap3A_591], %mul3A_589 {strides = array<i32>} : memref<16x1024xf32, #tpu.memory_space<vmem>>, vector<16xf32>,
      %get3A_593 = arith.index_cast %scan3A_432 : i32 to index
      %get3A_594 = arith.constant 304 : index
      %get3A_595 = tpu.vector_load %arg8[%get3A_593, %get3A_594] {strides = array<i32>} : memref<16x1024xf32, #tpu.memory_space<vmem>>, vector<16xf32>,
      %sub3A_596 = arith.subf %get3A_595, %gather3A_437 : vector<16xf32>
      %mul3A_597 = arith.mulf %sub3A_596, %gather3A_441 : vector<16xf32>
      %swap3A_598 = arith.index_cast %scan3A_432 : i32 to index
      %swap3A_599 = arith.constant 304 : index
      %swap3A_600 = tpu.vector_load %arg10[%swap3A_598, %swap3A_599] {strides = array<i32>} : memref<16x1024xf32, #tpu.memory_space<vmem>>, vector<16xf32>,
      tpu.vector_store %arg10[%swap3A_598, %swap3A_599], %mul3A_597 {strides = array<i32>} : memref<16x1024xf32, #tpu.memory_space<vmem>>, vector<16xf32>,
      %get3A_601 = arith.index_cast %scan3A_432 : i32 to index
      %get3A_602 = arith.constant 320 : index
      %get3A_603 = tpu.vector_load %arg8[%get3A_601, %get3A_602] {strides = array<i32>} : memref<16x1024xf32, #tpu.memory_space<vmem>>, vector<16xf32>,
      %sub3A_604 = arith.subf %get3A_603, %gather3A_437 : vector<16xf32>
      %mul3A_605 = arith.mulf %sub3A_604, %gather3A_441 : vector<16xf32>
      %swap3A_606 = arith.index_cast %scan3A_432 : i32 to index
      %swap3A_607 = arith.constant 320 : index
      %swap3A_608 = tpu.vector_load %arg10[%swap3A_606, %swap3A_607] {strides = array<i32>} : memref<16x1024xf32, #tpu.memory_space<vmem>>, vector<16xf32>,
      tpu.vector_store %arg10[%swap3A_606, %swap3A_607], %mul3A_605 {strides = array<i32>} : memref<16x1024xf32, #tpu.memory_space<vmem>>, vector<16xf32>,
      %get3A_609 = arith.index_cast %scan3A_432 : i32 to index
      %get3A_610 = arith.constant 336 : index
      %get3A_611 = tpu.vector_load %arg8[%get3A_609, %get3A_610] {strides = array<i32>} : memref<16x1024xf32, #tpu.memory_space<vmem>>, vector<16xf32>,
      %sub3A_612 = arith.subf %get3A_611, %gather3A_437 : vector<16xf32>
      %mul3A_613 = arith.mulf %sub3A_612, %gather3A_441 : vector<16xf32>
      %swap3A_614 = arith.index_cast %scan3A_432 : i32 to index
      %swap3A_615 = arith.constant 336 : index
      %swap3A_616 = tpu.vector_load %arg10[%swap3A_614, %swap3A_615] {strides = array<i32>} : memref<16x1024xf32, #tpu.memory_space<vmem>>, vector<16xf32>,
      tpu.vector_store %arg10[%swap3A_614, %swap3A_615], %mul3A_613 {strides = array<i32>} : memref<16x1024xf32, #tpu.memory_space<vmem>>, vector<16xf32>,
      %get3A_617 = arith.index_cast %scan3A_432 : i32 to index
      %get3A_618 = arith.constant 352 : index
      %get3A_619 = tpu.vector_load %arg8[%get3A_617, %get3A_618] {strides = array<i32>} : memref<16x1024xf32, #tpu.memory_space<vmem>>, vector<16xf32>,
      %sub3A_620 = arith.subf %get3A_619, %gather3A_437 : vector<16xf32>
      %mul3A_621 = arith.mulf %sub3A_620, %gather3A_441 : vector<16xf32>
      %swap3A_622 = arith.index_cast %scan3A_432 : i32 to index
      %swap3A_623 = arith.constant 352 : index
      %swap3A_624 = tpu.vector_load %arg10[%swap3A_622, %swap3A_623] {strides = array<i32>} : memref<16x1024xf32, #tpu.memory_space<vmem>>, vector<16xf32>,
      tpu.vector_store %arg10[%swap3A_622, %swap3A_623], %mul3A_621 {strides = array<i32>} : memref<16x1024xf32, #tpu.memory_space<vmem>>, vector<16xf32>,
      %get3A_625 = arith.index_cast %scan3A_432 : i32 to index
      %get3A_626 = arith.constant 368 : index
      %get3A_627 = tpu.vector_load %arg8[%get3A_625, %get3A_626] {strides = array<i32>} : memref<16x1024xf32, #tpu.memory_space<vmem>>, vector<16xf32>,
      %sub3A_628 = arith.subf %get3A_627, %gather3A_437 : vector<16xf32>
      %mul3A_629 = arith.mulf %sub3A_628, %gather3A_441 : vector<16xf32>
      %swap3A_630 = arith.index_cast %scan3A_432 : i32 to index
      %swap3A_631 = arith.constant 368 : index
      %swap3A_632 = tpu.vector_load %arg10[%swap3A_630, %swap3A_631] {strides = array<i32>} : memref<16x1024xf32, #tpu.memory_space<vmem>>, vector<16xf32>,
      tpu.vector_store %arg10[%swap3A_630, %swap3A_631], %mul3A_629 {strides = array<i32>} : memref<16x1024xf32, #tpu.memory_space<vmem>>, vector<16xf32>,
      %get3A_633 = arith.index_cast %scan3A_432 : i32 to index
      %get3A_634 = arith.constant 384 : index
      %get3A_635 = tpu.vector_load %arg8[%get3A_633, %get3A_634] {strides = array<i32>} : memref<16x1024xf32, #tpu.memory_space<vmem>>, vector<16xf32>,
      %sub3A_636 = arith.subf %get3A_635, %gather3A_437 : vector<16xf32>
      %mul3A_637 = arith.mulf %sub3A_636, %gather3A_441 : vector<16xf32>
      %swap3A_638 = arith.index_cast %scan3A_432 : i32 to index
      %swap3A_639 = arith.constant 384 : index
      %swap3A_640 = tpu.vector_load %arg10[%swap3A_638, %swap3A_639] {strides = array<i32>} : memref<16x1024xf32, #tpu.memory_space<vmem>>, vector<16xf32>,
      tpu.vector_store %arg10[%swap3A_638, %swap3A_639], %mul3A_637 {strides = array<i32>} : memref<16x1024xf32, #tpu.memory_space<vmem>>, vector<16xf32>,
      %get3A_641 = arith.index_cast %scan3A_432 : i32 to index
      %get3A_642 = arith.constant 400 : index
      %get3A_643 = tpu.vector_load %arg8[%get3A_641, %get3A_642] {strides = array<i32>} : memref<16x1024xf32, #tpu.memory_space<vmem>>, vector<16xf32>,
      %sub3A_644 = arith.subf %get3A_643, %gather3A_437 : vector<16xf32>
      %mul3A_645 = arith.mulf %sub3A_644, %gather3A_441 : vector<16xf32>
      %swap3A_646 = arith.index_cast %scan3A_432 : i32 to index
      %swap3A_647 = arith.constant 400 : index
      %swap3A_648 = tpu.vector_load %arg10[%swap3A_646, %swap3A_647] {strides = array<i32>} : memref<16x1024xf32, #tpu.memory_space<vmem>>, vector<16xf32>,
      tpu.vector_store %arg10[%swap3A_646, %swap3A_647], %mul3A_645 {strides = array<i32>} : memref<16x1024xf32, #tpu.memory_space<vmem>>, vector<16xf32>,
      %get3A_649 = arith.index_cast %scan3A_432 : i32 to index
      %get3A_650 = arith.constant 416 : index
      %get3A_651 = tpu.vector_load %arg8[%get3A_649, %get3A_650] {strides = array<i32>} : memref<16x1024xf32, #tpu.memory_space<vmem>>, vector<16xf32>,
      %sub3A_652 = arith.subf %get3A_651, %gather3A_437 : vector<16xf32>
      %mul3A_653 = arith.mulf %sub3A_652, %gather3A_441 : vector<16xf32>
      %swap3A_654 = arith.index_cast %scan3A_432 : i32 to index
      %swap3A_655 = arith.constant 416 : index
      %swap3A_656 = tpu.vector_load %arg10[%swap3A_654, %swap3A_655] {strides = array<i32>} : memref<16x1024xf32, #tpu.memory_space<vmem>>, vector<16xf32>,
      tpu.vector_store %arg10[%swap3A_654, %swap3A_655], %mul3A_653 {strides = array<i32>} : memref<16x1024xf32, #tpu.memory_space<vmem>>, vector<16xf32>,
      %get3A_657 = arith.index_cast %scan3A_432 : i32 to index
      %get3A_658 = arith.constant 432 : index
      %get3A_659 = tpu.vector_load %arg8[%get3A_657, %get3A_658] {strides = array<i32>} : memref<16x1024xf32, #tpu.memory_space<vmem>>, vector<16xf32>,
      %sub3A_660 = arith.subf %get3A_659, %gather3A_437 : vector<16xf32>
      %mul3A_661 = arith.mulf %sub3A_660, %gather3A_441 : vector<16xf32>
      %swap3A_662 = arith.index_cast %scan3A_432 : i32 to index
      %swap3A_663 = arith.constant 432 : index
      %swap3A_664 = tpu.vector_load %arg10[%swap3A_662, %swap3A_663] {strides = array<i32>} : memref<16x1024xf32, #tpu.memory_space<vmem>>, vector<16xf32>,
      tpu.vector_store %arg10[%swap3A_662, %swap3A_663], %mul3A_661 {strides = array<i32>} : memref<16x1024xf32, #tpu.memory_space<vmem>>, vector<16xf32>,
      %get3A_665 = arith.index_cast %scan3A_432 : i32 to index
      %get3A_666 = arith.constant 448 : index
      %get3A_667 = tpu.vector_load %arg8[%get3A_665, %get3A_666] {strides = array<i32>} : memref<16x1024xf32, #tpu.memory_space<vmem>>, vector<16xf32>,
      %sub3A_668 = arith.subf %get3A_667, %gather3A_437 : vector<16xf32>
      %mul3A_669 = arith.mulf %sub3A_668, %gather3A_441 : vector<16xf32>
      %swap3A_670 = arith.index_cast %scan3A_432 : i32 to index
      %swap3A_671 = arith.constant 448 : index
      %swap3A_672 = tpu.vector_load %arg10[%swap3A_670, %swap3A_671] {strides = array<i32>} : memref<16x1024xf32, #tpu.memory_space<vmem>>, vector<16xf32>,
      tpu.vector_store %arg10[%swap3A_670, %swap3A_671], %mul3A_669 {strides = array<i32>} : memref<16x1024xf32, #tpu.memory_space<vmem>>, vector<16xf32>,
      %get3A_673 = arith.index_cast %scan3A_432 : i32 to index
      %get3A_674 = arith.constant 464 : index
      %get3A_675 = tpu.vector_load %arg8[%get3A_673, %get3A_674] {strides = array<i32>} : memref<16x1024xf32, #tpu.memory_space<vmem>>, vector<16xf32>,
      %sub3A_676 = arith.subf %get3A_675, %gather3A_437 : vector<16xf32>
      %mul3A_677 = arith.mulf %sub3A_676, %gather3A_441 : vector<16xf32>
      %swap3A_678 = arith.index_cast %scan3A_432 : i32 to index
      %swap3A_679 = arith.constant 464 : index
      %swap3A_680 = tpu.vector_load %arg10[%swap3A_678, %swap3A_679] {strides = array<i32>} : memref<16x1024xf32, #tpu.memory_space<vmem>>, vector<16xf32>,
      tpu.vector_store %arg10[%swap3A_678, %swap3A_679], %mul3A_677 {strides = array<i32>} : memref<16x1024xf32, #tpu.memory_space<vmem>>, vector<16xf32>,
      %get3A_681 = arith.index_cast %scan3A_432 : i32 to index
      %get3A_682 = arith.constant 480 : index
      %get3A_683 = tpu.vector_load %arg8[%get3A_681, %get3A_682] {strides = array<i32>} : memref<16x1024xf32, #tpu.memory_space<vmem>>, vector<16xf32>,
      %sub3A_684 = arith.subf %get3A_683, %gather3A_437 : vector<16xf32>
      %mul3A_685 = arith.mulf %sub3A_684, %gather3A_441 : vector<16xf32>
      %swap3A_686 = arith.index_cast %scan3A_432 : i32 to index
      %swap3A_687 = arith.constant 480 : index
      %swap3A_688 = tpu.vector_load %arg10[%swap3A_686, %swap3A_687] {strides = array<i32>} : memref<16x1024xf32, #tpu.memory_space<vmem>>, vector<16xf32>,
      tpu.vector_store %arg10[%swap3A_686, %swap3A_687], %mul3A_685 {strides = array<i32>} : memref<16x1024xf32, #tpu.memory_space<vmem>>, vector<16xf32>,
      %get3A_689 = arith.index_cast %scan3A_432 : i32 to index
      %get3A_690 = arith.constant 496 : index
      %get3A_691 = tpu.vector_load %arg8[%get3A_689, %get3A_690] {strides = array<i32>} : memref<16x1024xf32, #tpu.memory_space<vmem>>, vector<16xf32>,
      %sub3A_692 = arith.subf %get3A_691, %gather3A_437 : vector<16xf32>
      %mul3A_693 = arith.mulf %sub3A_692, %gather3A_441 : vector<16xf32>
      %swap3A_694 = arith.index_cast %scan3A_432 : i32 to index
      %swap3A_695 = arith.constant 496 : index
      %swap3A_696 = tpu.vector_load %arg10[%swap3A_694, %swap3A_695] {strides = array<i32>} : memref<16x1024xf32, #tpu.memory_space<vmem>>, vector<16xf32>,
      tpu.vector_store %arg10[%swap3A_694, %swap3A_695], %mul3A_693 {strides = array<i32>} : memref<16x1024xf32, #tpu.memory_space<vmem>>, vector<16xf32>,
      %get3A_697 = arith.index_cast %scan3A_432 : i32 to index
      %get3A_698 = arith.constant 512 : index
      %get3A_699 = tpu.vector_load %arg8[%get3A_697, %get3A_698] {strides = array<i32>} : memref<16x1024xf32, #tpu.memory_space<vmem>>, vector<16xf32>,
      %sub3A_700 = arith.subf %get3A_699, %gather3A_437 : vector<16xf32>
      %mul3A_701 = arith.mulf %sub3A_700, %gather3A_441 : vector<16xf32>
      %swap3A_702 = arith.index_cast %scan3A_432 : i32 to index
      %swap3A_703 = arith.constant 512 : index
      %swap3A_704 = tpu.vector_load %arg10[%swap3A_702, %swap3A_703] {strides = array<i32>} : memref<16x1024xf32, #tpu.memory_space<vmem>>, vector<16xf32>,
      tpu.vector_store %arg10[%swap3A_702, %swap3A_703], %mul3A_701 {strides = array<i32>} : memref<16x1024xf32, #tpu.memory_space<vmem>>, vector<16xf32>,
      %get3A_705 = arith.index_cast %scan3A_432 : i32 to index
      %get3A_706 = arith.constant 528 : index
      %get3A_707 = tpu.vector_load %arg8[%get3A_705, %get3A_706] {strides = array<i32>} : memref<16x1024xf32, #tpu.memory_space<vmem>>, vector<16xf32>,
      %sub3A_708 = arith.subf %get3A_707, %gather3A_437 : vector<16xf32>
      %mul3A_709 = arith.mulf %sub3A_708, %gather3A_441 : vector<16xf32>
      %swap3A_710 = arith.index_cast %scan3A_432 : i32 to index
      %swap3A_711 = arith.constant 528 : index
      %swap3A_712 = tpu.vector_load %arg10[%swap3A_710, %swap3A_711] {strides = array<i32>} : memref<16x1024xf32, #tpu.memory_space<vmem>>, vector<16xf32>,
      tpu.vector_store %arg10[%swap3A_710, %swap3A_711], %mul3A_709 {strides = array<i32>} : memref<16x1024xf32, #tpu.memory_space<vmem>>, vector<16xf32>,
      %get3A_713 = arith.index_cast %scan3A_432 : i32 to index
      %get3A_714 = arith.constant 544 : index
      %get3A_715 = tpu.vector_load %arg8[%get3A_713, %get3A_714] {strides = array<i32>} : memref<16x1024xf32, #tpu.memory_space<vmem>>, vector<16xf32>,
      %sub3A_716 = arith.subf %get3A_715, %gather3A_437 : vector<16xf32>
      %mul3A_717 = arith.mulf %sub3A_716, %gather3A_441 : vector<16xf32>
      %swap3A_718 = arith.index_cast %scan3A_432 : i32 to index
      %swap3A_719 = arith.constant 544 : index
      %swap3A_720 = tpu.vector_load %arg10[%swap3A_718, %swap3A_719] {strides = array<i32>} : memref<16x1024xf32, #tpu.memory_space<vmem>>, vector<16xf32>,
      tpu.vector_store %arg10[%swap3A_718, %swap3A_719], %mul3A_717 {strides = array<i32>} : memref<16x1024xf32, #tpu.memory_space<vmem>>, vector<16xf32>,
      %get3A_721 = arith.index_cast %scan3A_432 : i32 to index
      %get3A_722 = arith.constant 560 : index
      %get3A_723 = tpu.vector_load %arg8[%get3A_721, %get3A_722] {strides = array<i32>} : memref<16x1024xf32, #tpu.memory_space<vmem>>, vector<16xf32>,
      %sub3A_724 = arith.subf %get3A_723, %gather3A_437 : vector<16xf32>
      %mul3A_725 = arith.mulf %sub3A_724, %gather3A_441 : vector<16xf32>
      %swap3A_726 = arith.index_cast %scan3A_432 : i32 to index
      %swap3A_727 = arith.constant 560 : index
      %swap3A_728 = tpu.vector_load %arg10[%swap3A_726, %swap3A_727] {strides = array<i32>} : memref<16x1024xf32, #tpu.memory_space<vmem>>, vector<16xf32>,
      tpu.vector_store %arg10[%swap3A_726, %swap3A_727], %mul3A_725 {strides = array<i32>} : memref<16x1024xf32, #tpu.memory_space<vmem>>, vector<16xf32>,
      %get3A_729 = arith.index_cast %scan3A_432 : i32 to index
      %get3A_730 = arith.constant 576 : index
      %get3A_731 = tpu.vector_load %arg8[%get3A_729, %get3A_730] {strides = array<i32>} : memref<16x1024xf32, #tpu.memory_space<vmem>>, vector<16xf32>,
      %sub3A_732 = arith.subf %get3A_731, %gather3A_437 : vector<16xf32>
      %mul3A_733 = arith.mulf %sub3A_732, %gather3A_441 : vector<16xf32>
      %swap3A_734 = arith.index_cast %scan3A_432 : i32 to index
      %swap3A_735 = arith.constant 576 : index
      %swap3A_736 = tpu.vector_load %arg10[%swap3A_734, %swap3A_735] {strides = array<i32>} : memref<16x1024xf32, #tpu.memory_space<vmem>>, vector<16xf32>,
      tpu.vector_store %arg10[%swap3A_734, %swap3A_735], %mul3A_733 {strides = array<i32>} : memref<16x1024xf32, #tpu.memory_space<vmem>>, vector<16xf32>,
      %get3A_737 = arith.index_cast %scan3A_432 : i32 to index
      %get3A_738 = arith.constant 592 : index
      %get3A_739 = tpu.vector_load %arg8[%get3A_737, %get3A_738] {strides = array<i32>} : memref<16x1024xf32, #tpu.memory_space<vmem>>, vector<16xf32>,
      %sub3A_740 = arith.subf %get3A_739, %gather3A_437 : vector<16xf32>
      %mul3A_741 = arith.mulf %sub3A_740, %gather3A_441 : vector<16xf32>
      %swap3A_742 = arith.index_cast %scan3A_432 : i32 to index
      %swap3A_743 = arith.constant 592 : index
      %swap3A_744 = tpu.vector_load %arg10[%swap3A_742, %swap3A_743] {strides = array<i32>} : memref<16x1024xf32, #tpu.memory_space<vmem>>, vector<16xf32>,
      tpu.vector_store %arg10[%swap3A_742, %swap3A_743], %mul3A_741 {strides = array<i32>} : memref<16x1024xf32, #tpu.memory_space<vmem>>, vector<16xf32>,
      %get3A_745 = arith.index_cast %scan3A_432 : i32 to index
      %get3A_746 = arith.constant 608 : index
      %get3A_747 = tpu.vector_load %arg8[%get3A_745, %get3A_746] {strides = array<i32>} : memref<16x1024xf32, #tpu.memory_space<vmem>>, vector<16xf32>,
      %sub3A_748 = arith.subf %get3A_747, %gather3A_437 : vector<16xf32>
      %mul3A_749 = arith.mulf %sub3A_748, %gather3A_441 : vector<16xf32>
      %swap3A_750 = arith.index_cast %scan3A_432 : i32 to index
      %swap3A_751 = arith.constant 608 : index
      %swap3A_752 = tpu.vector_load %arg10[%swap3A_750, %swap3A_751] {strides = array<i32>} : memref<16x1024xf32, #tpu.memory_space<vmem>>, vector<16xf32>,
      tpu.vector_store %arg10[%swap3A_750, %swap3A_751], %mul3A_749 {strides = array<i32>} : memref<16x1024xf32, #tpu.memory_space<vmem>>, vector<16xf32>,
      %get3A_753 = arith.index_cast %scan3A_432 : i32 to index
      %get3A_754 = arith.constant 624 : index
      %get3A_755 = tpu.vector_load %arg8[%get3A_753, %get3A_754] {strides = array<i32>} : memref<16x1024xf32, #tpu.memory_space<vmem>>, vector<16xf32>,
      %sub3A_756 = arith.subf %get3A_755, %gather3A_437 : vector<16xf32>
      %mul3A_757 = arith.mulf %sub3A_756, %gather3A_441 : vector<16xf32>
      %swap3A_758 = arith.index_cast %scan3A_432 : i32 to index
      %swap3A_759 = arith.constant 624 : index
      %swap3A_760 = tpu.vector_load %arg10[%swap3A_758, %swap3A_759] {strides = array<i32>} : memref<16x1024xf32, #tpu.memory_space<vmem>>, vector<16xf32>,
      tpu.vector_store %arg10[%swap3A_758, %swap3A_759], %mul3A_757 {strides = array<i32>} : memref<16x1024xf32, #tpu.memory_space<vmem>>, vector<16xf32>,
      %get3A_761 = arith.index_cast %scan3A_432 : i32 to index
      %get3A_762 = arith.constant 640 : index
      %get3A_763 = tpu.vector_load %arg8[%get3A_761, %get3A_762] {strides = array<i32>} : memref<16x1024xf32, #tpu.memory_space<vmem>>, vector<16xf32>,
      %sub3A_764 = arith.subf %get3A_763, %gather3A_437 : vector<16xf32>
      %mul3A_765 = arith.mulf %sub3A_764, %gather3A_441 : vector<16xf32>
      %swap3A_766 = arith.index_cast %scan3A_432 : i32 to index
      %swap3A_767 = arith.constant 640 : index
      %swap3A_768 = tpu.vector_load %arg10[%swap3A_766, %swap3A_767] {strides = array<i32>} : memref<16x1024xf32, #tpu.memory_space<vmem>>, vector<16xf32>,
      tpu.vector_store %arg10[%swap3A_766, %swap3A_767], %mul3A_765 {strides = array<i32>} : memref<16x1024xf32, #tpu.memory_space<vmem>>, vector<16xf32>,
      %get3A_769 = arith.index_cast %scan3A_432 : i32 to index
      %get3A_770 = arith.constant 656 : index
      %get3A_771 = tpu.vector_load %arg8[%get3A_769, %get3A_770] {strides = array<i32>} : memref<16x1024xf32, #tpu.memory_space<vmem>>, vector<16xf32>,
      %sub3A_772 = arith.subf %get3A_771, %gather3A_437 : vector<16xf32>
      %mul3A_773 = arith.mulf %sub3A_772, %gather3A_441 : vector<16xf32>
      %swap3A_774 = arith.index_cast %scan3A_432 : i32 to index
      %swap3A_775 = arith.constant 656 : index
      %swap3A_776 = tpu.vector_load %arg10[%swap3A_774, %swap3A_775] {strides = array<i32>} : memref<16x1024xf32, #tpu.memory_space<vmem>>, vector<16xf32>,
      tpu.vector_store %arg10[%swap3A_774, %swap3A_775], %mul3A_773 {strides = array<i32>} : memref<16x1024xf32, #tpu.memory_space<vmem>>, vector<16xf32>,
      %get3A_777 = arith.index_cast %scan3A_432 : i32 to index
      %get3A_778 = arith.constant 672 : index
      %get3A_779 = tpu.vector_load %arg8[%get3A_777, %get3A_778] {strides = array<i32>} : memref<16x1024xf32, #tpu.memory_space<vmem>>, vector<16xf32>,
      %sub3A_780 = arith.subf %get3A_779, %gather3A_437 : vector<16xf32>
      %mul3A_781 = arith.mulf %sub3A_780, %gather3A_441 : vector<16xf32>
      %swap3A_782 = arith.index_cast %scan3A_432 : i32 to index
      %swap3A_783 = arith.constant 672 : index
      %swap3A_784 = tpu.vector_load %arg10[%swap3A_782, %swap3A_783] {strides = array<i32>} : memref<16x1024xf32, #tpu.memory_space<vmem>>, vector<16xf32>,
      tpu.vector_store %arg10[%swap3A_782, %swap3A_783], %mul3A_781 {strides = array<i32>} : memref<16x1024xf32, #tpu.memory_space<vmem>>, vector<16xf32>,
      %get3A_785 = arith.index_cast %scan3A_432 : i32 to index
      %get3A_786 = arith.constant 688 : index
      %get3A_787 = tpu.vector_load %arg8[%get3A_785, %get3A_786] {strides = array<i32>} : memref<16x1024xf32, #tpu.memory_space<vmem>>, vector<16xf32>,
      %sub3A_788 = arith.subf %get3A_787, %gather3A_437 : vector<16xf32>
      %mul3A_789 = arith.mulf %sub3A_788, %gather3A_441 : vector<16xf32>
      %swap3A_790 = arith.index_cast %scan3A_432 : i32 to index
      %swap3A_791 = arith.constant 688 : index
      %swap3A_792 = tpu.vector_load %arg10[%swap3A_790, %swap3A_791] {strides = array<i32>} : memref<16x1024xf32, #tpu.memory_space<vmem>>, vector<16xf32>,
      tpu.vector_store %arg10[%swap3A_790, %swap3A_791], %mul3A_789 {strides = array<i32>} : memref<16x1024xf32, #tpu.memory_space<vmem>>, vector<16xf32>,
      %get3A_793 = arith.index_cast %scan3A_432 : i32 to index
      %get3A_794 = arith.constant 704 : index
      %get3A_795 = tpu.vector_load %arg8[%get3A_793, %get3A_794] {strides = array<i32>} : memref<16x1024xf32, #tpu.memory_space<vmem>>, vector<16xf32>,
      %sub3A_796 = arith.subf %get3A_795, %gather3A_437 : vector<16xf32>
      %mul3A_797 = arith.mulf %sub3A_796, %gather3A_441 : vector<16xf32>
      %swap3A_798 = arith.index_cast %scan3A_432 : i32 to index
      %swap3A_799 = arith.constant 704 : index
      %swap3A_800 = tpu.vector_load %arg10[%swap3A_798, %swap3A_799] {strides = array<i32>} : memref<16x1024xf32, #tpu.memory_space<vmem>>, vector<16xf32>,
      tpu.vector_store %arg10[%swap3A_798, %swap3A_799], %mul3A_797 {strides = array<i32>} : memref<16x1024xf32, #tpu.memory_space<vmem>>, vector<16xf32>,
      %get3A_801 = arith.index_cast %scan3A_432 : i32 to index
      %get3A_802 = arith.constant 720 : index
      %get3A_803 = tpu.vector_load %arg8[%get3A_801, %get3A_802] {strides = array<i32>} : memref<16x1024xf32, #tpu.memory_space<vmem>>, vector<16xf32>,
      %sub3A_804 = arith.subf %get3A_803, %gather3A_437 : vector<16xf32>
      %mul3A_805 = arith.mulf %sub3A_804, %gather3A_441 : vector<16xf32>
      %swap3A_806 = arith.index_cast %scan3A_432 : i32 to index
      %swap3A_807 = arith.constant 720 : index
      %swap3A_808 = tpu.vector_load %arg10[%swap3A_806, %swap3A_807] {strides = array<i32>} : memref<16x1024xf32, #tpu.memory_space<vmem>>, vector<16xf32>,
      tpu.vector_store %arg10[%swap3A_806, %swap3A_807], %mul3A_805 {strides = array<i32>} : memref<16x1024xf32, #tpu.memory_space<vmem>>, vector<16xf32>,
      %get3A_809 = arith.index_cast %scan3A_432 : i32 to index
      %get3A_810 = arith.constant 736 : index
      %get3A_811 = tpu.vector_load %arg8[%get3A_809, %get3A_810] {strides = array<i32>} : memref<16x1024xf32, #tpu.memory_space<vmem>>, vector<16xf32>,
      %sub3A_812 = arith.subf %get3A_811, %gather3A_437 : vector<16xf32>
      %mul3A_813 = arith.mulf %sub3A_812, %gather3A_441 : vector<16xf32>
      %swap3A_814 = arith.index_cast %scan3A_432 : i32 to index
      %swap3A_815 = arith.constant 736 : index
      %swap3A_816 = tpu.vector_load %arg10[%swap3A_814, %swap3A_815] {strides = array<i32>} : memref<16x1024xf32, #tpu.memory_space<vmem>>, vector<16xf32>,
      tpu.vector_store %arg10[%swap3A_814, %swap3A_815], %mul3A_813 {strides = array<i32>} : memref<16x1024xf32, #tpu.memory_space<vmem>>, vector<16xf32>,
      %get3A_817 = arith.index_cast %scan3A_432 : i32 to index
      %get3A_818 = arith.constant 752 : index
      %get3A_819 = tpu.vector_load %arg8[%get3A_817, %get3A_818] {strides = array<i32>} : memref<16x1024xf32, #tpu.memory_space<vmem>>, vector<16xf32>,
      %sub3A_820 = arith.subf %get3A_819, %gather3A_437 : vector<16xf32>
      %mul3A_821 = arith.mulf %sub3A_820, %gather3A_441 : vector<16xf32>
      %swap3A_822 = arith.index_cast %scan3A_432 : i32 to index
      %swap3A_823 = arith.constant 752 : index
      %swap3A_824 = tpu.vector_load %arg10[%swap3A_822, %swap3A_823] {strides = array<i32>} : memref<16x1024xf32, #tpu.memory_space<vmem>>, vector<16xf32>,
      tpu.vector_store %arg10[%swap3A_822, %swap3A_823], %mul3A_821 {strides = array<i32>} : memref<16x1024xf32, #tpu.memory_space<vmem>>, vector<16xf32>,
      %get3A_825 = arith.index_cast %scan3A_432 : i32 to index
      %get3A_826 = arith.constant 768 : index
      %get3A_827 = tpu.vector_load %arg8[%get3A_825, %get3A_826] {strides = array<i32>} : memref<16x1024xf32, #tpu.memory_space<vmem>>, vector<16xf32>,
      %sub3A_828 = arith.subf %get3A_827, %gather3A_437 : vector<16xf32>
      %mul3A_829 = arith.mulf %sub3A_828, %gather3A_441 : vector<16xf32>
      %swap3A_830 = arith.index_cast %scan3A_432 : i32 to index
      %swap3A_831 = arith.constant 768 : index
      %swap3A_832 = tpu.vector_load %arg10[%swap3A_830, %swap3A_831] {strides = array<i32>} : memref<16x1024xf32, #tpu.memory_space<vmem>>, vector<16xf32>,
      tpu.vector_store %arg10[%swap3A_830, %swap3A_831], %mul3A_829 {strides = array<i32>} : memref<16x1024xf32, #tpu.memory_space<vmem>>, vector<16xf32>,
      %get3A_833 = arith.index_cast %scan3A_432 : i32 to index
      %get3A_834 = arith.constant 784 : index
      %get3A_835 = tpu.vector_load %arg8[%get3A_833, %get3A_834] {strides = array<i32>} : memref<16x1024xf32, #tpu.memory_space<vmem>>, vector<16xf32>,
      %sub3A_836 = arith.subf %get3A_835, %gather3A_437 : vector<16xf32>
      %mul3A_837 = arith.mulf %sub3A_836, %gather3A_441 : vector<16xf32>
      %swap3A_838 = arith.index_cast %scan3A_432 : i32 to index
      %swap3A_839 = arith.constant 784 : index
      %swap3A_840 = tpu.vector_load %arg10[%swap3A_838, %swap3A_839] {strides = array<i32>} : memref<16x1024xf32, #tpu.memory_space<vmem>>, vector<16xf32>,
      tpu.vector_store %arg10[%swap3A_838, %swap3A_839], %mul3A_837 {strides = array<i32>} : memref<16x1024xf32, #tpu.memory_space<vmem>>, vector<16xf32>,
      %get3A_841 = arith.index_cast %scan3A_432 : i32 to index
      %get3A_842 = arith.constant 800 : index
      %get3A_843 = tpu.vector_load %arg8[%get3A_841, %get3A_842] {strides = array<i32>} : memref<16x1024xf32, #tpu.memory_space<vmem>>, vector<16xf32>,
      %sub3A_844 = arith.subf %get3A_843, %gather3A_437 : vector<16xf32>
      %mul3A_845 = arith.mulf %sub3A_844, %gather3A_441 : vector<16xf32>
      %swap3A_846 = arith.index_cast %scan3A_432 : i32 to index
      %swap3A_847 = arith.constant 800 : index
      %swap3A_848 = tpu.vector_load %arg10[%swap3A_846, %swap3A_847] {strides = array<i32>} : memref<16x1024xf32, #tpu.memory_space<vmem>>, vector<16xf32>,
      tpu.vector_store %arg10[%swap3A_846, %swap3A_847], %mul3A_845 {strides = array<i32>} : memref<16x1024xf32, #tpu.memory_space<vmem>>, vector<16xf32>,
      %get3A_849 = arith.index_cast %scan3A_432 : i32 to index
      %get3A_850 = arith.constant 816 : index
      %get3A_851 = tpu.vector_load %arg8[%get3A_849, %get3A_850] {strides = array<i32>} : memref<16x1024xf32, #tpu.memory_space<vmem>>, vector<16xf32>,
      %sub3A_852 = arith.subf %get3A_851, %gather3A_437 : vector<16xf32>
      %mul3A_853 = arith.mulf %sub3A_852, %gather3A_441 : vector<16xf32>
      %swap3A_854 = arith.index_cast %scan3A_432 : i32 to index
      %swap3A_855 = arith.constant 816 : index
      %swap3A_856 = tpu.vector_load %arg10[%swap3A_854, %swap3A_855] {strides = array<i32>} : memref<16x1024xf32, #tpu.memory_space<vmem>>, vector<16xf32>,
      tpu.vector_store %arg10[%swap3A_854, %swap3A_855], %mul3A_853 {strides = array<i32>} : memref<16x1024xf32, #tpu.memory_space<vmem>>, vector<16xf32>,
      %get3A_857 = arith.index_cast %scan3A_432 : i32 to index
      %get3A_858 = arith.constant 832 : index
      %get3A_859 = tpu.vector_load %arg8[%get3A_857, %get3A_858] {strides = array<i32>} : memref<16x1024xf32, #tpu.memory_space<vmem>>, vector<16xf32>,
      %sub3A_860 = arith.subf %get3A_859, %gather3A_437 : vector<16xf32>
      %mul3A_861 = arith.mulf %sub3A_860, %gather3A_441 : vector<16xf32>
      %swap3A_862 = arith.index_cast %scan3A_432 : i32 to index
      %swap3A_863 = arith.constant 832 : index
      %swap3A_864 = tpu.vector_load %arg10[%swap3A_862, %swap3A_863] {strides = array<i32>} : memref<16x1024xf32, #tpu.memory_space<vmem>>, vector<16xf32>,
      tpu.vector_store %arg10[%swap3A_862, %swap3A_863], %mul3A_861 {strides = array<i32>} : memref<16x1024xf32, #tpu.memory_space<vmem>>, vector<16xf32>,
      %get3A_865 = arith.index_cast %scan3A_432 : i32 to index
      %get3A_866 = arith.constant 848 : index
      %get3A_867 = tpu.vector_load %arg8[%get3A_865, %get3A_866] {strides = array<i32>} : memref<16x1024xf32, #tpu.memory_space<vmem>>, vector<16xf32>,
      %sub3A_868 = arith.subf %get3A_867, %gather3A_437 : vector<16xf32>
      %mul3A_869 = arith.mulf %sub3A_868, %gather3A_441 : vector<16xf32>
      %swap3A_870 = arith.index_cast %scan3A_432 : i32 to index
      %swap3A_871 = arith.constant 848 : index
      %swap3A_872 = tpu.vector_load %arg10[%swap3A_870, %swap3A_871] {strides = array<i32>} : memref<16x1024xf32, #tpu.memory_space<vmem>>, vector<16xf32>,
      tpu.vector_store %arg10[%swap3A_870, %swap3A_871], %mul3A_869 {strides = array<i32>} : memref<16x1024xf32, #tpu.memory_space<vmem>>, vector<16xf32>,
      %get3A_873 = arith.index_cast %scan3A_432 : i32 to index
      %get3A_874 = arith.constant 864 : index
      %get3A_875 = tpu.vector_load %arg8[%get3A_873, %get3A_874] {strides = array<i32>} : memref<16x1024xf32, #tpu.memory_space<vmem>>, vector<16xf32>,
      %sub3A_876 = arith.subf %get3A_875, %gather3A_437 : vector<16xf32>
      %mul3A_877 = arith.mulf %sub3A_876, %gather3A_441 : vector<16xf32>
      %swap3A_878 = arith.index_cast %scan3A_432 : i32 to index
      %swap3A_879 = arith.constant 864 : index
      %swap3A_880 = tpu.vector_load %arg10[%swap3A_878, %swap3A_879] {strides = array<i32>} : memref<16x1024xf32, #tpu.memory_space<vmem>>, vector<16xf32>,
      tpu.vector_store %arg10[%swap3A_878, %swap3A_879], %mul3A_877 {strides = array<i32>} : memref<16x1024xf32, #tpu.memory_space<vmem>>, vector<16xf32>,
      %get3A_881 = arith.index_cast %scan3A_432 : i32 to index
      %get3A_882 = arith.constant 880 : index
      %get3A_883 = tpu.vector_load %arg8[%get3A_881, %get3A_882] {strides = array<i32>} : memref<16x1024xf32, #tpu.memory_space<vmem>>, vector<16xf32>,
      %sub3A_884 = arith.subf %get3A_883, %gather3A_437 : vector<16xf32>
      %mul3A_885 = arith.mulf %sub3A_884, %gather3A_441 : vector<16xf32>
      %swap3A_886 = arith.index_cast %scan3A_432 : i32 to index
      %swap3A_887 = arith.constant 880 : index
      %swap3A_888 = tpu.vector_load %arg10[%swap3A_886, %swap3A_887] {strides = array<i32>} : memref<16x1024xf32, #tpu.memory_space<vmem>>, vector<16xf32>,
      tpu.vector_store %arg10[%swap3A_886, %swap3A_887], %mul3A_885 {strides = array<i32>} : memref<16x1024xf32, #tpu.memory_space<vmem>>, vector<16xf32>,
      %get3A_889 = arith.index_cast %scan3A_432 : i32 to index
      %get3A_890 = arith.constant 896 : index
      %get3A_891 = tpu.vector_load %arg8[%get3A_889, %get3A_890] {strides = array<i32>} : memref<16x1024xf32, #tpu.memory_space<vmem>>, vector<16xf32>,
      %sub3A_892 = arith.subf %get3A_891, %gather3A_437 : vector<16xf32>
      %mul3A_893 = arith.mulf %sub3A_892, %gather3A_441 : vector<16xf32>
      %swap3A_894 = arith.index_cast %scan3A_432 : i32 to index
      %swap3A_895 = arith.constant 896 : index
      %swap3A_896 = tpu.vector_load %arg10[%swap3A_894, %swap3A_895] {strides = array<i32>} : memref<16x1024xf32, #tpu.memory_space<vmem>>, vector<16xf32>,
      tpu.vector_store %arg10[%swap3A_894, %swap3A_895], %mul3A_893 {strides = array<i32>} : memref<16x1024xf32, #tpu.memory_space<vmem>>, vector<16xf32>,
      %get3A_897 = arith.index_cast %scan3A_432 : i32 to index
      %get3A_898 = arith.constant 912 : index
      %get3A_899 = tpu.vector_load %arg8[%get3A_897, %get3A_898] {strides = array<i32>} : memref<16x1024xf32, #tpu.memory_space<vmem>>, vector<16xf32>,
      %sub3A_900 = arith.subf %get3A_899, %gather3A_437 : vector<16xf32>
      %mul3A_901 = arith.mulf %sub3A_900, %gather3A_441 : vector<16xf32>
      %swap3A_902 = arith.index_cast %scan3A_432 : i32 to index
      %swap3A_903 = arith.constant 912 : index
      %swap3A_904 = tpu.vector_load %arg10[%swap3A_902, %swap3A_903] {strides = array<i32>} : memref<16x1024xf32, #tpu.memory_space<vmem>>, vector<16xf32>,
      tpu.vector_store %arg10[%swap3A_902, %swap3A_903], %mul3A_901 {strides = array<i32>} : memref<16x1024xf32, #tpu.memory_space<vmem>>, vector<16xf32>,
      %get3A_905 = arith.index_cast %scan3A_432 : i32 to index
      %get3A_906 = arith.constant 928 : index
      %get3A_907 = tpu.vector_load %arg8[%get3A_905, %get3A_906] {strides = array<i32>} : memref<16x1024xf32, #tpu.memory_space<vmem>>, vector<16xf32>,
      %sub3A_908 = arith.subf %get3A_907, %gather3A_437 : vector<16xf32>
      %mul3A_909 = arith.mulf %sub3A_908, %gather3A_441 : vector<16xf32>
      %swap3A_910 = arith.index_cast %scan3A_432 : i32 to index
      %swap3A_911 = arith.constant 928 : index
      %swap3A_912 = tpu.vector_load %arg10[%swap3A_910, %swap3A_911] {strides = array<i32>} : memref<16x1024xf32, #tpu.memory_space<vmem>>, vector<16xf32>,
      tpu.vector_store %arg10[%swap3A_910, %swap3A_911], %mul3A_909 {strides = array<i32>} : memref<16x1024xf32, #tpu.memory_space<vmem>>, vector<16xf32>,
      %get3A_913 = arith.index_cast %scan3A_432 : i32 to index
      %get3A_914 = arith.constant 944 : index
      %get3A_915 = tpu.vector_load %arg8[%get3A_913, %get3A_914] {strides = array<i32>} : memref<16x1024xf32, #tpu.memory_space<vmem>>, vector<16xf32>,
      %sub3A_916 = arith.subf %get3A_915, %gather3A_437 : vector<16xf32>
      %mul3A_917 = arith.mulf %sub3A_916, %gather3A_441 : vector<16xf32>
      %swap3A_918 = arith.index_cast %scan3A_432 : i32 to index
      %swap3A_919 = arith.constant 944 : index
      %swap3A_920 = tpu.vector_load %arg10[%swap3A_918, %swap3A_919] {strides = array<i32>} : memref<16x1024xf32, #tpu.memory_space<vmem>>, vector<16xf32>,
      tpu.vector_store %arg10[%swap3A_918, %swap3A_919], %mul3A_917 {strides = array<i32>} : memref<16x1024xf32, #tpu.memory_space<vmem>>, vector<16xf32>,
      %get3A_921 = arith.index_cast %scan3A_432 : i32 to index
      %get3A_922 = arith.constant 960 : index
      %get3A_923 = tpu.vector_load %arg8[%get3A_921, %get3A_922] {strides = array<i32>} : memref<16x1024xf32, #tpu.memory_space<vmem>>, vector<16xf32>,
      %sub3A_924 = arith.subf %get3A_923, %gather3A_437 : vector<16xf32>
      %mul3A_925 = arith.mulf %sub3A_924, %gather3A_441 : vector<16xf32>
      %swap3A_926 = arith.index_cast %scan3A_432 : i32 to index
      %swap3A_927 = arith.constant 960 : index
      %swap3A_928 = tpu.vector_load %arg10[%swap3A_926, %swap3A_927] {strides = array<i32>} : memref<16x1024xf32, #tpu.memory_space<vmem>>, vector<16xf32>,
      tpu.vector_store %arg10[%swap3A_926, %swap3A_927], %mul3A_925 {strides = array<i32>} : memref<16x1024xf32, #tpu.memory_space<vmem>>, vector<16xf32>,
      %get3A_929 = arith.index_cast %scan3A_432 : i32 to index
      %get3A_930 = arith.constant 976 : index
      %get3A_931 = tpu.vector_load %arg8[%get3A_929, %get3A_930] {strides = array<i32>} : memref<16x1024xf32, #tpu.memory_space<vmem>>, vector<16xf32>,
      %sub3A_932 = arith.subf %get3A_931, %gather3A_437 : vector<16xf32>
      %mul3A_933 = arith.mulf %sub3A_932, %gather3A_441 : vector<16xf32>
      %swap3A_934 = arith.index_cast %scan3A_432 : i32 to index
      %swap3A_935 = arith.constant 976 : index
      %swap3A_936 = tpu.vector_load %arg10[%swap3A_934, %swap3A_935] {strides = array<i32>} : memref<16x1024xf32, #tpu.memory_space<vmem>>, vector<16xf32>,
      tpu.vector_store %arg10[%swap3A_934, %swap3A_935], %mul3A_933 {strides = array<i32>} : memref<16x1024xf32, #tpu.memory_space<vmem>>, vector<16xf32>,
      %get3A_937 = arith.index_cast %scan3A_432 : i32 to index
      %get3A_938 = arith.constant 992 : index
      %get3A_939 = tpu.vector_load %arg8[%get3A_937, %get3A_938] {strides = array<i32>} : memref<16x1024xf32, #tpu.memory_space<vmem>>, vector<16xf32>,
      %sub3A_940 = arith.subf %get3A_939, %gather3A_437 : vector<16xf32>
      %mul3A_941 = arith.mulf %sub3A_940, %gather3A_441 : vector<16xf32>
      %swap3A_942 = arith.index_cast %scan3A_432 : i32 to index
      %swap3A_943 = arith.constant 992 : index
      %swap3A_944 = tpu.vector_load %arg10[%swap3A_942, %swap3A_943] {strides = array<i32>} : memref<16x1024xf32, #tpu.memory_space<vmem>>, vector<16xf32>,
      tpu.vector_store %arg10[%swap3A_942, %swap3A_943], %mul3A_941 {strides = array<i32>} : memref<16x1024xf32, #tpu.memory_space<vmem>>, vector<16xf32>,
      %get3A_945 = arith.index_cast %scan3A_432 : i32 to index
      %get3A_946 = arith.constant 1008 : index
      %get3A_947 = tpu.vector_load %arg8[%get3A_945, %get3A_946] {strides = array<i32>} : memref<16x1024xf32, #tpu.memory_space<vmem>>, vector<16xf32>,
      %sub3A_948 = arith.subf %get3A_947, %gather3A_437 : vector<16xf32>
      %mul3A_949 = arith.mulf %sub3A_948, %gather3A_441 : vector<16xf32>
      %swap3A_950 = arith.index_cast %scan3A_432 : i32 to index
      %swap3A_951 = arith.constant 1008 : index
      %swap3A_952 = tpu.vector_load %arg10[%swap3A_950, %swap3A_951] {strides = array<i32>} : memref<16x1024xf32, #tpu.memory_space<vmem>>, vector<16xf32>,
      tpu.vector_store %arg10[%swap3A_950, %swap3A_951], %mul3A_949 {strides = array<i32>} : memref<16x1024xf32, #tpu.memory_space<vmem>>, vector<16xf32>,
      %scan3A_953 = arith.constant 0 : i32
      scf.yield %scan3A_953 : i32
    }
    %scan3A_413 = arith.constant 16 : i32
    %add3A_414 = arith.constant 16 : i32
    %add3A_415 = arith.addi %mul3A_2, %add3A_414 : i32
    %dma_start3A_416 = arith.constant 0 : i32
    %dma_start3A_417 = tpu.memref_slice %arg5[%add3A_415, %dma_start3A_416] : memref<1024x1024xf32, #tpu.memory_space<hbm>> -> memref<16x1024xf32, #tpu.memory_space<hbm>>
    %dma_start3A_418 = arith.constant 0 : i32
    %dma_start3A_419 = tpu.memref_slice %arg5[%add3A_415, %dma_start3A_418] : memref<1024x1024xf32, #tpu.memory_space<hbm>> -> memref<16x1024xf32, #tpu.memory_space<hbm>>
    tpu.enqueue_dma source(%arg10 : memref<16x1024xf32, #tpu.memory_space<vmem>>) target(%dma_start3A_419 : memref<16x1024xf32, #tpu.memory_space<hbm>>) target_semaphore(%arg17 : memref<!tpu.dma_semaphore, #tpu.memory_space<semaphore_mem>>)
    %add3A_420 = arith.constant 0 : i32
    %add3A_421 = arith.addi %mul3A_2, %add3A_420 : i32
    %dma_wait3A_422 = arith.constant 0 : i32
    %dma_wait3A_423 = tpu.memref_slice %arg5[%add3A_421, %dma_wait3A_422] : memref<1024x1024xf32, #tpu.memory_space<hbm>> -> memref<16x1024xf32, #tpu.memory_space<hbm>>
    %dma_wait3A_424 = arith.constant 0 : i32
    %dma_wait3A_425 = tpu.memref_slice %arg5[%add3A_421, %dma_wait3A_424] : memref<1024x1024xf32, #tpu.memory_space<hbm>> -> memref<16x1024xf32, #tpu.memory_space<hbm>>
    tpu.wait_dma2 semaphore(%arg16 : memref<!tpu.dma_semaphore, #tpu.memory_space<semaphore_mem>>) src(%arg9 : memref<16x1024xf32, #tpu.memory_space<vmem>>) dst(%dma_wait3A_425 : memref<16x1024xf32, #tpu.memory_space<hbm>>)
    %add3A_426 = arith.constant 16 : i32
    %add3A_427 = arith.addi %mul3A_2, %add3A_426 : i32
    %dma_wait3A_428 = arith.constant 0 : i32
    %dma_wait3A_429 = tpu.memref_slice %arg5[%add3A_427, %dma_wait3A_428] : memref<1024x1024xf32, #tpu.memory_space<hbm>> -> memref<16x1024xf32, #tpu.memory_space<hbm>>
    %dma_wait3A_430 = arith.constant 0 : i32
    %dma_wait3A_431 = tpu.memref_slice %arg5[%add3A_427, %dma_wait3A_430] : memref<1024x1024xf32, #tpu.memory_space<hbm>> -> memref<16x1024xf32, #tpu.memory_space<hbm>>
    tpu.wait_dma2 semaphore(%arg17 : memref<!tpu.dma_semaphore, #tpu.memory_space<semaphore_mem>>) src(%arg10 : memref<16x1024xf32, #tpu.memory_space<vmem>>) dst(%dma_wait3A_431 : memref<16x1024xf32, #tpu.memory_space<hbm>>)
    return
  }
}

module attributes {stable_mosaic.version = 14 : i64} {
  func.func @_tc_body(%arg0: i32, %arg1: memref<1x1x512xi32, #tpu.memory_space<vmem>>, %arg2: memref<1000x1024xbf16, #tpu.memory_space<vmem>>, %arg3: memref<1x1xf32, #tpu.memory_space<smem>>, %arg4: memref<512x1024xf32, #tpu.memory_space<vmem>>) attributes {dimension_semantics = [#tpu.dimension_semantics<arbitrary>], iteration_bounds = array<i64: 6>, scalar_prefetch = 0 : i64, scratch_operands = 0 : i64, tpu.core_type = #tpu.core_type<tc>, window_params = [{transform_indices = @transform_0, window_bounds = array<i64: 1, 1, 512>}, {pipeline_mode = #tpu.pipeline_mode<synchronous>, transform_indices = @transform_1, window_bounds = array<i64: 1000, 1024>}, {transform_indices = @transform_2, window_bounds = array<i64: 1, 1>}, {transform_indices = @transform_3, window_bounds = array<i64: 512, 1024>}]} {
    %get3A = arith.constant 0 : index
    %get3A_0 = arith.constant 0 : index
    %get3A_1 = arith.constant 0 : index
    %get3A_2 = vector.load %arg1[%get3A, %get3A_0, %get3A_1] : memref<1x1x512xi32, #tpu.memory_space<vmem>>, vector<1x1x512xi32>
    %get3A_3 = vector.shape_cast %get3A_2 : vector<1x1x512xi32> to vector<1x512xi32>
    %iota3A = tpu.iota {dimensions = array<i32: 0>} : vector<1000x512xi32>
    %broadcast_in_dim3A = vector.shape_cast %get3A_3 : vector<1x512xi32> to vector<1x512xi32>
    %broadcast_in_dim3A_4 = vector.broadcast %broadcast_in_dim3A : vector<1x512xi32> to vector<1000x512xi32>
    %eq3A = arith.cmpi eq, %iota3A, %broadcast_in_dim3A_4 : vector<1000x512xi32>
    %convert_element_type3A = arith.extui %eq3A : vector<1000x512xi1> to vector<1000x512xi32>
    %convert_element_type3A_5 = arith.sitofp %convert_element_type3A : vector<1000x512xi32> to vector<1000x512xf32>
    %convert_element_type3A_6 = arith.truncf %convert_element_type3A_5 : vector<1000x512xf32> to vector<1000x512xbf16>
    %get3A_7 = arith.constant 0 : index
    %get3A_8 = arith.constant 0 : index
    %get3A_9 = vector.load %arg2[%get3A_7, %get3A_8] : memref<1000x1024xbf16, #tpu.memory_space<vmem>>, vector<1000x1024xbf16>
    %dot_general3A = arith.constant dense<0.000000e+00> : vector<512x1024xf32>
    %dot_general3A_10 = tpu.matmul %convert_element_type3A_6, %get3A_9, %dot_general3A {dimension_numbers = #tpu.dot_dimension_numbers<[0], [0], [1], [1], [0, 1, 1, 1], [], []>, transpose_lhs_hint = false} : vector<1000x512xbf16>, vector<1000x1024xbf16>, vector<512x1024xf32> -> vector<512x1024xf32>
    %reduce_sum3A = arith.constant dense<0.000000e+00> : vector<512xf32>
    %reduce_sum3A_11 = vector.multi_reduction <add>, %dot_general3A_10, %reduce_sum3A [1] : vector<512x1024xf32> to vector<512xf32>
    %broadcast_in_dim3A_12 = vector.shape_cast %reduce_sum3A_11 : vector<512xf32> to vector<512x1xf32>
    %div3A = arith.constant 1.024000e+03 : f32
    %div3A_13 = vector.broadcast %div3A : f32 to vector<512x1xf32>
    %div3A_14 = arith.divf %broadcast_in_dim3A_12, %div3A_13 : vector<512x1xf32>
    %sub3A = vector.broadcast %div3A_14 : vector<512x1xf32> to vector<512x1024xf32>
    %sub3A_15 = arith.subf %dot_general3A_10, %sub3A : vector<512x1024xf32>
    %mul3A = arith.mulf %sub3A_15, %sub3A_15 : vector<512x1024xf32>
    %reduce_sum3A_16 = arith.constant dense<0.000000e+00> : vector<512xf32>
    %reduce_sum3A_17 = vector.multi_reduction <add>, %mul3A, %reduce_sum3A_16 [1] : vector<512x1024xf32> to vector<512xf32>
    %broadcast_in_dim3A_18 = vector.shape_cast %reduce_sum3A_17 : vector<512xf32> to vector<512x1xf32>
    %div3A_19 = arith.constant 1.024000e+03 : f32
    %div3A_20 = vector.broadcast %div3A_19 : f32 to vector<512x1xf32>
    %div3A_21 = arith.divf %broadcast_in_dim3A_18, %div3A_20 : vector<512x1xf32>
    %get3A_22 = arith.constant 0 : index
    %get3A_23 = arith.constant 0 : index
    %get3A_24 = memref.load %arg3[%get3A_22, %get3A_23] : memref<1x1xf32, #tpu.memory_space<smem>>
    %add3A = arith.constant 9.99999974E-6 : f32
    %add3A_25 = vector.broadcast %add3A : f32 to vector<512x1xf32>
    %add3A_26 = arith.addf %div3A_21, %add3A_25 : vector<512x1xf32>
    %rsqrt3A = math.rsqrt %add3A_26 : vector<512x1xf32>
    %mul3A_27 = vector.broadcast %get3A_24 : f32 to vector<512x1xf32>
    %mul3A_28 = arith.mulf %mul3A_27, %rsqrt3A : vector<512x1xf32>
    %mul3A_29 = vector.broadcast %mul3A_28 : vector<512x1xf32> to vector<512x1024xf32>
    %mul3A_30 = arith.mulf %sub3A_15, %mul3A_29 : vector<512x1024xf32>
    %swap3A = arith.constant 0 : index
    %swap3A_31 = arith.constant 0 : index
    %swap3A_32 = vector.load %arg4[%swap3A, %swap3A_31] : memref<512x1024xf32, #tpu.memory_space<vmem>>, vector<512x1024xf32>
    tpu.vector_store %arg4[%swap3A, %swap3A_31], %mul3A_30 {strides = array<i32>} : memref<512x1024xf32, #tpu.memory_space<vmem>>, vector<512x1024xf32>,
    return
  }
  func.func @transform_0(%arg0: i32) -> (i32, i32, i32) {
    %c0_i32 = arith.constant 0 : i32
    %c0_i32_0 = arith.constant 0 : i32
    %c0_i32_1 = arith.constant 0 : i32
    return %arg0, %c0_i32, %c0_i32_0 : i32, i32, i32
  }
  func.func @transform_1(%arg0: i32) -> (i32, i32) {
    %c0_i32 = arith.constant 0 : i32
    %c0_i32_0 = arith.constant 0 : i32
    %c0_i32_1 = arith.constant 0 : i32
    return %c0_i32, %c0_i32_0 : i32, i32
  }
  func.func @transform_2(%arg0: i32) -> (i32, i32) {
    %c0_i32 = arith.constant 0 : i32
    %c0_i32_0 = arith.constant 0 : i32
    %c0_i32_1 = arith.constant 0 : i32
    return %c0_i32, %c0_i32_0 : i32, i32
  }
  func.func @transform_3(%arg0: i32) -> (i32, i32) {
    %c0_i32 = arith.constant 0 : i32
    %c0_i32_0 = arith.constant 0 : i32
    return %arg0, %c0_i32 : i32, i32
  }
}

</mosaic_0001>

<sc_bundles>
// kernel: kernel.4.cloned.1.call-start
scs
__scs_entry_jumppad:
0x0: {  	(pc) =	sbr.rel $0x88, $3  }
0x1: {  	(tag) =	ssettag $0x0;
	lr =	simm.s32 $0x1  }
0x2: {  	[smem:$0x3F9E] =	sst lr;
	_ =	strace $0xD0000000  }
0x3: {  	_ = 	snop  }
0x4: {  	_ = 	snop  }
0x5: {  	_ = 	snop  }
0x6: {  	_ = 	snop  }
0x7: {  	_ = 	snop  }
__scs_overlays_trampoline_lowered:
0x8: {  	[smem:$0x3FAD] =	sst s0  }
0x9: {  	[smem:$0x3FAE] =	sst s1  }
0xa: {  	[smem:$0x3FAF] =	sst s2  }
0xb: {  	[smem:$0x3FB0] =	sst s3  }
0xc: {  	[smem:$0x3FB1] =	sst s4  }
0xd: {  	[smem:$0x3FB2] =	sst s5  }
0xe: {  	[smem:$0x3FB3] =	sst s6  }
0xf: {  	[smem:$0x3FB4] =	sst s7  }
0x10: {  	[smem:$0x3FB5] =	sst s8  }
0x11: {  	[smem:$0x3FB6] =	sst s9;
	s0 =	simm.s32 @!p0 $0x0  }
0x12: {  	s1 =	sld [smem:$0x3F9C];
	s0 =	simm.s32 @p0 $0x1  }
0x13: {  	[smem:$0x3FB7] =	sst s0;
	s0 =	simm.s32 @!p1 $0x0  }
0x14: {  	s2 =	sld [smem:$0x3F9B];
	s0 =	simm.s32 @p1 $0x1  }
0x15: {  	[smem:$0x3FB8] =	sst s0;
	s0 =	simm.s32 @!p2 $0x0  }
0x16: {  	s3 =	sld [smem:$0x3FDB];
	s0 =	simm.s32 @p2 $0x1  }
0x17: {  	s4 =	simm.s32 $0x1BF5;
	[smem:$0x3FBA] =	sst s0  }
0x18: {  	s0 =	sld [smem:$0x3F9D];
	_ =	swait.ge [sflag:s4], $0x0  }
0x19: {  	s7 =	sld [smem:$0x3F9E]  }
0x1a: {  	s8 =	sadd.s32 $0xFFFFE003, lr  }
0x1b: {  	s9 =	sadd.s32 $0xFFFFFEF7, lr;
	s5 =	simm.s32 $0xFFFFFFFF;
	p2 =	slt.u32 s8, $0xFFFFF086  }
0x1c: {  	p1 =	slt.u32 s9, $0xF7A;
	s5 =	simm.s32 @!p2 $0x0  }
0x1d: {  	s5 =	simm.s32 @p1 $0x1;
	p0 =	seq.s32 s7, s2  }
0x1e: {  	s7 =	smul.u32 @!p0 $0xF7A, s2;
	p2 =	seq.s32 @!p0 s5, $0x0  }
0x1f: {  	s9 =	smul.u32 $0xF7A, s1;
	s8 =	simm.s32 @!p0 $0x1BF5;
	p2 =	por !p2, p0  }
0x20: {  	[sflag:s8] =	ssyncset.s32 @!p0 $0xFFFFF086;
	s6 =	sadd.s32 @!p0 s3, s7;
	s7 =	simm.s32 @!p0 $0x108  }
0x21: {  	s3 =	sadd.s32 s3, s9;
	s6 =	sadd.s32 @!p0 $0x88, s6;
	s7 =	simm.s32 @p2 $0x1082  }
0x22: {  	[simem:s7], [sflag:s8] =	dma.local @!p0 [hbm:s6], $0xF7A  }
0x23: {  	s9 =	sor.u32 $0xD0000000, s2;
	s6 =	simm.s32 $0x108;
	_ =	swait.ge @!p0 [sflag:s8], $0x0  }
0x24: {  	s3 =	sadd.s32 $0x88, s3;
	s6 =	simm.s32 @!p1 $0x1082;
	[sflag:s4] =	ssyncset.s32 $0xFFFFF086  }
0x25: {  	[simem:s6], [sflag:s4] =	dma.local [hbm:s3], $0xF7A  }
0x26: {  	[smem:$0x3F9E] =	sst s1;
	(tag) =	ssettag s2;
	_ =	strace s9  }
0x27: {  	s1 =	sld [smem:$0x3FAE]  }
0x28: {  	s2 =	sld [smem:$0x3FAF]  }
0x29: {  	s4 =	sld [smem:$0x3FB1]  }
0x2a: {  	p0 =	seq.s32 s5, $0x0;
	s5 =	sld [smem:$0x3FB2]  }
0x2b: {  	s6 =	sld [smem:$0x3FB3]  }
0x2c: {  	s7 =	sld [smem:$0x3FB4]  }
0x2d: {  	s3 =	simm.s32 $0x108;
	s8 =	sld [smem:$0x3FB5]  }
0x2e: {  	s3 =	simm.s32 @!p0 $0x1082;
	s9 =	sld [smem:$0x3FB6]  }
0x2f: {  	lr =	sadd.s32 s0, s3;
	s0 =	sld [smem:$0x3FAD]  }
0x30: {  	s3 =	sld [smem:$0x3FB0]  }
0x31: {  	[smem:$0x3FB9] =	sst s10  }
0x32: {  	s10 =	sld [smem:$0x3FB7];
	_ =	sdelay $0x3  }
0x33: {  	p0 =	seq.s32 s10, $0x1;
	s10 =	sld [smem:$0x3FB9];
	_ =	sdelay $0x3  }
0x34: {  	[smem:$0x3FB9] =	sst s10  }
0x35: {  	s10 =	sld [smem:$0x3FB8];
	_ =	sdelay $0x3  }
0x36: {  	p1 =	seq.s32 s10, $0x1;
	s10 =	sld [smem:$0x3FB9];
	_ =	sdelay $0x3  }
0x37: {  	[smem:$0x3FB9] =	sst s10  }
0x38: {  	s10 =	sld [smem:$0x3FBA]  }
0x39: {  	_ = 	snop;
	(pc) =	sbr.ind lr, $3  }
0x3a: {  	_ = 	snop  }
0x3b: {  	_ = 	snop  }
0x3c: {  	p2 =	seq.s32 s10, $0x1;
	s10 =	sld [smem:$0x3FB9]  }
0x3d: {  	_ =	shalt  }
0x3e: {  	_ =	shalt  }
0x3f: {  	_ =	shalt  }
0x40: {  	_ =	shalt  }
0x41: {  	_ =	shalt  }
0x42: {  	_ =	shalt  }
0x43: {  	_ =	shalt  }
0x44: {  	_ =	shalt  }
0x45: {  	_ =	shalt  }
0x46: {  	_ =	shalt  }
0x47: {  	_ =	shalt  }
0x48: {  	_ =	shalt  }
0x49: {  	_ =	shalt  }
0x4a: {  	_ =	shalt  }
0x4b: {  	_ =	shalt  }
0x4c: {  	_ =	shalt  }
0x4d: {  	_ =	shalt  }
0x4e: {  	_ =	shalt  }
0x4f: {  	_ =	shalt  }
0x50: {  	_ =	shalt  }
0x51: {  	_ =	shalt  }
0x52: {  	_ =	shalt  }
0x53: {  	_ =	shalt  }
0x54: {  	_ =	shalt  }
0x55: {  	_ =	shalt  }
0x56: {  	_ =	shalt  }
0x57: {  	_ =	shalt  }
0x58: {  	_ =	shalt  }
0x59: {  	_ =	shalt  }
0x5a: {  	_ =	shalt  }
0x5b: {  	_ =	shalt  }
0x5c: {  	_ =	shalt  }
0x5d: {  	_ =	shalt  }
0x5e: {  	_ =	shalt  }
0x5f: {  	_ =	shalt  }
0x60: {  	_ =	shalt  }
0x61: {  	_ =	shalt  }
0x62: {  	_ =	shalt  }
0x63: {  	_ =	shalt  }
0x64: {  	_ =	shalt  }
0x65: {  	_ =	shalt  }
0x66: {  	_ =	shalt  }
0x67: {  	_ =	shalt  }
0x68: {  	_ =	shalt  }
0x69: {  	_ =	shalt  }
0x6a: {  	_ =	shalt  }
0x6b: {  	_ =	shalt  }
0x6c: {  	_ =	shalt  }
0x6d: {  	_ =	shalt  }
0x6e: {  	_ =	shalt  }
0x6f: {  	_ =	shalt  }
0x70: {  	_ =	shalt  }
0x71: {  	_ =	shalt  }
0x72: {  	_ =	shalt  }
0x73: {  	_ =	shalt  }
0x74: {  	_ =	shalt  }
0x75: {  	_ =	shalt  }
0x76: {  	_ =	shalt  }
0x77: {  	_ =	shalt  }
0x78: {  	_ =	shalt  }
0x79: {  	_ =	shalt  }
0x7a: {  	_ =	shalt  }
0x7b: {  	_ =	shalt  }
0x7c: {  	_ =	shalt  }
0x7d: {  	_ =	shalt  }
0x7e: {  	_ =	shalt  }
0x7f: {  	_ =	shalt  }
0x80: {  	_ =	shalt  }
0x81: {  	_ =	shalt  }
0x82: {  	_ =	shalt  }
0x83: {  	_ =	shalt  }
0x84: {  	_ =	shalt  }
0x85: {  	_ =	shalt  }
0x86: {  	_ =	shalt  }
0x87: {  	_ =	shalt  }
.Lfunc_end0:
.L_simem_size_0:
called_computation_lowered:
.L_overlay_start_0:
0x88: {  	s2 =	sld [smem:$0x3FD9]  }
0x89: {  	s3 =	sld [smem:$0x3FFE];
	_ =	sdelay $0x1  }
0x8a: {  	s1 =	srdreg.scid  }
0x8b: {  	s0 =	sand.u32 $0x1, s1  }
0x8c: {  	s17 =	sshll.u32 s0, $0xA;
	s2 =	sadd.s32 s3, s2  }
0x8d: {  	s2 =	sadd.s32 s2, s17  }
0x8e: {  	[smem:$0x3FC5] =	sst s2  }
0x8f: {  	_ = 	snop  }
0x90: {  	s2 =	sld [smem:$0x3FC8];
	(tm) =	ssettm $0x1  }
0x91: {  	s18 =	sld [smem:$0x3FFB];
	_ =	sdelay $0x3  }
0x92: {  	_ =	strace s18  }
0x93: {  	s3 =	sld [smem:$0x3FFC];
	_ =	sdelay $0x3  }
0x94: {  	_ =	strace s3  }
0x95: {  	s3 =	sld [smem:$0x3FFD];
	_ =	sdelay $0x3  }
0x96: {  	_ =	strace s3  }
0x97: {  	_ =	strace $0x8FFFFFFF  }
0x98: {  	s19 =	sld [smem:$0x3FDB];
	_ =	sdelay $0x1  }
0x99: {  	s4 =	simm.s32 $_scs_section_size  }
0x9a: {  	s5 =	simm.s32 $_size__tile_overlayer_lowered;
	s6 =	simm.s32 $_tile_overlayer_lowered  }
0x9b: {  	s22 =	simm.s32 $0x1BFF;
	s21 =	sshll.u32 s6, $0x1;
	s3 =	sadd.s32 s4, s19  }
0x9c: {  	s7 =	simm.s32 $0x0;
	s20 =	sshll.u32 s5, $0x1;
	s5 =	sadd.s32 s21, s3  }
0x9d: {  	[timem:s7], [sflag:s22] =	dma.local [hbm:s5], s20  }
0x9e: {  	_ =	swait.ge [sflag:s22], s20  }
0x9f: {  	s4 =	ssub.s32 $0x0, s20;
	[sflag:s22] =	ssyncset.done $0x0  }
0xa0: {  	[sflag:s22] =	ssyncadd.s32 s4;
	_ =	sdelay $0x1  }
0xa1: {  	s23 =	simm.s32 $0x1B8B  }
0xa2: {  	_ =	swait.ge [sflag:s23], $0x1  }
0xa3: {  	[sflag:s23] =	ssyncset.done $0x0  }
0xa4: {  	s25 =	simm.s32 $0x1B8E;
	s24 =	sld [smem:$0x3FFE];
	[sflag:s23] =	ssyncadd.s32 $0xFFFFFFFF  }
0xa5: {  	s26 =	simm.s32 $execute0_lowered;
	[smem:$0x3FD2] =	sst s25  }
0xa6: {  	s5 =	sshll.u32 s26, $0x1;
	_ =	strace $0x80000046;
	[dreg:$0x1] =	wrdreg $0xFFFFFFFF  }
0xa7: {  	s28 =	simm.s32 $_size_execute0_lowered;
	s3 =	sadd.s32 s3, s5;
	[dreg:$0x0] =	wrdreg $0x0  }
0xa8: {  	s5 =	sshll.u32 s28, $0x1;
	[dreg:$0x2] =	wrdreg s3  }
0xa9: {  	[dreg:$0x3] =	wrdreg s5  }
0xaa: {  	[dreg:$0x4] =	wrdreg $0xC0  }
0xab: {  	_ =	task [dreg:s7], $0x5FFFF  }
0xac: {  	[dreg:$0x1] =	wrdreg $0xFFFFFFFF  }
0xad: {  	[dreg:$0x0] =	wrdreg $0x60  }
0xae: {  	[dreg:$0x2] =	wrdreg s2  }
0xaf: {  	[dreg:$0x3] =	wrdreg s24  }
0xb0: {  	[dreg:$0x4] =	wrdreg $0x9  }
0xb1: {  	_ =	task.clear_ibuf [dreg:s7], $0x5FFFF;
	_ =	strace $0x90000046  }
0xb2: {  	s29 =	simm.s32 $0x9;
	_ =	strace $0x80000048  }
0xb3: {  	_ =	swait.ge [sflag:s29], $0x1  }
0xb4: {  	[sflag:s29] =	ssyncadd.s32 $0xFFFFFFFF  }
0xb5: {  	_ =	strace $0x90000048  }
0xb6: {  	_ =	sfence  }
0xb7: {  	s30 =	sld [smem:$0x0];
	_ =	sdelay $0x2  }
0xb8: {  	s31 =	sshll.u32 s1, $0xD;
	s1 =	sshrl.u32 s1, $0x2  }
0xb9: {  	s3 =	sand.u32 $0x4000, s31;
	s1 =	sadd.s32 s1, s30  }
0xba: {  	s0 =	sor.u32 s3, s0;
	s1 =	sshll.u32 s1, $0x11  }
0xbb: {  	s0 =	sor.u32 s1, s0  }
0xbc: {  	s0 =	sadd.s32 $0x8F2B, s0  }
0xbd: {  	[sflag:s0] =	ssyncadd.remote.s32 $0x1  }
0xbe: {  	_ =	sfence.sel $0xFFFF  }
0xbf: {  	[dreg:$0x0] =	wrdreg $0xFFFFFFFF;
	(pc) =	sbr.abs _section_cstart, $3  }
0xc0: {  	[dreg:$0x1] =	wrdreg $0xFFFFFFFF  }
0xc1: {  	_ =	task.clear_ibuf [dreg:s7], $0x2FFFF;
	_ =	strace $0x9FFFFFFF  }
0xc2: {  	(tm) =	ssettm $0x7FFFFFFF  }
0xc3: {  	_ =	shalt  }
tec
execute0_lowered:
.L_overlay_start_1:
0x0: {  	(tag) =	ssettag $0x1  }
0x1: {  	s0 =	srdreg.scid  }
0x2: {  	s2 =	rddreg [dreg:$0x0];
	s3 =	stileid.u32  }
0x3: {  	s1 =	rddreg [dreg:$0x1];
	s13 =	simm.s32 $0x5;
	s31 =	simm.s32 $0x1  }
0x4: {  	s12 =	simm.s32 $0x8080;
	s14 =	simm.s32 $0x2;
	s15 =	simm.s32 $0xC080  }
0x5: {  	s16 =	simm.s32 $0x3;
	s17 =	simm.s32 $0x4;
	s18 =	simm.s32 $0x0  }
0x6: {  	s0 =	sand.u32 $0x1, s0;
	s4 =	sshll.u32 s3, $0x6;
	s3 =	simm.s32 $0x0  }
0x7: {  	s8 =	sadd.s32 $0x300, s2;
	s5 =	sshll.u32 s0, $0x5;
	[smem:$0x7FF] =	sst s3  }
0x8: {  	s0 =	ssub.s32 $0x2, s0;
	s5 =	sor.u32 s5, s4;
	_ =	strace $0x80000047  }
0x9: {  	s7 =	sshrl.u32 s0, $0x1;
	s4 =	sshrl.u32 s5, $0x3;
	s5 =	sshll.u32 s5, $0x7  }
0xa: {  	s0 =	ssub.s32 s0, s7;
	s7 =	sadd.s32 $0x200, s2;
	s6 =	sadd.s32 s4, s1  }
0xb: {  	v0 =	vlaneseq.u32;
	s4 =	sadd.s32 $0xC00, s1;
	s1 =	sadd.s32 s5, s1;
	s11 =	smax.u32 s0, $0x1  }
0xc: {  	vm0 =	vmmov $0xffff;
	v2 =	vshrl.u32 v0, $0x3;
	s0 =	simm.s32 $0x10880;
	s5 =	sadd.s32 $0xA00, s6;
	s6 =	sadd.s32 $0x100, s2  }
0xd: {  	v1 =	vand.u32 $0x7, v0;
	v3 =	vor.u32 $0x8, v0;
	v2 =	vmul.u32 $0x8, v2;
	s9 =	sadd.s32 $0xE00, s1;
	s10 =	sadd.s32 $0x1600, s1;
	s1 =	simm.s32 $0x10080  }
.LBB2_1:
0xe: {  	s19 =	simm.s32 $0x11080  }
0xf: {  	[tilespmem:s19], [sflag:$0x5] =	stream.linear.gather [hbm4b:s4+s3], $0x80, $0x38;
	[tilespmem:$0x11100] =	vst v63  }
0x10: {  	_ =	swait.ge [sflag:s13], $0x80  }
0x11: {  	[sflag:s13] =	ssyncset.done $0x0  }
0x12: {  	[sflag:s13] =	ssyncadd.s32 $0xFFFFFF80  }
0x13: {  	[tilespmem:s3], [sflag:$0x5] =	stream.linear.gather [hbm4b:s5+s3], $0x20, $0x38;
	[tilespmem:$0x11100] =	vst v63  }
0x14: {  	_ =	swait.ge [sflag:s13], $0x20  }
0x15: {  	[sflag:s13] =	ssyncset.done $0x0  }
0x16: {  	[sflag:s13] =	ssyncadd.s32 $0xFFFFFFE0  }
0x17: {  	v4 =	vld [tilespmem:$0x0];
	_ =	sdelay $0x4  }
0x18: {  	v5 =	vshll.u32 v4, $0x3  }
0x19: {  	v4 =	vand.u32 $0x7, v4;
	v5 =	vand.u32 $0xFFFFFFC0, v5  }
0x1a: {  	v4 =	vor.u32 v4, v5  }
0x1b: {  	v5 =	vperm.xlane v4, v1;
	_ =	sdelay $0x1  }
0x1c: {  	v5 =	vadd.s32 v2, v5;
	_ =	sdelay $0x3  }
0x1d: {  	s24 =	simm.s32 $0x80  }
0x1e: {  	[tilespmem:s24], [sflag:$0x1] =	stream.indirect_vreg.gather [hbm4b:s2+s3], $0x80, v5, vm0, $0xb8;
	[tilespmem:$0x11100] =	vst v63  }
0x1f: {  	s25 =	simm.s32 $0x880;
	v4 =	vperm.xlane v4, v3  }
0x20: {  	[tilespmem:s25], [sflag:$0x1] =	stream.indirect_vreg.gather [hbm4b:s6+s3], $0x80, v5, vm0, $0xb8;
	[tilespmem:$0x11100] =	vst v63  }
0x21: {  	s26 =	simm.s32 $0x1080;
	v4 =	vadd.s32 v2, v4  }
0x22: {  	[tilespmem:s26], [sflag:$0x1] =	stream.indirect_vreg.gather [hbm4b:s7+s3], $0x80, v5, vm0, $0xb8;
	[tilespmem:$0x11100] =	vst v63  }
0x23: {  	s30 =	simm.s32 $0x1880  }
0x24: {  	[tilespmem:s30], [sflag:$0x1] =	stream.indirect_vreg.gather [hbm4b:s8+s3], $0x80, v5, vm0, $0xb8;
	[tilespmem:$0x11100] =	vst v63  }
0x25: {  	s20 =	simm.s32 $0x2080  }
0x26: {  	[tilespmem:s20], [sflag:$0x1] =	stream.indirect_vreg.gather [hbm4b:s2+s3], $0x80, v4, vm0, $0xb8;
	[tilespmem:$0x11100] =	vst v63  }
0x27: {  	s21 =	simm.s32 $0x2880  }
0x28: {  	[tilespmem:s21], [sflag:$0x1] =	stream.indirect_vreg.gather [hbm4b:s6+s3], $0x80, v4, vm0, $0xb8;
	[tilespmem:$0x11100] =	vst v63  }
0x29: {  	s22 =	simm.s32 $0x3080  }
0x2a: {  	[tilespmem:s22], [sflag:$0x1] =	stream.indirect_vreg.gather [hbm4b:s7+s3], $0x80, v4, vm0, $0xb8;
	[tilespmem:$0x11100] =	vst v63  }
0x2b: {  	s23 =	simm.s32 $0x3880  }
0x2c: {  	[tilespmem:s23], [sflag:$0x1] =	stream.indirect_vreg.gather [hbm4b:s8+s3], $0x80, v4, vm0, $0xb8;
	[tilespmem:$0x11100] =	vst v63  }
0x2d: {  	v4 =	vld [tilespmem:$0x10];
	_ =	sdelay $0x4  }
0x2e: {  	v5 =	vshll.u32 v4, $0x3  }
0x2f: {  	v4 =	vand.u32 $0x7, v4;
	v5 =	vand.u32 $0xFFFFFFC0, v5  }
0x30: {  	v4 =	vor.u32 v4, v5  }
0x31: {  	v5 =	vperm.xlane v4, v1;
	_ =	sdelay $0x1  }
0x32: {  	v5 =	vadd.s32 v2, v5;
	_ =	sdelay $0x3  }
0x33: {  	s24 =	simm.s32 $0x4080  }
0x34: {  	[tilespmem:s24], [sflag:$0x2] =	stream.indirect_vreg.gather [hbm4b:s2+s3], $0x80, v5, vm0, $0xb8;
	[tilespmem:$0x11100] =	vst v63  }
0x35: {  	s25 =	simm.s32 $0x4880;
	v4 =	vperm.xlane v4, v3  }
0x36: {  	[tilespmem:s25], [sflag:$0x2] =	stream.indirect_vreg.gather [hbm4b:s6+s3], $0x80, v5, vm0, $0xb8;
	[tilespmem:$0x11100] =	vst v63  }
0x37: {  	s26 =	simm.s32 $0x5080;
	v4 =	vadd.s32 v2, v4  }
0x38: {  	[tilespmem:s26], [sflag:$0x2] =	stream.indirect_vreg.gather [hbm4b:s7+s3], $0x80, v5, vm0, $0xb8;
	[tilespmem:$0x11100] =	vst v63  }
0x39: {  	s30 =	simm.s32 $0x5880  }
0x3a: {  	[tilespmem:s30], [sflag:$0x2] =	stream.indirect_vreg.gather [hbm4b:s8+s3], $0x80, v5, vm0, $0xb8;
	[tilespmem:$0x11100] =	vst v63  }
0x3b: {  	s20 =	simm.s32 $0x6080  }
0x3c: {  	[tilespmem:s20], [sflag:$0x2] =	stream.indirect_vreg.gather [hbm4b:s2+s3], $0x80, v4, vm0, $0xb8;
	[tilespmem:$0x11100] =	vst v63  }
0x3d: {  	s21 =	simm.s32 $0x6880  }
0x3e: {  	[tilespmem:s21], [sflag:$0x2] =	stream.indirect_vreg.gather [hbm4b:s6+s3], $0x80, v4, vm0, $0xb8;
	[tilespmem:$0x11100] =	vst v63  }
0x3f: {  	s22 =	simm.s32 $0x7080  }
0x40: {  	[tilespmem:s22], [sflag:$0x2] =	stream.indirect_vreg.gather [hbm4b:s7+s3], $0x80, v4, vm0, $0xb8;
	[tilespmem:$0x11100] =	vst v63  }
0x41: {  	s23 =	simm.s32 $0x7880  }
0x42: {  	[tilespmem:s23], [sflag:$0x2] =	stream.indirect_vreg.gather [hbm4b:s8+s3], $0x80, v4, vm0, $0xb8;
	[tilespmem:$0x11100] =	vst v63  }
0x43: {  	s24 =	simm.s32 $0x0;
	v4 =	vld [tilespmem:$0x11080];
	_ =	swait.ge [sflag:s31], $0x4000  }
0x44: {  	s19 =	sand.u32 $0x2000, s24;
	s20 =	sand.u32 $0x380, s3;
	[sflag:s31] =	ssyncset.done $0x0  }
0x45: {  	s19 =	sor.u32 s20, s19;
	[sflag:s31] =	ssyncadd.s32 $0xFFFFC000  }
0x46: {  	v5 =	vld [tilespmem:s19+$0x80]  }
0x47: {  	v6 =	vld [tilespmem:s19+$0x90];
	_ =	sdelay $0x1  }
0x48: {  	v7 =	vld [tilespmem:s19+$0xA0];
	_ =	sdelay $0x1  }
0x49: {  	v8 =	vld [tilespmem:s19+$0xB0]  }
0x4a: {  	v9 =	vmul.f32 v5, v5;
	v5 =	vadd.f32 v6, v5;
	v6 =	vmul.f32 v6, v6  }
0x4b: {  	v10 =	vld [tilespmem:s19+$0xC0]  }
0x4c: {  	v11 =	vmul.f32 v7, v7;
	v6 =	vadd.f32 v6, v9;
	v5 =	vadd.f32 v7, v5  }
0x4d: {  	v7 =	vld [tilespmem:s19+$0xD0]  }
0x4e: {  	v17 =	vmul.f32 v8, v8;
	v6 =	vadd.f32 v11, v6;
	v5 =	vadd.f32 v8, v5  }
0x4f: {  	v18 =	vld [tilespmem:s19+$0xE0]  }
0x50: {  	v19 =	vmul.f32 v10, v10;
	v6 =	vadd.f32 v17, v6;
	v5 =	vadd.f32 v10, v5  }
0x51: {  	v20 =	vld [tilespmem:s19+$0xF0]  }
0x52: {  	v21 =	vmul.f32 v7, v7;
	v6 =	vadd.f32 v19, v6;
	v5 =	vadd.f32 v7, v5  }
0x53: {  	v7 =	vld [tilespmem:s19+$0x480]  }
0x54: {  	v22 =	vmul.f32 v18, v18;
	v6 =	vadd.f32 v21, v6;
	v5 =	vadd.f32 v18, v5  }
0x55: {  	v23 =	vld [tilespmem:s19+$0x490]  }
0x56: {  	v24 =	vmul.f32 v20, v20;
	v6 =	vadd.f32 v22, v6;
	v5 =	vadd.f32 v20, v5  }
0x57: {  	v25 =	vld [tilespmem:s19+$0x4A0]  }
0x58: {  	v26 =	vmul.f32 v7, v7;
	v6 =	vadd.f32 v24, v6;
	v5 =	vadd.f32 v7, v5  }
0x59: {  	v7 =	vld [tilespmem:s19+$0x4B0]  }
0x5a: {  	v27 =	vmul.f32 v23, v23;
	v6 =	vadd.f32 v26, v6;
	v5 =	vadd.f32 v23, v5  }
0x5b: {  	v28 =	vld [tilespmem:s19+$0x4C0]  }
0x5c: {  	v29 =	vmul.f32 v25, v25;
	v6 =	vadd.f32 v27, v6;
	v5 =	vadd.f32 v25, v5  }
0x5d: {  	v30 =	vld [tilespmem:s19+$0x4D0]  }
0x5e: {  	v31 =	vmul.f32 v7, v7;
	v6 =	vadd.f32 v29, v6;
	v5 =	vadd.f32 v7, v5  }
0x5f: {  	v7 =	vld [tilespmem:s19+$0x4E0]  }
0x60: {  	v32 =	vmul.f32 v28, v28;
	v6 =	vadd.f32 v31, v6;
	v5 =	vadd.f32 v28, v5  }
0x61: {  	v33 =	vld [tilespmem:s19+$0x4F0]  }
0x62: {  	v34 =	vmul.f32 v30, v30;
	v6 =	vadd.f32 v32, v6;
	v5 =	vadd.f32 v30, v5  }
0x63: {  	v35 =	vld [tilespmem:s19+$0x880]  }
0x64: {  	v36 =	vmul.f32 v7, v7;
	v6 =	vadd.f32 v34, v6;
	v5 =	vadd.f32 v7, v5  }
0x65: {  	v7 =	vld [tilespmem:s19+$0x890]  }
0x66: {  	v37 =	vmul.f32 v33, v33;
	v6 =	vadd.f32 v36, v6;
	v5 =	vadd.f32 v33, v5  }
0x67: {  	v38 =	vld [tilespmem:s19+$0x8A0]  }
0x68: {  	v39 =	vmul.f32 v35, v35;
	v6 =	vadd.f32 v37, v6;
	v5 =	vadd.f32 v35, v5  }
0x69: {  	v40 =	vld [tilespmem:s19+$0x8B0]  }
0x6a: {  	v41 =	vmul.f32 v7, v7;
	v6 =	vadd.f32 v39, v6;
	v5 =	vadd.f32 v7, v5  }
0x6b: {  	v7 =	vld [tilespmem:s19+$0x8C0]  }
0x6c: {  	v42 =	vmul.f32 v38, v38;
	v6 =	vadd.f32 v41, v6;
	v5 =	vadd.f32 v38, v5  }
0x6d: {  	v43 =	vld [tilespmem:s19+$0x8D0]  }
0x6e: {  	v44 =	vmul.f32 v40, v40;
	v6 =	vadd.f32 v42, v6;
	v5 =	vadd.f32 v40, v5  }
0x6f: {  	v45 =	vld [tilespmem:s19+$0x8E0]  }
0x70: {  	v46 =	vmul.f32 v7, v7;
	v6 =	vadd.f32 v44, v6;
	v5 =	vadd.f32 v7, v5  }
0x71: {  	v7 =	vld [tilespmem:s19+$0x8F0]  }
0x72: {  	v47 =	vmul.f32 v43, v43;
	v6 =	vadd.f32 v46, v6;
	v5 =	vadd.f32 v43, v5  }
0x73: {  	v48 =	vld [tilespmem:s19+$0xC80]  }
0x74: {  	v49 =	vmul.f32 v45, v45;
	v6 =	vadd.f32 v47, v6;
	v5 =	vadd.f32 v45, v5  }
0x75: {  	v50 =	vld [tilespmem:s19+$0xC90]  }
0x76: {  	v51 =	vmul.f32 v7, v7;
	v6 =	vadd.f32 v49, v6;
	v5 =	vadd.f32 v7, v5  }
0x77: {  	v7 =	vld [tilespmem:s19+$0xCA0]  }
0x78: {  	v52 =	vmul.f32 v48, v48;
	v6 =	vadd.f32 v51, v6;
	v5 =	vadd.f32 v48, v5  }
0x79: {  	v53 =	vld [tilespmem:s19+$0xCB0]  }
0x7a: {  	v54 =	vmul.f32 v50, v50;
	v6 =	vadd.f32 v52, v6;
	v5 =	vadd.f32 v50, v5  }
0x7b: {  	v55 =	vld [tilespmem:s19+$0xCC0]  }
0x7c: {  	v56 =	vmul.f32 v7, v7;
	v6 =	vadd.f32 v54, v6;
	v5 =	vadd.f32 v7, v5  }
0x7d: {  	v7 =	vld [tilespmem:s19+$0xCD0]  }
0x7e: {  	v57 =	vmul.f32 v53, v53;
	v6 =	vadd.f32 v56, v6;
	v5 =	vadd.f32 v53, v5  }
0x7f: {  	v58 =	vld [tilespmem:s19+$0xCE0]  }
0x80: {  	v59 =	vmul.f32 v55, v55;
	v6 =	vadd.f32 v57, v6;
	v5 =	vadd.f32 v55, v5  }
0x81: {  	v60 =	vld [tilespmem:s19+$0xCF0]  }
0x82: {  	v61 =	vmul.f32 v7, v7;
	v6 =	vadd.f32 v59, v6;
	v5 =	vadd.f32 v7, v5  }
0x83: {  	v7 =	vld [tilespmem:s19+$0x1080]  }
0x84: {  	v62 =	vmul.f32 v58, v58;
	v6 =	vadd.f32 v61, v6;
	v5 =	vadd.f32 v58, v5  }
0x85: {  	v63 =	vld [tilespmem:s19+$0x1090]  }
0x86: {  	v12 =	vmul.f32 v60, v60;
	v6 =	vadd.f32 v62, v6;
	v5 =	vadd.f32 v60, v5  }
0x87: {  	v13 =	vld [tilespmem:s19+$0x10A0]  }
0x88: {  	v14 =	vmul.f32 v7, v7;
	v6 =	vadd.f32 v12, v6;
	v5 =	vadd.f32 v7, v5  }
0x89: {  	v7 =	vld [tilespmem:s19+$0x10B0]  }
0x8a: {  	v15 =	vmul.f32 v63, v63;
	v6 =	vadd.f32 v14, v6;
	v5 =	vadd.f32 v63, v5  }
0x8b: {  	v16 =	vld [tilespmem:s19+$0x10C0]  }
0x8c: {  	v17 =	vmul.f32 v13, v13;
	v6 =	vadd.f32 v15, v6;
	v5 =	vadd.f32 v13, v5  }
0x8d: {  	v18 =	vld [tilespmem:s19+$0x10D0]  }
0x8e: {  	v19 =	vmul.f32 v7, v7;
	v6 =	vadd.f32 v17, v6;
	v5 =	vadd.f32 v7, v5  }
0x8f: {  	v7 =	vld [tilespmem:s19+$0x10E0]  }
0x90: {  	v20 =	vmul.f32 v16, v16;
	v6 =	vadd.f32 v19, v6;
	v5 =	vadd.f32 v16, v5  }
0x91: {  	v21 =	vld [tilespmem:s19+$0x10F0]  }
0x92: {  	v22 =	vmul.f32 v18, v18;
	v6 =	vadd.f32 v20, v6;
	v5 =	vadd.f32 v18, v5  }
0x93: {  	v23 =	vld [tilespmem:s19+$0x1480]  }
0x94: {  	v24 =	vmul.f32 v7, v7;
	v6 =	vadd.f32 v22, v6;
	v5 =	vadd.f32 v7, v5  }
0x95: {  	v7 =	vld [tilespmem:s19+$0x1490]  }
0x96: {  	v25 =	vmul.f32 v21, v21;
	v6 =	vadd.f32 v24, v6;
	v5 =	vadd.f32 v21, v5  }
0x97: {  	v26 =	vld [tilespmem:s19+$0x14A0]  }
0x98: {  	v27 =	vmul.f32 v23, v23;
	v6 =	vadd.f32 v25, v6;
	v5 =	vadd.f32 v23, v5  }
0x99: {  	v28 =	vld [tilespmem:s19+$0x14B0]  }
0x9a: {  	v29 =	vmul.f32 v7, v7;
	v6 =	vadd.f32 v27, v6;
	v5 =	vadd.f32 v7, v5  }
0x9b: {  	v7 =	vld [tilespmem:s19+$0x14C0]  }
0x9c: {  	v30 =	vmul.f32 v26, v26;
	v6 =	vadd.f32 v29, v6;
	v5 =	vadd.f32 v26, v5  }
0x9d: {  	v31 =	vld [tilespmem:s19+$0x14D0]  }
0x9e: {  	v32 =	vmul.f32 v28, v28;
	v6 =	vadd.f32 v30, v6;
	v5 =	vadd.f32 v28, v5  }
0x9f: {  	v33 =	vld [tilespmem:s19+$0x14E0]  }
0xa0: {  	v34 =	vmul.f32 v7, v7;
	v6 =	vadd.f32 v32, v6;
	v5 =	vadd.f32 v7, v5  }
0xa1: {  	v7 =	vld [tilespmem:s19+$0x14F0]  }
0xa2: {  	v35 =	vmul.f32 v31, v31;
	v6 =	vadd.f32 v34, v6;
	v5 =	vadd.f32 v31, v5  }
0xa3: {  	v36 =	vld [tilespmem:s19+$0x1880]  }
0xa4: {  	v37 =	vmul.f32 v33, v33;
	v6 =	vadd.f32 v35, v6;
	v5 =	vadd.f32 v33, v5  }
0xa5: {  	v38 =	vld [tilespmem:s19+$0x1890]  }
0xa6: {  	v39 =	vmul.f32 v7, v7;
	v6 =	vadd.f32 v37, v6;
	v5 =	vadd.f32 v7, v5  }
0xa7: {  	v7 =	vld [tilespmem:s19+$0x18A0]  }
0xa8: {  	v40 =	vmul.f32 v36, v36;
	v6 =	vadd.f32 v39, v6;
	v5 =	vadd.f32 v36, v5  }
0xa9: {  	v41 =	vld [tilespmem:s19+$0x18B0]  }
0xaa: {  	v42 =	vmul.f32 v38, v38;
	v6 =	vadd.f32 v40, v6;
	v5 =	vadd.f32 v38, v5  }
0xab: {  	v43 =	vld [tilespmem:s19+$0x18C0]  }
0xac: {  	v44 =	vmul.f32 v7, v7;
	v6 =	vadd.f32 v42, v6;
	v5 =	vadd.f32 v7, v5  }
0xad: {  	v7 =	vld [tilespmem:s19+$0x18D0]  }
0xae: {  	v45 =	vmul.f32 v41, v41;
	v6 =	vadd.f32 v44, v6;
	v5 =	vadd.f32 v41, v5  }
0xaf: {  	s25 =	sand.u32 $0x7, s3;
	v46 =	vld [tilespmem:s19+$0x18E0]  }
0xb0: {  	s20 =	sshll.u32 s25, $0x7;
	v47 =	vmul.f32 v43, v43;
	v6 =	vadd.f32 v45, v6;
	v5 =	vadd.f32 v43, v5  }
0xb1: {  	s20 =	sadd.s32 $0x0, s20;
	v48 =	vld [tilespmem:s19+$0x18F0]  }
0xb2: {  	s26 =	sor.u32 $0x1C00, s20;
	v49 =	vmul.f32 v7, v7;
	v6 =	vadd.f32 v47, v6;
	v5 =	vadd.f32 v7, v5  }
0xb3: {  	v7 =	vld [tilespmem:s26+$0x80]  }
0xb4: {  	s30 =	sor.u32 $0x1C10, s20;
	v50 =	vmul.f32 v46, v46;
	v6 =	vadd.f32 v49, v6;
	v5 =	vadd.f32 v46, v5  }
0xb5: {  	v51 =	vld [tilespmem:s30+$0x80]  }
0xb6: {  	s21 =	sor.u32 $0x1C20, s20;
	v52 =	vmul.f32 v48, v48;
	v6 =	vadd.f32 v50, v6;
	v5 =	vadd.f32 v48, v5  }
0xb7: {  	v53 =	vld [tilespmem:s21+$0x80]  }
0xb8: {  	s22 =	sor.u32 $0x1C30, s20;
	v54 =	vmul.f32 v7, v7;
	v6 =	vadd.f32 v52, v6;
	v5 =	vadd.f32 v7, v5  }
0xb9: {  	v7 =	vld [tilespmem:s22+$0x80]  }
0xba: {  	s23 =	sor.u32 $0x1C40, s20;
	v55 =	vmul.f32 v51, v51;
	v6 =	vadd.f32 v54, v6;
	v5 =	vadd.f32 v51, v5  }
0xbb: {  	v56 =	vld [tilespmem:s23+$0x80]  }
0xbc: {  	s24 =	sor.u32 $0x1C50, s20;
	v57 =	vmul.f32 v53, v53;
	v6 =	vadd.f32 v55, v6;
	v5 =	vadd.f32 v53, v5  }
0xbd: {  	v58 =	vld [tilespmem:s24+$0x80]  }
0xbe: {  	s25 =	sor.u32 $0x1C60, s20;
	v59 =	vmul.f32 v7, v7;
	v6 =	vadd.f32 v57, v6;
	v5 =	vadd.f32 v7, v5  }
0xbf: {  	v7 =	vld [tilespmem:s25+$0x80]  }
0xc0: {  	v60 =	vmul.f32 v56, v56;
	s26 =	sor.u32 $0x1C70, s20;
	v6 =	vadd.f32 v59, v6;
	v5 =	vadd.f32 v56, v5  }
0xc1: {  	v61 =	vld [tilespmem:s26+$0x80]  }
0xc2: {  	v62 =	vmul.f32 v58, v58;
	v6 =	vadd.f32 v60, v6;
	v5 =	vadd.f32 v58, v5;
	_ =	sdelay $0x1  }
0xc3: {  	v63 =	vmul.f32 v7, v7;
	v6 =	vadd.f32 v62, v6;
	v5 =	vadd.f32 v7, v5  }
0xc4: {  	s30 =	simm.s32 $0x80  }
0xc5: {  	s28 =	simm.s32 $0x100;
	s29 =	simm.s32 $0x400;
	s23 =	sand.u32 $0x380, s30;
	v7 =	vmul.f32 v61, v61;
	v6 =	vadd.f32 v63, v6;
	v8 =	vadd.f32 v61, v5  }
0xc6: {  	s21 =	simm.s32 $0x400;
	s24 =	simm.s32 $0xFFFFC400;
	s19 =	simm.s32 $0x10900  }
0xc7: {  	s20 =	simm.s32 $0x10100;
	s22 =	simm.s32 $0x1;
	s25 =	simm.s32 $0x10880;
	v5 =	vadd.f32 v7, v6;
	[tilespmem:s1+$0x0] =	vst v8  }
.LBB2_2:
0xc8: {  	s26 =	smov.u32 s28  }
0xc9: {  	s30 =	sand.u32 $0x380, s28;
	s29 =	sand.u32 $0x2000, s29;
	s26 =	sadd.s32 $0x80, s28  }
0xca: {  	p0 =	sne.s32 s28, $0x780;
	s28 =	sor.u32 s23, s29;
	s23 =	smov.u32 s30;
	[tilespmem:s25+$0x0] =	vst v5  }
0xcb: {  	s25 =	smov.u32 s19;
	v5 =	vld [tilespmem:s28+$0x80]  }
0xcc: {  	v6 =	vld [tilespmem:s28+$0x90]  }
0xcd: {  	v7 =	vld [tilespmem:s28+$0xA0];
	_ =	sdelay $0x1  }
0xce: {  	v8 =	vld [tilespmem:s28+$0xB0]  }
0xcf: {  	v9 =	vmul.f32 v5, v5  }
0xd0: {  	v5 =	vadd.f32 v6, v5;
	v6 =	vmul.f32 v6, v6;
	v10 =	vld [tilespmem:s28+$0xC0]  }
0xd1: {  	v11 =	vmul.f32 v7, v7  }
0xd2: {  	v6 =	vadd.f32 v6, v9;
	v5 =	vadd.f32 v7, v5;
	v7 =	vld [tilespmem:s28+$0xD0]  }
0xd3: {  	v9 =	vmul.f32 v8, v8  }
0xd4: {  	v6 =	vadd.f32 v11, v6;
	v5 =	vadd.f32 v8, v5;
	v8 =	vld [tilespmem:s28+$0xE0]  }
0xd5: {  	v11 =	vmul.f32 v10, v10  }
0xd6: {  	v6 =	vadd.f32 v9, v6;
	v5 =	vadd.f32 v10, v5;
	v9 =	vld [tilespmem:s28+$0xF0]  }
0xd7: {  	v10 =	vmul.f32 v7, v7  }
0xd8: {  	v6 =	vadd.f32 v11, v6;
	v5 =	vadd.f32 v7, v5;
	v7 =	vld [tilespmem:s28+$0x480]  }
0xd9: {  	v11 =	vmul.f32 v8, v8  }
0xda: {  	v6 =	vadd.f32 v10, v6;
	v5 =	vadd.f32 v8, v5;
	v8 =	vld [tilespmem:s28+$0x490]  }
0xdb: {  	v10 =	vmul.f32 v9, v9  }
0xdc: {  	v6 =	vadd.f32 v11, v6;
	v5 =	vadd.f32 v9, v5;
	v9 =	vld [tilespmem:s28+$0x4A0]  }
0xdd: {  	v11 =	vmul.f32 v7, v7  }
0xde: {  	v6 =	vadd.f32 v10, v6;
	v5 =	vadd.f32 v7, v5;
	v7 =	vld [tilespmem:s28+$0x4B0]  }
0xdf: {  	v10 =	vmul.f32 v8, v8  }
0xe0: {  	v6 =	vadd.f32 v11, v6;
	v5 =	vadd.f32 v8, v5;
	v8 =	vld [tilespmem:s28+$0x4C0]  }
0xe1: {  	v11 =	vmul.f32 v9, v9  }
0xe2: {  	v6 =	vadd.f32 v10, v6;
	v5 =	vadd.f32 v9, v5;
	v9 =	vld [tilespmem:s28+$0x4D0]  }
0xe3: {  	v10 =	vmul.f32 v7, v7  }
0xe4: {  	v6 =	vadd.f32 v11, v6;
	v5 =	vadd.f32 v7, v5;
	v7 =	vld [tilespmem:s28+$0x4E0]  }
0xe5: {  	v11 =	vmul.f32 v8, v8  }
0xe6: {  	v6 =	vadd.f32 v10, v6;
	v5 =	vadd.f32 v8, v5;
	v8 =	vld [tilespmem:s28+$0x4F0]  }
0xe7: {  	v10 =	vmul.f32 v9, v9  }
0xe8: {  	v6 =	vadd.f32 v11, v6;
	v5 =	vadd.f32 v9, v5;
	v9 =	vld [tilespmem:s28+$0x880]  }
0xe9: {  	v11 =	vmul.f32 v7, v7  }
0xea: {  	v6 =	vadd.f32 v10, v6;
	v5 =	vadd.f32 v7, v5;
	v7 =	vld [tilespmem:s28+$0x890]  }
0xeb: {  	v10 =	vmul.f32 v8, v8  }
0xec: {  	v6 =	vadd.f32 v11, v6;
	v5 =	vadd.f32 v8, v5;
	v8 =	vld [tilespmem:s28+$0x8A0]  }
0xed: {  	v11 =	vmul.f32 v9, v9  }
0xee: {  	v6 =	vadd.f32 v10, v6;
	v5 =	vadd.f32 v9, v5;
	v9 =	vld [tilespmem:s28+$0x8B0]  }
0xef: {  	v10 =	vmul.f32 v7, v7  }
0xf0: {  	v6 =	vadd.f32 v11, v6;
	v5 =	vadd.f32 v7, v5;
	v7 =	vld [tilespmem:s28+$0x8C0]  }
0xf1: {  	v11 =	vmul.f32 v8, v8  }
0xf2: {  	v6 =	vadd.f32 v10, v6;
	v5 =	vadd.f32 v8, v5;
	v8 =	vld [tilespmem:s28+$0x8D0]  }
0xf3: {  	v10 =	vmul.f32 v9, v9  }
0xf4: {  	v6 =	vadd.f32 v11, v6;
	v5 =	vadd.f32 v9, v5;
	v9 =	vld [tilespmem:s28+$0x8E0]  }
0xf5: {  	v11 =	vmul.f32 v7, v7  }
0xf6: {  	v6 =	vadd.f32 v10, v6;
	v5 =	vadd.f32 v7, v5;
	v7 =	vld [tilespmem:s28+$0x8F0]  }
0xf7: {  	v10 =	vmul.f32 v8, v8  }
0xf8: {  	v6 =	vadd.f32 v11, v6;
	v5 =	vadd.f32 v8, v5;
	v8 =	vld [tilespmem:s28+$0xC80]  }
0xf9: {  	v11 =	vmul.f32 v9, v9  }
0xfa: {  	v6 =	vadd.f32 v10, v6;
	v5 =	vadd.f32 v9, v5;
	v9 =	vld [tilespmem:s28+$0xC90]  }
0xfb: {  	v10 =	vmul.f32 v7, v7  }
0xfc: {  	v6 =	vadd.f32 v11, v6;
	v5 =	vadd.f32 v7, v5;
	v7 =	vld [tilespmem:s28+$0xCA0]  }
0xfd: {  	v11 =	vmul.f32 v8, v8  }
0xfe: {  	v6 =	vadd.f32 v10, v6;
	v5 =	vadd.f32 v8, v5;
	v8 =	vld [tilespmem:s28+$0xCB0]  }
0xff: {  	v10 =	vmul.f32 v9, v9  }
0x100: {  	v6 =	vadd.f32 v11, v6;
	v5 =	vadd.f32 v9, v5;
	v9 =	vld [tilespmem:s28+$0xCC0]  }
0x101: {  	v11 =	vmul.f32 v7, v7  }
0x102: {  	v6 =	vadd.f32 v10, v6;
	v5 =	vadd.f32 v7, v5;
	v7 =	vld [tilespmem:s28+$0xCD0]  }
0x103: {  	v10 =	vmul.f32 v8, v8  }
0x104: {  	v6 =	vadd.f32 v11, v6;
	v5 =	vadd.f32 v8, v5;
	v8 =	vld [tilespmem:s28+$0xCE0]  }
0x105: {  	v11 =	vmul.f32 v9, v9  }
0x106: {  	v6 =	vadd.f32 v10, v6;
	v5 =	vadd.f32 v9, v5;
	v9 =	vld [tilespmem:s28+$0xCF0]  }
0x107: {  	v10 =	vmul.f32 v7, v7  }
0x108: {  	v6 =	vadd.f32 v11, v6;
	v5 =	vadd.f32 v7, v5;
	v7 =	vld [tilespmem:s28+$0x1080]  }
0x109: {  	v11 =	vmul.f32 v8, v8  }
0x10a: {  	v6 =	vadd.f32 v10, v6;
	v5 =	vadd.f32 v8, v5;
	v8 =	vld [tilespmem:s28+$0x1090]  }
0x10b: {  	v10 =	vmul.f32 v9, v9  }
0x10c: {  	v6 =	vadd.f32 v11, v6;
	v5 =	vadd.f32 v9, v5;
	v9 =	vld [tilespmem:s28+$0x10A0]  }
0x10d: {  	v11 =	vmul.f32 v7, v7  }
0x10e: {  	v6 =	vadd.f32 v10, v6;
	v5 =	vadd.f32 v7, v5;
	v7 =	vld [tilespmem:s28+$0x10B0]  }
0x10f: {  	v10 =	vmul.f32 v8, v8  }
0x110: {  	v6 =	vadd.f32 v11, v6;
	v5 =	vadd.f32 v8, v5;
	v8 =	vld [tilespmem:s28+$0x10C0]  }
0x111: {  	v11 =	vmul.f32 v9, v9  }
0x112: {  	v6 =	vadd.f32 v10, v6;
	v5 =	vadd.f32 v9, v5;
	v9 =	vld [tilespmem:s28+$0x10D0]  }
0x113: {  	v10 =	vmul.f32 v7, v7  }
0x114: {  	v6 =	vadd.f32 v11, v6;
	v5 =	vadd.f32 v7, v5;
	v7 =	vld [tilespmem:s28+$0x10E0]  }
0x115: {  	v11 =	vmul.f32 v8, v8  }
0x116: {  	v6 =	vadd.f32 v10, v6;
	v5 =	vadd.f32 v8, v5;
	v8 =	vld [tilespmem:s28+$0x10F0]  }
0x117: {  	v10 =	vmul.f32 v9, v9  }
0x118: {  	v6 =	vadd.f32 v11, v6;
	v5 =	vadd.f32 v9, v5;
	v9 =	vld [tilespmem:s28+$0x1480]  }
0x119: {  	v11 =	vmul.f32 v7, v7  }
0x11a: {  	v6 =	vadd.f32 v10, v6;
	v5 =	vadd.f32 v7, v5;
	v7 =	vld [tilespmem:s28+$0x1490]  }
0x11b: {  	v10 =	vmul.f32 v8, v8  }
0x11c: {  	v6 =	vadd.f32 v11, v6;
	v5 =	vadd.f32 v8, v5;
	v8 =	vld [tilespmem:s28+$0x14A0]  }
0x11d: {  	v11 =	vmul.f32 v9, v9  }
0x11e: {  	v6 =	vadd.f32 v10, v6;
	v5 =	vadd.f32 v9, v5;
	v9 =	vld [tilespmem:s28+$0x14B0]  }
0x11f: {  	v10 =	vmul.f32 v7, v7  }
0x120: {  	v6 =	vadd.f32 v11, v6;
	v5 =	vadd.f32 v7, v5;
	v7 =	vld [tilespmem:s28+$0x14C0]  }
0x121: {  	v11 =	vmul.f32 v8, v8  }
0x122: {  	v6 =	vadd.f32 v10, v6;
	v5 =	vadd.f32 v8, v5;
	v8 =	vld [tilespmem:s28+$0x14D0]  }
0x123: {  	v10 =	vmul.f32 v9, v9  }
0x124: {  	v6 =	vadd.f32 v11, v6;
	v5 =	vadd.f32 v9, v5;
	v9 =	vld [tilespmem:s28+$0x14E0]  }
0x125: {  	v11 =	vmul.f32 v7, v7  }
0x126: {  	v6 =	vadd.f32 v10, v6;
	v5 =	vadd.f32 v7, v5;
	v7 =	vld [tilespmem:s28+$0x14F0]  }
0x127: {  	v10 =	vmul.f32 v8, v8  }
0x128: {  	v6 =	vadd.f32 v11, v6;
	v5 =	vadd.f32 v8, v5;
	v8 =	vld [tilespmem:s28+$0x1880]  }
0x129: {  	v11 =	vmul.f32 v9, v9  }
0x12a: {  	v6 =	vadd.f32 v10, v6;
	v5 =	vadd.f32 v9, v5;
	v9 =	vld [tilespmem:s28+$0x1890]  }
0x12b: {  	v10 =	vmul.f32 v7, v7  }
0x12c: {  	v6 =	vadd.f32 v11, v6;
	v5 =	vadd.f32 v7, v5;
	v7 =	vld [tilespmem:s28+$0x18A0]  }
0x12d: {  	v11 =	vmul.f32 v8, v8  }
0x12e: {  	v6 =	vadd.f32 v10, v6;
	v5 =	vadd.f32 v8, v5;
	v8 =	vld [tilespmem:s28+$0x18B0]  }
0x12f: {  	v10 =	vmul.f32 v9, v9  }
0x130: {  	v6 =	vadd.f32 v11, v6;
	v5 =	vadd.f32 v9, v5;
	v9 =	vld [tilespmem:s28+$0x18C0]  }
0x131: {  	v11 =	vmul.f32 v7, v7  }
0x132: {  	v6 =	vadd.f32 v10, v6;
	v5 =	vadd.f32 v7, v5;
	v7 =	vld [tilespmem:s28+$0x18D0]  }
0x133: {  	v10 =	vmul.f32 v8, v8  }
0x134: {  	s29 =	sand.u32 $0x7, s22;
	v6 =	vadd.f32 v11, v6;
	v5 =	vadd.f32 v8, v5;
	v8 =	vld [tilespmem:s28+$0x18E0]  }
0x135: {  	s29 =	sshll.u32 s29, $0x7;
	v11 =	vmul.f32 v9, v9  }
0x136: {  	s29 =	sadd.s32 s29, s21;
	v6 =	vadd.f32 v10, v6;
	v5 =	vadd.f32 v9, v5;
	v9 =	vld [tilespmem:s28+$0x18F0]  }
0x137: {  	s28 =	sor.u32 $0x1C00, s29;
	v10 =	vmul.f32 v7, v7  }
0x138: {  	v6 =	vadd.f32 v11, v6;
	v5 =	vadd.f32 v7, v5;
	v7 =	vld [tilespmem:s28+$0x80]  }
0x139: {  	s28 =	sor.u32 $0x1C10, s29;
	v11 =	vmul.f32 v8, v8  }
0x13a: {  	v6 =	vadd.f32 v10, v6;
	v5 =	vadd.f32 v8, v5;
	v8 =	vld [tilespmem:s28+$0x80]  }
0x13b: {  	s28 =	sor.u32 $0x1C20, s29;
	v10 =	vmul.f32 v9, v9  }
0x13c: {  	v6 =	vadd.f32 v11, v6;
	v5 =	vadd.f32 v9, v5;
	v9 =	vld [tilespmem:s28+$0x80]  }
0x13d: {  	s28 =	sor.u32 $0x1C30, s29;
	v11 =	vmul.f32 v7, v7  }
0x13e: {  	v6 =	vadd.f32 v10, v6;
	v5 =	vadd.f32 v7, v5;
	v7 =	vld [tilespmem:s28+$0x80]  }
0x13f: {  	s28 =	sor.u32 $0x1C40, s29;
	v10 =	vmul.f32 v8, v8  }
0x140: {  	v6 =	vadd.f32 v11, v6;
	v5 =	vadd.f32 v8, v5;
	v8 =	vld [tilespmem:s28+$0x80]  }
0x141: {  	s28 =	sor.u32 $0x1C50, s29;
	v11 =	vmul.f32 v9, v9  }
0x142: {  	v6 =	vadd.f32 v10, v6;
	v5 =	vadd.f32 v9, v5;
	v9 =	vld [tilespmem:s28+$0x80]  }
0x143: {  	s28 =	sor.u32 $0x1C60, s29;
	v10 =	vmul.f32 v7, v7  }
0x144: {  	v6 =	vadd.f32 v11, v6;
	v5 =	vadd.f32 v7, v5;
	v7 =	vld [tilespmem:s28+$0x80]  }
0x145: {  	s28 =	sor.u32 $0x1C70, s29;
	v11 =	vmul.f32 v8, v8  }
0x146: {  	v6 =	vadd.f32 v10, v6;
	v5 =	vadd.f32 v8, v5;
	v8 =	vld [tilespmem:s28+$0x80]  }
0x147: {  	v10 =	vmul.f32 v9, v9  }
0x148: {  	v6 =	vadd.f32 v11, v6;
	v5 =	vadd.f32 v9, v5  }
0x149: {  	v9 =	vmul.f32 v7, v7  }
.Ltmp0:
0x14a: {  	v6 =	vadd.f32 v10, v6;
	v5 =	vadd.f32 v7, v5;
	(pc) =	sbr.rel @p0 .LBB2_2-.Ltmp0, $4  }
0x14b: {  	v7 =	vmul.f32 v8, v8  }
0x14c: {  	s24 =	sadd.s32 $0x400, s24;
	v6 =	vadd.f32 v9, v6;
	v8 =	vadd.f32 v8, v5  }
0x14d: {  	s22 =	sadd.s32 $0x1, s22;
	s19 =	sadd.s32 $0x80, s19;
	s21 =	sadd.s32 $0x400, s21  }
0x14e: {  	s29 =	sadd.s32 $0x4000, s24;
	s28 =	smov.u32 s26;
	v5 =	vadd.f32 v7, v6;
	[tilespmem:s20+$0x0] =	vst v8;
	s20 =	sadd.s32 $0x80, s20  }
0x14f: {  	s24 =	sand.u32 $0x2000, s29  }
0x150: {  	s23 =	sor.u32 s23, s24;
	[tilespmem:s25+$0x0] =	vst v5  }
0x151: {  	v5 =	vld [tilespmem:s23+$0x80]  }
0x152: {  	v6 =	vld [tilespmem:s23+$0x90];
	_ =	sdelay $0x1  }
0x153: {  	v7 =	vld [tilespmem:s23+$0xA0];
	_ =	sdelay $0x1  }
0x154: {  	v8 =	vld [tilespmem:s23+$0xB0]  }
0x155: {  	v9 =	vmul.f32 v5, v5;
	v10 =	vmul.f32 v6, v6  }
0x156: {  	v5 =	vadd.f32 v6, v5;
	v6 =	vld [tilespmem:s23+$0xC0]  }
0x157: {  	v11 =	vmul.f32 v7, v7;
	v9 =	vadd.f32 v10, v9  }
0x158: {  	v5 =	vadd.f32 v7, v5;
	v7 =	vld [tilespmem:s23+$0xD0]  }
0x159: {  	v10 =	vmul.f32 v8, v8;
	v9 =	vadd.f32 v11, v9  }
0x15a: {  	v5 =	vadd.f32 v8, v5;
	v8 =	vld [tilespmem:s23+$0xE0]  }
0x15b: {  	v11 =	vmul.f32 v6, v6;
	v9 =	vadd.f32 v10, v9  }
0x15c: {  	v5 =	vadd.f32 v6, v5;
	v6 =	vld [tilespmem:s23+$0xF0]  }
0x15d: {  	v10 =	vmul.f32 v7, v7;
	v9 =	vadd.f32 v11, v9  }
0x15e: {  	v5 =	vadd.f32 v7, v5;
	v7 =	vld [tilespmem:s23+$0x480]  }
0x15f: {  	v11 =	vmul.f32 v8, v8;
	v9 =	vadd.f32 v10, v9  }
0x160: {  	v5 =	vadd.f32 v8, v5;
	v8 =	vld [tilespmem:s23+$0x490]  }
0x161: {  	v10 =	vmul.f32 v6, v6;
	v9 =	vadd.f32 v11, v9  }
0x162: {  	v5 =	vadd.f32 v6, v5;
	v6 =	vld [tilespmem:s23+$0x4A0]  }
0x163: {  	v11 =	vmul.f32 v7, v7;
	v9 =	vadd.f32 v10, v9  }
0x164: {  	v5 =	vadd.f32 v7, v5;
	v7 =	vld [tilespmem:s23+$0x4B0]  }
0x165: {  	v10 =	vmul.f32 v8, v8;
	v9 =	vadd.f32 v11, v9  }
0x166: {  	v5 =	vadd.f32 v8, v5;
	v8 =	vld [tilespmem:s23+$0x4C0]  }
0x167: {  	v11 =	vmul.f32 v6, v6;
	v9 =	vadd.f32 v10, v9  }
0x168: {  	v5 =	vadd.f32 v6, v5;
	v6 =	vld [tilespmem:s23+$0x4D0]  }
0x169: {  	v10 =	vmul.f32 v7, v7;
	v9 =	vadd.f32 v11, v9  }
0x16a: {  	v5 =	vadd.f32 v7, v5;
	v7 =	vld [tilespmem:s23+$0x4E0]  }
0x16b: {  	v11 =	vmul.f32 v8, v8;
	v9 =	vadd.f32 v10, v9  }
0x16c: {  	v5 =	vadd.f32 v8, v5;
	v8 =	vld [tilespmem:s23+$0x4F0]  }
0x16d: {  	v10 =	vmul.f32 v6, v6;
	v9 =	vadd.f32 v11, v9  }
0x16e: {  	v5 =	vadd.f32 v6, v5;
	v6 =	vld [tilespmem:s23+$0x880]  }
0x16f: {  	v11 =	vmul.f32 v7, v7;
	v9 =	vadd.f32 v10, v9  }
0x170: {  	v5 =	vadd.f32 v7, v5;
	v7 =	vld [tilespmem:s23+$0x890]  }
0x171: {  	v10 =	vmul.f32 v8, v8;
	v9 =	vadd.f32 v11, v9  }
0x172: {  	v5 =	vadd.f32 v8, v5;
	v8 =	vld [tilespmem:s23+$0x8A0]  }
0x173: {  	v11 =	vmul.f32 v6, v6;
	v9 =	vadd.f32 v10, v9  }
0x174: {  	v5 =	vadd.f32 v6, v5;
	v6 =	vld [tilespmem:s23+$0x8B0]  }
0x175: {  	v10 =	vmul.f32 v7, v7;
	v9 =	vadd.f32 v11, v9  }
0x176: {  	v5 =	vadd.f32 v7, v5;
	v7 =	vld [tilespmem:s23+$0x8C0]  }
0x177: {  	v11 =	vmul.f32 v8, v8;
	v9 =	vadd.f32 v10, v9  }
0x178: {  	v5 =	vadd.f32 v8, v5;
	v8 =	vld [tilespmem:s23+$0x8D0]  }
0x179: {  	v10 =	vmul.f32 v6, v6;
	v9 =	vadd.f32 v11, v9  }
0x17a: {  	v5 =	vadd.f32 v6, v5;
	v6 =	vld [tilespmem:s23+$0x8E0]  }
0x17b: {  	v11 =	vmul.f32 v7, v7;
	v9 =	vadd.f32 v10, v9  }
0x17c: {  	v5 =	vadd.f32 v7, v5;
	v7 =	vld [tilespmem:s23+$0x8F0]  }
0x17d: {  	v10 =	vmul.f32 v8, v8;
	v9 =	vadd.f32 v11, v9  }
0x17e: {  	v5 =	vadd.f32 v8, v5;
	v8 =	vld [tilespmem:s23+$0xC80]  }
0x17f: {  	v11 =	vmul.f32 v6, v6;
	v9 =	vadd.f32 v10, v9  }
0x180: {  	v5 =	vadd.f32 v6, v5;
	v6 =	vld [tilespmem:s23+$0xC90]  }
0x181: {  	v10 =	vmul.f32 v7, v7;
	v9 =	vadd.f32 v11, v9  }
0x182: {  	v5 =	vadd.f32 v7, v5;
	v7 =	vld [tilespmem:s23+$0xCA0]  }
0x183: {  	v11 =	vmul.f32 v8, v8;
	v9 =	vadd.f32 v10, v9  }
0x184: {  	v5 =	vadd.f32 v8, v5;
	v8 =	vld [tilespmem:s23+$0xCB0]  }
0x185: {  	v10 =	vmul.f32 v6, v6;
	v9 =	vadd.f32 v11, v9  }
0x186: {  	v5 =	vadd.f32 v6, v5;
	v6 =	vld [tilespmem:s23+$0xCC0]  }
0x187: {  	v11 =	vmul.f32 v7, v7;
	v9 =	vadd.f32 v10, v9  }
0x188: {  	v5 =	vadd.f32 v7, v5;
	v7 =	vld [tilespmem:s23+$0xCD0]  }
0x189: {  	v10 =	vmul.f32 v8, v8;
	v9 =	vadd.f32 v11, v9  }
0x18a: {  	v5 =	vadd.f32 v8, v5;
	v8 =	vld [tilespmem:s23+$0xCE0]  }
0x18b: {  	v11 =	vmul.f32 v6, v6;
	v9 =	vadd.f32 v10, v9  }
0x18c: {  	v5 =	vadd.f32 v6, v5;
	v6 =	vld [tilespmem:s23+$0xCF0]  }
0x18d: {  	v10 =	vmul.f32 v7, v7;
	v9 =	vadd.f32 v11, v9  }
0x18e: {  	v5 =	vadd.f32 v7, v5;
	v7 =	vld [tilespmem:s23+$0x1080]  }
0x18f: {  	v11 =	vmul.f32 v8, v8;
	v9 =	vadd.f32 v10, v9  }
0x190: {  	v5 =	vadd.f32 v8, v5;
	v8 =	vld [tilespmem:s23+$0x1090]  }
0x191: {  	v10 =	vmul.f32 v6, v6;
	v9 =	vadd.f32 v11, v9  }
0x192: {  	v5 =	vadd.f32 v6, v5;
	v6 =	vld [tilespmem:s23+$0x10A0]  }
0x193: {  	v11 =	vmul.f32 v7, v7;
	v9 =	vadd.f32 v10, v9  }
0x194: {  	v5 =	vadd.f32 v7, v5;
	v7 =	vld [tilespmem:s23+$0x10B0]  }
0x195: {  	v10 =	vmul.f32 v8, v8;
	v9 =	vadd.f32 v11, v9  }
0x196: {  	v5 =	vadd.f32 v8, v5;
	v8 =	vld [tilespmem:s23+$0x10C0]  }
0x197: {  	v11 =	vmul.f32 v6, v6;
	v9 =	vadd.f32 v10, v9  }
0x198: {  	v5 =	vadd.f32 v6, v5;
	v6 =	vld [tilespmem:s23+$0x10D0]  }
0x199: {  	v10 =	vmul.f32 v7, v7;
	v9 =	vadd.f32 v11, v9  }
0x19a: {  	v5 =	vadd.f32 v7, v5;
	v7 =	vld [tilespmem:s23+$0x10E0]  }
0x19b: {  	v11 =	vmul.f32 v8, v8;
	v9 =	vadd.f32 v10, v9  }
0x19c: {  	v5 =	vadd.f32 v8, v5;
	v8 =	vld [tilespmem:s23+$0x10F0]  }
0x19d: {  	v10 =	vmul.f32 v6, v6;
	v9 =	vadd.f32 v11, v9  }
0x19e: {  	v5 =	vadd.f32 v6, v5;
	v6 =	vld [tilespmem:s23+$0x1480]  }
0x19f: {  	v11 =	vmul.f32 v7, v7;
	v9 =	vadd.f32 v10, v9  }
0x1a0: {  	v5 =	vadd.f32 v7, v5;
	v7 =	vld [tilespmem:s23+$0x1490]  }
0x1a1: {  	v10 =	vmul.f32 v8, v8;
	v9 =	vadd.f32 v11, v9  }
0x1a2: {  	v5 =	vadd.f32 v8, v5;
	v8 =	vld [tilespmem:s23+$0x14A0]  }
0x1a3: {  	v11 =	vmul.f32 v6, v6;
	v9 =	vadd.f32 v10, v9  }
0x1a4: {  	v5 =	vadd.f32 v6, v5;
	v6 =	vld [tilespmem:s23+$0x14B0]  }
0x1a5: {  	v10 =	vmul.f32 v7, v7;
	v9 =	vadd.f32 v11, v9  }
0x1a6: {  	v5 =	vadd.f32 v7, v5;
	v7 =	vld [tilespmem:s23+$0x14C0]  }
0x1a7: {  	v11 =	vmul.f32 v8, v8;
	v9 =	vadd.f32 v10, v9  }
0x1a8: {  	v5 =	vadd.f32 v8, v5;
	v8 =	vld [tilespmem:s23+$0x14D0]  }
0x1a9: {  	v10 =	vmul.f32 v6, v6;
	v9 =	vadd.f32 v11, v9  }
0x1aa: {  	v5 =	vadd.f32 v6, v5;
	v6 =	vld [tilespmem:s23+$0x14E0]  }
0x1ab: {  	v11 =	vmul.f32 v7, v7;
	v9 =	vadd.f32 v10, v9  }
0x1ac: {  	v5 =	vadd.f32 v7, v5;
	v7 =	vld [tilespmem:s23+$0x14F0]  }
0x1ad: {  	v10 =	vmul.f32 v8, v8;
	v9 =	vadd.f32 v11, v9  }
0x1ae: {  	v5 =	vadd.f32 v8, v5;
	v8 =	vld [tilespmem:s23+$0x1880]  }
0x1af: {  	v11 =	vmul.f32 v6, v6;
	v9 =	vadd.f32 v10, v9  }
0x1b0: {  	v5 =	vadd.f32 v6, v5;
	v6 =	vld [tilespmem:s23+$0x1890]  }
0x1b1: {  	v10 =	vmul.f32 v7, v7;
	v9 =	vadd.f32 v11, v9  }
0x1b2: {  	v5 =	vadd.f32 v7, v5;
	v7 =	vld [tilespmem:s23+$0x18A0]  }
0x1b3: {  	v11 =	vmul.f32 v8, v8;
	v9 =	vadd.f32 v10, v9  }
0x1b4: {  	v5 =	vadd.f32 v8, v5;
	v8 =	vld [tilespmem:s23+$0x18B0]  }
0x1b5: {  	v10 =	vmul.f32 v6, v6;
	v9 =	vadd.f32 v11, v9  }
0x1b6: {  	v5 =	vadd.f32 v6, v5;
	v6 =	vld [tilespmem:s23+$0x18C0]  }
0x1b7: {  	v11 =	vmul.f32 v7, v7;
	v9 =	vadd.f32 v10, v9  }
0x1b8: {  	v5 =	vadd.f32 v7, v5;
	v7 =	vld [tilespmem:s23+$0x18D0]  }
0x1b9: {  	v10 =	vmul.f32 v8, v8;
	v9 =	vadd.f32 v11, v9  }
0x1ba: {  	s22 =	sand.u32 $0x7, s22;
	v5 =	vadd.f32 v8, v5;
	v8 =	vld [tilespmem:s23+$0x18E0]  }
0x1bb: {  	s22 =	sshll.u32 s22, $0x7;
	v11 =	vmul.f32 v6, v6;
	v9 =	vadd.f32 v10, v9  }
0x1bc: {  	s21 =	sadd.s32 s22, s21;
	v5 =	vadd.f32 v6, v5;
	v6 =	vld [tilespmem:s23+$0x18F0]  }
0x1bd: {  	s22 =	sor.u32 $0x1C00, s21;
	v10 =	vmul.f32 v7, v7;
	v9 =	vadd.f32 v11, v9  }
0x1be: {  	v5 =	vadd.f32 v7, v5;
	v7 =	vld [tilespmem:s22+$0x80]  }
0x1bf: {  	s24 =	sor.u32 $0x1C10, s21;
	v11 =	vmul.f32 v8, v8;
	v9 =	vadd.f32 v10, v9  }
0x1c0: {  	v5 =	vadd.f32 v8, v5;
	v8 =	vld [tilespmem:s24+$0x80]  }
0x1c1: {  	s25 =	sor.u32 $0x1C20, s21;
	v10 =	vmul.f32 v6, v6;
	v9 =	vadd.f32 v11, v9  }
0x1c2: {  	v5 =	vadd.f32 v6, v5;
	v6 =	vld [tilespmem:s25+$0x80]  }
0x1c3: {  	s26 =	sor.u32 $0x1C30, s21;
	v11 =	vmul.f32 v7, v7;
	v9 =	vadd.f32 v10, v9  }
0x1c4: {  	v5 =	vadd.f32 v7, v5;
	v7 =	vld [tilespmem:s26+$0x80]  }
0x1c5: {  	s28 =	sor.u32 $0x1C40, s21;
	v10 =	vmul.f32 v8, v8;
	v9 =	vadd.f32 v11, v9  }
0x1c6: {  	v5 =	vadd.f32 v8, v5;
	v8 =	vld [tilespmem:s28+$0x80]  }
0x1c7: {  	s29 =	sor.u32 $0x1C50, s21;
	v11 =	vmul.f32 v6, v6;
	v9 =	vadd.f32 v10, v9  }
0x1c8: {  	v5 =	vadd.f32 v6, v5;
	v6 =	vld [tilespmem:s29+$0x80]  }
0x1c9: {  	s30 =	sor.u32 $0x1C60, s21;
	v10 =	vmul.f32 v7, v7;
	v9 =	vadd.f32 v11, v9  }
0x1ca: {  	v5 =	vadd.f32 v7, v5;
	v7 =	vld [tilespmem:s30+$0x80]  }
0x1cb: {  	s21 =	sor.u32 $0x1C70, s21;
	v11 =	vmul.f32 v8, v8;
	v9 =	vadd.f32 v10, v9  }
0x1cc: {  	v5 =	vadd.f32 v8, v5;
	v8 =	vld [tilespmem:s21+$0x80]  }
0x1cd: {  	v10 =	vmul.f32 v6, v6;
	v9 =	vadd.f32 v11, v9  }
0x1ce: {  	v5 =	vadd.f32 v6, v5  }
0x1cf: {  	v6 =	vmul.f32 v7, v7;
	v9 =	vadd.f32 v10, v9  }
0x1d0: {  	v7 =	vadd.f32 v7, v5;
	v5 =	vmul.u32 $0x80, v0  }
0x1d1: {  	v10 =	vmul.f32 v8, v8;
	v6 =	vadd.f32 v6, v9  }
0x1d2: {  	v7 =	vadd.f32 v8, v7  }
0x1d3: {  	v6 =	vadd.f32 v10, v6;
	v10 =	vor.u32 $0x1, v5  }
0x1d4: {  	[tilespmem:s20+$0x0] =	vst v7  }
0x1d5: {  	v11 =	vor.u32 $0x2, v5;
	[tilespmem:s19+$0x0] =	vst v6  }
0x1d6: {  	v7 =	vld.idx.msk [tilespmem:v5+s1+$0x0], $0xffff  }
0x1d7: {  	v8 =	vor.u32 $0x3, v5;
	v9 =	vld.idx.msk [tilespmem:v5+s0+$0x0], $0xffff  }
0x1d8: {  	v6 =	vor.u32 $0x4, v5;
	v12 =	vld.idx.msk [tilespmem:v10+s1+$0x0], $0xffff  }
0x1d9: {  	v13 =	vld.idx.msk [tilespmem:v10+s0+$0x0], $0xffff  }
0x1da: {  	v14 =	vld.idx.msk [tilespmem:v11+s1+$0x0], $0xffff  }
0x1db: {  	v16 =	vld.idx.msk [tilespmem:v11+s0+$0x0], $0xffff;
	v15 =	vadd.f32 $0.0e+00, v7;
	v7 =	vor.u32 $0x5, v5  }
0x1dc: {  	v17 =	vld.idx.msk [tilespmem:v8+s1+$0x0], $0xffff;
	v18 =	vadd.f32 $0.0e+00, v9;
	v9 =	vor.u32 $0x6, v5  }
0x1dd: {  	v19 =	vld.idx.msk [tilespmem:v6+s1+$0x0], $0xffff;
	v12 =	vadd.f32 v12, v15  }
0x1de: {  	v15 =	vld.idx.msk [tilespmem:v8+s0+$0x0], $0xffff;
	v13 =	vadd.f32 v13, v18  }
0x1df: {  	v18 =	vld.idx.msk [tilespmem:v6+s0+$0x0], $0xffff;
	v14 =	vadd.f32 v14, v12;
	v12 =	vor.u32 $0x7, v5  }
0x1e0: {  	v16 =	vadd.f32 v16, v13;
	v13 =	vor.u32 $0x8, v5;
	v20 =	vld.idx.msk [tilespmem:v7+s1+$0x0], $0xffff  }
0x1e1: {  	v21 =	vld.idx.msk [tilespmem:v9+s1+$0x0], $0xffff;
	v14 =	vadd.f32 v17, v14  }
0x1e2: {  	v17 =	vld.idx.msk [tilespmem:v7+s0+$0x0], $0xffff  }
0x1e3: {  	v15 =	vadd.f32 v15, v16;
	v16 =	vadd.f32 v19, v14;
	v19 =	vld.idx.msk [tilespmem:v9+s0+$0x0], $0xffff;
	v14 =	vor.u32 $0x9, v5  }
0x1e4: {  	v22 =	vld.idx.msk [tilespmem:v12+s1+$0x0], $0xffff  }
0x1e5: {  	v18 =	vadd.f32 v18, v15;
	v15 =	vor.u32 $0xA, v5;
	v23 =	vld.idx.msk [tilespmem:v13+s1+$0x0], $0xffff;
	v16 =	vadd.f32 v20, v16  }
0x1e6: {  	v20 =	vld.idx.msk [tilespmem:v12+s0+$0x0], $0xffff  }
0x1e7: {  	v17 =	vadd.f32 v17, v18;
	v18 =	vadd.f32 v21, v16;
	v21 =	vld.idx.msk [tilespmem:v13+s0+$0x0], $0xffff;
	v16 =	vor.u32 $0xB, v5  }
0x1e8: {  	v24 =	vld.idx.msk [tilespmem:v14+s1+$0x0], $0xffff  }
0x1e9: {  	v19 =	vadd.f32 v19, v17;
	v17 =	vor.u32 $0xC, v5;
	v18 =	vadd.f32 v22, v18;
	v22 =	vld.idx.msk [tilespmem:v14+s0+$0x0], $0xffff  }
0x1ea: {  	v25 =	vld.idx.msk [tilespmem:v15+s1+$0x0], $0xffff  }
0x1eb: {  	v19 =	vadd.f32 v20, v19;
	v20 =	vadd.f32 v23, v18;
	v23 =	vld.idx.msk [tilespmem:v15+s0+$0x0], $0xffff;
	v18 =	vor.u32 $0xD, v5  }
0x1ec: {  	v26 =	vld.idx.msk [tilespmem:v16+s1+$0x0], $0xffff  }
0x1ed: {  	v21 =	vadd.f32 v21, v19;
	v46 =	vld.idx.msk [tilespmem:v16+s0+$0x0], $0xffff;
	v19 =	vor.u32 $0xE, v5;
	v20 =	vadd.f32 v24, v20  }
0x1ee: {  	v27 =	vld.idx.msk [tilespmem:v17+s1+$0x0], $0xffff  }
0x1ef: {  	v47 =	vld.idx.msk [tilespmem:v17+s0+$0x0], $0xffff;
	v21 =	vadd.f32 v22, v21;
	v22 =	vadd.f32 v25, v20;
	v20 =	vor.u32 $0xF, v5  }
0x1f0: {  	v28 =	vld.idx.msk [tilespmem:v18+s1+$0x0], $0xffff  }
0x1f1: {  	v21 =	vadd.f32 v23, v21;
	v23 =	vld.idx.msk [tilespmem:v18+s0+$0x0], $0xffff;
	v22 =	vadd.f32 v26, v22  }
0x1f2: {  	v48 =	vld.idx.msk [tilespmem:v19+s1+$0x0], $0xffff  }
0x1f3: {  	v49 =	vld.idx.msk [tilespmem:v19+s0+$0x0], $0xffff;
	v21 =	vadd.f32 v46, v21;
	v22 =	vadd.f32 v27, v22  }
0x1f4: {  	v50 =	vld.idx.msk [tilespmem:v20+s1+$0x0], $0xffff  }
0x1f5: {  	v21 =	vadd.f32 v47, v21;
	v22 =	vadd.f32 v28, v22  }
0x1f6: {  	v51 =	vld.idx.msk [tilespmem:v20+s0+$0x0], $0xffff  }
0x1f7: {  	v21 =	vadd.f32 v23, v21;
	v22 =	vadd.f32 v48, v22;
	_ =	sdelay $0x1  }
0x1f8: {  	v21 =	vadd.f32 v49, v21;
	v22 =	vadd.f32 v50, v22;
	_ =	sdelay $0x1  }
0x1f9: {  	v23 =	vadd.f32 v51, v21;
	v21 =	vmul.f32 $9.765625000e-04, v22;
	_ =	sdelay $0x1  }
0x1fa: {  	v22 =	vmul.f32 $9.765625000e-04, v23;
	v23 =	vmul.f32 v21, v21;
	_ =	sdelay $0x1  }
0x1fb: {  	v22 =	vsub.f32 v22, v23;
	_ =	sdelay $0x1  }
0x1fc: {  	v22 =	vadd.f32 $9.999999740e-06, v22;
	_ =	sdelay $0x1  }
0x1fd: {  	v23 =	vadd.f32 $1.000000000e+00, v22;
	_ =	sdelay $0x1  }
0x1fe: {  	v23 =	vmul.f32 $5.000000000e-01, v23;
	_ =	sdelay $0x1  }
0x1ff: {  	(erf) = vrcp.f32 v23;
	_ =	sdelay $0x8  }
0x200: {  	v52 =	vpop (erf)  }
0x201: {  	v24 =	vmul.f32 v52, v22;
	_ =	sdelay $0x1  }
0x202: {  	v23 =	vadd.f32 v24, v23;
	_ =	sdelay $0x1  }
0x203: {  	v23 =	vmul.f32 $5.000000000e-01, v23;
	_ =	sdelay $0x1  }
0x204: {  	(erf) = vrcp.f32 v23;
	_ =	sdelay $0x8  }
0x205: {  	v53 =	vpop (erf)  }
0x206: {  	v24 =	vmul.f32 v53, v22;
	_ =	sdelay $0x1  }
0x207: {  	v23 =	vadd.f32 v24, v23;
	_ =	sdelay $0x1  }
0x208: {  	v23 =	vmul.f32 $5.000000000e-01, v23;
	_ =	sdelay $0x1  }
0x209: {  	(erf) = vrcp.f32 v23;
	_ =	sdelay $0x8  }
0x20a: {  	v54 =	vpop (erf)  }
0x20b: {  	v24 =	vmul.f32 v54, v22;
	_ =	sdelay $0x1  }
0x20c: {  	v23 =	vadd.f32 v24, v23;
	_ =	sdelay $0x1  }
0x20d: {  	v23 =	vmul.f32 $5.000000000e-01, v23;
	_ =	sdelay $0x1  }
0x20e: {  	(erf) = vrcp.f32 v23;
	_ =	sdelay $0x8  }
0x20f: {  	v55 =	vpop (erf)  }
0x210: {  	v24 =	vmul.f32 v55, v22;
	_ =	sdelay $0x1  }
0x211: {  	v23 =	vadd.f32 v24, v23;
	_ =	sdelay $0x1  }
0x212: {  	v23 =	vmul.f32 $5.000000000e-01, v23;
	_ =	sdelay $0x1  }
0x213: {  	(erf) = vrcp.f32 v23;
	_ =	sdelay $0x8  }
0x214: {  	v56 =	vpop (erf)  }
0x215: {  	v24 =	vmul.f32 v56, v22;
	_ =	sdelay $0x1  }
0x216: {  	v23 =	vadd.f32 v24, v23;
	_ =	sdelay $0x1  }
0x217: {  	v23 =	vmul.f32 $5.000000000e-01, v23;
	_ =	sdelay $0x1  }
0x218: {  	(erf) = vrcp.f32 v23;
	_ =	sdelay $0x8  }
0x219: {  	v57 =	vpop (erf)  }
0x21a: {  	v24 =	vmul.f32 v57, v22;
	_ =	sdelay $0x1  }
0x21b: {  	v23 =	vadd.f32 v24, v23;
	_ =	sdelay $0x1  }
0x21c: {  	v23 =	vmul.f32 $5.000000000e-01, v23;
	_ =	sdelay $0x1  }
0x21d: {  	(erf) = vrcp.f32 v23;
	_ =	sdelay $0x8  }
0x21e: {  	v58 =	vpop (erf)  }
0x21f: {  	v24 =	vmul.f32 v58, v22;
	_ =	sdelay $0x1  }
0x220: {  	v23 =	vadd.f32 v24, v23;
	_ =	sdelay $0x1  }
0x221: {  	v23 =	vmul.f32 $5.000000000e-01, v23;
	_ =	sdelay $0x1  }
0x222: {  	(erf) = vrcp.f32 v23;
	_ =	sdelay $0x8  }
0x223: {  	v59 =	vpop (erf)  }
0x224: {  	v24 =	vmul.f32 v59, v22;
	_ =	sdelay $0x1  }
0x225: {  	v23 =	vadd.f32 v24, v23;
	_ =	sdelay $0x1  }
0x226: {  	v23 =	vmul.f32 $5.000000000e-01, v23;
	_ =	sdelay $0x1  }
0x227: {  	(erf) = vrcp.f32 v23;
	_ =	sdelay $0x8  }
0x228: {  	v60 =	vpop (erf)  }
0x229: {  	v24 =	vmul.f32 v60, v22;
	_ =	sdelay $0x1  }
0x22a: {  	v23 =	vadd.f32 v24, v23;
	_ =	sdelay $0x1  }
0x22b: {  	v23 =	vmul.f32 $5.000000000e-01, v23;
	_ =	sdelay $0x1  }
0x22c: {  	(erf) = vrcp.f32 v23;
	_ =	sdelay $0x8  }
0x22d: {  	v61 =	vpop (erf)  }
0x22e: {  	v24 =	vmul.f32 v61, v22;
	_ =	sdelay $0x1  }
0x22f: {  	v23 =	vadd.f32 v24, v23;
	_ =	sdelay $0x1  }
0x230: {  	v23 =	vmul.f32 $5.000000000e-01, v23;
	_ =	sdelay $0x1  }
0x231: {  	(erf) = vrcp.f32 v23;
	_ =	sdelay $0x8  }
0x232: {  	v62 =	vpop (erf)  }
0x233: {  	v24 =	vmul.f32 v62, v22;
	_ =	sdelay $0x1  }
0x234: {  	v23 =	vadd.f32 v24, v23;
	_ =	sdelay $0x1  }
0x235: {  	v23 =	vmul.f32 $5.000000000e-01, v23;
	_ =	sdelay $0x1  }
0x236: {  	(erf) = vrcp.f32 v23;
	_ =	sdelay $0x8  }
0x237: {  	v63 =	vpop (erf)  }
0x238: {  	v22 =	vmul.f32 v63, v22;
	_ =	sdelay $0x1  }
0x239: {  	v22 =	vadd.f32 v22, v23;
	_ =	sdelay $0x1  }
0x23a: {  	v22 =	vmul.f32 $5.000000000e-01, v22;
	_ =	sdelay $0x1  }
0x23b: {  	(erf) = vrcp.f32 v22;
	_ =	sdelay $0x8  }
0x23c: {  	s22 =	simm.s32 $0x0;
	v22 =	vpop (erf)  }
0x23d: {  	s21 =	simm.s32 $0x0;
	s20 =	simm.s32 $0x0;
	s19 =	simm.s32 $0x0;
	v22 =	vmul.f32 v22, v4  }
.LBB2_4:
0x23e: {  	s23 =	sand.u32 $0x2000, s20;
	s24 =	sand.u32 $0x380, s21  }
0x23f: {  	s23 =	sor.u32 s24, s23  }
0x240: {  	v25 =	vld [tilespmem:s23+$0x80]  }
0x241: {  	v26 =	vld [tilespmem:s23+$0x90]  }
0x242: {  	v24 =	vmov s22;
	v27 =	vld [tilespmem:s23+$0xA0]  }
0x243: {  	v23 =	vperm.xlane v21, v24;
	v28 =	vld [tilespmem:s23+$0xB0]  }
0x244: {  	v29 =	vld [tilespmem:s23+$0xC0]  }
0x245: {  	v24 =	vperm.xlane v22, v24;
	v30 =	vld [tilespmem:s23+$0xD0];
	v25 =	vsub.f32 v25, v23  }
0x246: {  	v31 =	vld [tilespmem:s23+$0xE0];
	v26 =	vsub.f32 v26, v23  }
0x247: {  	v32 =	vld [tilespmem:s23+$0xF0];
	v27 =	vsub.f32 v27, v23;
	v25 =	vmul.f32 v25, v24  }
0x248: {  	v33 =	vld [tilespmem:s23+$0x480];
	v28 =	vsub.f32 v28, v23;
	v26 =	vmul.f32 v26, v24  }
0x249: {  	v63 =	vld [tilespmem:s23+$0x490];
	v62 =	vsub.f32 v29, v23;
	v61 =	vmul.f32 v27, v24;
	[tilespmem:s23+$0x8080] =	vst v25  }
0x24a: {  	v36 =	vld [tilespmem:s23+$0x4A0];
	v35 =	vsub.f32 v30, v23;
	v34 =	vmul.f32 v28, v24;
	[tilespmem:s23+$0x8090] =	vst v26  }
0x24b: {  	v39 =	vld [tilespmem:s23+$0x4B0];
	v38 =	vsub.f32 v31, v23;
	v37 =	vmul.f32 v62, v24;
	[tilespmem:s23+$0x80A0] =	vst v61  }
0x24c: {  	v42 =	vld [tilespmem:s23+$0x4C0];
	v41 =	vsub.f32 v32, v23;
	v40 =	vmul.f32 v35, v24;
	[tilespmem:s23+$0x80B0] =	vst v34  }
0x24d: {  	v45 =	vld [tilespmem:s23+$0x4D0];
	v44 =	vsub.f32 v33, v23;
	v43 =	vmul.f32 v38, v24;
	[tilespmem:s23+$0x80C0] =	vst v37  }
0x24e: {  	v48 =	vld [tilespmem:s23+$0x4E0];
	v47 =	vsub.f32 v63, v23;
	v46 =	vmul.f32 v41, v24;
	[tilespmem:s23+$0x80D0] =	vst v40  }
0x24f: {  	v51 =	vld [tilespmem:s23+$0x4F0];
	v50 =	vsub.f32 v36, v23;
	v49 =	vmul.f32 v44, v24;
	[tilespmem:s23+$0x80E0] =	vst v43  }
0x250: {  	v54 =	vld [tilespmem:s23+$0x880];
	v53 =	vsub.f32 v39, v23;
	v52 =	vmul.f32 v47, v24;
	[tilespmem:s23+$0x80F0] =	vst v46  }
0x251: {  	v57 =	vld [tilespmem:s23+$0x890];
	v56 =	vsub.f32 v42, v23;
	v55 =	vmul.f32 v50, v24;
	[tilespmem:s23+$0x8480] =	vst v49  }
0x252: {  	v60 =	vld [tilespmem:s23+$0x8A0];
	v59 =	vsub.f32 v45, v23;
	v58 =	vmul.f32 v53, v24;
	[tilespmem:s23+$0x8490] =	vst v52  }
0x253: {  	v63 =	vld [tilespmem:s23+$0x8B0];
	v62 =	vsub.f32 v48, v23;
	[tilespmem:s23+$0x84A0] =	vst v55;
	v61 =	vmul.f32 v56, v24  }
0x254: {  	v36 =	vld [tilespmem:s23+$0x8C0];
	v35 =	vsub.f32 v51, v23;
	[tilespmem:s23+$0x84B0] =	vst v58;
	v34 =	vmul.f32 v59, v24  }
0x255: {  	v39 =	vld [tilespmem:s23+$0x8D0];
	v38 =	vsub.f32 v54, v23;
	v37 =	vmul.f32 v62, v24;
	[tilespmem:s23+$0x84C0] =	vst v61  }
0x256: {  	v42 =	vld [tilespmem:s23+$0x8E0];
	v41 =	vsub.f32 v57, v23;
	v40 =	vmul.f32 v35, v24;
	[tilespmem:s23+$0x84D0] =	vst v34  }
0x257: {  	v45 =	vld [tilespmem:s23+$0x8F0];
	v44 =	vsub.f32 v60, v23;
	v43 =	vmul.f32 v38, v24;
	[tilespmem:s23+$0x84E0] =	vst v37  }
0x258: {  	v48 =	vld [tilespmem:s23+$0xC80];
	v46 =	vmul.f32 v41, v24;
	v47 =	vsub.f32 v63, v23;
	[tilespmem:s23+$0x84F0] =	vst v40  }
0x259: {  	v51 =	vld [tilespmem:s23+$0xC90];
	v49 =	vmul.f32 v44, v24;
	v50 =	vsub.f32 v36, v23;
	[tilespmem:s23+$0x8880] =	vst v43  }
0x25a: {  	v54 =	vld [tilespmem:s23+$0xCA0];
	v53 =	vsub.f32 v39, v23;
	[tilespmem:s23+$0x8890] =	vst v46;
	v52 =	vmul.f32 v47, v24  }
0x25b: {  	v57 =	vld [tilespmem:s23+$0xCB0];
	v56 =	vsub.f32 v42, v23;
	[tilespmem:s23+$0x88A0] =	vst v49;
	v55 =	vmul.f32 v50, v24  }
0x25c: {  	v60 =	vld [tilespmem:s23+$0xCC0];
	v59 =	vsub.f32 v45, v23;
	v58 =	vmul.f32 v53, v24;
	[tilespmem:s23+$0x88B0] =	vst v52  }
0x25d: {  	v63 =	vld [tilespmem:s23+$0xCD0];
	v61 =	vmul.f32 v56, v24;
	v62 =	vsub.f32 v48, v23;
	[tilespmem:s23+$0x88C0] =	vst v55  }
0x25e: {  	v36 =	vld [tilespmem:s23+$0xCE0];
	v34 =	vmul.f32 v59, v24;
	v35 =	vsub.f32 v51, v23;
	[tilespmem:s23+$0x88D0] =	vst v58  }
0x25f: {  	v39 =	vld [tilespmem:s23+$0xCF0];
	v38 =	vsub.f32 v54, v23;
	[tilespmem:s23+$0x88E0] =	vst v61;
	v37 =	vmul.f32 v62, v24  }
0x260: {  	v42 =	vld [tilespmem:s23+$0x1080];
	v41 =	vsub.f32 v57, v23;
	[tilespmem:s23+$0x88F0] =	vst v34;
	v40 =	vmul.f32 v35, v24  }
0x261: {  	v45 =	vld [tilespmem:s23+$0x1090];
	v44 =	vsub.f32 v60, v23;
	v43 =	vmul.f32 v38, v24;
	[tilespmem:s23+$0x8C80] =	vst v37  }
0x262: {  	v48 =	vld [tilespmem:s23+$0x10A0];
	v46 =	vmul.f32 v41, v24;
	v47 =	vsub.f32 v63, v23;
	[tilespmem:s23+$0x8C90] =	vst v40  }
0x263: {  	v51 =	vld [tilespmem:s23+$0x10B0];
	v49 =	vmul.f32 v44, v24;
	v50 =	vsub.f32 v36, v23;
	[tilespmem:s23+$0x8CA0] =	vst v43  }
0x264: {  	v54 =	vld [tilespmem:s23+$0x10C0];
	v53 =	vsub.f32 v39, v23;
	[tilespmem:s23+$0x8CB0] =	vst v46;
	v52 =	vmul.f32 v47, v24  }
0x265: {  	v57 =	vld [tilespmem:s23+$0x10D0];
	v56 =	vsub.f32 v42, v23;
	[tilespmem:s23+$0x8CC0] =	vst v49;
	v55 =	vmul.f32 v50, v24  }
0x266: {  	v60 =	vld [tilespmem:s23+$0x10E0];
	v59 =	vsub.f32 v45, v23;
	v58 =	vmul.f32 v53, v24;
	[tilespmem:s23+$0x8CD0] =	vst v52  }
0x267: {  	v63 =	vld [tilespmem:s23+$0x10F0];
	v61 =	vmul.f32 v56, v24;
	v62 =	vsub.f32 v48, v23;
	[tilespmem:s23+$0x8CE0] =	vst v55  }
0x268: {  	v36 =	vld [tilespmem:s23+$0x1480];
	v34 =	vmul.f32 v59, v24;
	v35 =	vsub.f32 v51, v23;
	[tilespmem:s23+$0x8CF0] =	vst v58  }
0x269: {  	v39 =	vld [tilespmem:s23+$0x1490];
	v38 =	vsub.f32 v54, v23;
	[tilespmem:s23+$0x9080] =	vst v61;
	v37 =	vmul.f32 v62, v24  }
0x26a: {  	v42 =	vld [tilespmem:s23+$0x14A0];
	v41 =	vsub.f32 v57, v23;
	[tilespmem:s23+$0x9090] =	vst v34;
	v40 =	vmul.f32 v35, v24  }
0x26b: {  	v45 =	vld [tilespmem:s23+$0x14B0];
	v44 =	vsub.f32 v60, v23;
	v43 =	vmul.f32 v38, v24;
	[tilespmem:s23+$0x90A0] =	vst v37  }
0x26c: {  	v48 =	vld [tilespmem:s23+$0x14C0];
	v46 =	vmul.f32 v41, v24;
	v47 =	vsub.f32 v63, v23;
	[tilespmem:s23+$0x90B0] =	vst v40  }
0x26d: {  	v51 =	vld [tilespmem:s23+$0x14D0];
	v49 =	vmul.f32 v44, v24;
	v50 =	vsub.f32 v36, v23;
	[tilespmem:s23+$0x90C0] =	vst v43  }
0x26e: {  	v54 =	vld [tilespmem:s23+$0x14E0];
	v53 =	vsub.f32 v39, v23;
	[tilespmem:s23+$0x90D0] =	vst v46;
	v52 =	vmul.f32 v47, v24  }
0x26f: {  	v57 =	vld [tilespmem:s23+$0x14F0];
	v56 =	vsub.f32 v42, v23;
	[tilespmem:s23+$0x90E0] =	vst v49;
	v55 =	vmul.f32 v50, v24  }
0x270: {  	v60 =	vld [tilespmem:s23+$0x1880];
	v59 =	vsub.f32 v45, v23;
	v58 =	vmul.f32 v53, v24;
	[tilespmem:s23+$0x90F0] =	vst v52  }
0x271: {  	v63 =	vld [tilespmem:s23+$0x1890];
	v61 =	vmul.f32 v56, v24;
	v62 =	vsub.f32 v48, v23;
	[tilespmem:s23+$0x9480] =	vst v55  }
0x272: {  	v36 =	vld [tilespmem:s23+$0x18A0];
	v34 =	vmul.f32 v59, v24;
	v35 =	vsub.f32 v51, v23;
	[tilespmem:s23+$0x9490] =	vst v58  }
0x273: {  	v39 =	vld [tilespmem:s23+$0x18B0];
	v38 =	vsub.f32 v54, v23;
	[tilespmem:s23+$0x94A0] =	vst v61;
	v37 =	vmul.f32 v62, v24  }
0x274: {  	v42 =	vld [tilespmem:s23+$0x18C0];
	v41 =	vsub.f32 v57, v23;
	[tilespmem:s23+$0x94B0] =	vst v34;
	v40 =	vmul.f32 v35, v24  }
0x275: {  	v45 =	vld [tilespmem:s23+$0x18D0];
	v44 =	vsub.f32 v60, v23;
	v43 =	vmul.f32 v38, v24;
	[tilespmem:s23+$0x94C0] =	vst v37  }
0x276: {  	v48 =	vld [tilespmem:s23+$0x18E0];
	v46 =	vmul.f32 v41, v24;
	v47 =	vsub.f32 v63, v23;
	[tilespmem:s23+$0x94D0] =	vst v40  }
0x277: {  	v51 =	vld [tilespmem:s23+$0x18F0];
	v49 =	vmul.f32 v44, v24;
	v50 =	vsub.f32 v36, v23;
	[tilespmem:s23+$0x94E0] =	vst v43  }
0x278: {  	v53 =	vsub.f32 v39, v23;
	[tilespmem:s23+$0x94F0] =	vst v46;
	v52 =	vmul.f32 v47, v24  }
0x279: {  	v55 =	vsub.f32 v42, v23;
	[tilespmem:s23+$0x9880] =	vst v49;
	v54 =	vmul.f32 v50, v24  }
0x27a: {  	v57 =	vsub.f32 v45, v23;
	v56 =	vmul.f32 v53, v24;
	[tilespmem:s23+$0x9890] =	vst v52  }
0x27b: {  	v58 =	vmul.f32 v55, v24;
	v59 =	vsub.f32 v48, v23;
	[tilespmem:s23+$0x98A0] =	vst v54  }
0x27c: {  	v60 =	vmul.f32 v57, v24;
	v61 =	vsub.f32 v51, v23;
	[tilespmem:s23+$0x98B0] =	vst v56  }
0x27d: {  	s26 =	sand.u32 $0x7, s19;
	[tilespmem:s23+$0x98C0] =	vst v58;
	v62 =	vmul.f32 v59, v24  }
0x27e: {  	s24 =	sshll.u32 s26, $0x7;
	[tilespmem:s23+$0x98D0] =	vst v60;
	v63 =	vmul.f32 v61, v24  }
0x27f: {  	s24 =	sadd.s32 s24, s20;
	[tilespmem:s23+$0x98E0] =	vst v62  }
0x280: {  	s28 =	sor.u32 $0x1C00, s24;
	[tilespmem:s23+$0x98F0] =	vst v63  }
0x281: {  	v25 =	vld [tilespmem:s28+$0x80];
	_ =	sdelay $0x4  }
0x282: {  	v25 =	vsub.f32 v25, v23;
	_ =	sdelay $0x1  }
0x283: {  	v25 =	vmul.f32 v25, v24;
	_ =	sdelay $0x1  }
0x284: {  	s29 =	sor.u32 $0x1C10, s24;
	[tilespmem:s28+$0x8080] =	vst v25  }
0x285: {  	v25 =	vld [tilespmem:s29+$0x80];
	_ =	sdelay $0x4  }
0x286: {  	v25 =	vsub.f32 v25, v23;
	_ =	sdelay $0x1  }
0x287: {  	v25 =	vmul.f32 v25, v24;
	_ =	sdelay $0x1  }
0x288: {  	s30 =	sor.u32 $0x1C20, s24;
	[tilespmem:s29+$0x8080] =	vst v25  }
0x289: {  	v25 =	vld [tilespmem:s30+$0x80];
	_ =	sdelay $0x4  }
0x28a: {  	v25 =	vsub.f32 v25, v23;
	_ =	sdelay $0x1  }
0x28b: {  	v25 =	vmul.f32 v25, v24;
	_ =	sdelay $0x1  }
0x28c: {  	s25 =	sor.u32 $0x1C30, s24;
	[tilespmem:s30+$0x8080] =	vst v25  }
0x28d: {  	v25 =	vld [tilespmem:s25+$0x80];
	_ =	sdelay $0x4  }
0x28e: {  	v25 =	vsub.f32 v25, v23;
	_ =	sdelay $0x1  }
0x28f: {  	v25 =	vmul.f32 v25, v24;
	_ =	sdelay $0x1  }
0x290: {  	s26 =	sor.u32 $0x1C40, s24;
	[tilespmem:s25+$0x8080] =	vst v25  }
0x291: {  	v25 =	vld [tilespmem:s26+$0x80];
	_ =	sdelay $0x4  }
0x292: {  	v25 =	vsub.f32 v25, v23;
	_ =	sdelay $0x1  }
0x293: {  	v25 =	vmul.f32 v25, v24;
	_ =	sdelay $0x1  }
0x294: {  	s28 =	sor.u32 $0x1C50, s24;
	[tilespmem:s26+$0x8080] =	vst v25  }
0x295: {  	v25 =	vld [tilespmem:s28+$0x80];
	_ =	sdelay $0x4  }
0x296: {  	v25 =	vsub.f32 v25, v23;
	_ =	sdelay $0x1  }
0x297: {  	v25 =	vmul.f32 v25, v24;
	_ =	sdelay $0x1  }
0x298: {  	s29 =	sor.u32 $0x1C60, s24;
	[tilespmem:s28+$0x8080] =	vst v25  }
0x299: {  	v25 =	vld [tilespmem:s29+$0x80];
	_ =	sdelay $0x4  }
0x29a: {  	v25 =	vsub.f32 v25, v23;
	_ =	sdelay $0x1  }
0x29b: {  	v25 =	vmul.f32 v25, v24;
	_ =	sdelay $0x1  }
0x29c: {  	s30 =	sor.u32 $0x1C70, s24;
	[tilespmem:s29+$0x8080] =	vst v25  }
0x29d: {  	v25 =	vld [tilespmem:s30+$0x80];
	_ =	sdelay $0x3  }
0x29e: {  	p0 =	sne.s32 s22, $0xF  }
.Ltmp1:
0x29f: {  	v23 =	vsub.f32 v25, v23;
	(pc) =	sbr.rel @p0 .LBB2_4-.Ltmp1, $4  }
0x2a0: {  	_ = 	snop  }
0x2a1: {  	v23 =	vmul.f32 v23, v24  }
0x2a2: {  	s21 =	sadd.s32 $0x80, s21  }
0x2a3: {  	s19 =	sadd.s32 $0x1, s19;
	s22 =	sadd.s32 $0x1, s22;
	s20 =	sadd.s32 $0x400, s20;
	[tilespmem:s30+$0x8080] =	vst v23  }
0x2a4: {  	s19 =	simm.s32 $0x0  }
0x2a5: {  	[hbm4b:s9+s19] =	stream.linear.scatter [tilespmem:s12], [sflag:$0x3], $0x4000, $0x38;
	[tilespmem:$0x11100] =	vst v63  }
0x2a6: {  	s20 =	simm.s32 $0x0;
	_ =	swait.ge [sflag:s14], $0x4000  }
0x2a7: {  	s21 =	sand.u32 $0x380, s19;
	s20 =	sand.u32 $0x2000, s20;
	[sflag:s14] =	ssyncset.done $0x0  }
0x2a8: {  	s20 =	sor.u32 s21, s20;
	[sflag:s14] =	ssyncadd.s32 $0xFFFFC000  }
0x2a9: {  	v21 =	vld [tilespmem:s20+$0x4080]  }
0x2aa: {  	v22 =	vld [tilespmem:s20+$0x4090];
	_ =	sdelay $0x1  }
0x2ab: {  	v23 =	vld [tilespmem:s20+$0x40A0];
	_ =	sdelay $0x1  }
0x2ac: {  	v24 =	vld [tilespmem:s20+$0x40B0]  }
0x2ad: {  	v25 =	vmul.f32 v21, v21;
	v21 =	vadd.f32 v22, v21;
	v22 =	vmul.f32 v22, v22  }
0x2ae: {  	v26 =	vld [tilespmem:s20+$0x40C0]  }
0x2af: {  	v27 =	vmul.f32 v23, v23;
	v22 =	vadd.f32 v22, v25;
	v21 =	vadd.f32 v23, v21  }
0x2b0: {  	v23 =	vld [tilespmem:s20+$0x40D0]  }
0x2b1: {  	v33 =	vmul.f32 v24, v24;
	v22 =	vadd.f32 v27, v22;
	v21 =	vadd.f32 v24, v21  }
0x2b2: {  	v34 =	vld [tilespmem:s20+$0x40E0]  }
0x2b3: {  	v35 =	vmul.f32 v26, v26;
	v22 =	vadd.f32 v33, v22;
	v21 =	vadd.f32 v26, v21  }
0x2b4: {  	v36 =	vld [tilespmem:s20+$0x40F0]  }
0x2b5: {  	v37 =	vmul.f32 v23, v23;
	v22 =	vadd.f32 v35, v22;
	v21 =	vadd.f32 v23, v21  }
0x2b6: {  	v23 =	vld [tilespmem:s20+$0x4480]  }
0x2b7: {  	v38 =	vmul.f32 v34, v34;
	v22 =	vadd.f32 v37, v22;
	v21 =	vadd.f32 v34, v21  }
0x2b8: {  	v39 =	vld [tilespmem:s20+$0x4490]  }
0x2b9: {  	v40 =	vmul.f32 v36, v36;
	v22 =	vadd.f32 v38, v22;
	v21 =	vadd.f32 v36, v21  }
0x2ba: {  	v41 =	vld [tilespmem:s20+$0x44A0]  }
0x2bb: {  	v42 =	vmul.f32 v23, v23;
	v22 =	vadd.f32 v40, v22;
	v21 =	vadd.f32 v23, v21  }
0x2bc: {  	v23 =	vld [tilespmem:s20+$0x44B0]  }
0x2bd: {  	v43 =	vmul.f32 v39, v39;
	v22 =	vadd.f32 v42, v22;
	v21 =	vadd.f32 v39, v21  }
0x2be: {  	v44 =	vld [tilespmem:s20+$0x44C0]  }
0x2bf: {  	v45 =	vmul.f32 v41, v41;
	v22 =	vadd.f32 v43, v22;
	v21 =	vadd.f32 v41, v21  }
0x2c0: {  	v46 =	vld [tilespmem:s20+$0x44D0]  }
0x2c1: {  	v47 =	vmul.f32 v23, v23;
	v22 =	vadd.f32 v45, v22;
	v21 =	vadd.f32 v23, v21  }
0x2c2: {  	v23 =	vld [tilespmem:s20+$0x44E0]  }
0x2c3: {  	v48 =	vmul.f32 v44, v44;
	v22 =	vadd.f32 v47, v22;
	v21 =	vadd.f32 v44, v21  }
0x2c4: {  	v49 =	vld [tilespmem:s20+$0x44F0]  }
0x2c5: {  	v50 =	vmul.f32 v46, v46;
	v22 =	vadd.f32 v48, v22;
	v21 =	vadd.f32 v46, v21  }
0x2c6: {  	v51 =	vld [tilespmem:s20+$0x4880]  }
0x2c7: {  	v52 =	vmul.f32 v23, v23;
	v22 =	vadd.f32 v50, v22;
	v21 =	vadd.f32 v23, v21  }
0x2c8: {  	v23 =	vld [tilespmem:s20+$0x4890]  }
0x2c9: {  	v53 =	vmul.f32 v49, v49;
	v22 =	vadd.f32 v52, v22;
	v21 =	vadd.f32 v49, v21  }
0x2ca: {  	v54 =	vld [tilespmem:s20+$0x48A0]  }
0x2cb: {  	v55 =	vmul.f32 v51, v51;
	v22 =	vadd.f32 v53, v22;
	v21 =	vadd.f32 v51, v21  }
0x2cc: {  	v56 =	vld [tilespmem:s20+$0x48B0]  }
0x2cd: {  	v57 =	vmul.f32 v23, v23;
	v22 =	vadd.f32 v55, v22;
	v21 =	vadd.f32 v23, v21  }
0x2ce: {  	v23 =	vld [tilespmem:s20+$0x48C0]  }
0x2cf: {  	v58 =	vmul.f32 v54, v54;
	v22 =	vadd.f32 v57, v22;
	v21 =	vadd.f32 v54, v21  }
0x2d0: {  	v59 =	vld [tilespmem:s20+$0x48D0]  }
0x2d1: {  	v60 =	vmul.f32 v56, v56;
	v22 =	vadd.f32 v58, v22;
	v21 =	vadd.f32 v56, v21  }
0x2d2: {  	v61 =	vld [tilespmem:s20+$0x48E0]  }
0x2d3: {  	v62 =	vmul.f32 v23, v23;
	v22 =	vadd.f32 v60, v22;
	v21 =	vadd.f32 v23, v21  }
0x2d4: {  	v23 =	vld [tilespmem:s20+$0x48F0]  }
0x2d5: {  	v63 =	vmul.f32 v59, v59;
	v22 =	vadd.f32 v62, v22;
	v21 =	vadd.f32 v59, v21  }
0x2d6: {  	v30 =	vld [tilespmem:s20+$0x4C80]  }
0x2d7: {  	v31 =	vmul.f32 v61, v61;
	v22 =	vadd.f32 v63, v22;
	v21 =	vadd.f32 v61, v21  }
0x2d8: {  	v32 =	vld [tilespmem:s20+$0x4C90]  }
0x2d9: {  	v33 =	vmul.f32 v23, v23;
	v22 =	vadd.f32 v31, v22;
	v21 =	vadd.f32 v23, v21  }
0x2da: {  	v23 =	vld [tilespmem:s20+$0x4CA0]  }
0x2db: {  	v34 =	vmul.f32 v30, v30;
	v22 =	vadd.f32 v33, v22;
	v21 =	vadd.f32 v30, v21  }
0x2dc: {  	v35 =	vld [tilespmem:s20+$0x4CB0]  }
0x2dd: {  	v36 =	vmul.f32 v32, v32;
	v22 =	vadd.f32 v34, v22;
	v21 =	vadd.f32 v32, v21  }
0x2de: {  	v37 =	vld [tilespmem:s20+$0x4CC0]  }
0x2df: {  	v38 =	vmul.f32 v23, v23;
	v22 =	vadd.f32 v36, v22;
	v21 =	vadd.f32 v23, v21  }
0x2e0: {  	v23 =	vld [tilespmem:s20+$0x4CD0]  }
0x2e1: {  	v39 =	vmul.f32 v35, v35;
	v22 =	vadd.f32 v38, v22;
	v21 =	vadd.f32 v35, v21  }
0x2e2: {  	v40 =	vld [tilespmem:s20+$0x4CE0]  }
0x2e3: {  	v41 =	vmul.f32 v37, v37;
	v22 =	vadd.f32 v39, v22;
	v21 =	vadd.f32 v37, v21  }
0x2e4: {  	v42 =	vld [tilespmem:s20+$0x4CF0]  }
0x2e5: {  	v43 =	vmul.f32 v23, v23;
	v22 =	vadd.f32 v41, v22;
	v21 =	vadd.f32 v23, v21  }
0x2e6: {  	v23 =	vld [tilespmem:s20+$0x5080]  }
0x2e7: {  	v44 =	vmul.f32 v40, v40;
	v22 =	vadd.f32 v43, v22;
	v21 =	vadd.f32 v40, v21  }
0x2e8: {  	v45 =	vld [tilespmem:s20+$0x5090]  }
0x2e9: {  	v46 =	vmul.f32 v42, v42;
	v22 =	vadd.f32 v44, v22;
	v21 =	vadd.f32 v42, v21  }
0x2ea: {  	v47 =	vld [tilespmem:s20+$0x50A0]  }
0x2eb: {  	v48 =	vmul.f32 v23, v23;
	v22 =	vadd.f32 v46, v22;
	v21 =	vadd.f32 v23, v21  }
0x2ec: {  	v23 =	vld [tilespmem:s20+$0x50B0]  }
0x2ed: {  	v49 =	vmul.f32 v45, v45;
	v22 =	vadd.f32 v48, v22;
	v21 =	vadd.f32 v45, v21  }
0x2ee: {  	v50 =	vld [tilespmem:s20+$0x50C0]  }
0x2ef: {  	v51 =	vmul.f32 v47, v47;
	v22 =	vadd.f32 v49, v22;
	v21 =	vadd.f32 v47, v21  }
0x2f0: {  	v52 =	vld [tilespmem:s20+$0x50D0]  }
0x2f1: {  	v53 =	vmul.f32 v23, v23;
	v22 =	vadd.f32 v51, v22;
	v21 =	vadd.f32 v23, v21  }
0x2f2: {  	v23 =	vld [tilespmem:s20+$0x50E0]  }
0x2f3: {  	v54 =	vmul.f32 v50, v50;
	v22 =	vadd.f32 v53, v22;
	v21 =	vadd.f32 v50, v21  }
0x2f4: {  	v55 =	vld [tilespmem:s20+$0x50F0]  }
0x2f5: {  	v56 =	vmul.f32 v52, v52;
	v22 =	vadd.f32 v54, v22;
	v21 =	vadd.f32 v52, v21  }
0x2f6: {  	v57 =	vld [tilespmem:s20+$0x5480]  }
0x2f7: {  	v58 =	vmul.f32 v23, v23;
	v22 =	vadd.f32 v56, v22;
	v21 =	vadd.f32 v23, v21  }
0x2f8: {  	v23 =	vld [tilespmem:s20+$0x5490]  }
0x2f9: {  	v59 =	vmul.f32 v55, v55;
	v22 =	vadd.f32 v58, v22;
	v21 =	vadd.f32 v55, v21  }
0x2fa: {  	v60 =	vld [tilespmem:s20+$0x54A0]  }
0x2fb: {  	v61 =	vmul.f32 v57, v57;
	v22 =	vadd.f32 v59, v22;
	v21 =	vadd.f32 v57, v21  }
0x2fc: {  	v62 =	vld [tilespmem:s20+$0x54B0]  }
0x2fd: {  	v63 =	vmul.f32 v23, v23;
	v22 =	vadd.f32 v61, v22;
	v21 =	vadd.f32 v23, v21  }
0x2fe: {  	v23 =	vld [tilespmem:s20+$0x54C0]  }
0x2ff: {  	v30 =	vmul.f32 v60, v60;
	v22 =	vadd.f32 v63, v22;
	v21 =	vadd.f32 v60, v21  }
0x300: {  	v31 =	vld [tilespmem:s20+$0x54D0]  }
0x301: {  	v32 =	vmul.f32 v62, v62;
	v22 =	vadd.f32 v30, v22;
	v21 =	vadd.f32 v62, v21  }
0x302: {  	v33 =	vld [tilespmem:s20+$0x54E0]  }
0x303: {  	v34 =	vmul.f32 v23, v23;
	v22 =	vadd.f32 v32, v22;
	v21 =	vadd.f32 v23, v21  }
0x304: {  	v23 =	vld [tilespmem:s20+$0x54F0]  }
0x305: {  	v35 =	vmul.f32 v31, v31;
	v22 =	vadd.f32 v34, v22;
	v21 =	vadd.f32 v31, v21  }
0x306: {  	v36 =	vld [tilespmem:s20+$0x5880]  }
0x307: {  	v37 =	vmul.f32 v33, v33;
	v22 =	vadd.f32 v35, v22;
	v21 =	vadd.f32 v33, v21  }
0x308: {  	v38 =	vld [tilespmem:s20+$0x5890]  }
0x309: {  	v39 =	vmul.f32 v23, v23;
	v22 =	vadd.f32 v37, v22;
	v21 =	vadd.f32 v23, v21  }
0x30a: {  	v23 =	vld [tilespmem:s20+$0x58A0]  }
0x30b: {  	v40 =	vmul.f32 v36, v36;
	v22 =	vadd.f32 v39, v22;
	v21 =	vadd.f32 v36, v21  }
0x30c: {  	v41 =	vld [tilespmem:s20+$0x58B0]  }
0x30d: {  	v42 =	vmul.f32 v38, v38;
	v22 =	vadd.f32 v40, v22;
	v21 =	vadd.f32 v38, v21  }
0x30e: {  	v43 =	vld [tilespmem:s20+$0x58C0]  }
0x30f: {  	v44 =	vmul.f32 v23, v23;
	v22 =	vadd.f32 v42, v22;
	v21 =	vadd.f32 v23, v21  }
0x310: {  	v23 =	vld [tilespmem:s20+$0x58D0]  }
0x311: {  	v45 =	vmul.f32 v41, v41;
	v22 =	vadd.f32 v44, v22;
	v21 =	vadd.f32 v41, v21  }
0x312: {  	s19 =	sand.u32 $0x7, s19;
	v46 =	vld [tilespmem:s20+$0x58E0]  }
0x313: {  	s19 =	sshll.u32 s19, $0x7;
	v47 =	vmul.f32 v43, v43;
	v22 =	vadd.f32 v45, v22;
	v21 =	vadd.f32 v43, v21  }
0x314: {  	s19 =	sadd.s32 $0x0, s19;
	v48 =	vld [tilespmem:s20+$0x58F0]  }
0x315: {  	s26 =	sor.u32 $0x1C00, s19;
	v49 =	vmul.f32 v23, v23;
	v22 =	vadd.f32 v47, v22;
	v21 =	vadd.f32 v23, v21  }
0x316: {  	v23 =	vld [tilespmem:s26+$0x4080]  }
0x317: {  	s30 =	sor.u32 $0x1C10, s19;
	v50 =	vmul.f32 v46, v46;
	v22 =	vadd.f32 v49, v22;
	v21 =	vadd.f32 v46, v21  }
0x318: {  	v51 =	vld [tilespmem:s30+$0x4080]  }
0x319: {  	s21 =	sor.u32 $0x1C20, s19;
	v52 =	vmul.f32 v48, v48;
	v22 =	vadd.f32 v50, v22;
	v21 =	vadd.f32 v48, v21  }
0x31a: {  	v53 =	vld [tilespmem:s21+$0x4080]  }
0x31b: {  	s22 =	sor.u32 $0x1C30, s19;
	v54 =	vmul.f32 v23, v23;
	v22 =	vadd.f32 v52, v22;
	v21 =	vadd.f32 v23, v21  }
0x31c: {  	v23 =	vld [tilespmem:s22+$0x4080]  }
0x31d: {  	s23 =	sor.u32 $0x1C40, s19;
	v55 =	vmul.f32 v51, v51;
	v22 =	vadd.f32 v54, v22;
	v21 =	vadd.f32 v51, v21  }
0x31e: {  	v56 =	vld [tilespmem:s23+$0x4080]  }
0x31f: {  	s24 =	sor.u32 $0x1C50, s19;
	v57 =	vmul.f32 v53, v53;
	v22 =	vadd.f32 v55, v22;
	v21 =	vadd.f32 v53, v21  }
0x320: {  	v58 =	vld [tilespmem:s24+$0x4080]  }
0x321: {  	s25 =	sor.u32 $0x1C60, s19;
	v59 =	vmul.f32 v23, v23;
	v22 =	vadd.f32 v57, v22;
	v21 =	vadd.f32 v23, v21  }
0x322: {  	v23 =	vld [tilespmem:s25+$0x4080]  }
0x323: {  	s19 =	sor.u32 $0x1C70, s19;
	v60 =	vmul.f32 v56, v56;
	v22 =	vadd.f32 v59, v22;
	v21 =	vadd.f32 v56, v21  }
0x324: {  	v61 =	vld [tilespmem:s19+$0x4080]  }
0x325: {  	v62 =	vmul.f32 v58, v58;
	v22 =	vadd.f32 v60, v22;
	v21 =	vadd.f32 v58, v21;
	_ =	sdelay $0x1  }
0x326: {  	v63 =	vmul.f32 v23, v23;
	v22 =	vadd.f32 v62, v22;
	v21 =	vadd.f32 v23, v21  }
0x327: {  	s28 =	simm.s32 $0x100;
	s29 =	simm.s32 $0x400  }
0x328: {  	s30 =	simm.s32 $0x10080;
	s21 =	simm.s32 $0x400;
	s23 =	simm.s32 $0x10880;
	v23 =	vmul.f32 v61, v61;
	v22 =	vadd.f32 v63, v22;
	v24 =	vadd.f32 v61, v21  }
0x329: {  	s19 =	simm.s32 $0x10900;
	s20 =	simm.s32 $0x10100;
	s26 =	simm.s32 $0x80  }
0x32a: {  	s24 =	sand.u32 $0x380, s26;
	s22 =	simm.s32 $0x1;
	s25 =	simm.s32 $0xFFFFC400;
	v21 =	vadd.f32 v23, v22;
	[tilespmem:s30+$0x0] =	vst v24  }
.LBB2_6:
0x32b: {  	s26 =	smov.u32 s28  }
0x32c: {  	s30 =	sand.u32 $0x380, s28;
	s29 =	sand.u32 $0x2000, s29;
	s26 =	sadd.s32 $0x80, s28  }
0x32d: {  	p0 =	sne.s32 s28, $0x780;
	s28 =	sor.u32 s24, s29;
	s24 =	smov.u32 s30;
	[tilespmem:s23+$0x0] =	vst v21  }
0x32e: {  	s23 =	smov.u32 s19;
	v21 =	vld [tilespmem:s28+$0x4080]  }
0x32f: {  	v22 =	vld [tilespmem:s28+$0x4090]  }
0x330: {  	v23 =	vld [tilespmem:s28+$0x40A0];
	_ =	sdelay $0x1  }
0x331: {  	v24 =	vld [tilespmem:s28+$0x40B0]  }
0x332: {  	v25 =	vmul.f32 v21, v21  }
0x333: {  	v21 =	vadd.f32 v22, v21;
	v22 =	vmul.f32 v22, v22;
	v26 =	vld [tilespmem:s28+$0x40C0]  }
0x334: {  	v27 =	vmul.f32 v23, v23  }
0x335: {  	v22 =	vadd.f32 v22, v25;
	v21 =	vadd.f32 v23, v21;
	v23 =	vld [tilespmem:s28+$0x40D0]  }
0x336: {  	v25 =	vmul.f32 v24, v24  }
0x337: {  	v22 =	vadd.f32 v27, v22;
	v21 =	vadd.f32 v24, v21;
	v24 =	vld [tilespmem:s28+$0x40E0]  }
0x338: {  	v27 =	vmul.f32 v26, v26  }
0x339: {  	v22 =	vadd.f32 v25, v22;
	v21 =	vadd.f32 v26, v21;
	v25 =	vld [tilespmem:s28+$0x40F0]  }
0x33a: {  	v26 =	vmul.f32 v23, v23  }
0x33b: {  	v22 =	vadd.f32 v27, v22;
	v21 =	vadd.f32 v23, v21;
	v23 =	vld [tilespmem:s28+$0x4480]  }
0x33c: {  	v27 =	vmul.f32 v24, v24  }
0x33d: {  	v22 =	vadd.f32 v26, v22;
	v21 =	vadd.f32 v24, v21;
	v24 =	vld [tilespmem:s28+$0x4490]  }
0x33e: {  	v26 =	vmul.f32 v25, v25  }
0x33f: {  	v22 =	vadd.f32 v27, v22;
	v21 =	vadd.f32 v25, v21;
	v25 =	vld [tilespmem:s28+$0x44A0]  }
0x340: {  	v27 =	vmul.f32 v23, v23  }
0x341: {  	v22 =	vadd.f32 v26, v22;
	v21 =	vadd.f32 v23, v21;
	v23 =	vld [tilespmem:s28+$0x44B0]  }
0x342: {  	v26 =	vmul.f32 v24, v24  }
0x343: {  	v22 =	vadd.f32 v27, v22;
	v21 =	vadd.f32 v24, v21;
	v24 =	vld [tilespmem:s28+$0x44C0]  }
0x344: {  	v27 =	vmul.f32 v25, v25  }
0x345: {  	v22 =	vadd.f32 v26, v22;
	v21 =	vadd.f32 v25, v21;
	v25 =	vld [tilespmem:s28+$0x44D0]  }
0x346: {  	v26 =	vmul.f32 v23, v23  }
0x347: {  	v22 =	vadd.f32 v27, v22;
	v21 =	vadd.f32 v23, v21;
	v23 =	vld [tilespmem:s28+$0x44E0]  }
0x348: {  	v27 =	vmul.f32 v24, v24  }
0x349: {  	v22 =	vadd.f32 v26, v22;
	v21 =	vadd.f32 v24, v21;
	v24 =	vld [tilespmem:s28+$0x44F0]  }
0x34a: {  	v26 =	vmul.f32 v25, v25  }
0x34b: {  	v22 =	vadd.f32 v27, v22;
	v21 =	vadd.f32 v25, v21;
	v25 =	vld [tilespmem:s28+$0x4880]  }
0x34c: {  	v27 =	vmul.f32 v23, v23  }
0x34d: {  	v22 =	vadd.f32 v26, v22;
	v21 =	vadd.f32 v23, v21;
	v23 =	vld [tilespmem:s28+$0x4890]  }
0x34e: {  	v26 =	vmul.f32 v24, v24  }
0x34f: {  	v22 =	vadd.f32 v27, v22;
	v21 =	vadd.f32 v24, v21;
	v24 =	vld [tilespmem:s28+$0x48A0]  }
0x350: {  	v27 =	vmul.f32 v25, v25  }
0x351: {  	v22 =	vadd.f32 v26, v22;
	v21 =	vadd.f32 v25, v21;
	v25 =	vld [tilespmem:s28+$0x48B0]  }
0x352: {  	v26 =	vmul.f32 v23, v23  }
0x353: {  	v22 =	vadd.f32 v27, v22;
	v21 =	vadd.f32 v23, v21;
	v23 =	vld [tilespmem:s28+$0x48C0]  }
0x354: {  	v27 =	vmul.f32 v24, v24  }
0x355: {  	v22 =	vadd.f32 v26, v22;
	v21 =	vadd.f32 v24, v21;
	v24 =	vld [tilespmem:s28+$0x48D0]  }
0x356: {  	v26 =	vmul.f32 v25, v25  }
0x357: {  	v22 =	vadd.f32 v27, v22;
	v21 =	vadd.f32 v25, v21;
	v25 =	vld [tilespmem:s28+$0x48E0]  }
0x358: {  	v27 =	vmul.f32 v23, v23  }
0x359: {  	v22 =	vadd.f32 v26, v22;
	v21 =	vadd.f32 v23, v21;
	v23 =	vld [tilespmem:s28+$0x48F0]  }
0x35a: {  	v26 =	vmul.f32 v24, v24  }
0x35b: {  	v22 =	vadd.f32 v27, v22;
	v21 =	vadd.f32 v24, v21;
	v24 =	vld [tilespmem:s28+$0x4C80]  }
0x35c: {  	v27 =	vmul.f32 v25, v25  }
0x35d: {  	v22 =	vadd.f32 v26, v22;
	v21 =	vadd.f32 v25, v21;
	v25 =	vld [tilespmem:s28+$0x4C90]  }
0x35e: {  	v26 =	vmul.f32 v23, v23  }
0x35f: {  	v22 =	vadd.f32 v27, v22;
	v21 =	vadd.f32 v23, v21;
	v23 =	vld [tilespmem:s28+$0x4CA0]  }
0x360: {  	v27 =	vmul.f32 v24, v24  }
0x361: {  	v22 =	vadd.f32 v26, v22;
	v21 =	vadd.f32 v24, v21;
	v24 =	vld [tilespmem:s28+$0x4CB0]  }
0x362: {  	v26 =	vmul.f32 v25, v25  }
0x363: {  	v22 =	vadd.f32 v27, v22;
	v21 =	vadd.f32 v25, v21;
	v25 =	vld [tilespmem:s28+$0x4CC0]  }
0x364: {  	v27 =	vmul.f32 v23, v23  }
0x365: {  	v22 =	vadd.f32 v26, v22;
	v21 =	vadd.f32 v23, v21;
	v23 =	vld [tilespmem:s28+$0x4CD0]  }
0x366: {  	v26 =	vmul.f32 v24, v24  }
0x367: {  	v22 =	vadd.f32 v27, v22;
	v21 =	vadd.f32 v24, v21;
	v24 =	vld [tilespmem:s28+$0x4CE0]  }
0x368: {  	v27 =	vmul.f32 v25, v25  }
0x369: {  	v22 =	vadd.f32 v26, v22;
	v21 =	vadd.f32 v25, v21;
	v25 =	vld [tilespmem:s28+$0x4CF0]  }
0x36a: {  	v26 =	vmul.f32 v23, v23  }
0x36b: {  	v22 =	vadd.f32 v27, v22;
	v21 =	vadd.f32 v23, v21;
	v23 =	vld [tilespmem:s28+$0x5080]  }
0x36c: {  	v27 =	vmul.f32 v24, v24  }
0x36d: {  	v22 =	vadd.f32 v26, v22;
	v21 =	vadd.f32 v24, v21;
	v24 =	vld [tilespmem:s28+$0x5090]  }
0x36e: {  	v26 =	vmul.f32 v25, v25  }
0x36f: {  	v22 =	vadd.f32 v27, v22;
	v21 =	vadd.f32 v25, v21;
	v25 =	vld [tilespmem:s28+$0x50A0]  }
0x370: {  	v27 =	vmul.f32 v23, v23  }
0x371: {  	v22 =	vadd.f32 v26, v22;
	v21 =	vadd.f32 v23, v21;
	v23 =	vld [tilespmem:s28+$0x50B0]  }
0x372: {  	v26 =	vmul.f32 v24, v24  }
0x373: {  	v22 =	vadd.f32 v27, v22;
	v21 =	vadd.f32 v24, v21;
	v24 =	vld [tilespmem:s28+$0x50C0]  }
0x374: {  	v27 =	vmul.f32 v25, v25  }
0x375: {  	v22 =	vadd.f32 v26, v22;
	v21 =	vadd.f32 v25, v21;
	v25 =	vld [tilespmem:s28+$0x50D0]  }
0x376: {  	v26 =	vmul.f32 v23, v23  }
0x377: {  	v22 =	vadd.f32 v27, v22;
	v21 =	vadd.f32 v23, v21;
	v23 =	vld [tilespmem:s28+$0x50E0]  }
0x378: {  	v27 =	vmul.f32 v24, v24  }
0x379: {  	v22 =	vadd.f32 v26, v22;
	v21 =	vadd.f32 v24, v21;
	v24 =	vld [tilespmem:s28+$0x50F0]  }
0x37a: {  	v26 =	vmul.f32 v25, v25  }
0x37b: {  	v22 =	vadd.f32 v27, v22;
	v21 =	vadd.f32 v25, v21;
	v25 =	vld [tilespmem:s28+$0x5480]  }
0x37c: {  	v27 =	vmul.f32 v23, v23  }
0x37d: {  	v22 =	vadd.f32 v26, v22;
	v21 =	vadd.f32 v23, v21;
	v23 =	vld [tilespmem:s28+$0x5490]  }
0x37e: {  	v26 =	vmul.f32 v24, v24  }
0x37f: {  	v22 =	vadd.f32 v27, v22;
	v21 =	vadd.f32 v24, v21;
	v24 =	vld [tilespmem:s28+$0x54A0]  }
0x380: {  	v27 =	vmul.f32 v25, v25  }
0x381: {  	v22 =	vadd.f32 v26, v22;
	v21 =	vadd.f32 v25, v21;
	v25 =	vld [tilespmem:s28+$0x54B0]  }
0x382: {  	v26 =	vmul.f32 v23, v23  }
0x383: {  	v22 =	vadd.f32 v27, v22;
	v21 =	vadd.f32 v23, v21;
	v23 =	vld [tilespmem:s28+$0x54C0]  }
0x384: {  	v27 =	vmul.f32 v24, v24  }
0x385: {  	v22 =	vadd.f32 v26, v22;
	v21 =	vadd.f32 v24, v21;
	v24 =	vld [tilespmem:s28+$0x54D0]  }
0x386: {  	v26 =	vmul.f32 v25, v25  }
0x387: {  	v22 =	vadd.f32 v27, v22;
	v21 =	vadd.f32 v25, v21;
	v25 =	vld [tilespmem:s28+$0x54E0]  }
0x388: {  	v27 =	vmul.f32 v23, v23  }
0x389: {  	v22 =	vadd.f32 v26, v22;
	v21 =	vadd.f32 v23, v21;
	v23 =	vld [tilespmem:s28+$0x54F0]  }
0x38a: {  	v26 =	vmul.f32 v24, v24  }
0x38b: {  	v22 =	vadd.f32 v27, v22;
	v21 =	vadd.f32 v24, v21;
	v24 =	vld [tilespmem:s28+$0x5880]  }
0x38c: {  	v27 =	vmul.f32 v25, v25  }
0x38d: {  	v22 =	vadd.f32 v26, v22;
	v21 =	vadd.f32 v25, v21;
	v25 =	vld [tilespmem:s28+$0x5890]  }
0x38e: {  	v26 =	vmul.f32 v23, v23  }
0x38f: {  	v22 =	vadd.f32 v27, v22;
	v21 =	vadd.f32 v23, v21;
	v23 =	vld [tilespmem:s28+$0x58A0]  }
0x390: {  	v27 =	vmul.f32 v24, v24  }
0x391: {  	v22 =	vadd.f32 v26, v22;
	v21 =	vadd.f32 v24, v21;
	v24 =	vld [tilespmem:s28+$0x58B0]  }
0x392: {  	v26 =	vmul.f32 v25, v25  }
0x393: {  	v22 =	vadd.f32 v27, v22;
	v21 =	vadd.f32 v25, v21;
	v25 =	vld [tilespmem:s28+$0x58C0]  }
0x394: {  	v27 =	vmul.f32 v23, v23  }
0x395: {  	v22 =	vadd.f32 v26, v22;
	v21 =	vadd.f32 v23, v21;
	v23 =	vld [tilespmem:s28+$0x58D0]  }
0x396: {  	v26 =	vmul.f32 v24, v24  }
0x397: {  	s29 =	sand.u32 $0x7, s22;
	v22 =	vadd.f32 v27, v22;
	v21 =	vadd.f32 v24, v21;
	v24 =	vld [tilespmem:s28+$0x58E0]  }
0x398: {  	s29 =	sshll.u32 s29, $0x7;
	v27 =	vmul.f32 v25, v25  }
0x399: {  	s29 =	sadd.s32 s29, s21;
	v22 =	vadd.f32 v26, v22;
	v21 =	vadd.f32 v25, v21;
	v25 =	vld [tilespmem:s28+$0x58F0]  }
0x39a: {  	s28 =	sor.u32 $0x1C00, s29;
	v26 =	vmul.f32 v23, v23  }
0x39b: {  	v22 =	vadd.f32 v27, v22;
	v21 =	vadd.f32 v23, v21;
	v23 =	vld [tilespmem:s28+$0x4080]  }
0x39c: {  	s28 =	sor.u32 $0x1C10, s29;
	v27 =	vmul.f32 v24, v24  }
0x39d: {  	v22 =	vadd.f32 v26, v22;
	v21 =	vadd.f32 v24, v21;
	v24 =	vld [tilespmem:s28+$0x4080]  }
0x39e: {  	s28 =	sor.u32 $0x1C20, s29;
	v26 =	vmul.f32 v25, v25  }
0x39f: {  	v22 =	vadd.f32 v27, v22;
	v21 =	vadd.f32 v25, v21;
	v25 =	vld [tilespmem:s28+$0x4080]  }
0x3a0: {  	s28 =	sor.u32 $0x1C30, s29;
	v27 =	vmul.f32 v23, v23  }
0x3a1: {  	v22 =	vadd.f32 v26, v22;
	v21 =	vadd.f32 v23, v21;
	v23 =	vld [tilespmem:s28+$0x4080]  }
0x3a2: {  	s28 =	sor.u32 $0x1C40, s29;
	v26 =	vmul.f32 v24, v24  }
0x3a3: {  	v22 =	vadd.f32 v27, v22;
	v21 =	vadd.f32 v24, v21;
	v24 =	vld [tilespmem:s28+$0x4080]  }
0x3a4: {  	s28 =	sor.u32 $0x1C50, s29;
	v27 =	vmul.f32 v25, v25  }
0x3a5: {  	v22 =	vadd.f32 v26, v22;
	v21 =	vadd.f32 v25, v21;
	v25 =	vld [tilespmem:s28+$0x4080]  }
0x3a6: {  	s28 =	sor.u32 $0x1C60, s29;
	v26 =	vmul.f32 v23, v23  }
0x3a7: {  	v22 =	vadd.f32 v27, v22;
	v21 =	vadd.f32 v23, v21;
	v23 =	vld [tilespmem:s28+$0x4080]  }
0x3a8: {  	s28 =	sor.u32 $0x1C70, s29;
	v27 =	vmul.f32 v24, v24  }
0x3a9: {  	v22 =	vadd.f32 v26, v22;
	v21 =	vadd.f32 v24, v21;
	v24 =	vld [tilespmem:s28+$0x4080]  }
0x3aa: {  	v26 =	vmul.f32 v25, v25  }
0x3ab: {  	v22 =	vadd.f32 v27, v22;
	v21 =	vadd.f32 v25, v21  }
0x3ac: {  	v25 =	vmul.f32 v23, v23  }
.Ltmp2:
0x3ad: {  	v22 =	vadd.f32 v26, v22;
	v21 =	vadd.f32 v23, v21;
	(pc) =	sbr.rel @p0 .LBB2_6-.Ltmp2, $4  }
0x3ae: {  	v23 =	vmul.f32 v24, v24  }
0x3af: {  	s25 =	sadd.s32 $0x400, s25;
	v22 =	vadd.f32 v25, v22;
	v24 =	vadd.f32 v24, v21  }
0x3b0: {  	s22 =	sadd.s32 $0x1, s22;
	s19 =	sadd.s32 $0x80, s19;
	s21 =	sadd.s32 $0x400, s21  }
0x3b1: {  	s29 =	sadd.s32 $0x4000, s25;
	s28 =	smov.u32 s26;
	v21 =	vadd.f32 v23, v22;
	[tilespmem:s20+$0x0] =	vst v24;
	s20 =	sadd.s32 $0x80, s20  }
0x3b2: {  	s25 =	sand.u32 $0x2000, s29  }
0x3b3: {  	s24 =	sor.u32 s24, s25;
	[tilespmem:s23+$0x0] =	vst v21  }
0x3b4: {  	v21 =	vld [tilespmem:s24+$0x4080]  }
0x3b5: {  	v22 =	vld [tilespmem:s24+$0x4090];
	_ =	sdelay $0x1  }
0x3b6: {  	v23 =	vld [tilespmem:s24+$0x40A0];
	_ =	sdelay $0x1  }
0x3b7: {  	v24 =	vld [tilespmem:s24+$0x40B0]  }
0x3b8: {  	v25 =	vmul.f32 v21, v21;
	v26 =	vmul.f32 v22, v22  }
0x3b9: {  	v43 =	vld [tilespmem:s24+$0x40C0];
	v21 =	vadd.f32 v22, v21  }
0x3ba: {  	v27 =	vmul.f32 v23, v23;
	v25 =	vadd.f32 v26, v25  }
0x3bb: {  	v44 =	vld [tilespmem:s24+$0x40D0];
	v21 =	vadd.f32 v23, v21  }
0x3bc: {  	v45 =	vmul.f32 v24, v24;
	v25 =	vadd.f32 v27, v25  }
0x3bd: {  	v46 =	vld [tilespmem:s24+$0x40E0];
	v21 =	vadd.f32 v24, v21  }
0x3be: {  	v47 =	vmul.f32 v43, v43;
	v25 =	vadd.f32 v45, v25  }
0x3bf: {  	v48 =	vld [tilespmem:s24+$0x40F0];
	v21 =	vadd.f32 v43, v21  }
0x3c0: {  	v49 =	vmul.f32 v44, v44;
	v25 =	vadd.f32 v47, v25  }
0x3c1: {  	v50 =	vld [tilespmem:s24+$0x4480];
	v21 =	vadd.f32 v44, v21  }
0x3c2: {  	v51 =	vmul.f32 v46, v46;
	v25 =	vadd.f32 v49, v25  }
0x3c3: {  	v52 =	vld [tilespmem:s24+$0x4490];
	v21 =	vadd.f32 v46, v21  }
0x3c4: {  	v53 =	vmul.f32 v48, v48;
	v25 =	vadd.f32 v51, v25  }
0x3c5: {  	v54 =	vld [tilespmem:s24+$0x44A0];
	v21 =	vadd.f32 v48, v21  }
0x3c6: {  	v55 =	vmul.f32 v50, v50;
	v25 =	vadd.f32 v53, v25  }
0x3c7: {  	v56 =	vld [tilespmem:s24+$0x44B0];
	v21 =	vadd.f32 v50, v21  }
0x3c8: {  	v57 =	vmul.f32 v52, v52;
	v25 =	vadd.f32 v55, v25  }
0x3c9: {  	v58 =	vld [tilespmem:s24+$0x44C0];
	v21 =	vadd.f32 v52, v21  }
0x3ca: {  	v59 =	vmul.f32 v54, v54;
	v25 =	vadd.f32 v57, v25  }
0x3cb: {  	v60 =	vld [tilespmem:s24+$0x44D0];
	v21 =	vadd.f32 v54, v21  }
0x3cc: {  	v61 =	vmul.f32 v56, v56;
	v25 =	vadd.f32 v59, v25  }
0x3cd: {  	v62 =	vld [tilespmem:s24+$0x44E0];
	v21 =	vadd.f32 v56, v21  }
0x3ce: {  	v63 =	vmul.f32 v58, v58;
	v25 =	vadd.f32 v61, v25  }
0x3cf: {  	v30 =	vld [tilespmem:s24+$0x44F0];
	v21 =	vadd.f32 v58, v21  }
0x3d0: {  	v31 =	vmul.f32 v60, v60;
	v25 =	vadd.f32 v63, v25  }
0x3d1: {  	v32 =	vld [tilespmem:s24+$0x4880];
	v21 =	vadd.f32 v60, v21  }
0x3d2: {  	v33 =	vmul.f32 v62, v62;
	v25 =	vadd.f32 v31, v25  }
0x3d3: {  	v34 =	vld [tilespmem:s24+$0x4890];
	v21 =	vadd.f32 v62, v21  }
0x3d4: {  	v35 =	vmul.f32 v30, v30;
	v25 =	vadd.f32 v33, v25  }
0x3d5: {  	v36 =	vld [tilespmem:s24+$0x48A0];
	v21 =	vadd.f32 v30, v21  }
0x3d6: {  	v37 =	vmul.f32 v32, v32;
	v25 =	vadd.f32 v35, v25  }
0x3d7: {  	v38 =	vld [tilespmem:s24+$0x48B0];
	v21 =	vadd.f32 v32, v21  }
0x3d8: {  	v39 =	vmul.f32 v34, v34;
	v25 =	vadd.f32 v37, v25  }
0x3d9: {  	v40 =	vld [tilespmem:s24+$0x48C0];
	v21 =	vadd.f32 v34, v21  }
0x3da: {  	v41 =	vmul.f32 v36, v36;
	v25 =	vadd.f32 v39, v25  }
0x3db: {  	v42 =	vld [tilespmem:s24+$0x48D0];
	v21 =	vadd.f32 v36, v21  }
0x3dc: {  	v43 =	vmul.f32 v38, v38;
	v25 =	vadd.f32 v41, v25  }
0x3dd: {  	v44 =	vld [tilespmem:s24+$0x48E0];
	v21 =	vadd.f32 v38, v21  }
0x3de: {  	v45 =	vmul.f32 v40, v40;
	v25 =	vadd.f32 v43, v25  }
0x3df: {  	v46 =	vld [tilespmem:s24+$0x48F0];
	v21 =	vadd.f32 v40, v21  }
0x3e0: {  	v47 =	vmul.f32 v42, v42;
	v25 =	vadd.f32 v45, v25  }
0x3e1: {  	v48 =	vld [tilespmem:s24+$0x4C80];
	v21 =	vadd.f32 v42, v21  }
0x3e2: {  	v49 =	vmul.f32 v44, v44;
	v25 =	vadd.f32 v47, v25  }
0x3e3: {  	v50 =	vld [tilespmem:s24+$0x4C90];
	v21 =	vadd.f32 v44, v21  }
0x3e4: {  	v51 =	vmul.f32 v46, v46;
	v25 =	vadd.f32 v49, v25  }
0x3e5: {  	v52 =	vld [tilespmem:s24+$0x4CA0];
	v21 =	vadd.f32 v46, v21  }
0x3e6: {  	v53 =	vmul.f32 v48, v48;
	v25 =	vadd.f32 v51, v25  }
0x3e7: {  	v54 =	vld [tilespmem:s24+$0x4CB0];
	v21 =	vadd.f32 v48, v21  }
0x3e8: {  	v55 =	vmul.f32 v50, v50;
	v25 =	vadd.f32 v53, v25  }
0x3e9: {  	v56 =	vld [tilespmem:s24+$0x4CC0];
	v21 =	vadd.f32 v50, v21  }
0x3ea: {  	v57 =	vmul.f32 v52, v52;
	v25 =	vadd.f32 v55, v25  }
0x3eb: {  	v58 =	vld [tilespmem:s24+$0x4CD0];
	v21 =	vadd.f32 v52, v21  }
0x3ec: {  	v59 =	vmul.f32 v54, v54;
	v25 =	vadd.f32 v57, v25  }
0x3ed: {  	v60 =	vld [tilespmem:s24+$0x4CE0];
	v21 =	vadd.f32 v54, v21  }
0x3ee: {  	v61 =	vmul.f32 v56, v56;
	v25 =	vadd.f32 v59, v25  }
0x3ef: {  	v62 =	vld [tilespmem:s24+$0x4CF0];
	v21 =	vadd.f32 v56, v21  }
0x3f0: {  	v63 =	vmul.f32 v58, v58;
	v25 =	vadd.f32 v61, v25  }
0x3f1: {  	v30 =	vld [tilespmem:s24+$0x5080];
	v21 =	vadd.f32 v58, v21  }
0x3f2: {  	v31 =	vmul.f32 v60, v60;
	v25 =	vadd.f32 v63, v25  }
0x3f3: {  	v32 =	vld [tilespmem:s24+$0x5090];
	v21 =	vadd.f32 v60, v21  }
0x3f4: {  	v33 =	vmul.f32 v62, v62;
	v25 =	vadd.f32 v31, v25  }
0x3f5: {  	v34 =	vld [tilespmem:s24+$0x50A0];
	v21 =	vadd.f32 v62, v21  }
0x3f6: {  	v35 =	vmul.f32 v30, v30;
	v25 =	vadd.f32 v33, v25  }
0x3f7: {  	v36 =	vld [tilespmem:s24+$0x50B0];
	v21 =	vadd.f32 v30, v21  }
0x3f8: {  	v37 =	vmul.f32 v32, v32;
	v25 =	vadd.f32 v35, v25  }
0x3f9: {  	v38 =	vld [tilespmem:s24+$0x50C0];
	v21 =	vadd.f32 v32, v21  }
0x3fa: {  	v39 =	vmul.f32 v34, v34;
	v25 =	vadd.f32 v37, v25  }
0x3fb: {  	v40 =	vld [tilespmem:s24+$0x50D0];
	v21 =	vadd.f32 v34, v21  }
0x3fc: {  	v41 =	vmul.f32 v36, v36;
	v25 =	vadd.f32 v39, v25  }
0x3fd: {  	v42 =	vld [tilespmem:s24+$0x50E0];
	v21 =	vadd.f32 v36, v21  }
0x3fe: {  	v43 =	vmul.f32 v38, v38;
	v25 =	vadd.f32 v41, v25  }
0x3ff: {  	v44 =	vld [tilespmem:s24+$0x50F0];
	v21 =	vadd.f32 v38, v21  }
0x400: {  	v45 =	vmul.f32 v40, v40;
	v25 =	vadd.f32 v43, v25  }
0x401: {  	v46 =	vld [tilespmem:s24+$0x5480];
	v21 =	vadd.f32 v40, v21  }
0x402: {  	v47 =	vmul.f32 v42, v42;
	v25 =	vadd.f32 v45, v25  }
0x403: {  	v48 =	vld [tilespmem:s24+$0x5490];
	v21 =	vadd.f32 v42, v21  }
0x404: {  	v49 =	vmul.f32 v44, v44;
	v25 =	vadd.f32 v47, v25  }
0x405: {  	v50 =	vld [tilespmem:s24+$0x54A0];
	v21 =	vadd.f32 v44, v21  }
0x406: {  	v51 =	vmul.f32 v46, v46;
	v25 =	vadd.f32 v49, v25  }
0x407: {  	v52 =	vld [tilespmem:s24+$0x54B0];
	v21 =	vadd.f32 v46, v21  }
0x408: {  	v53 =	vmul.f32 v48, v48;
	v25 =	vadd.f32 v51, v25  }
0x409: {  	v54 =	vld [tilespmem:s24+$0x54C0];
	v21 =	vadd.f32 v48, v21  }
0x40a: {  	v55 =	vmul.f32 v50, v50;
	v25 =	vadd.f32 v53, v25  }
0x40b: {  	v56 =	vld [tilespmem:s24+$0x54D0];
	v21 =	vadd.f32 v50, v21  }
0x40c: {  	v57 =	vmul.f32 v52, v52;
	v25 =	vadd.f32 v55, v25  }
0x40d: {  	v58 =	vld [tilespmem:s24+$0x54E0];
	v21 =	vadd.f32 v52, v21  }
0x40e: {  	v59 =	vmul.f32 v54, v54;
	v25 =	vadd.f32 v57, v25  }
0x40f: {  	v60 =	vld [tilespmem:s24+$0x54F0];
	v21 =	vadd.f32 v54, v21  }
0x410: {  	v61 =	vmul.f32 v56, v56;
	v25 =	vadd.f32 v59, v25  }
0x411: {  	v62 =	vld [tilespmem:s24+$0x5880];
	v21 =	vadd.f32 v56, v21  }
0x412: {  	v63 =	vmul.f32 v58, v58;
	v25 =	vadd.f32 v61, v25  }
0x413: {  	v30 =	vld [tilespmem:s24+$0x5890];
	v21 =	vadd.f32 v58, v21  }
0x414: {  	v31 =	vmul.f32 v60, v60;
	v25 =	vadd.f32 v63, v25  }
0x415: {  	v32 =	vld [tilespmem:s24+$0x58A0];
	v21 =	vadd.f32 v60, v21  }
0x416: {  	v33 =	vmul.f32 v62, v62;
	v25 =	vadd.f32 v31, v25  }
0x417: {  	v34 =	vld [tilespmem:s24+$0x58B0];
	v21 =	vadd.f32 v62, v21  }
0x418: {  	v35 =	vmul.f32 v30, v30;
	v25 =	vadd.f32 v33, v25  }
0x419: {  	v36 =	vld [tilespmem:s24+$0x58C0];
	v21 =	vadd.f32 v30, v21  }
0x41a: {  	v37 =	vmul.f32 v32, v32;
	v25 =	vadd.f32 v35, v25  }
0x41b: {  	v38 =	vld [tilespmem:s24+$0x58D0];
	v21 =	vadd.f32 v32, v21  }
0x41c: {  	v39 =	vmul.f32 v34, v34;
	v25 =	vadd.f32 v37, v25  }
0x41d: {  	s22 =	sand.u32 $0x7, s22;
	v40 =	vld [tilespmem:s24+$0x58E0];
	v21 =	vadd.f32 v34, v21  }
0x41e: {  	s22 =	sshll.u32 s22, $0x7;
	v41 =	vmul.f32 v36, v36;
	v25 =	vadd.f32 v39, v25  }
0x41f: {  	s21 =	sadd.s32 s22, s21;
	v42 =	vld [tilespmem:s24+$0x58F0];
	v21 =	vadd.f32 v36, v21  }
0x420: {  	s22 =	sor.u32 $0x1C00, s21;
	v43 =	vmul.f32 v38, v38;
	v25 =	vadd.f32 v41, v25  }
0x421: {  	v44 =	vld [tilespmem:s22+$0x4080];
	v21 =	vadd.f32 v38, v21  }
0x422: {  	s24 =	sor.u32 $0x1C10, s21;
	v45 =	vmul.f32 v40, v40;
	v25 =	vadd.f32 v43, v25  }
0x423: {  	v46 =	vld [tilespmem:s24+$0x4080];
	v21 =	vadd.f32 v40, v21  }
0x424: {  	s25 =	sor.u32 $0x1C20, s21;
	v47 =	vmul.f32 v42, v42;
	v25 =	vadd.f32 v45, v25  }
0x425: {  	v48 =	vld [tilespmem:s25+$0x4080];
	v21 =	vadd.f32 v42, v21  }
0x426: {  	s26 =	sor.u32 $0x1C30, s21;
	v49 =	vmul.f32 v44, v44;
	v25 =	vadd.f32 v47, v25  }
0x427: {  	v50 =	vld [tilespmem:s26+$0x4080];
	v21 =	vadd.f32 v44, v21  }
0x428: {  	s28 =	sor.u32 $0x1C40, s21;
	v51 =	vmul.f32 v46, v46;
	v25 =	vadd.f32 v49, v25  }
0x429: {  	v52 =	vld [tilespmem:s28+$0x4080];
	v21 =	vadd.f32 v46, v21  }
0x42a: {  	s29 =	sor.u32 $0x1C50, s21;
	v53 =	vmul.f32 v48, v48;
	v25 =	vadd.f32 v51, v25  }
0x42b: {  	v54 =	vld [tilespmem:s29+$0x4080];
	v21 =	vadd.f32 v48, v21  }
0x42c: {  	s30 =	sor.u32 $0x1C60, s21;
	v55 =	vmul.f32 v50, v50;
	v25 =	vadd.f32 v53, v25  }
0x42d: {  	v56 =	vld [tilespmem:s30+$0x4080];
	v21 =	vadd.f32 v50, v21  }
0x42e: {  	s21 =	sor.u32 $0x1C70, s21;
	v57 =	vmul.f32 v52, v52;
	v25 =	vadd.f32 v55, v25  }
0x42f: {  	v58 =	vld [tilespmem:s21+$0x4080];
	v21 =	vadd.f32 v52, v21  }
0x430: {  	v59 =	vmul.f32 v54, v54;
	v25 =	vadd.f32 v57, v25  }
0x431: {  	v21 =	vadd.f32 v54, v21  }
0x432: {  	v60 =	vmul.f32 v56, v56;
	v25 =	vadd.f32 v59, v25  }
0x433: {  	v21 =	vadd.f32 v56, v21  }
0x434: {  	v61 =	vmul.f32 v58, v58;
	v22 =	vadd.f32 v60, v25  }
0x435: {  	v21 =	vadd.f32 v58, v21  }
0x436: {  	v22 =	vadd.f32 v61, v22  }
0x437: {  	[tilespmem:s20+$0x0] =	vst v21  }
0x438: {  	[tilespmem:s19+$0x0] =	vst v22  }
0x439: {  	v21 =	vld.idx.msk [tilespmem:v5+s1+$0x0], $0xffff  }
0x43a: {  	v5 =	vld.idx.msk [tilespmem:v5+s0+$0x0], $0xffff  }
0x43b: {  	v22 =	vld.idx.msk [tilespmem:v10+s1+$0x0], $0xffff  }
0x43c: {  	v62 =	vld.idx.msk [tilespmem:v10+s0+$0x0], $0xffff  }
0x43d: {  	v63 =	vld.idx.msk [tilespmem:v11+s1+$0x0], $0xffff  }
0x43e: {  	v28 =	vld.idx.msk [tilespmem:v11+s0+$0x0], $0xffff;
	v21 =	vadd.f32 $0.0e+00, v21  }
0x43f: {  	v29 =	vld.idx.msk [tilespmem:v8+s1+$0x0], $0xffff  }
0x440: {  	v30 =	vld.idx.msk [tilespmem:v8+s0+$0x0], $0xffff;
	v5 =	vadd.f32 $0.0e+00, v5;
	v21 =	vadd.f32 v22, v21  }
0x441: {  	v31 =	vld.idx.msk [tilespmem:v6+s1+$0x0], $0xffff  }
0x442: {  	v6 =	vld.idx.msk [tilespmem:v6+s0+$0x0], $0xffff;
	v5 =	vadd.f32 v62, v5;
	v32 =	vadd.f32 v63, v21  }
0x443: {  	v33 =	vld.idx.msk [tilespmem:v7+s1+$0x0], $0xffff  }
0x444: {  	v7 =	vld.idx.msk [tilespmem:v7+s0+$0x0], $0xffff;
	v5 =	vadd.f32 v28, v5;
	v10 =	vadd.f32 v29, v32  }
0x445: {  	v34 =	vld.idx.msk [tilespmem:v9+s1+$0x0], $0xffff  }
0x446: {  	v36 =	vld.idx.msk [tilespmem:v9+s0+$0x0], $0xffff;
	v5 =	vadd.f32 v30, v5;
	v35 =	vadd.f32 v31, v10  }
0x447: {  	v37 =	vld.idx.msk [tilespmem:v12+s1+$0x0], $0xffff  }
0x448: {  	v38 =	vld.idx.msk [tilespmem:v12+s0+$0x0], $0xffff;
	v5 =	vadd.f32 v6, v5;
	v6 =	vadd.f32 v33, v35  }
0x449: {  	v39 =	vld.idx.msk [tilespmem:v13+s1+$0x0], $0xffff  }
0x44a: {  	v40 =	vld.idx.msk [tilespmem:v14+s1+$0x0], $0xffff;
	v5 =	vadd.f32 v7, v5;
	v6 =	vadd.f32 v34, v6  }
0x44b: {  	v7 =	vld.idx.msk [tilespmem:v13+s0+$0x0], $0xffff  }
0x44c: {  	v41 =	vld.idx.msk [tilespmem:v14+s0+$0x0], $0xffff;
	v5 =	vadd.f32 v36, v5;
	v6 =	vadd.f32 v37, v6  }
0x44d: {  	v42 =	vld.idx.msk [tilespmem:v15+s1+$0x0], $0xffff  }
0x44e: {  	v43 =	vld.idx.msk [tilespmem:v15+s0+$0x0], $0xffff;
	v5 =	vadd.f32 v38, v5;
	v6 =	vadd.f32 v39, v6  }
0x44f: {  	v44 =	vld.idx.msk [tilespmem:v16+s1+$0x0], $0xffff  }
0x450: {  	v45 =	vld.idx.msk [tilespmem:v17+s1+$0x0], $0xffff;
	v5 =	vadd.f32 v7, v5;
	v6 =	vadd.f32 v40, v6  }
0x451: {  	v7 =	vld.idx.msk [tilespmem:v16+s0+$0x0], $0xffff  }
0x452: {  	v46 =	vld.idx.msk [tilespmem:v17+s0+$0x0], $0xffff;
	v5 =	vadd.f32 v41, v5;
	v6 =	vadd.f32 v42, v6  }
0x453: {  	v47 =	vld.idx.msk [tilespmem:v18+s1+$0x0], $0xffff  }
0x454: {  	v48 =	vld.idx.msk [tilespmem:v18+s0+$0x0], $0xffff;
	v5 =	vadd.f32 v43, v5;
	v6 =	vadd.f32 v44, v6  }
0x455: {  	v49 =	vld.idx.msk [tilespmem:v19+s1+$0x0], $0xffff  }
0x456: {  	v50 =	vld.idx.msk [tilespmem:v20+s1+$0x0], $0xffff;
	v5 =	vadd.f32 v7, v5;
	v6 =	vadd.f32 v45, v6  }
0x457: {  	v7 =	vld.idx.msk [tilespmem:v19+s0+$0x0], $0xffff  }
0x458: {  	v5 =	vadd.f32 v46, v5;
	v6 =	vadd.f32 v47, v6  }
0x459: {  	v51 =	vld.idx.msk [tilespmem:v20+s0+$0x0], $0xffff  }
0x45a: {  	v5 =	vadd.f32 v48, v5;
	v6 =	vadd.f32 v49, v6;
	_ =	sdelay $0x1  }
0x45b: {  	v5 =	vadd.f32 v7, v5;
	v6 =	vadd.f32 v50, v6;
	_ =	sdelay $0x1  }
0x45c: {  	v7 =	vadd.f32 v51, v5;
	v5 =	vmul.f32 $9.765625000e-04, v6;
	_ =	sdelay $0x1  }
0x45d: {  	v6 =	vmul.f32 $9.765625000e-04, v7;
	v7 =	vmul.f32 v5, v5;
	_ =	sdelay $0x1  }
0x45e: {  	v6 =	vsub.f32 v6, v7;
	_ =	sdelay $0x1  }
0x45f: {  	v6 =	vadd.f32 $9.999999740e-06, v6;
	_ =	sdelay $0x1  }
0x460: {  	v7 =	vadd.f32 $1.000000000e+00, v6;
	_ =	sdelay $0x1  }
0x461: {  	v7 =	vmul.f32 $5.000000000e-01, v7;
	_ =	sdelay $0x1  }
0x462: {  	(erf) = vrcp.f32 v7;
	_ =	sdelay $0x8  }
0x463: {  	v52 =	vpop (erf)  }
0x464: {  	v8 =	vmul.f32 v52, v6;
	_ =	sdelay $0x1  }
0x465: {  	v7 =	vadd.f32 v8, v7;
	_ =	sdelay $0x1  }
0x466: {  	v7 =	vmul.f32 $5.000000000e-01, v7;
	_ =	sdelay $0x1  }
0x467: {  	(erf) = vrcp.f32 v7;
	_ =	sdelay $0x8  }
0x468: {  	v53 =	vpop (erf)  }
0x469: {  	v8 =	vmul.f32 v53, v6;
	_ =	sdelay $0x1  }
0x46a: {  	v7 =	vadd.f32 v8, v7;
	_ =	sdelay $0x1  }
0x46b: {  	v7 =	vmul.f32 $5.000000000e-01, v7;
	_ =	sdelay $0x1  }
0x46c: {  	(erf) = vrcp.f32 v7;
	_ =	sdelay $0x8  }
0x46d: {  	v54 =	vpop (erf)  }
0x46e: {  	v8 =	vmul.f32 v54, v6;
	_ =	sdelay $0x1  }
0x46f: {  	v7 =	vadd.f32 v8, v7;
	_ =	sdelay $0x1  }
0x470: {  	v7 =	vmul.f32 $5.000000000e-01, v7;
	_ =	sdelay $0x1  }
0x471: {  	(erf) = vrcp.f32 v7;
	_ =	sdelay $0x8  }
0x472: {  	v55 =	vpop (erf)  }
0x473: {  	v8 =	vmul.f32 v55, v6;
	_ =	sdelay $0x1  }
0x474: {  	v7 =	vadd.f32 v8, v7;
	_ =	sdelay $0x1  }
0x475: {  	v7 =	vmul.f32 $5.000000000e-01, v7;
	_ =	sdelay $0x1  }
0x476: {  	(erf) = vrcp.f32 v7;
	_ =	sdelay $0x8  }
0x477: {  	v56 =	vpop (erf)  }
0x478: {  	v8 =	vmul.f32 v56, v6;
	_ =	sdelay $0x1  }
0x479: {  	v7 =	vadd.f32 v8, v7;
	_ =	sdelay $0x1  }
0x47a: {  	v7 =	vmul.f32 $5.000000000e-01, v7;
	_ =	sdelay $0x1  }
0x47b: {  	(erf) = vrcp.f32 v7;
	_ =	sdelay $0x8  }
0x47c: {  	v57 =	vpop (erf)  }
0x47d: {  	v8 =	vmul.f32 v57, v6;
	_ =	sdelay $0x1  }
0x47e: {  	v7 =	vadd.f32 v8, v7;
	_ =	sdelay $0x1  }
0x47f: {  	v7 =	vmul.f32 $5.000000000e-01, v7;
	_ =	sdelay $0x1  }
0x480: {  	(erf) = vrcp.f32 v7;
	_ =	sdelay $0x8  }
0x481: {  	v58 =	vpop (erf)  }
0x482: {  	v8 =	vmul.f32 v58, v6;
	_ =	sdelay $0x1  }
0x483: {  	v7 =	vadd.f32 v8, v7;
	_ =	sdelay $0x1  }
0x484: {  	v7 =	vmul.f32 $5.000000000e-01, v7;
	_ =	sdelay $0x1  }
0x485: {  	(erf) = vrcp.f32 v7;
	_ =	sdelay $0x8  }
0x486: {  	v59 =	vpop (erf)  }
0x487: {  	v8 =	vmul.f32 v59, v6;
	_ =	sdelay $0x1  }
0x488: {  	v7 =	vadd.f32 v8, v7;
	_ =	sdelay $0x1  }
0x489: {  	v7 =	vmul.f32 $5.000000000e-01, v7;
	_ =	sdelay $0x1  }
0x48a: {  	(erf) = vrcp.f32 v7;
	_ =	sdelay $0x8  }
0x48b: {  	v60 =	vpop (erf)  }
0x48c: {  	v8 =	vmul.f32 v60, v6;
	_ =	sdelay $0x1  }
0x48d: {  	v7 =	vadd.f32 v8, v7;
	_ =	sdelay $0x1  }
0x48e: {  	v7 =	vmul.f32 $5.000000000e-01, v7;
	_ =	sdelay $0x1  }
0x48f: {  	(erf) = vrcp.f32 v7;
	_ =	sdelay $0x8  }
0x490: {  	v61 =	vpop (erf)  }
0x491: {  	v8 =	vmul.f32 v61, v6;
	_ =	sdelay $0x1  }
0x492: {  	v7 =	vadd.f32 v8, v7;
	_ =	sdelay $0x1  }
0x493: {  	v7 =	vmul.f32 $5.000000000e-01, v7;
	_ =	sdelay $0x1  }
0x494: {  	(erf) = vrcp.f32 v7;
	_ =	sdelay $0x8  }
0x495: {  	v62 =	vpop (erf)  }
0x496: {  	v8 =	vmul.f32 v62, v6;
	_ =	sdelay $0x1  }
0x497: {  	v7 =	vadd.f32 v8, v7;
	_ =	sdelay $0x1  }
0x498: {  	v7 =	vmul.f32 $5.000000000e-01, v7;
	_ =	sdelay $0x1  }
0x499: {  	(erf) = vrcp.f32 v7;
	_ =	sdelay $0x8  }
0x49a: {  	v63 =	vpop (erf)  }
0x49b: {  	v6 =	vmul.f32 v63, v6;
	_ =	sdelay $0x1  }
0x49c: {  	v6 =	vadd.f32 v6, v7;
	_ =	sdelay $0x1  }
0x49d: {  	v6 =	vmul.f32 $5.000000000e-01, v6;
	_ =	sdelay $0x1  }
0x49e: {  	(erf) = vrcp.f32 v6;
	_ =	sdelay $0x8  }
0x49f: {  	s22 =	simm.s32 $0x0;
	v6 =	vpop (erf)  }
0x4a0: {  	s21 =	simm.s32 $0x0;
	s20 =	simm.s32 $0x0;
	s19 =	simm.s32 $0x0;
	v4 =	vmul.f32 v6, v4  }
.LBB2_8:
0x4a1: {  	s23 =	sand.u32 $0x2000, s20;
	s24 =	sand.u32 $0x380, s21  }
0x4a2: {  	s23 =	sor.u32 s24, s23  }
0x4a3: {  	v8 =	vld [tilespmem:s23+$0x4080]  }
0x4a4: {  	v9 =	vld [tilespmem:s23+$0x4090]  }
0x4a5: {  	v7 =	vmov s22;
	v10 =	vld [tilespmem:s23+$0x40A0]  }
0x4a6: {  	v6 =	vperm.xlane v5, v7;
	v11 =	vld [tilespmem:s23+$0x40B0]  }
0x4a7: {  	v12 =	vld [tilespmem:s23+$0x40C0]  }
0x4a8: {  	v7 =	vperm.xlane v4, v7;
	v13 =	vld [tilespmem:s23+$0x40D0];
	v8 =	vsub.f32 v8, v6  }
0x4a9: {  	v14 =	vld [tilespmem:s23+$0x40E0];
	v9 =	vsub.f32 v9, v6  }
0x4aa: {  	v15 =	vld [tilespmem:s23+$0x40F0];
	v10 =	vsub.f32 v10, v6;
	v8 =	vmul.f32 v8, v7  }
0x4ab: {  	v16 =	vld [tilespmem:s23+$0x4480];
	v11 =	vsub.f32 v11, v6;
	v9 =	vmul.f32 v9, v7  }
0x4ac: {  	v48 =	vld [tilespmem:s23+$0x4490];
	v47 =	vsub.f32 v12, v6;
	v46 =	vmul.f32 v10, v7;
	[tilespmem:s23+$0xC080] =	vst v8  }
0x4ad: {  	v51 =	vld [tilespmem:s23+$0x44A0];
	v50 =	vsub.f32 v13, v6;
	v49 =	vmul.f32 v11, v7;
	[tilespmem:s23+$0xC090] =	vst v9  }
0x4ae: {  	v54 =	vld [tilespmem:s23+$0x44B0];
	v53 =	vsub.f32 v14, v6;
	v52 =	vmul.f32 v47, v7;
	[tilespmem:s23+$0xC0A0] =	vst v46  }
0x4af: {  	v57 =	vld [tilespmem:s23+$0x44C0];
	v56 =	vsub.f32 v15, v6;
	v55 =	vmul.f32 v50, v7;
	[tilespmem:s23+$0xC0B0] =	vst v49  }
0x4b0: {  	v60 =	vld [tilespmem:s23+$0x44D0];
	v59 =	vsub.f32 v16, v6;
	v58 =	vmul.f32 v53, v7;
	[tilespmem:s23+$0xC0C0] =	vst v52  }
0x4b1: {  	v63 =	vld [tilespmem:s23+$0x44E0];
	v62 =	vsub.f32 v48, v6;
	v61 =	vmul.f32 v56, v7;
	[tilespmem:s23+$0xC0D0] =	vst v55  }
0x4b2: {  	v21 =	vld [tilespmem:s23+$0x44F0];
	v20 =	vsub.f32 v51, v6;
	v19 =	vmul.f32 v59, v7;
	[tilespmem:s23+$0xC0E0] =	vst v58  }
0x4b3: {  	v24 =	vld [tilespmem:s23+$0x4880];
	v23 =	vsub.f32 v54, v6;
	v22 =	vmul.f32 v62, v7;
	[tilespmem:s23+$0xC0F0] =	vst v61  }
0x4b4: {  	v27 =	vld [tilespmem:s23+$0x4890];
	v26 =	vsub.f32 v57, v6;
	v25 =	vmul.f32 v20, v7;
	[tilespmem:s23+$0xC480] =	vst v19  }
0x4b5: {  	v30 =	vld [tilespmem:s23+$0x48A0];
	v29 =	vsub.f32 v60, v6;
	v28 =	vmul.f32 v23, v7;
	[tilespmem:s23+$0xC490] =	vst v22  }
0x4b6: {  	v33 =	vld [tilespmem:s23+$0x48B0];
	v32 =	vsub.f32 v63, v6;
	v31 =	vmul.f32 v26, v7;
	[tilespmem:s23+$0xC4A0] =	vst v25  }
0x4b7: {  	v36 =	vld [tilespmem:s23+$0x48C0];
	v35 =	vsub.f32 v21, v6;
	v34 =	vmul.f32 v29, v7;
	[tilespmem:s23+$0xC4B0] =	vst v28  }
0x4b8: {  	v39 =	vld [tilespmem:s23+$0x48D0];
	v38 =	vsub.f32 v24, v6;
	v37 =	vmul.f32 v32, v7;
	[tilespmem:s23+$0xC4C0] =	vst v31  }
0x4b9: {  	v42 =	vld [tilespmem:s23+$0x48E0];
	v41 =	vsub.f32 v27, v6;
	v40 =	vmul.f32 v35, v7;
	[tilespmem:s23+$0xC4D0] =	vst v34  }
0x4ba: {  	v45 =	vld [tilespmem:s23+$0x48F0];
	v44 =	vsub.f32 v30, v6;
	v43 =	vmul.f32 v38, v7;
	[tilespmem:s23+$0xC4E0] =	vst v37  }
0x4bb: {  	v48 =	vld [tilespmem:s23+$0x4C80];
	v47 =	vsub.f32 v33, v6;
	[tilespmem:s23+$0xC4F0] =	vst v40;
	v46 =	vmul.f32 v41, v7  }
0x4bc: {  	v51 =	vld [tilespmem:s23+$0x4C90];
	v50 =	vsub.f32 v36, v6;
	[tilespmem:s23+$0xC880] =	vst v43;
	v49 =	vmul.f32 v44, v7  }
0x4bd: {  	v54 =	vld [tilespmem:s23+$0x4CA0];
	v53 =	vsub.f32 v39, v6;
	v52 =	vmul.f32 v47, v7;
	[tilespmem:s23+$0xC890] =	vst v46  }
0x4be: {  	v57 =	vld [tilespmem:s23+$0x4CB0];
	v56 =	vsub.f32 v42, v6;
	v55 =	vmul.f32 v50, v7;
	[tilespmem:s23+$0xC8A0] =	vst v49  }
0x4bf: {  	v60 =	vld [tilespmem:s23+$0x4CC0];
	v59 =	vsub.f32 v45, v6;
	v58 =	vmul.f32 v53, v7;
	[tilespmem:s23+$0xC8B0] =	vst v52  }
0x4c0: {  	v63 =	vld [tilespmem:s23+$0x4CD0];
	v61 =	vmul.f32 v56, v7;
	v62 =	vsub.f32 v48, v6;
	[tilespmem:s23+$0xC8C0] =	vst v55  }
0x4c1: {  	v21 =	vld [tilespmem:s23+$0x4CE0];
	v19 =	vmul.f32 v59, v7;
	v20 =	vsub.f32 v51, v6;
	[tilespmem:s23+$0xC8D0] =	vst v58  }
0x4c2: {  	v24 =	vld [tilespmem:s23+$0x4CF0];
	v23 =	vsub.f32 v54, v6;
	[tilespmem:s23+$0xC8E0] =	vst v61;
	v22 =	vmul.f32 v62, v7  }
0x4c3: {  	v27 =	vld [tilespmem:s23+$0x5080];
	v26 =	vsub.f32 v57, v6;
	[tilespmem:s23+$0xC8F0] =	vst v19;
	v25 =	vmul.f32 v20, v7  }
0x4c4: {  	v30 =	vld [tilespmem:s23+$0x5090];
	v29 =	vsub.f32 v60, v6;
	v28 =	vmul.f32 v23, v7;
	[tilespmem:s23+$0xCC80] =	vst v22  }
0x4c5: {  	v33 =	vld [tilespmem:s23+$0x50A0];
	v32 =	vsub.f32 v63, v6;
	v31 =	vmul.f32 v26, v7;
	[tilespmem:s23+$0xCC90] =	vst v25  }
0x4c6: {  	v36 =	vld [tilespmem:s23+$0x50B0];
	v35 =	vsub.f32 v21, v6;
	v34 =	vmul.f32 v29, v7;
	[tilespmem:s23+$0xCCA0] =	vst v28  }
0x4c7: {  	v39 =	vld [tilespmem:s23+$0x50C0];
	v38 =	vsub.f32 v24, v6;
	v37 =	vmul.f32 v32, v7;
	[tilespmem:s23+$0xCCB0] =	vst v31  }
0x4c8: {  	v42 =	vld [tilespmem:s23+$0x50D0];
	v41 =	vsub.f32 v27, v6;
	v40 =	vmul.f32 v35, v7;
	[tilespmem:s23+$0xCCC0] =	vst v34  }
0x4c9: {  	v45 =	vld [tilespmem:s23+$0x50E0];
	v44 =	vsub.f32 v30, v6;
	v43 =	vmul.f32 v38, v7;
	[tilespmem:s23+$0xCCD0] =	vst v37  }
0x4ca: {  	v48 =	vld [tilespmem:s23+$0x50F0];
	v46 =	vmul.f32 v41, v7;
	v47 =	vsub.f32 v33, v6;
	[tilespmem:s23+$0xCCE0] =	vst v40  }
0x4cb: {  	v51 =	vld [tilespmem:s23+$0x5480];
	v49 =	vmul.f32 v44, v7;
	v50 =	vsub.f32 v36, v6;
	[tilespmem:s23+$0xCCF0] =	vst v43  }
0x4cc: {  	v54 =	vld [tilespmem:s23+$0x5490];
	v53 =	vsub.f32 v39, v6;
	[tilespmem:s23+$0xD080] =	vst v46;
	v52 =	vmul.f32 v47, v7  }
0x4cd: {  	v57 =	vld [tilespmem:s23+$0x54A0];
	v56 =	vsub.f32 v42, v6;
	[tilespmem:s23+$0xD090] =	vst v49;
	v55 =	vmul.f32 v50, v7  }
0x4ce: {  	v60 =	vld [tilespmem:s23+$0x54B0];
	v59 =	vsub.f32 v45, v6;
	v58 =	vmul.f32 v53, v7;
	[tilespmem:s23+$0xD0A0] =	vst v52  }
0x4cf: {  	v63 =	vld [tilespmem:s23+$0x54C0];
	v61 =	vmul.f32 v56, v7;
	v62 =	vsub.f32 v48, v6;
	[tilespmem:s23+$0xD0B0] =	vst v55  }
0x4d0: {  	v21 =	vld [tilespmem:s23+$0x54D0];
	v19 =	vmul.f32 v59, v7;
	v20 =	vsub.f32 v51, v6;
	[tilespmem:s23+$0xD0C0] =	vst v58  }
0x4d1: {  	v24 =	vld [tilespmem:s23+$0x54E0];
	v23 =	vsub.f32 v54, v6;
	[tilespmem:s23+$0xD0D0] =	vst v61;
	v22 =	vmul.f32 v62, v7  }
0x4d2: {  	v27 =	vld [tilespmem:s23+$0x54F0];
	v26 =	vsub.f32 v57, v6;
	[tilespmem:s23+$0xD0E0] =	vst v19;
	v25 =	vmul.f32 v20, v7  }
0x4d3: {  	v30 =	vld [tilespmem:s23+$0x5880];
	v29 =	vsub.f32 v60, v6;
	v28 =	vmul.f32 v23, v7;
	[tilespmem:s23+$0xD0F0] =	vst v22  }
0x4d4: {  	v33 =	vld [tilespmem:s23+$0x5890];
	v32 =	vsub.f32 v63, v6;
	v31 =	vmul.f32 v26, v7;
	[tilespmem:s23+$0xD480] =	vst v25  }
0x4d5: {  	v36 =	vld [tilespmem:s23+$0x58A0];
	v35 =	vsub.f32 v21, v6;
	v34 =	vmul.f32 v29, v7;
	[tilespmem:s23+$0xD490] =	vst v28  }
0x4d6: {  	v39 =	vld [tilespmem:s23+$0x58B0];
	v38 =	vsub.f32 v24, v6;
	v37 =	vmul.f32 v32, v7;
	[tilespmem:s23+$0xD4A0] =	vst v31  }
0x4d7: {  	v42 =	vld [tilespmem:s23+$0x58C0];
	v41 =	vsub.f32 v27, v6;
	v40 =	vmul.f32 v35, v7;
	[tilespmem:s23+$0xD4B0] =	vst v34  }
0x4d8: {  	v45 =	vld [tilespmem:s23+$0x58D0];
	v44 =	vsub.f32 v30, v6;
	v43 =	vmul.f32 v38, v7;
	[tilespmem:s23+$0xD4C0] =	vst v37  }
0x4d9: {  	v48 =	vld [tilespmem:s23+$0x58E0];
	v46 =	vmul.f32 v41, v7;
	v47 =	vsub.f32 v33, v6;
	[tilespmem:s23+$0xD4D0] =	vst v40  }
0x4da: {  	v51 =	vld [tilespmem:s23+$0x58F0];
	v49 =	vmul.f32 v44, v7;
	v50 =	vsub.f32 v36, v6;
	[tilespmem:s23+$0xD4E0] =	vst v43  }
0x4db: {  	v53 =	vsub.f32 v39, v6;
	[tilespmem:s23+$0xD4F0] =	vst v46;
	v52 =	vmul.f32 v47, v7  }
0x4dc: {  	v55 =	vsub.f32 v42, v6;
	[tilespmem:s23+$0xD880] =	vst v49;
	v54 =	vmul.f32 v50, v7  }
0x4dd: {  	v57 =	vsub.f32 v45, v6;
	v56 =	vmul.f32 v53, v7;
	[tilespmem:s23+$0xD890] =	vst v52  }
0x4de: {  	v58 =	vmul.f32 v55, v7;
	v59 =	vsub.f32 v48, v6;
	[tilespmem:s23+$0xD8A0] =	vst v54  }
0x4df: {  	v60 =	vmul.f32 v57, v7;
	v61 =	vsub.f32 v51, v6;
	[tilespmem:s23+$0xD8B0] =	vst v56  }
0x4e0: {  	s26 =	sand.u32 $0x7, s19;
	[tilespmem:s23+$0xD8C0] =	vst v58;
	v62 =	vmul.f32 v59, v7  }
0x4e1: {  	s24 =	sshll.u32 s26, $0x7;
	[tilespmem:s23+$0xD8D0] =	vst v60;
	v63 =	vmul.f32 v61, v7  }
0x4e2: {  	s24 =	sadd.s32 s24, s20;
	[tilespmem:s23+$0xD8E0] =	vst v62  }
0x4e3: {  	s28 =	sor.u32 $0x1C00, s24;
	[tilespmem:s23+$0xD8F0] =	vst v63  }
0x4e4: {  	v8 =	vld [tilespmem:s28+$0x4080];
	_ =	sdelay $0x4  }
0x4e5: {  	v8 =	vsub.f32 v8, v6;
	_ =	sdelay $0x1  }
0x4e6: {  	v8 =	vmul.f32 v8, v7;
	_ =	sdelay $0x1  }
0x4e7: {  	s29 =	sor.u32 $0x1C10, s24;
	[tilespmem:s28+$0xC080] =	vst v8  }
0x4e8: {  	v8 =	vld [tilespmem:s29+$0x4080];
	_ =	sdelay $0x4  }
0x4e9: {  	v8 =	vsub.f32 v8, v6;
	_ =	sdelay $0x1  }
0x4ea: {  	v8 =	vmul.f32 v8, v7;
	_ =	sdelay $0x1  }
0x4eb: {  	s30 =	sor.u32 $0x1C20, s24;
	[tilespmem:s29+$0xC080] =	vst v8  }
0x4ec: {  	v8 =	vld [tilespmem:s30+$0x4080];
	_ =	sdelay $0x4  }
0x4ed: {  	v8 =	vsub.f32 v8, v6;
	_ =	sdelay $0x1  }
0x4ee: {  	v8 =	vmul.f32 v8, v7;
	_ =	sdelay $0x1  }
0x4ef: {  	s25 =	sor.u32 $0x1C30, s24;
	[tilespmem:s30+$0xC080] =	vst v8  }
0x4f0: {  	v8 =	vld [tilespmem:s25+$0x4080];
	_ =	sdelay $0x4  }
0x4f1: {  	v8 =	vsub.f32 v8, v6;
	_ =	sdelay $0x1  }
0x4f2: {  	v8 =	vmul.f32 v8, v7;
	_ =	sdelay $0x1  }
0x4f3: {  	s26 =	sor.u32 $0x1C40, s24;
	[tilespmem:s25+$0xC080] =	vst v8  }
0x4f4: {  	v8 =	vld [tilespmem:s26+$0x4080];
	_ =	sdelay $0x4  }
0x4f5: {  	v8 =	vsub.f32 v8, v6;
	_ =	sdelay $0x1  }
0x4f6: {  	v8 =	vmul.f32 v8, v7;
	_ =	sdelay $0x1  }
0x4f7: {  	s28 =	sor.u32 $0x1C50, s24;
	[tilespmem:s26+$0xC080] =	vst v8  }
0x4f8: {  	v8 =	vld [tilespmem:s28+$0x4080];
	_ =	sdelay $0x4  }
0x4f9: {  	v8 =	vsub.f32 v8, v6;
	_ =	sdelay $0x1  }
0x4fa: {  	v8 =	vmul.f32 v8, v7;
	_ =	sdelay $0x1  }
0x4fb: {  	s29 =	sor.u32 $0x1C60, s24;
	[tilespmem:s28+$0xC080] =	vst v8  }
0x4fc: {  	v8 =	vld [tilespmem:s29+$0x4080];
	_ =	sdelay $0x4  }
0x4fd: {  	v8 =	vsub.f32 v8, v6;
	_ =	sdelay $0x1  }
0x4fe: {  	v8 =	vmul.f32 v8, v7;
	_ =	sdelay $0x1  }
0x4ff: {  	s30 =	sor.u32 $0x1C70, s24;
	[tilespmem:s29+$0xC080] =	vst v8  }
0x500: {  	v8 =	vld [tilespmem:s30+$0x4080];
	_ =	sdelay $0x3  }
0x501: {  	p0 =	sne.s32 s22, $0xF  }
.Ltmp3:
0x502: {  	v6 =	vsub.f32 v8, v6;
	(pc) =	sbr.rel @p0 .LBB2_8-.Ltmp3, $4  }
0x503: {  	_ = 	snop  }
0x504: {  	v6 =	vmul.f32 v6, v7  }
0x505: {  	s21 =	sadd.s32 $0x80, s21  }
0x506: {  	s19 =	sadd.s32 $0x1, s19;
	s22 =	sadd.s32 $0x1, s22;
	s20 =	sadd.s32 $0x400, s20;
	[tilespmem:s30+$0xC080] =	vst v6  }
0x507: {  	[hbm4b:s10+s3] =	stream.linear.scatter [tilespmem:s15], [sflag:$0x4], $0x4000, $0x38;
	[tilespmem:$0x11100] =	vst v63  }
0x508: {  	s18 =	sadd.s32 $0x1, s18  }
0x509: {  	_ =	swait.ge [sflag:s16], $0x4000;
	p0 =	sne.s32 s18, s11  }
.Ltmp4:
0x50a: {  	[sflag:s16] =	ssyncset.done $0x0;
	(pc) =	sbr.rel @p0 .LBB2_1-.Ltmp4, $4  }
0x50b: {  	[sflag:s16] =	ssyncadd.s32 $0xFFFFC000  }
0x50c: {  	_ =	swait.ge [sflag:s17], $0x4000  }
0x50d: {  	[sflag:s17] =	ssyncset.done $0x0  }
0x50e: {  	[sflag:s17] =	ssyncadd.s32 $0xFFFFC000  }
0x50f: {  	_ =	sfence.sel $0x180000  }
0x510: {  	[bflag:$0x0] =	sbarrier.arrive $0xFFFF  }
0x511: {  	_ =	strace $0x90000047  }
0x512: {  	s0 =	stileid.u32;
	[bflag:$0x2] =	sbarrier.arrive $0xFFFF  }
0x513: {  	p0 =	sne.s32 s0, $0x0;
	s0 =	rddreg [dreg:$0x2]  }
0x514: {  	s0 =	sadd.s32 @!p0 $0x100000, s0  }
0x515: {  	[sflag:s0] =	ssyncadd.tile.s32 @!p0 $0x1;
	_ =	shalt  }
.Lfunc_end2:
_tile_overlayer_lowered:
.L_overlay_start_2:
0x516: {  	(tag) =	ssettag $0x2  }
0x517: {  	s0 =	rddreg [dreg:$0x0];
	s2 =	stileid.u32  }
0x518: {  	s1 =	rddreg [dreg:$0x1];
	p0 =	sne.s32 s2, $0x0  }
0x519: {  	s3 =	rddreg [dreg:$0x2];
	[bflag:$0x3] =	sbarrier.arrive $0xFFFF;
	s2 =	simm.s32 @!p0 $0x1C05  }
0x51a: {  	[timem:s3], [sflag:s2] =	dma.local @!p0 [hbm:s0], s1  }
0x51b: {  	s0 =	simm.s32 @!p0 $0x5  }
0x51c: {  	_ =	swait.ge @!p0 [sflag:s0], s1  }
0x51d: {  	s1 =	ssub.s32 @!p0 $0x0, s1;
	[sflag:s0] =	ssyncset.done @!p0 $0x0  }
0x51e: {  	[sflag:s0] =	ssyncadd.s32 @!p0 s1  }
0x51f: {  	[bflag:$0x3] =	sbarrier.arrive $0xFFFF  }
0x520: {  	_ =	shalt  }

</sc_bundles>
